<compile_context>
chip_gen: v7x
topology: tpu7x:2x2x1
jax: 0.10.2.dev20260603
libtpu: 0.0.44.dev20260713+nightly
codegen_flags: <defaults>
</compile_context>

<pallas_src>
import functools
import math

import jax
import jax.numpy as jnp
from jax import lax
from jax.experimental import pallas as pl
from jax.experimental.pallas import tpu as pltpu
from jax.experimental.pallas import tpu_sc as plsc

NN = 10000
EE = 160000
DD = 256
HH = 4
CC = DD // HH

NC = 2
NS = 16
LANES = 16


def _pack2(v):
    b = lax.bitcast_convert_type(v, jnp.int32)
    r = b + 0x7FFF + ((b >> 16) & 1)
    lo = (r[:, :DD // 2] >> 16) & 0xFFFF
    hi = (r[:, DD // 2:] >> 16) << 16
    return hi | lo


def _unpack2(w):
    lo = lax.bitcast_convert_type(w << 16, jnp.float32)
    hi = lax.bitcast_convert_type((w >> 16) << 16, jnp.float32)
    return jnp.concatenate([lo, hi], axis=1)


def _q_body(x_ref, wq_ref, q_ref, xb_ref):
    xv = x_ref[...]
    q = jnp.dot(xv, wq_ref[...], preferred_element_type=jnp.float32)
    q_ref[...] = _pack2(q)
    xb_ref[...] = _pack2(xv)


def _tc_query(x, Wq):
    BN = 1000
    return pl.pallas_call(
        _q_body,
        grid=(NN // BN,),
        in_specs=[pl.BlockSpec((BN, DD), lambda i: (i, 0)),
                  pl.BlockSpec((DD, DD), lambda i: (0, 0))],
        out_specs=[pl.BlockSpec((BN, DD // 2), lambda i: (i, 0)),
                   pl.BlockSpec((BN, DD // 2), lambda i: (i, 0))],
        out_shape=[jax.ShapeDtypeStruct((NN, DD // 2), jnp.int32),
                   jax.ShapeDtypeStruct((NN, DD // 2), jnp.int32)],
    )(x, Wq)


def _sc_gather(x, query, dst, src):
    mesh = plsc.VectorSubcoreMesh(core_axis_name="c", subcore_axis_name="s")
    DH = DD // 2
    EW = EE // (NC * NS)
    CH = 128
    NF = EW // CH
    TL = EW - NF * CH

    NB = 3
    NFI = NF // NB

    @functools.partial(
        pl.kernel,
        out_type=(jax.ShapeDtypeStruct((EE, DH), jnp.int32),
                  jax.ShapeDtypeStruct((EE, DH), jnp.int32)),
        mesh=mesh,
        scratch_types=[pltpu.VMEM((EW,), jnp.int32),
                       pltpu.VMEM((EW,), jnp.int32),
                       pltpu.VMEM((CH, DH), jnp.int32),
                       pltpu.VMEM((CH, DH), jnp.int32),
                       pltpu.VMEM((CH, DH), jnp.int32),
                       pltpu.SemaphoreType.DMA,
                       pltpu.SemaphoreType.DMA,
                       pltpu.SemaphoreType.DMA,
                       pltpu.SemaphoreType.DMA,
                       pltpu.SemaphoreType.DMA,
                       pltpu.SemaphoreType.DMA],
    )
    def k(x_hbm, q_hbm, dst_hbm, src_hbm, xd_hbm, qs_hbm,
          idxd, idxs, b0, b1, b2, g0, g1, g2, w0, w1, w2):
        wid = lax.axis_index("s") * NC + lax.axis_index("c")
        base = wid * EW
        bufs = (b0, b1, b2)
        gsem = (g0, g1, g2)
        wsem = (w0, w1, w2)

        pltpu.sync_copy(dst_hbm.at[pl.ds(base, EW)], idxd)
        pltpu.sync_copy(src_hbm.at[pl.ds(base, EW)], idxs)

        def run(tab_hbm, idxall, out_hbm):
            def gather(c, j):
                pltpu.async_copy(tab_hbm.at[idxall.at[pl.ds(c * CH, CH)]],
                                 bufs[j], gsem[j])

            for j in range(NB):
                gather(j, j)

            def body(i, carry):
                for j in range(NB):
                    c = i * NB + j
                    pltpu.make_async_copy(
                        tab_hbm.at[idxall.at[pl.ds(c * CH, CH)]],
                        bufs[j], gsem[j]).wait()
                    pltpu.async_copy(bufs[j],
                                     out_hbm.at[pl.ds(base + c * CH, CH)],
                                     wsem[j])

                    @pl.when(i < NFI - 1)
                    def _(j=j, c=c):
                        pltpu.make_async_copy(
                            bufs[j],
                            out_hbm.at[pl.ds(base + c * CH, CH)],
                            wsem[j]).wait()
                        gather(c + NB, j)
                return carry

            lax.fori_loop(0, NFI, body, 0)
            for j in range(NB):
                pltpu.make_async_copy(
                    bufs[j],
                    out_hbm.at[pl.ds(base + (NF - NB + j) * CH, CH)],
                    wsem[j]).wait()
            pltpu.async_copy(tab_hbm.at[idxall.at[pl.ds(NF * CH, TL)]],
                             bufs[0].at[pl.ds(0, TL), :], gsem[0])
            pltpu.make_async_copy(tab_hbm.at[idxall.at[pl.ds(NF * CH, TL)]],
                                  bufs[0].at[pl.ds(0, TL), :], gsem[0]).wait()
            pltpu.sync_copy(bufs[0].at[pl.ds(0, TL), :],
                            out_hbm.at[pl.ds(base + NF * CH, TL)])

        run(x_hbm, idxd, xd_hbm)
        run(q_hbm, idxs, qs_hbm)

    return k(x, query, dst, src)


def _att_body(ea_ref, xd_ref, qs_ref, wk_ref, wv_ref, we_ref, be_ref,
              sh_ref, v_ref, eo_ref, att_ref):
    z = (ea_ref[...] * _unpack2(xd_ref[...])).astype(jnp.bfloat16)
    kk = jnp.dot(z, wk_ref[...], preferred_element_type=jnp.float32)
    v_ref[...] = jnp.dot(z, wv_ref[...], preferred_element_type=jnp.float32
                         ).astype(jnp.bfloat16)
    eo_ref[...] = (jnp.dot(z, we_ref[...], preferred_element_type=jnp.float32)
                   + be_ref[...])
    p = (_unpack2(qs_ref[...]) * kk).astype(jnp.bfloat16)
    att = jnp.dot(p, sh_ref[...],
                  preferred_element_type=jnp.float32)
    att_ref[...] = att.T


def _tc_proj(edge_attr, xd, qs, Wk, Wv, We, be):
    BE = 640
    Wk = Wk.astype(jnp.bfloat16)
    Wv = Wv.astype(jnp.bfloat16)
    We = We.astype(jnp.bfloat16)
    shead = (jnp.repeat(jnp.eye(HH, dtype=jnp.float32), CC, axis=0)
             * (1.0 / math.sqrt(CC))).astype(jnp.bfloat16)
    be2 = be.reshape(1, DD)
    return pl.pallas_call(
        _att_body,
        grid=(EE // BE,),
        in_specs=[pl.BlockSpec((BE, DD), lambda i: (i, 0)),
                  pl.BlockSpec((BE, DD // 2), lambda i: (i, 0)),
                  pl.BlockSpec((BE, DD // 2), lambda i: (i, 0)),
                  pl.BlockSpec((DD, DD), lambda i: (0, 0)),
                  pl.BlockSpec((DD, DD), lambda i: (0, 0)),
                  pl.BlockSpec((DD, DD), lambda i: (0, 0)),
                  pl.BlockSpec((1, DD), lambda i: (0, 0)),
                  pl.BlockSpec((DD, HH), lambda i: (0, 0))],
        out_specs=[pl.BlockSpec((BE, DD), lambda i: (i, 0)),
                   pl.BlockSpec((BE, DD), lambda i: (i, 0)),
                   pl.BlockSpec((HH, BE), lambda i: (0, i))],
        out_shape=[jax.ShapeDtypeStruct((EE, DD), jnp.bfloat16),
                   jax.ShapeDtypeStruct((EE, DD), jnp.float32),
                   jax.ShapeDtypeStruct((HH, EE), jnp.float32)],
    )(edge_attr, xd, qs, Wk, Wv, We, be2, shead)


def _sc_softmax(att_flat, src):
    mesh = plsc.VectorSubcoreMesh(core_axis_name="c", subcore_axis_name="s")
    HL = HH // NC
    ET = EE // NS
    CH = 128
    NF = ET // CH
    TL = ET - NF * CH
    ZT = (HL * NN) // NS // 8 * 8
    ZR = HL * NN - ZT * NS

    @functools.partial(
        pl.kernel,
        out_type=jax.ShapeDtypeStruct((HH * EE,), jnp.float32),
        mesh=mesh,
        scratch_types=[
            pltpu.VMEM((HL * ET,), jnp.float32),
            pltpu.VMEM((HL * NN,), jnp.float32),
            pltpu.VMEM((ET,), jnp.int32),
            pltpu.VMEM((CH,), jnp.int32),
            pltpu.VMEM((CH,), jnp.int32),
            pltpu.VMEM((CH,), jnp.int32),
            pltpu.VMEM((CH,), jnp.int32),
            pltpu.VMEM((CH,), jnp.int32),
            pltpu.VMEM((CH,), jnp.int32),
            pltpu.VMEM((TL,), jnp.int32),
            pltpu.VMEM_SHARED((HL * NN,), jnp.float32),
            pltpu.VMEM_SHARED((HL * NN,), jnp.float32),
            pltpu.SemaphoreType.DMA,
            pltpu.SemaphoreType.DMA,
            pltpu.SemaphoreType.DMA,
            pltpu.SemaphoreType.DMA,
            pltpu.SemaphoreType.DMA,
            pltpu.SemaphoreType.DMA,
        ],
        compiler_params=pltpu.CompilerParams(needs_layout_passes=False),
    )
    def k(att_hbm, src_hbm, coeff_hbm, av, tab, srcv,
          r0, r1, r2, r3, r4, r5, idxt, mtab_s, den_s,
          s0, s1, s2, s3, s4, s5):
        rbuf = (r0, r1, r2, r3, r4, r5)
        rsem = (s0, s1, s2, s3, s4, s5)
        t = lax.axis_index("s")
        hbase = lax.axis_index("c") * HL
        ebase = t * ET

        zv = jnp.zeros((LANES,), jnp.float32)

        def zbody(g, carry):
            av[pl.ds(g * LANES, LANES)] = zv
            return carry
        lax.fori_loop(0, ZT // LANES, zbody, 0)
        pltpu.sync_copy(av.at[pl.ds(0, ZT)], den_s.at[pl.ds(t * ZT, ZT)])

        @pl.when(t == NS - 1)
        def _():
            pltpu.sync_copy(av.at[pl.ds(0, ZR)],
                            den_s.at[pl.ds(NS * ZT, ZR)])

        pltpu.sync_copy(src_hbm.at[pl.ds(ebase, ET)], srcv)
        for h in range(HL):
            pltpu.sync_copy(att_hbm.at[pl.ds((hbase + h) * EE + ebase, ET)],
                            av.at[pl.ds(h * ET, ET)])

        def build_idx(off, h, idxr, n):
            for j in range(n // LANES):
                s16 = srcv[pl.ds(off + j * LANES, LANES)]
                idxr[pl.ds(j * LANES, LANES)] = s16 + h * NN

        RD = 6
        RI = NF // RD

        def scat_pass(h, dst_s, add):
            def body(i, carry):
                for j in range(RD):
                    c = i * RD + j
                    off = h * ET + c * CH

                    @pl.when(i > 0)
                    def _(j=j, off=off):
                        pltpu.make_async_copy(av.at[pl.ds(off, CH)],
                                              dst_s.at[rbuf[j]],
                                              rsem[j]).wait()
                    build_idx(c * CH, h, rbuf[j], CH)
                    pltpu.async_copy(av.at[pl.ds(off, CH)],
                                     dst_s.at[rbuf[j]], rsem[j], add=add)
                return carry
            lax.fori_loop(0, RI, body, 0)
            for j in range(RD):
                off = h * ET + ((RI - 1) * RD + j) * CH
                pltpu.make_async_copy(av.at[pl.ds(off, CH)],
                                      dst_s.at[rbuf[j]], rsem[j]).wait()
            build_idx(NF * CH, h, idxt, TL)
            pltpu.sync_copy(av.at[pl.ds(h * ET + NF * CH, TL)],
                            dst_s.at[idxt], add=add)

        for h in range(HL):
            scat_pass(h, mtab_s, False)

        plsc.subcore_barrier()
        pltpu.sync_copy(mtab_s, tab)

        for h in range(HL):
            def exbody(g, carry, h=h):
                s16 = srcv[pl.ds(g * LANES, LANES)]
                m = plsc.load_gather(tab, [s16 + h * NN])
                a = av[pl.ds(h * ET + g * LANES, LANES)]
                av[pl.ds(h * ET + g * LANES, LANES)] = jnp.exp(a - m)
                return carry
            lax.fori_loop(0, ET // LANES, exbody, 0)

        for h in range(HL):
            scat_pass(h, den_s, True)

        plsc.subcore_barrier()
        pltpu.sync_copy(den_s, tab)

        for h in range(HL):
            def cbody(g, carry, h=h):
                s16 = srcv[pl.ds(g * LANES, LANES)]
                d = plsc.load_gather(tab, [s16 + h * NN])
                e = av[pl.ds(h * ET + g * LANES, LANES)]
                av[pl.ds(h * ET + g * LANES, LANES)] = e / (d + 1e-16)
                return carry
            lax.fori_loop(0, ET // LANES, cbody, 0)
        for h in range(HL):
            pltpu.sync_copy(av.at[pl.ds(h * ET, ET)],
                            coeff_hbm.at[pl.ds((hbase + h) * EE + ebase, ET)])

    return k(att_flat, src)


def _w_body(coeff_ref, v_ref, ex_ref, w_ref):
    scale = jnp.dot(coeff_ref[...], ex_ref[...],
                    preferred_element_type=jnp.float32)
    w = v_ref[...].astype(jnp.float32) * scale
    w_ref[:, 0, :] = w[:, :DD // 2]
    w_ref[:, 1, :] = w[:, DD // 2:]


def _tc_scale(coeff, v):
    BE = 2000
    expand = jnp.repeat(jnp.eye(HH, dtype=jnp.float32), CC, axis=1)
    return pl.pallas_call(
        _w_body,
        grid=(EE // BE,),
        in_specs=[pl.BlockSpec((BE, HH), lambda i: (i, 0)),
                  pl.BlockSpec((BE, DD), lambda i: (i, 0)),
                  pl.BlockSpec((HH, DD), lambda i: (0, 0))],
        out_specs=pl.BlockSpec((BE, 2, DD // 2), lambda i: (i, 0, 0)),
        out_shape=jax.ShapeDtypeStruct((EE, 2, DD // 2), jnp.float32),
    )(coeff, v, expand)


def _sc_scatter_out(w2, src, zeros2d):
    mesh = plsc.VectorSubcoreMesh(core_axis_name="c", subcore_axis_name="s")
    ET = EE // NS
    CH = 128
    NF = ET // CH
    TL = ET - NF * CH
    RT = 624
    HW = DD // 2

    @functools.partial(
        pl.kernel,
        out_type=jax.ShapeDtypeStruct((NN, 2, HW), jnp.float32),
        mesh=mesh,
        scratch_types=[
            pltpu.VMEM((CH, HW), jnp.float32),
            pltpu.VMEM((CH, HW), jnp.float32),
            pltpu.VMEM((TL, HW), jnp.float32),
            pltpu.VMEM((CH,), jnp.int32),
            pltpu.VMEM((CH,), jnp.int32),
            pltpu.VMEM((TL,), jnp.int32),
            pltpu.VMEM_SHARED((NN, HW), jnp.float32),
            pltpu.SemaphoreType.DMA,
            pltpu.SemaphoreType.DMA,
            pltpu.SemaphoreType.DMA,
            pltpu.SemaphoreType.DMA,
        ],
    )
    def k(w_hbm, src_hbm, z_hbm, out_hbm, wb0, wb1, wbuft,
          ix0, ix1, idxt, acc_s, g0, g1, a0, a1):
        c = lax.axis_index("c")
        t = lax.axis_index("s")
        wbufs = (wb0, wb1)
        sidx = (ix0, ix1)
        gsem = (g0, g1)
        asem = (a0, a1)

        pltpu.sync_copy(z_hbm.at[pl.ds(0, RT), :],
                        acc_s.at[pl.ds(t * RT, RT), :])

        @pl.when(t == NS - 1)
        def _():
            pltpu.sync_copy(z_hbm.at[pl.ds(0, 16), :],
                            acc_s.at[pl.ds(NS * RT, 16), :])

        plsc.subcore_barrier()

        base = t * ET
        RD = 2
        RI = NF // RD

        def loadw(cc, j):
            pltpu.sync_copy(src_hbm.at[pl.ds(base + cc * CH, CH)], sidx[j])
            pltpu.async_copy(w_hbm.at[pl.ds(base + cc * CH, CH), c, :],
                             wbufs[j], gsem[j])

        for j in range(RD):
            loadw(j, j)

        def scat(i, carry):
            for j in range(RD):
                cc = i * RD + j
                pltpu.make_async_copy(
                    w_hbm.at[pl.ds(base + cc * CH, CH), c, :],
                    wbufs[j], gsem[j]).wait()
                pltpu.async_copy(wbufs[j], acc_s.at[sidx[j]], asem[j],
                                 add=True)

                @pl.when(i < RI - 1)
                def _(j=j, cc=cc):
                    pltpu.make_async_copy(wbufs[j], acc_s.at[sidx[j]],
                                          asem[j]).wait()
                    loadw(cc + RD, j)
            return carry
        lax.fori_loop(0, RI, scat, 0)
        for j in range(RD):
            pltpu.make_async_copy(wbufs[j], acc_s.at[sidx[j]],
                                  asem[j]).wait()
        offt = base + NF * CH
        pltpu.sync_copy(src_hbm.at[pl.ds(offt, TL)], idxt)
        pltpu.sync_copy(w_hbm.at[pl.ds(offt, TL), c, :], wbuft)
        pltpu.sync_copy(wbuft, acc_s.at[idxt], add=True)

        plsc.subcore_barrier()

        pltpu.sync_copy(acc_s.at[pl.ds(t * RT, RT), :],
                        out_hbm.at[pl.ds(t * RT, RT), c, :])

        @pl.when(t == NS - 1)
        def _():
            pltpu.sync_copy(acc_s.at[pl.ds(NS * RT, 16), :],
                            out_hbm.at[pl.ds(NS * RT, 16), c, :])

    return k(w2, src, zeros2d)


def kernel(x, edge_index, edge_attr, Wq, Wk, Wv, We, be):
    src = edge_index[0]
    dst = edge_index[1]
    qi, xi = _tc_query(x, Wq)
    xd, qs = _sc_gather(xi, qi, dst, src)
    v, eout, att_t = _tc_proj(edge_attr, xd, qs, Wk, Wv, We, be)
    coeff_flat = _sc_softmax(att_t.reshape(HH * EE), src)
    w2 = _tc_scale(coeff_flat.reshape(HH, EE).T, v)
    z2 = jnp.zeros((624, DD // 2), jnp.float32)
    out2 = _sc_scatter_out(w2, src, z2)
    return out2.reshape(NN, DD), eout

# --- scband reference (transcript-rebuilt; emitter-appended) ---
"""Pipeline reference for scband-yate-attention-34419867910594 (READ-ONLY COPY).

The authoritative reference and input builder live on the scoring server;
editing this copy changes nothing except your own understanding.
"""

import math
import jax, jax.numpy as jnp
import numpy as np

N = 10000
E = 160000
D_IN = 256
D_OUT = 256
H = 4


def setup_inputs(seed: int = 0) -> dict:
    key = jax.random.key(seed)
    ks = jax.random.split(key, 9)
    x = jax.random.normal(ks[0], (N, D_IN), dtype=jnp.float32)
    edge_index = jax.random.randint(ks[1], (2, E), 0, N, dtype=jnp.int32)
    edge_attr = jax.random.normal(ks[2], (E, D_IN), dtype=jnp.float32)
    bound = 1.0 / math.sqrt(D_IN)
    Wq = jax.random.uniform(ks[3], (D_IN, D_OUT), minval=-bound, maxval=bound, dtype=jnp.float32)
    Wk = jax.random.uniform(ks[4], (D_IN, D_OUT), minval=-bound, maxval=bound, dtype=jnp.float32)
    Wv = jax.random.uniform(ks[5], (D_IN, D_OUT), minval=-bound, maxval=bound, dtype=jnp.float32)
    We = jax.random.uniform(ks[6], (D_IN, D_OUT), minval=-bound, maxval=bound, dtype=jnp.float32)
    be = jax.random.uniform(ks[7], (D_OUT,), minval=-bound, maxval=bound, dtype=jnp.float32)
    return {"x": x, "edge_index": edge_index, "edge_attr": edge_attr,
            "Wq": Wq, "Wk": Wk, "Wv": Wv, "We": We, "be": be}


def _segment_softmax(scores, seg, num_segments):
    m = jax.ops.segment_max(scores, seg, num_segments=num_segments)
    m = jnp.where(jnp.isfinite(m), m, 0.0)
    ex = jnp.exp(scores - m[seg])
    denom = jax.ops.segment_sum(ex, seg, num_segments=num_segments)
    return ex / (denom[seg] + 1e-16)


def reference(x, edge_index, edge_attr, Wq, Wk, Wv, We, be):
    src = edge_index[0]
    dst = edge_index[1]
    # Z = edge_attr * x[dst]
    Z = edge_attr * jnp.take(x, dst, axis=0)
    query = x @ Wq          # [N, D_OUT]
    key_ = Z @ Wk           # [E, D_OUT]
    value = Z @ Wv          # [E, D_OUT]
    edge_out = Z @ We + be  # [E, D_OUT]
    C = D_OUT // H
    outs = []
    for i in range(H):
        q = query[:, i * C:(i + 1) * C]
        k = key_[:, i * C:(i + 1) * C]
        v = value[:, i * C:(i + 1) * C]
        att = jnp.sum(jnp.take(q, src, axis=0) * k, axis=1) / math.sqrt(C)
        att = _segment_softmax(att, src, N)
        outs.append(jax.ops.segment_sum(att[:, None] * v, src, num_segments=N))
    output = jnp.concatenate(outs, axis=1)
    return (output, edge_out)

if __name__ == "__main__":
    import jax
    _d = setup_inputs()
    print(jax.jit(kernel)(*tuple(_d.values())))

</pallas_src>

<mosaic_0001>
#map = affine_map<(d0, d1) -> (0, 0, 0)>
#map1 = affine_map<(d0, d1) -> (0)>
#map2 = affine_map<(d0, d1) -> (0, 0)>
module attributes {stable_mosaic.version = 14 : i64} {
  func.func @k(%arg0: i32, %arg1: i32, %arg2: memref<160000x2x128xf32, #tpu.memory_space<hbm>>, %arg3: memref<160000xi32, #tpu.memory_space<hbm>>, %arg4: memref<624x128xf32, #tpu.memory_space<hbm>>, %arg5: memref<10000x2x128xf32, #tpu.memory_space<hbm>>, %arg6: memref<128x128xf32, #tpu.memory_space<vmem>>, %arg7: memref<128x128xf32, #tpu.memory_space<vmem>>, %arg8: memref<16x128xf32, #tpu.memory_space<vmem>>, %arg9: memref<128xi32, #tpu.memory_space<vmem>>, %arg10: memref<128xi32, #tpu.memory_space<vmem>>, %arg11: memref<16xi32, #tpu.memory_space<vmem>>, %arg12: memref<10000x128xf32, #tpu.memory_space<vmem_shared>>, %arg13: memref<!tpu.dma_semaphore, #tpu.memory_space<semaphore_mem>>, %arg14: memref<!tpu.dma_semaphore, #tpu.memory_space<semaphore_mem>>, %arg15: memref<!tpu.dma_semaphore, #tpu.memory_space<semaphore_mem>>, %arg16: memref<!tpu.dma_semaphore, #tpu.memory_space<semaphore_mem>>) attributes {dimension_semantics = [#tpu.dimension_semantics<core_parallel>, #tpu.dimension_semantics<subcore_parallel>], iteration_bounds = array<i64: 2, 16>, scalar_prefetch = 0 : i64, scratch_operands = 11 : i64, tpu.core_type = #tpu.core_type<sc_vector_subcore>, window_params = [{transform_indices = #map}, {transform_indices = #map1}, {transform_indices = #map2}, {transform_indices = #map}]} {
    %mul3A = arith.constant 624 : i32
    %mul3A_0 = arith.muli %arg1, %mul3A : i32
    "tpu.region"() ({
      %run_scoped3A = tpu.sem_alloc : memref<!tpu.dma_semaphore, #tpu.memory_space<semaphore_mem>>
      %dma_start3A_45 = arith.constant 0 : i32
      %dma_start3A_46 = tpu.memref_slice %arg12[%mul3A_0, %dma_start3A_45] : memref<10000x128xf32, #tpu.memory_space<vmem_shared>> -> memref<624x128xf32, #tpu.memory_space<vmem_shared>>
      %dma_start3A_47 = arith.constant 0 : i32
      %dma_start3A_48 = arith.constant 0 : i32
      %dma_start3A_49 = tpu.memref_slice %arg4[%dma_start3A_47, %dma_start3A_48] : memref<624x128xf32, #tpu.memory_space<hbm>> -> memref<624x128xf32, #tpu.memory_space<hbm>>
      tpu.enqueue_dma source(%dma_start3A_49 : memref<624x128xf32, #tpu.memory_space<hbm>>) target(%dma_start3A_46 : memref<624x128xf32, #tpu.memory_space<vmem_shared>>) target_semaphore(%run_scoped3A : memref<!tpu.dma_semaphore, #tpu.memory_space<semaphore_mem>>)
      %dma_wait3A_50 = arith.constant 0 : i32
      %dma_wait3A_51 = tpu.memref_slice %arg12[%mul3A_0, %dma_wait3A_50] : memref<10000x128xf32, #tpu.memory_space<vmem_shared>> -> memref<624x128xf32, #tpu.memory_space<vmem_shared>>
      %dma_wait3A_52 = arith.constant 0 : i32
      %dma_wait3A_53 = arith.constant 0 : i32
      %dma_wait3A_54 = tpu.memref_slice %arg4[%dma_wait3A_52, %dma_wait3A_53] : memref<624x128xf32, #tpu.memory_space<hbm>> -> memref<624x128xf32, #tpu.memory_space<hbm>>
      tpu.wait_dma2 semaphore(%run_scoped3A : memref<!tpu.dma_semaphore, #tpu.memory_space<semaphore_mem>>) src(%dma_wait3A_54 : memref<624x128xf32, #tpu.memory_space<hbm>>) dst(%dma_wait3A_51 : memref<624x128xf32, #tpu.memory_space<vmem_shared>>)
      tpu.yield
    }) : () -> ()
    %eq3A = arith.constant 15 : i32
    %eq3A_1 = arith.cmpi eq, %arg1, %eq3A : i32
    %convert_element_type3A = arith.extui %eq3A_1 : i1 to i32
    %cond3A = arith.constant 0 : i32
    %cond3A_2 = arith.cmpi ne, %convert_element_type3A, %cond3A : i32
    scf.if %cond3A_2 {
      "tpu.region"() ({
        %run_scoped3A = tpu.sem_alloc : memref<!tpu.dma_semaphore, #tpu.memory_space<semaphore_mem>>
        %dma_start3A_45 = arith.constant 9984 : i32
        %dma_start3A_46 = arith.constant 0 : i32
        %dma_start3A_47 = tpu.memref_slice %arg12[%dma_start3A_45, %dma_start3A_46] : memref<10000x128xf32, #tpu.memory_space<vmem_shared>> -> memref<16x128xf32, #tpu.memory_space<vmem_shared>>
        %dma_start3A_48 = arith.constant 0 : i32
        %dma_start3A_49 = arith.constant 0 : i32
        %dma_start3A_50 = tpu.memref_slice %arg4[%dma_start3A_48, %dma_start3A_49] : memref<624x128xf32, #tpu.memory_space<hbm>> -> memref<16x128xf32, #tpu.memory_space<hbm>>
        tpu.enqueue_dma source(%dma_start3A_50 : memref<16x128xf32, #tpu.memory_space<hbm>>) target(%dma_start3A_47 : memref<16x128xf32, #tpu.memory_space<vmem_shared>>) target_semaphore(%run_scoped3A : memref<!tpu.dma_semaphore, #tpu.memory_space<semaphore_mem>>)
        %dma_wait3A_51 = arith.constant 9984 : i32
        %dma_wait3A_52 = arith.constant 0 : i32
        %dma_wait3A_53 = tpu.memref_slice %arg12[%dma_wait3A_51, %dma_wait3A_52] : memref<10000x128xf32, #tpu.memory_space<vmem_shared>> -> memref<16x128xf32, #tpu.memory_space<vmem_shared>>
        %dma_wait3A_54 = arith.constant 0 : i32
        %dma_wait3A_55 = arith.constant 0 : i32
        %dma_wait3A_56 = tpu.memref_slice %arg4[%dma_wait3A_54, %dma_wait3A_55] : memref<624x128xf32, #tpu.memory_space<hbm>> -> memref<16x128xf32, #tpu.memory_space<hbm>>
        tpu.wait_dma2 semaphore(%run_scoped3A : memref<!tpu.dma_semaphore, #tpu.memory_space<semaphore_mem>>) src(%dma_wait3A_56 : memref<16x128xf32, #tpu.memory_space<hbm>>) dst(%dma_wait3A_53 : memref<16x128xf32, #tpu.memory_space<vmem_shared>>)
        tpu.yield
      }) : () -> ()
    } else {
    }
    %barrier3A = arith.constant 0 : index
    tpu.barrier barrier_id(%barrier3A)
    %mul3A_3 = arith.constant 10000 : i32
    %mul3A_4 = arith.muli %arg1, %mul3A_3 : i32
    %add3A = arith.constant 0 : i32
    %add3A_5 = arith.addi %mul3A_4, %add3A : i32
    "tpu.region"() ({
      %run_scoped3A = tpu.sem_alloc : memref<!tpu.dma_semaphore, #tpu.memory_space<semaphore_mem>>
      %dma_start3A_45 = tpu.memref_slice %arg3[%add3A_5] : memref<160000xi32, #tpu.memory_space<hbm>> -> memref<128xi32, #tpu.memory_space<hbm>>
      %dma_start3A_46 = tpu.memref_slice %arg3[%add3A_5] : memref<160000xi32, #tpu.memory_space<hbm>> -> memref<128xi32, #tpu.memory_space<hbm>>
      tpu.enqueue_dma source(%dma_start3A_46 : memref<128xi32, #tpu.memory_space<hbm>>) target(%arg9 : memref<128xi32, #tpu.memory_space<vmem>>) target_semaphore(%run_scoped3A : memref<!tpu.dma_semaphore, #tpu.memory_space<semaphore_mem>>)
      %dma_wait3A_47 = tpu.memref_slice %arg3[%add3A_5] : memref<160000xi32, #tpu.memory_space<hbm>> -> memref<128xi32, #tpu.memory_space<hbm>>
      %dma_wait3A_48 = tpu.memref_slice %arg3[%add3A_5] : memref<160000xi32, #tpu.memory_space<hbm>> -> memref<128xi32, #tpu.memory_space<hbm>>
      tpu.wait_dma2 semaphore(%run_scoped3A : memref<!tpu.dma_semaphore, #tpu.memory_space<semaphore_mem>>) src(%dma_wait3A_48 : memref<128xi32, #tpu.memory_space<hbm>>) dst(%arg9 : memref<128xi32, #tpu.memory_space<vmem>>)
      tpu.yield
    }) : () -> ()
    %add3A_6 = arith.constant 0 : i32
    %add3A_7 = arith.addi %mul3A_4, %add3A_6 : i32
    %dma_start3A = arith.constant 0 : i32
    %dma_start3A_8 = tpu.memref_slice %arg2[%add3A_7, %arg0, %dma_start3A] : memref<160000x2x128xf32, #tpu.memory_space<hbm>> -> memref<128x1x128xf32, #tpu.memory_space<hbm>>
    %dma_start3A_9 = tpu.memref_squeeze %dma_start3A_8 : memref<128x1x128xf32, #tpu.memory_space<hbm>> -> memref<128x128xf32, #tpu.memory_space<hbm>>
    %dma_start3A_10 = arith.constant 0 : i32
    %dma_start3A_11 = tpu.memref_slice %arg2[%add3A_7, %arg0, %dma_start3A_10] : memref<160000x2x128xf32, #tpu.memory_space<hbm>> -> memref<128x1x128xf32, #tpu.memory_space<hbm>>
    %dma_start3A_12 = tpu.memref_squeeze %dma_start3A_11 : memref<128x1x128xf32, #tpu.memory_space<hbm>> -> memref<128x128xf32, #tpu.memory_space<hbm>>
    tpu.enqueue_dma source(%dma_start3A_12 : memref<128x128xf32, #tpu.memory_space<hbm>>) target(%arg6 : memref<128x128xf32, #tpu.memory_space<vmem>>) target_semaphore(%arg13 : memref<!tpu.dma_semaphore, #tpu.memory_space<semaphore_mem>>)
    %add3A_13 = arith.constant 128 : i32
    %add3A_14 = arith.addi %mul3A_4, %add3A_13 : i32
    "tpu.region"() ({
      %run_scoped3A = tpu.sem_alloc : memref<!tpu.dma_semaphore, #tpu.memory_space<semaphore_mem>>
      %dma_start3A_45 = tpu.memref_slice %arg3[%add3A_14] : memref<160000xi32, #tpu.memory_space<hbm>> -> memref<128xi32, #tpu.memory_space<hbm>>
      %dma_start3A_46 = tpu.memref_slice %arg3[%add3A_14] : memref<160000xi32, #tpu.memory_space<hbm>> -> memref<128xi32, #tpu.memory_space<hbm>>
      tpu.enqueue_dma source(%dma_start3A_46 : memref<128xi32, #tpu.memory_space<hbm>>) target(%arg10 : memref<128xi32, #tpu.memory_space<vmem>>) target_semaphore(%run_scoped3A : memref<!tpu.dma_semaphore, #tpu.memory_space<semaphore_mem>>)
      %dma_wait3A_47 = tpu.memref_slice %arg3[%add3A_14] : memref<160000xi32, #tpu.memory_space<hbm>> -> memref<128xi32, #tpu.memory_space<hbm>>
      %dma_wait3A_48 = tpu.memref_slice %arg3[%add3A_14] : memref<160000xi32, #tpu.memory_space<hbm>> -> memref<128xi32, #tpu.memory_space<hbm>>
      tpu.wait_dma2 semaphore(%run_scoped3A : memref<!tpu.dma_semaphore, #tpu.memory_space<semaphore_mem>>) src(%dma_wait3A_48 : memref<128xi32, #tpu.memory_space<hbm>>) dst(%arg10 : memref<128xi32, #tpu.memory_space<vmem>>)
      tpu.yield
    }) : () -> ()
    %add3A_15 = arith.constant 128 : i32
    %add3A_16 = arith.addi %mul3A_4, %add3A_15 : i32
    %dma_start3A_17 = arith.constant 0 : i32
    %dma_start3A_18 = tpu.memref_slice %arg2[%add3A_16, %arg0, %dma_start3A_17] : memref<160000x2x128xf32, #tpu.memory_space<hbm>> -> memref<128x1x128xf32, #tpu.memory_space<hbm>>
    %dma_start3A_19 = tpu.memref_squeeze %dma_start3A_18 : memref<128x1x128xf32, #tpu.memory_space<hbm>> -> memref<128x128xf32, #tpu.memory_space<hbm>>
    %dma_start3A_20 = arith.constant 0 : i32
    %dma_start3A_21 = tpu.memref_slice %arg2[%add3A_16, %arg0, %dma_start3A_20] : memref<160000x2x128xf32, #tpu.memory_space<hbm>> -> memref<128x1x128xf32, #tpu.memory_space<hbm>>
    %dma_start3A_22 = tpu.memref_squeeze %dma_start3A_21 : memref<128x1x128xf32, #tpu.memory_space<hbm>> -> memref<128x128xf32, #tpu.memory_space<hbm>>
    tpu.enqueue_dma source(%dma_start3A_22 : memref<128x128xf32, #tpu.memory_space<hbm>>) target(%arg7 : memref<128x128xf32, #tpu.memory_space<vmem>>) target_semaphore(%arg14 : memref<!tpu.dma_semaphore, #tpu.memory_space<semaphore_mem>>)
    %scan3A = arith.constant 0 : i32
    %scan3A_23 = arith.constant 0 : i32
    %scan3A_24 = arith.constant 39 : i32
    %scan3A_25 = arith.addi %scan3A_23, %scan3A_24 : i32
    %scan3A_26 = arith.constant 1 : i32
    scf.for %scan3A_45 = %scan3A_23 to %scan3A_25 step %scan3A_26  : i32 {
      %mul3A_46 = arith.constant 2 : i32
      %mul3A_47 = arith.muli %scan3A_45, %mul3A_46 : i32
      %add3A_48 = arith.constant 0 : i32
      %add3A_49 = arith.addi %mul3A_47, %add3A_48 : i32
      %mul3A_50 = arith.constant 128 : i32
      %mul3A_51 = arith.muli %add3A_49, %mul3A_50 : i32
      %add3A_52 = arith.addi %mul3A_4, %mul3A_51 : i32
      %dma_wait3A_53 = arith.constant 0 : i32
      %dma_wait3A_54 = tpu.memref_slice %arg2[%add3A_52, %arg0, %dma_wait3A_53] : memref<160000x2x128xf32, #tpu.memory_space<hbm>> -> memref<128x1x128xf32, #tpu.memory_space<hbm>>
      %dma_wait3A_55 = tpu.memref_squeeze %dma_wait3A_54 : memref<128x1x128xf32, #tpu.memory_space<hbm>> -> memref<128x128xf32, #tpu.memory_space<hbm>>
      %dma_wait3A_56 = arith.constant 0 : i32
      %dma_wait3A_57 = tpu.memref_slice %arg2[%add3A_52, %arg0, %dma_wait3A_56] : memref<160000x2x128xf32, #tpu.memory_space<hbm>> -> memref<128x1x128xf32, #tpu.memory_space<hbm>>
      %dma_wait3A_58 = tpu.memref_squeeze %dma_wait3A_57 : memref<128x1x128xf32, #tpu.memory_space<hbm>> -> memref<128x128xf32, #tpu.memory_space<hbm>>
      tpu.wait_dma2 semaphore(%arg13 : memref<!tpu.dma_semaphore, #tpu.memory_space<semaphore_mem>>) src(%dma_wait3A_58 : memref<128x128xf32, #tpu.memory_space<hbm>>) dst(%arg6 : memref<128x128xf32, #tpu.memory_space<vmem>>)
      %dma_start3A_59 = arith.constant 0 : i32
      %dma_start3A_60 = arith.constant 0 : i32
      %dma_start3A_61 = tpu.memref_slice %arg12[%dma_start3A_59, %dma_start3A_60] : memref<10000x128xf32, #tpu.memory_space<vmem_shared>> -> memref<10000x128xf32, #tpu.memory_space<vmem_shared>>
      tpu.enqueue_indirect_dma source(%arg6 : memref<128x128xf32, #tpu.memory_space<vmem>>) target(%dma_start3A_61 : memref<10000x128xf32, #tpu.memory_space<vmem_shared>>) offsets(%arg9 : memref<128xi32, #tpu.memory_space<vmem>>) semaphore(%arg15 : memref<!tpu.dma_semaphore, #tpu.memory_space<semaphore_mem>>) {add = true}
      %lt3A = arith.constant 38 : i32
      %lt3A_62 = arith.cmpi slt, %scan3A_45, %lt3A : i32
      %convert_element_type3A_63 = arith.extui %lt3A_62 : i1 to i32
      %cond3A_64 = arith.constant 0 : i32
      %cond3A_65 = arith.cmpi ne, %convert_element_type3A_63, %cond3A_64 : i32
      scf.if %cond3A_65 {
        %dma_wait3A_87 = arith.constant 0 : i32
        %dma_wait3A_88 = arith.constant 0 : i32
        %dma_wait3A_89 = tpu.memref_slice %arg12[%dma_wait3A_87, %dma_wait3A_88] : memref<10000x128xf32, #tpu.memory_space<vmem_shared>> -> memref<10000x128xf32, #tpu.memory_space<vmem_shared>>
        tpu.wait_indirect_dma semaphore(%arg15 : memref<!tpu.dma_semaphore, #tpu.memory_space<semaphore_mem>>) src(%arg6 : memref<128x128xf32, #tpu.memory_space<vmem>>) dst(%dma_wait3A_89 : memref<10000x128xf32, #tpu.memory_space<vmem_shared>>)
        %add3A_90 = arith.constant 2 : i32
        %add3A_91 = arith.addi %add3A_49, %add3A_90 : i32
        %mul3A_92 = arith.constant 128 : i32
        %mul3A_93 = arith.muli %add3A_91, %mul3A_92 : i32
        %add3A_94 = arith.addi %mul3A_4, %mul3A_93 : i32
        "tpu.region"() ({
          %run_scoped3A = tpu.sem_alloc : memref<!tpu.dma_semaphore, #tpu.memory_space<semaphore_mem>>
          %dma_start3A_104 = tpu.memref_slice %arg3[%add3A_94] : memref<160000xi32, #tpu.memory_space<hbm>> -> memref<128xi32, #tpu.memory_space<hbm>>
          %dma_start3A_105 = tpu.memref_slice %arg3[%add3A_94] : memref<160000xi32, #tpu.memory_space<hbm>> -> memref<128xi32, #tpu.memory_space<hbm>>
          tpu.enqueue_dma source(%dma_start3A_105 : memref<128xi32, #tpu.memory_space<hbm>>) target(%arg9 : memref<128xi32, #tpu.memory_space<vmem>>) target_semaphore(%run_scoped3A : memref<!tpu.dma_semaphore, #tpu.memory_space<semaphore_mem>>)
          %dma_wait3A_106 = tpu.memref_slice %arg3[%add3A_94] : memref<160000xi32, #tpu.memory_space<hbm>> -> memref<128xi32, #tpu.memory_space<hbm>>
          %dma_wait3A_107 = tpu.memref_slice %arg3[%add3A_94] : memref<160000xi32, #tpu.memory_space<hbm>> -> memref<128xi32, #tpu.memory_space<hbm>>
          tpu.wait_dma2 semaphore(%run_scoped3A : memref<!tpu.dma_semaphore, #tpu.memory_space<semaphore_mem>>) src(%dma_wait3A_107 : memref<128xi32, #tpu.memory_space<hbm>>) dst(%arg9 : memref<128xi32, #tpu.memory_space<vmem>>)
          tpu.yield
        }) : () -> ()
        %mul3A_95 = arith.constant 128 : i32
        %mul3A_96 = arith.muli %add3A_91, %mul3A_95 : i32
        %add3A_97 = arith.addi %mul3A_4, %mul3A_96 : i32
        %dma_start3A_98 = arith.constant 0 : i32
        %dma_start3A_99 = tpu.memref_slice %arg2[%add3A_97, %arg0, %dma_start3A_98] : memref<160000x2x128xf32, #tpu.memory_space<hbm>> -> memref<128x1x128xf32, #tpu.memory_space<hbm>>
        %dma_start3A_100 = tpu.memref_squeeze %dma_start3A_99 : memref<128x1x128xf32, #tpu.memory_space<hbm>> -> memref<128x128xf32, #tpu.memory_space<hbm>>
        %dma_start3A_101 = arith.constant 0 : i32
        %dma_start3A_102 = tpu.memref_slice %arg2[%add3A_97, %arg0, %dma_start3A_101] : memref<160000x2x128xf32, #tpu.memory_space<hbm>> -> memref<128x1x128xf32, #tpu.memory_space<hbm>>
        %dma_start3A_103 = tpu.memref_squeeze %dma_start3A_102 : memref<128x1x128xf32, #tpu.memory_space<hbm>> -> memref<128x128xf32, #tpu.memory_space<hbm>>
        tpu.enqueue_dma source(%dma_start3A_103 : memref<128x128xf32, #tpu.memory_space<hbm>>) target(%arg6 : memref<128x128xf32, #tpu.memory_space<vmem>>) target_semaphore(%arg13 : memref<!tpu.dma_semaphore, #tpu.memory_space<semaphore_mem>>)
      } else {
      }
      %mul3A_66 = arith.constant 2 : i32
      %mul3A_67 = arith.muli %scan3A_45, %mul3A_66 : i32
      %add3A_68 = arith.constant 1 : i32
      %add3A_69 = arith.addi %mul3A_67, %add3A_68 : i32
      %mul3A_70 = arith.constant 128 : i32
      %mul3A_71 = arith.muli %add3A_69, %mul3A_70 : i32
      %add3A_72 = arith.addi %mul3A_4, %mul3A_71 : i32
      %dma_wait3A_73 = arith.constant 0 : i32
      %dma_wait3A_74 = tpu.memref_slice %arg2[%add3A_72, %arg0, %dma_wait3A_73] : memref<160000x2x128xf32, #tpu.memory_space<hbm>> -> memref<128x1x128xf32, #tpu.memory_space<hbm>>
      %dma_wait3A_75 = tpu.memref_squeeze %dma_wait3A_74 : memref<128x1x128xf32, #tpu.memory_space<hbm>> -> memref<128x128xf32, #tpu.memory_space<hbm>>
      %dma_wait3A_76 = arith.constant 0 : i32
      %dma_wait3A_77 = tpu.memref_slice %arg2[%add3A_72, %arg0, %dma_wait3A_76] : memref<160000x2x128xf32, #tpu.memory_space<hbm>> -> memref<128x1x128xf32, #tpu.memory_space<hbm>>
      %dma_wait3A_78 = tpu.memref_squeeze %dma_wait3A_77 : memref<128x1x128xf32, #tpu.memory_space<hbm>> -> memref<128x128xf32, #tpu.memory_space<hbm>>
      tpu.wait_dma2 semaphore(%arg14 : memref<!tpu.dma_semaphore, #tpu.memory_space<semaphore_mem>>) src(%dma_wait3A_78 : memref<128x128xf32, #tpu.memory_space<hbm>>) dst(%arg7 : memref<128x128xf32, #tpu.memory_space<vmem>>)
      %dma_start3A_79 = arith.constant 0 : i32
      %dma_start3A_80 = arith.constant 0 : i32
      %dma_start3A_81 = tpu.memref_slice %arg12[%dma_start3A_79, %dma_start3A_80] : memref<10000x128xf32, #tpu.memory_space<vmem_shared>> -> memref<10000x128xf32, #tpu.memory_space<vmem_shared>>
      tpu.enqueue_indirect_dma source(%arg7 : memref<128x128xf32, #tpu.memory_space<vmem>>) target(%dma_start3A_81 : memref<10000x128xf32, #tpu.memory_space<vmem_shared>>) offsets(%arg10 : memref<128xi32, #tpu.memory_space<vmem>>) semaphore(%arg16 : memref<!tpu.dma_semaphore, #tpu.memory_space<semaphore_mem>>) {add = true}
      %lt3A_82 = arith.constant 38 : i32
      %lt3A_83 = arith.cmpi slt, %scan3A_45, %lt3A_82 : i32
      %convert_element_type3A_84 = arith.extui %lt3A_83 : i1 to i32
      %cond3A_85 = arith.constant 0 : i32
      %cond3A_86 = arith.cmpi ne, %convert_element_type3A_84, %cond3A_85 : i32
      scf.if %cond3A_86 {
        %dma_wait3A_87 = arith.constant 0 : i32
        %dma_wait3A_88 = arith.constant 0 : i32
        %dma_wait3A_89 = tpu.memref_slice %arg12[%dma_wait3A_87, %dma_wait3A_88] : memref<10000x128xf32, #tpu.memory_space<vmem_shared>> -> memref<10000x128xf32, #tpu.memory_space<vmem_shared>>
        tpu.wait_indirect_dma semaphore(%arg16 : memref<!tpu.dma_semaphore, #tpu.memory_space<semaphore_mem>>) src(%arg7 : memref<128x128xf32, #tpu.memory_space<vmem>>) dst(%dma_wait3A_89 : memref<10000x128xf32, #tpu.memory_space<vmem_shared>>)
        %add3A_90 = arith.constant 2 : i32
        %add3A_91 = arith.addi %add3A_69, %add3A_90 : i32
        %mul3A_92 = arith.constant 128 : i32
        %mul3A_93 = arith.muli %add3A_91, %mul3A_92 : i32
        %add3A_94 = arith.addi %mul3A_4, %mul3A_93 : i32
        "tpu.region"() ({
          %run_scoped3A = tpu.sem_alloc : memref<!tpu.dma_semaphore, #tpu.memory_space<semaphore_mem>>
          %dma_start3A_104 = tpu.memref_slice %arg3[%add3A_94] : memref<160000xi32, #tpu.memory_space<hbm>> -> memref<128xi32, #tpu.memory_space<hbm>>
          %dma_start3A_105 = tpu.memref_slice %arg3[%add3A_94] : memref<160000xi32, #tpu.memory_space<hbm>> -> memref<128xi32, #tpu.memory_space<hbm>>
          tpu.enqueue_dma source(%dma_start3A_105 : memref<128xi32, #tpu.memory_space<hbm>>) target(%arg10 : memref<128xi32, #tpu.memory_space<vmem>>) target_semaphore(%run_scoped3A : memref<!tpu.dma_semaphore, #tpu.memory_space<semaphore_mem>>)
          %dma_wait3A_106 = tpu.memref_slice %arg3[%add3A_94] : memref<160000xi32, #tpu.memory_space<hbm>> -> memref<128xi32, #tpu.memory_space<hbm>>
          %dma_wait3A_107 = tpu.memref_slice %arg3[%add3A_94] : memref<160000xi32, #tpu.memory_space<hbm>> -> memref<128xi32, #tpu.memory_space<hbm>>
          tpu.wait_dma2 semaphore(%run_scoped3A : memref<!tpu.dma_semaphore, #tpu.memory_space<semaphore_mem>>) src(%dma_wait3A_107 : memref<128xi32, #tpu.memory_space<hbm>>) dst(%arg10 : memref<128xi32, #tpu.memory_space<vmem>>)
          tpu.yield
        }) : () -> ()
        %mul3A_95 = arith.constant 128 : i32
        %mul3A_96 = arith.muli %add3A_91, %mul3A_95 : i32
        %add3A_97 = arith.addi %mul3A_4, %mul3A_96 : i32
        %dma_start3A_98 = arith.constant 0 : i32
        %dma_start3A_99 = tpu.memref_slice %arg2[%add3A_97, %arg0, %dma_start3A_98] : memref<160000x2x128xf32, #tpu.memory_space<hbm>> -> memref<128x1x128xf32, #tpu.memory_space<hbm>>
        %dma_start3A_100 = tpu.memref_squeeze %dma_start3A_99 : memref<128x1x128xf32, #tpu.memory_space<hbm>> -> memref<128x128xf32, #tpu.memory_space<hbm>>
        %dma_start3A_101 = arith.constant 0 : i32
        %dma_start3A_102 = tpu.memref_slice %arg2[%add3A_97, %arg0, %dma_start3A_101] : memref<160000x2x128xf32, #tpu.memory_space<hbm>> -> memref<128x1x128xf32, #tpu.memory_space<hbm>>
        %dma_start3A_103 = tpu.memref_squeeze %dma_start3A_102 : memref<128x1x128xf32, #tpu.memory_space<hbm>> -> memref<128x128xf32, #tpu.memory_space<hbm>>
        tpu.enqueue_dma source(%dma_start3A_103 : memref<128x128xf32, #tpu.memory_space<hbm>>) target(%arg7 : memref<128x128xf32, #tpu.memory_space<vmem>>) target_semaphore(%arg14 : memref<!tpu.dma_semaphore, #tpu.memory_space<semaphore_mem>>)
      } else {
      }
    }
    %scan3A_27 = arith.constant 39 : i32
    %dma_wait3A = arith.constant 0 : i32
    %dma_wait3A_28 = arith.constant 0 : i32
    %dma_wait3A_29 = tpu.memref_slice %arg12[%dma_wait3A, %dma_wait3A_28] : memref<10000x128xf32, #tpu.memory_space<vmem_shared>> -> memref<10000x128xf32, #tpu.memory_space<vmem_shared>>
    tpu.wait_indirect_dma semaphore(%arg15 : memref<!tpu.dma_semaphore, #tpu.memory_space<semaphore_mem>>) src(%arg6 : memref<128x128xf32, #tpu.memory_space<vmem>>) dst(%dma_wait3A_29 : memref<10000x128xf32, #tpu.memory_space<vmem_shared>>)
    %dma_wait3A_30 = arith.constant 0 : i32
    %dma_wait3A_31 = arith.constant 0 : i32
    %dma_wait3A_32 = tpu.memref_slice %arg12[%dma_wait3A_30, %dma_wait3A_31] : memref<10000x128xf32, #tpu.memory_space<vmem_shared>> -> memref<10000x128xf32, #tpu.memory_space<vmem_shared>>
    tpu.wait_indirect_dma semaphore(%arg16 : memref<!tpu.dma_semaphore, #tpu.memory_space<semaphore_mem>>) src(%arg7 : memref<128x128xf32, #tpu.memory_space<vmem>>) dst(%dma_wait3A_32 : memref<10000x128xf32, #tpu.memory_space<vmem_shared>>)
    %add3A_33 = arith.constant 9984 : i32
    %add3A_34 = arith.addi %mul3A_4, %add3A_33 : i32
    "tpu.region"() ({
      %run_scoped3A = tpu.sem_alloc : memref<!tpu.dma_semaphore, #tpu.memory_space<semaphore_mem>>
      %dma_start3A_45 = tpu.memref_slice %arg3[%add3A_34] : memref<160000xi32, #tpu.memory_space<hbm>> -> memref<16xi32, #tpu.memory_space<hbm>>
      %dma_start3A_46 = tpu.memref_slice %arg3[%add3A_34] : memref<160000xi32, #tpu.memory_space<hbm>> -> memref<16xi32, #tpu.memory_space<hbm>>
      tpu.enqueue_dma source(%dma_start3A_46 : memref<16xi32, #tpu.memory_space<hbm>>) target(%arg11 : memref<16xi32, #tpu.memory_space<vmem>>) target_semaphore(%run_scoped3A : memref<!tpu.dma_semaphore, #tpu.memory_space<semaphore_mem>>)
      %dma_wait3A_47 = tpu.memref_slice %arg3[%add3A_34] : memref<160000xi32, #tpu.memory_space<hbm>> -> memref<16xi32, #tpu.memory_space<hbm>>
      %dma_wait3A_48 = tpu.memref_slice %arg3[%add3A_34] : memref<160000xi32, #tpu.memory_space<hbm>> -> memref<16xi32, #tpu.memory_space<hbm>>
      tpu.wait_dma2 semaphore(%run_scoped3A : memref<!tpu.dma_semaphore, #tpu.memory_space<semaphore_mem>>) src(%dma_wait3A_48 : memref<16xi32, #tpu.memory_space<hbm>>) dst(%arg11 : memref<16xi32, #tpu.memory_space<vmem>>)
      tpu.yield
    }) : () -> ()
    "tpu.region"() ({
      %run_scoped3A = tpu.sem_alloc : memref<!tpu.dma_semaphore, #tpu.memory_space<semaphore_mem>>
      %dma_start3A_45 = arith.constant 0 : i32
      %dma_start3A_46 = tpu.memref_slice %arg2[%add3A_34, %arg0, %dma_start3A_45] : memref<160000x2x128xf32, #tpu.memory_space<hbm>> -> memref<16x1x128xf32, #tpu.memory_space<hbm>>
      %dma_start3A_47 = tpu.memref_squeeze %dma_start3A_46 : memref<16x1x128xf32, #tpu.memory_space<hbm>> -> memref<16x128xf32, #tpu.memory_space<hbm>>
      %dma_start3A_48 = arith.constant 0 : i32
      %dma_start3A_49 = tpu.memref_slice %arg2[%add3A_34, %arg0, %dma_start3A_48] : memref<160000x2x128xf32, #tpu.memory_space<hbm>> -> memref<16x1x128xf32, #tpu.memory_space<hbm>>
      %dma_start3A_50 = tpu.memref_squeeze %dma_start3A_49 : memref<16x1x128xf32, #tpu.memory_space<hbm>> -> memref<16x128xf32, #tpu.memory_space<hbm>>
      tpu.enqueue_dma source(%dma_start3A_50 : memref<16x128xf32, #tpu.memory_space<hbm>>) target(%arg8 : memref<16x128xf32, #tpu.memory_space<vmem>>) target_semaphore(%run_scoped3A : memref<!tpu.dma_semaphore, #tpu.memory_space<semaphore_mem>>)
      %dma_wait3A_51 = arith.constant 0 : i32
      %dma_wait3A_52 = tpu.memref_slice %arg2[%add3A_34, %arg0, %dma_wait3A_51] : memref<160000x2x128xf32, #tpu.memory_space<hbm>> -> memref<16x1x128xf32, #tpu.memory_space<hbm>>
      %dma_wait3A_53 = tpu.memref_squeeze %dma_wait3A_52 : memref<16x1x128xf32, #tpu.memory_space<hbm>> -> memref<16x128xf32, #tpu.memory_space<hbm>>
      %dma_wait3A_54 = arith.constant 0 : i32
      %dma_wait3A_55 = tpu.memref_slice %arg2[%add3A_34, %arg0, %dma_wait3A_54] : memref<160000x2x128xf32, #tpu.memory_space<hbm>> -> memref<16x1x128xf32, #tpu.memory_space<hbm>>
      %dma_wait3A_56 = tpu.memref_squeeze %dma_wait3A_55 : memref<16x1x128xf32, #tpu.memory_space<hbm>> -> memref<16x128xf32, #tpu.memory_space<hbm>>
      tpu.wait_dma2 semaphore(%run_scoped3A : memref<!tpu.dma_semaphore, #tpu.memory_space<semaphore_mem>>) src(%dma_wait3A_56 : memref<16x128xf32, #tpu.memory_space<hbm>>) dst(%arg8 : memref<16x128xf32, #tpu.memory_space<vmem>>)
      tpu.yield
    }) : () -> ()
    "tpu.region"() ({
      %run_scoped3A = tpu.sem_alloc : memref<!tpu.dma_semaphore, #tpu.memory_space<semaphore_mem>>
      %dma_start3A_45 = arith.constant 0 : i32
      %dma_start3A_46 = arith.constant 0 : i32
      %dma_start3A_47 = tpu.memref_slice %arg12[%dma_start3A_45, %dma_start3A_46] : memref<10000x128xf32, #tpu.memory_space<vmem_shared>> -> memref<10000x128xf32, #tpu.memory_space<vmem_shared>>
      tpu.enqueue_indirect_dma source(%arg8 : memref<16x128xf32, #tpu.memory_space<vmem>>) target(%dma_start3A_47 : memref<10000x128xf32, #tpu.memory_space<vmem_shared>>) offsets(%arg11 : memref<16xi32, #tpu.memory_space<vmem>>) semaphore(%run_scoped3A : memref<!tpu.dma_semaphore, #tpu.memory_space<semaphore_mem>>) {add = true}
      %dma_wait3A_48 = arith.constant 0 : i32
      %dma_wait3A_49 = arith.constant 0 : i32
      %dma_wait3A_50 = tpu.memref_slice %arg12[%dma_wait3A_48, %dma_wait3A_49] : memref<10000x128xf32, #tpu.memory_space<vmem_shared>> -> memref<10000x128xf32, #tpu.memory_space<vmem_shared>>
      tpu.wait_indirect_dma semaphore(%run_scoped3A : memref<!tpu.dma_semaphore, #tpu.memory_space<semaphore_mem>>) src(%arg8 : memref<16x128xf32, #tpu.memory_space<vmem>>) dst(%dma_wait3A_50 : memref<10000x128xf32, #tpu.memory_space<vmem_shared>>)
      tpu.yield
    }) : () -> ()
    %barrier3A_35 = arith.constant 0 : index
    tpu.barrier barrier_id(%barrier3A_35)
    %mul3A_36 = arith.constant 624 : i32
    %mul3A_37 = arith.muli %arg1, %mul3A_36 : i32
    %mul3A_38 = arith.constant 624 : i32
    %mul3A_39 = arith.muli %arg1, %mul3A_38 : i32
    "tpu.region"() ({
      %run_scoped3A = tpu.sem_alloc : memref<!tpu.dma_semaphore, #tpu.memory_space<semaphore_mem>>
      %dma_start3A_45 = arith.constant 0 : i32
      %dma_start3A_46 = tpu.memref_slice %arg5[%mul3A_39, %arg0, %dma_start3A_45] : memref<10000x2x128xf32, #tpu.memory_space<hbm>> -> memref<624x1x128xf32, #tpu.memory_space<hbm>>
      %dma_start3A_47 = tpu.memref_squeeze %dma_start3A_46 : memref<624x1x128xf32, #tpu.memory_space<hbm>> -> memref<624x128xf32, #tpu.memory_space<hbm>>
      %dma_start3A_48 = arith.constant 0 : i32
      %dma_start3A_49 = tpu.memref_slice %arg12[%mul3A_37, %dma_start3A_48] : memref<10000x128xf32, #tpu.memory_space<vmem_shared>> -> memref<624x128xf32, #tpu.memory_space<vmem_shared>>
      tpu.enqueue_dma source(%dma_start3A_49 : memref<624x128xf32, #tpu.memory_space<vmem_shared>>) target(%dma_start3A_47 : memref<624x128xf32, #tpu.memory_space<hbm>>) target_semaphore(%run_scoped3A : memref<!tpu.dma_semaphore, #tpu.memory_space<semaphore_mem>>)
      %dma_wait3A_50 = arith.constant 0 : i32
      %dma_wait3A_51 = tpu.memref_slice %arg5[%mul3A_39, %arg0, %dma_wait3A_50] : memref<10000x2x128xf32, #tpu.memory_space<hbm>> -> memref<624x1x128xf32, #tpu.memory_space<hbm>>
      %dma_wait3A_52 = tpu.memref_squeeze %dma_wait3A_51 : memref<624x1x128xf32, #tpu.memory_space<hbm>> -> memref<624x128xf32, #tpu.memory_space<hbm>>
      %dma_wait3A_53 = arith.constant 0 : i32
      %dma_wait3A_54 = tpu.memref_slice %arg12[%mul3A_37, %dma_wait3A_53] : memref<10000x128xf32, #tpu.memory_space<vmem_shared>> -> memref<624x128xf32, #tpu.memory_space<vmem_shared>>
      tpu.wait_dma2 semaphore(%run_scoped3A : memref<!tpu.dma_semaphore, #tpu.memory_space<semaphore_mem>>) src(%dma_wait3A_54 : memref<624x128xf32, #tpu.memory_space<vmem_shared>>) dst(%dma_wait3A_52 : memref<624x128xf32, #tpu.memory_space<hbm>>)
      tpu.yield
    }) : () -> ()
    %eq3A_40 = arith.constant 15 : i32
    %eq3A_41 = arith.cmpi eq, %arg1, %eq3A_40 : i32
    %convert_element_type3A_42 = arith.extui %eq3A_41 : i1 to i32
    %cond3A_43 = arith.constant 0 : i32
    %cond3A_44 = arith.cmpi ne, %convert_element_type3A_42, %cond3A_43 : i32
    scf.if %cond3A_44 {
      "tpu.region"() ({
        %run_scoped3A = tpu.sem_alloc : memref<!tpu.dma_semaphore, #tpu.memory_space<semaphore_mem>>
        %dma_start3A_45 = arith.constant 9984 : i32
        %dma_start3A_46 = arith.constant 0 : i32
        %dma_start3A_47 = tpu.memref_slice %arg5[%dma_start3A_45, %arg0, %dma_start3A_46] : memref<10000x2x128xf32, #tpu.memory_space<hbm>> -> memref<16x1x128xf32, #tpu.memory_space<hbm>>
        %dma_start3A_48 = tpu.memref_squeeze %dma_start3A_47 : memref<16x1x128xf32, #tpu.memory_space<hbm>> -> memref<16x128xf32, #tpu.memory_space<hbm>>
        %dma_start3A_49 = arith.constant 9984 : i32
        %dma_start3A_50 = arith.constant 0 : i32
        %dma_start3A_51 = tpu.memref_slice %arg12[%dma_start3A_49, %dma_start3A_50] : memref<10000x128xf32, #tpu.memory_space<vmem_shared>> -> memref<16x128xf32, #tpu.memory_space<vmem_shared>>
        tpu.enqueue_dma source(%dma_start3A_51 : memref<16x128xf32, #tpu.memory_space<vmem_shared>>) target(%dma_start3A_48 : memref<16x128xf32, #tpu.memory_space<hbm>>) target_semaphore(%run_scoped3A : memref<!tpu.dma_semaphore, #tpu.memory_space<semaphore_mem>>)
        %dma_wait3A_52 = arith.constant 9984 : i32
        %dma_wait3A_53 = arith.constant 0 : i32
        %dma_wait3A_54 = tpu.memref_slice %arg5[%dma_wait3A_52, %arg0, %dma_wait3A_53] : memref<10000x2x128xf32, #tpu.memory_space<hbm>> -> memref<16x1x128xf32, #tpu.memory_space<hbm>>
        %dma_wait3A_55 = tpu.memref_squeeze %dma_wait3A_54 : memref<16x1x128xf32, #tpu.memory_space<hbm>> -> memref<16x128xf32, #tpu.memory_space<hbm>>
        %dma_wait3A_56 = arith.constant 9984 : i32
        %dma_wait3A_57 = arith.constant 0 : i32
        %dma_wait3A_58 = tpu.memref_slice %arg12[%dma_wait3A_56, %dma_wait3A_57] : memref<10000x128xf32, #tpu.memory_space<vmem_shared>> -> memref<16x128xf32, #tpu.memory_space<vmem_shared>>
        tpu.wait_dma2 semaphore(%run_scoped3A : memref<!tpu.dma_semaphore, #tpu.memory_space<semaphore_mem>>) src(%dma_wait3A_58 : memref<16x128xf32, #tpu.memory_space<vmem_shared>>) dst(%dma_wait3A_55 : memref<16x128xf32, #tpu.memory_space<hbm>>)
        tpu.yield
      }) : () -> ()
    } else {
    }
    return
  }
}

#map = affine_map<(d0, d1) -> (0)>
module attributes {stable_mosaic.version = 14 : i64} {
  func.func @k(%arg0: i32, %arg1: i32, %arg2: memref<640000xf32, #tpu.memory_space<hbm>>, %arg3: memref<160000xi32, #tpu.memory_space<hbm>>, %arg4: memref<640000xf32, #tpu.memory_space<hbm>>, %arg5: memref<20000xf32, #tpu.memory_space<vmem>>, %arg6: memref<20000xf32, #tpu.memory_space<vmem>>, %arg7: memref<10000xi32, #tpu.memory_space<vmem>>, %arg8: memref<128xi32, #tpu.memory_space<vmem>>, %arg9: memref<128xi32, #tpu.memory_space<vmem>>, %arg10: memref<128xi32, #tpu.memory_space<vmem>>, %arg11: memref<128xi32, #tpu.memory_space<vmem>>, %arg12: memref<128xi32, #tpu.memory_space<vmem>>, %arg13: memref<128xi32, #tpu.memory_space<vmem>>, %arg14: memref<16xi32, #tpu.memory_space<vmem>>, %arg15: memref<20000xf32, #tpu.memory_space<vmem_shared>>, %arg16: memref<20000xf32, #tpu.memory_space<vmem_shared>>, %arg17: memref<!tpu.dma_semaphore, #tpu.memory_space<semaphore_mem>>, %arg18: memref<!tpu.dma_semaphore, #tpu.memory_space<semaphore_mem>>, %arg19: memref<!tpu.dma_semaphore, #tpu.memory_space<semaphore_mem>>, %arg20: memref<!tpu.dma_semaphore, #tpu.memory_space<semaphore_mem>>, %arg21: memref<!tpu.dma_semaphore, #tpu.memory_space<semaphore_mem>>, %arg22: memref<!tpu.dma_semaphore, #tpu.memory_space<semaphore_mem>>) attributes {dimension_semantics = [#tpu.dimension_semantics<core_parallel>, #tpu.dimension_semantics<subcore_parallel>], iteration_bounds = array<i64: 2, 16>, scalar_prefetch = 0 : i64, scratch_operands = 18 : i64, tpu.core_type = #tpu.core_type<sc_vector_subcore>, window_params = [{transform_indices = #map}, {transform_indices = #map}, {transform_indices = #map}]} {
    %mul3A = arith.constant 2 : i32
    %mul3A_0 = arith.muli %arg0, %mul3A : i32
    %mul3A_1 = arith.constant 10000 : i32
    %mul3A_2 = arith.muli %arg1, %mul3A_1 : i32
    %broadcast_in_dim3A = arith.constant 0.000000e+00 : f32
    %broadcast_in_dim3A_3 = vector.broadcast %broadcast_in_dim3A : f32 to vector<16xf32>
    %scan3A = arith.constant 0 : i32
    %scan3A_4 = arith.constant 0 : i32
    %scan3A_5 = arith.constant 78 : i32
    %scan3A_6 = arith.addi %scan3A_4, %scan3A_5 : i32
    %scan3A_7 = arith.constant 1 : i32
    scf.for %scan3A_202 = %scan3A_4 to %scan3A_6 step %scan3A_7  : i32 {
      %mul3A_203 = arith.constant 16 : i32
      %mul3A_204 = arith.muli %scan3A_202, %mul3A_203 : i32
      %swap3A_205 = arith.index_cast %mul3A_204 : i32 to index
      %swap3A_206 = tpu.vector_load %arg5[%swap3A_205] {strides = array<i32>} : memref<20000xf32, #tpu.memory_space<vmem>>, vector<16xf32>,
      tpu.vector_store %arg5[%swap3A_205], %broadcast_in_dim3A_3 {strides = array<i32>} : memref<20000xf32, #tpu.memory_space<vmem>>, vector<16xf32>,
    }
    %scan3A_8 = arith.constant 78 : i32
    %mul3A_9 = arith.constant 1248 : i32
    %mul3A_10 = arith.muli %arg1, %mul3A_9 : i32
    "tpu.region"() ({
      %run_scoped3A = tpu.sem_alloc : memref<!tpu.dma_semaphore, #tpu.memory_space<semaphore_mem>>
      %dma_start3A = arith.constant 0 : i32
      %dma_start3A_202 = tpu.memref_slice %arg5[%dma_start3A] : memref<20000xf32, #tpu.memory_space<vmem>> -> memref<1248xf32, #tpu.memory_space<vmem>>
      %dma_start3A_203 = tpu.memref_slice %arg16[%mul3A_10] : memref<20000xf32, #tpu.memory_space<vmem_shared>> -> memref<1248xf32, #tpu.memory_space<vmem_shared>>
      %dma_start3A_204 = tpu.memref_slice %arg16[%mul3A_10] : memref<20000xf32, #tpu.memory_space<vmem_shared>> -> memref<1248xf32, #tpu.memory_space<vmem_shared>>
      %dma_start3A_205 = arith.constant 0 : i32
      %dma_start3A_206 = tpu.memref_slice %arg5[%dma_start3A_205] : memref<20000xf32, #tpu.memory_space<vmem>> -> memref<1248xf32, #tpu.memory_space<vmem>>
      tpu.enqueue_dma source(%dma_start3A_206 : memref<1248xf32, #tpu.memory_space<vmem>>) target(%dma_start3A_204 : memref<1248xf32, #tpu.memory_space<vmem_shared>>) target_semaphore(%run_scoped3A : memref<!tpu.dma_semaphore, #tpu.memory_space<semaphore_mem>>)
      %dma_wait3A_207 = arith.constant 0 : i32
      %dma_wait3A_208 = tpu.memref_slice %arg5[%dma_wait3A_207] : memref<20000xf32, #tpu.memory_space<vmem>> -> memref<1248xf32, #tpu.memory_space<vmem>>
      %dma_wait3A_209 = tpu.memref_slice %arg16[%mul3A_10] : memref<20000xf32, #tpu.memory_space<vmem_shared>> -> memref<1248xf32, #tpu.memory_space<vmem_shared>>
      %dma_wait3A_210 = tpu.memref_slice %arg16[%mul3A_10] : memref<20000xf32, #tpu.memory_space<vmem_shared>> -> memref<1248xf32, #tpu.memory_space<vmem_shared>>
      %dma_wait3A_211 = arith.constant 0 : i32
      %dma_wait3A_212 = tpu.memref_slice %arg5[%dma_wait3A_211] : memref<20000xf32, #tpu.memory_space<vmem>> -> memref<1248xf32, #tpu.memory_space<vmem>>
      tpu.wait_dma2 semaphore(%run_scoped3A : memref<!tpu.dma_semaphore, #tpu.memory_space<semaphore_mem>>) src(%dma_wait3A_212 : memref<1248xf32, #tpu.memory_space<vmem>>) dst(%dma_wait3A_210 : memref<1248xf32, #tpu.memory_space<vmem_shared>>)
      tpu.yield
    }) : () -> ()
    %eq3A = arith.constant 15 : i32
    %eq3A_11 = arith.cmpi eq, %arg1, %eq3A : i32
    %convert_element_type3A = arith.extui %eq3A_11 : i1 to i32
    %cond3A = arith.constant 0 : i32
    %cond3A_12 = arith.cmpi ne, %convert_element_type3A, %cond3A : i32
    scf.if %cond3A_12 {
      "tpu.region"() ({
        %run_scoped3A = tpu.sem_alloc : memref<!tpu.dma_semaphore, #tpu.memory_space<semaphore_mem>>
        %dma_start3A = arith.constant 0 : i32
        %dma_start3A_202 = tpu.memref_slice %arg5[%dma_start3A] : memref<20000xf32, #tpu.memory_space<vmem>> -> memref<32xf32, #tpu.memory_space<vmem>>
        %dma_start3A_203 = arith.constant 19968 : i32
        %dma_start3A_204 = tpu.memref_slice %arg16[%dma_start3A_203] : memref<20000xf32, #tpu.memory_space<vmem_shared>> -> memref<32xf32, #tpu.memory_space<vmem_shared>>
        %dma_start3A_205 = arith.constant 19968 : i32
        %dma_start3A_206 = tpu.memref_slice %arg16[%dma_start3A_205] : memref<20000xf32, #tpu.memory_space<vmem_shared>> -> memref<32xf32, #tpu.memory_space<vmem_shared>>
        %dma_start3A_207 = arith.constant 0 : i32
        %dma_start3A_208 = tpu.memref_slice %arg5[%dma_start3A_207] : memref<20000xf32, #tpu.memory_space<vmem>> -> memref<32xf32, #tpu.memory_space<vmem>>
        tpu.enqueue_dma source(%dma_start3A_208 : memref<32xf32, #tpu.memory_space<vmem>>) target(%dma_start3A_206 : memref<32xf32, #tpu.memory_space<vmem_shared>>) target_semaphore(%run_scoped3A : memref<!tpu.dma_semaphore, #tpu.memory_space<semaphore_mem>>)
        %dma_wait3A_209 = arith.constant 0 : i32
        %dma_wait3A_210 = tpu.memref_slice %arg5[%dma_wait3A_209] : memref<20000xf32, #tpu.memory_space<vmem>> -> memref<32xf32, #tpu.memory_space<vmem>>
        %dma_wait3A_211 = arith.constant 19968 : i32
        %dma_wait3A_212 = tpu.memref_slice %arg16[%dma_wait3A_211] : memref<20000xf32, #tpu.memory_space<vmem_shared>> -> memref<32xf32, #tpu.memory_space<vmem_shared>>
        %dma_wait3A_213 = arith.constant 19968 : i32
        %dma_wait3A_214 = tpu.memref_slice %arg16[%dma_wait3A_213] : memref<20000xf32, #tpu.memory_space<vmem_shared>> -> memref<32xf32, #tpu.memory_space<vmem_shared>>
        %dma_wait3A_215 = arith.constant 0 : i32
        %dma_wait3A_216 = tpu.memref_slice %arg5[%dma_wait3A_215] : memref<20000xf32, #tpu.memory_space<vmem>> -> memref<32xf32, #tpu.memory_space<vmem>>
        tpu.wait_dma2 semaphore(%run_scoped3A : memref<!tpu.dma_semaphore, #tpu.memory_space<semaphore_mem>>) src(%dma_wait3A_216 : memref<32xf32, #tpu.memory_space<vmem>>) dst(%dma_wait3A_214 : memref<32xf32, #tpu.memory_space<vmem_shared>>)
        tpu.yield
      }) : () -> ()
    } else {
    }
    "tpu.region"() ({
      %run_scoped3A = tpu.sem_alloc : memref<!tpu.dma_semaphore, #tpu.memory_space<semaphore_mem>>
      %dma_start3A = tpu.memref_slice %arg3[%mul3A_2] : memref<160000xi32, #tpu.memory_space<hbm>> -> memref<10000xi32, #tpu.memory_space<hbm>>
      %dma_start3A_202 = tpu.memref_slice %arg3[%mul3A_2] : memref<160000xi32, #tpu.memory_space<hbm>> -> memref<10000xi32, #tpu.memory_space<hbm>>
      tpu.enqueue_dma source(%dma_start3A_202 : memref<10000xi32, #tpu.memory_space<hbm>>) target(%arg7 : memref<10000xi32, #tpu.memory_space<vmem>>) target_semaphore(%run_scoped3A : memref<!tpu.dma_semaphore, #tpu.memory_space<semaphore_mem>>)
      %dma_wait3A_203 = tpu.memref_slice %arg3[%mul3A_2] : memref<160000xi32, #tpu.memory_space<hbm>> -> memref<10000xi32, #tpu.memory_space<hbm>>
      %dma_wait3A_204 = tpu.memref_slice %arg3[%mul3A_2] : memref<160000xi32, #tpu.memory_space<hbm>> -> memref<10000xi32, #tpu.memory_space<hbm>>
      tpu.wait_dma2 semaphore(%run_scoped3A : memref<!tpu.dma_semaphore, #tpu.memory_space<semaphore_mem>>) src(%dma_wait3A_204 : memref<10000xi32, #tpu.memory_space<hbm>>) dst(%arg7 : memref<10000xi32, #tpu.memory_space<vmem>>)
      tpu.yield
    }) : () -> ()
    %add3A = arith.constant 0 : i32
    %add3A_13 = arith.addi %mul3A_0, %add3A : i32
    %mul3A_14 = arith.constant 160000 : i32
    %mul3A_15 = arith.muli %add3A_13, %mul3A_14 : i32
    %add3A_16 = arith.addi %mul3A_15, %mul3A_2 : i32
    "tpu.region"() ({
      %run_scoped3A = tpu.sem_alloc : memref<!tpu.dma_semaphore, #tpu.memory_space<semaphore_mem>>
      %dma_start3A = arith.constant 0 : i32
      %dma_start3A_202 = tpu.memref_slice %arg5[%dma_start3A] : memref<20000xf32, #tpu.memory_space<vmem>> -> memref<10000xf32, #tpu.memory_space<vmem>>
      %dma_start3A_203 = tpu.memref_slice %arg2[%add3A_16] : memref<640000xf32, #tpu.memory_space<hbm>> -> memref<10000xf32, #tpu.memory_space<hbm>>
      %dma_start3A_204 = arith.constant 0 : i32
      %dma_start3A_205 = tpu.memref_slice %arg5[%dma_start3A_204] : memref<20000xf32, #tpu.memory_space<vmem>> -> memref<10000xf32, #tpu.memory_space<vmem>>
      %dma_start3A_206 = tpu.memref_slice %arg2[%add3A_16] : memref<640000xf32, #tpu.memory_space<hbm>> -> memref<10000xf32, #tpu.memory_space<hbm>>
      tpu.enqueue_dma source(%dma_start3A_206 : memref<10000xf32, #tpu.memory_space<hbm>>) target(%dma_start3A_205 : memref<10000xf32, #tpu.memory_space<vmem>>) target_semaphore(%run_scoped3A : memref<!tpu.dma_semaphore, #tpu.memory_space<semaphore_mem>>)
      %dma_wait3A_207 = arith.constant 0 : i32
      %dma_wait3A_208 = tpu.memref_slice %arg5[%dma_wait3A_207] : memref<20000xf32, #tpu.memory_space<vmem>> -> memref<10000xf32, #tpu.memory_space<vmem>>
      %dma_wait3A_209 = tpu.memref_slice %arg2[%add3A_16] : memref<640000xf32, #tpu.memory_space<hbm>> -> memref<10000xf32, #tpu.memory_space<hbm>>
      %dma_wait3A_210 = arith.constant 0 : i32
      %dma_wait3A_211 = tpu.memref_slice %arg5[%dma_wait3A_210] : memref<20000xf32, #tpu.memory_space<vmem>> -> memref<10000xf32, #tpu.memory_space<vmem>>
      %dma_wait3A_212 = tpu.memref_slice %arg2[%add3A_16] : memref<640000xf32, #tpu.memory_space<hbm>> -> memref<10000xf32, #tpu.memory_space<hbm>>
      tpu.wait_dma2 semaphore(%run_scoped3A : memref<!tpu.dma_semaphore, #tpu.memory_space<semaphore_mem>>) src(%dma_wait3A_212 : memref<10000xf32, #tpu.memory_space<hbm>>) dst(%dma_wait3A_211 : memref<10000xf32, #tpu.memory_space<vmem>>)
      tpu.yield
    }) : () -> ()
    %add3A_17 = arith.constant 1 : i32
    %add3A_18 = arith.addi %mul3A_0, %add3A_17 : i32
    %mul3A_19 = arith.constant 160000 : i32
    %mul3A_20 = arith.muli %add3A_18, %mul3A_19 : i32
    %add3A_21 = arith.addi %mul3A_20, %mul3A_2 : i32
    "tpu.region"() ({
      %run_scoped3A = tpu.sem_alloc : memref<!tpu.dma_semaphore, #tpu.memory_space<semaphore_mem>>
      %dma_start3A = arith.constant 10000 : i32
      %dma_start3A_202 = tpu.memref_slice %arg5[%dma_start3A] : memref<20000xf32, #tpu.memory_space<vmem>> -> memref<10000xf32, #tpu.memory_space<vmem>>
      %dma_start3A_203 = tpu.memref_slice %arg2[%add3A_21] : memref<640000xf32, #tpu.memory_space<hbm>> -> memref<10000xf32, #tpu.memory_space<hbm>>
      %dma_start3A_204 = arith.constant 10000 : i32
      %dma_start3A_205 = tpu.memref_slice %arg5[%dma_start3A_204] : memref<20000xf32, #tpu.memory_space<vmem>> -> memref<10000xf32, #tpu.memory_space<vmem>>
      %dma_start3A_206 = tpu.memref_slice %arg2[%add3A_21] : memref<640000xf32, #tpu.memory_space<hbm>> -> memref<10000xf32, #tpu.memory_space<hbm>>
      tpu.enqueue_dma source(%dma_start3A_206 : memref<10000xf32, #tpu.memory_space<hbm>>) target(%dma_start3A_205 : memref<10000xf32, #tpu.memory_space<vmem>>) target_semaphore(%run_scoped3A : memref<!tpu.dma_semaphore, #tpu.memory_space<semaphore_mem>>)
      %dma_wait3A_207 = arith.constant 10000 : i32
      %dma_wait3A_208 = tpu.memref_slice %arg5[%dma_wait3A_207] : memref<20000xf32, #tpu.memory_space<vmem>> -> memref<10000xf32, #tpu.memory_space<vmem>>
      %dma_wait3A_209 = tpu.memref_slice %arg2[%add3A_21] : memref<640000xf32, #tpu.memory_space<hbm>> -> memref<10000xf32, #tpu.memory_space<hbm>>
      %dma_wait3A_210 = arith.constant 10000 : i32
      %dma_wait3A_211 = tpu.memref_slice %arg5[%dma_wait3A_210] : memref<20000xf32, #tpu.memory_space<vmem>> -> memref<10000xf32, #tpu.memory_space<vmem>>
      %dma_wait3A_212 = tpu.memref_slice %arg2[%add3A_21] : memref<640000xf32, #tpu.memory_space<hbm>> -> memref<10000xf32, #tpu.memory_space<hbm>>
      tpu.wait_dma2 semaphore(%run_scoped3A : memref<!tpu.dma_semaphore, #tpu.memory_space<semaphore_mem>>) src(%dma_wait3A_212 : memref<10000xf32, #tpu.memory_space<hbm>>) dst(%dma_wait3A_211 : memref<10000xf32, #tpu.memory_space<vmem>>)
      tpu.yield
    }) : () -> ()
    %scan3A_22 = arith.constant 0 : i32
    %scan3A_23 = arith.constant 0 : i32
    %scan3A_24 = arith.constant 13 : i32
    %scan3A_25 = arith.addi %scan3A_23, %scan3A_24 : i32
    %scan3A_26 = arith.constant 1 : i32
    scf.for %scan3A_202 = %scan3A_23 to %scan3A_25 step %scan3A_26  : i32 {
      %mul3A_203 = arith.constant 6 : i32
      %mul3A_204 = arith.muli %scan3A_202, %mul3A_203 : i32
      %add3A_205 = arith.constant 0 : i32
      %add3A_206 = arith.addi %mul3A_204, %add3A_205 : i32
      %mul3A_207 = arith.constant 128 : i32
      %mul3A_208 = arith.muli %add3A_206, %mul3A_207 : i32
      %add3A_209 = arith.constant 0 : i32
      %add3A_210 = arith.addi %add3A_209, %mul3A_208 : i32
      %gt3A = arith.constant 0 : i32
      %gt3A_211 = arith.cmpi sgt, %scan3A_202, %gt3A : i32
      %convert_element_type3A_212 = arith.extui %gt3A_211 : i1 to i32
      %cond3A_213 = arith.constant 0 : i32
      %cond3A_214 = arith.cmpi ne, %convert_element_type3A_212, %cond3A_213 : i32
      scf.if %cond3A_214 {
        %dma_wait3A_741 = tpu.memref_slice %arg5[%add3A_210] : memref<20000xf32, #tpu.memory_space<vmem>> -> memref<128xf32, #tpu.memory_space<vmem>>
        %dma_wait3A_742 = arith.constant 0 : i32
        %dma_wait3A_743 = tpu.memref_slice %arg15[%dma_wait3A_742] : memref<20000xf32, #tpu.memory_space<vmem_shared>> -> memref<20000xf32, #tpu.memory_space<vmem_shared>>
        tpu.wait_indirect_dma semaphore(%arg17 : memref<!tpu.dma_semaphore, #tpu.memory_space<semaphore_mem>>) src(%dma_wait3A_741 : memref<128xf32, #tpu.memory_space<vmem>>) dst(%dma_wait3A_743 : memref<20000xf32, #tpu.memory_space<vmem_shared>>)
      } else {
      }
      %mul3A_215 = arith.constant 128 : i32
      %mul3A_216 = arith.muli %add3A_206, %mul3A_215 : i32
      %add3A_217 = arith.constant 0 : i32
      %add3A_218 = arith.addi %mul3A_216, %add3A_217 : i32
      %get3A_219 = arith.index_cast %add3A_218 : i32 to index
      %get3A_220 = tpu.vector_load %arg7[%get3A_219] {strides = array<i32>} : memref<10000xi32, #tpu.memory_space<vmem>>, vector<16xi32>,
      %add3A_221 = arith.constant 0 : i32
      %add3A_222 = vector.broadcast %add3A_221 : i32 to vector<16xi32>
      %add3A_223 = arith.addi %get3A_220, %add3A_222 : vector<16xi32>
      %swap3A_224 = arith.constant 0 : index
      %swap3A_225 = tpu.vector_load %arg8[%swap3A_224] {strides = array<i32>} : memref<128xi32, #tpu.memory_space<vmem>>, vector<16xi32>,
      tpu.vector_store %arg8[%swap3A_224], %add3A_223 {strides = array<i32>} : memref<128xi32, #tpu.memory_space<vmem>>, vector<16xi32>,
      %add3A_226 = arith.constant 16 : i32
      %add3A_227 = arith.addi %mul3A_216, %add3A_226 : i32
      %get3A_228 = arith.index_cast %add3A_227 : i32 to index
      %get3A_229 = tpu.vector_load %arg7[%get3A_228] {strides = array<i32>} : memref<10000xi32, #tpu.memory_space<vmem>>, vector<16xi32>,
      %add3A_230 = arith.constant 0 : i32
      %add3A_231 = vector.broadcast %add3A_230 : i32 to vector<16xi32>
      %add3A_232 = arith.addi %get3A_229, %add3A_231 : vector<16xi32>
      %swap3A_233 = arith.constant 16 : index
      %swap3A_234 = tpu.vector_load %arg8[%swap3A_233] {strides = array<i32>} : memref<128xi32, #tpu.memory_space<vmem>>, vector<16xi32>,
      tpu.vector_store %arg8[%swap3A_233], %add3A_232 {strides = array<i32>} : memref<128xi32, #tpu.memory_space<vmem>>, vector<16xi32>,
      %add3A_235 = arith.constant 32 : i32
      %add3A_236 = arith.addi %mul3A_216, %add3A_235 : i32
      %get3A_237 = arith.index_cast %add3A_236 : i32 to index
      %get3A_238 = tpu.vector_load %arg7[%get3A_237] {strides = array<i32>} : memref<10000xi32, #tpu.memory_space<vmem>>, vector<16xi32>,
      %add3A_239 = arith.constant 0 : i32
      %add3A_240 = vector.broadcast %add3A_239 : i32 to vector<16xi32>
      %add3A_241 = arith.addi %get3A_238, %add3A_240 : vector<16xi32>
      %swap3A_242 = arith.constant 32 : index
      %swap3A_243 = tpu.vector_load %arg8[%swap3A_242] {strides = array<i32>} : memref<128xi32, #tpu.memory_space<vmem>>, vector<16xi32>,
      tpu.vector_store %arg8[%swap3A_242], %add3A_241 {strides = array<i32>} : memref<128xi32, #tpu.memory_space<vmem>>, vector<16xi32>,
      %add3A_244 = arith.constant 48 : i32
      %add3A_245 = arith.addi %mul3A_216, %add3A_244 : i32
      %get3A_246 = arith.index_cast %add3A_245 : i32 to index
      %get3A_247 = tpu.vector_load %arg7[%get3A_246] {strides = array<i32>} : memref<10000xi32, #tpu.memory_space<vmem>>, vector<16xi32>,
      %add3A_248 = arith.constant 0 : i32
      %add3A_249 = vector.broadcast %add3A_248 : i32 to vector<16xi32>
      %add3A_250 = arith.addi %get3A_247, %add3A_249 : vector<16xi32>
      %swap3A_251 = arith.constant 48 : index
      %swap3A_252 = tpu.vector_load %arg8[%swap3A_251] {strides = array<i32>} : memref<128xi32, #tpu.memory_space<vmem>>, vector<16xi32>,
      tpu.vector_store %arg8[%swap3A_251], %add3A_250 {strides = array<i32>} : memref<128xi32, #tpu.memory_space<vmem>>, vector<16xi32>,
      %add3A_253 = arith.constant 64 : i32
      %add3A_254 = arith.addi %mul3A_216, %add3A_253 : i32
      %get3A_255 = arith.index_cast %add3A_254 : i32 to index
      %get3A_256 = tpu.vector_load %arg7[%get3A_255] {strides = array<i32>} : memref<10000xi32, #tpu.memory_space<vmem>>, vector<16xi32>,
      %add3A_257 = arith.constant 0 : i32
      %add3A_258 = vector.broadcast %add3A_257 : i32 to vector<16xi32>
      %add3A_259 = arith.addi %get3A_256, %add3A_258 : vector<16xi32>
      %swap3A_260 = arith.constant 64 : index
      %swap3A_261 = tpu.vector_load %arg8[%swap3A_260] {strides = array<i32>} : memref<128xi32, #tpu.memory_space<vmem>>, vector<16xi32>,
      tpu.vector_store %arg8[%swap3A_260], %add3A_259 {strides = array<i32>} : memref<128xi32, #tpu.memory_space<vmem>>, vector<16xi32>,
      %add3A_262 = arith.constant 80 : i32
      %add3A_263 = arith.addi %mul3A_216, %add3A_262 : i32
      %get3A_264 = arith.index_cast %add3A_263 : i32 to index
      %get3A_265 = tpu.vector_load %arg7[%get3A_264] {strides = array<i32>} : memref<10000xi32, #tpu.memory_space<vmem>>, vector<16xi32>,
      %add3A_266 = arith.constant 0 : i32
      %add3A_267 = vector.broadcast %add3A_266 : i32 to vector<16xi32>
      %add3A_268 = arith.addi %get3A_265, %add3A_267 : vector<16xi32>
      %swap3A_269 = arith.constant 80 : index
      %swap3A_270 = tpu.vector_load %arg8[%swap3A_269] {strides = array<i32>} : memref<128xi32, #tpu.memory_space<vmem>>, vector<16xi32>,
      tpu.vector_store %arg8[%swap3A_269], %add3A_268 {strides = array<i32>} : memref<128xi32, #tpu.memory_space<vmem>>, vector<16xi32>,
      %add3A_271 = arith.constant 96 : i32
      %add3A_272 = arith.addi %mul3A_216, %add3A_271 : i32
      %get3A_273 = arith.index_cast %add3A_272 : i32 to index
      %get3A_274 = tpu.vector_load %arg7[%get3A_273] {strides = array<i32>} : memref<10000xi32, #tpu.memory_space<vmem>>, vector<16xi32>,
      %add3A_275 = arith.constant 0 : i32
      %add3A_276 = vector.broadcast %add3A_275 : i32 to vector<16xi32>
      %add3A_277 = arith.addi %get3A_274, %add3A_276 : vector<16xi32>
      %swap3A_278 = arith.constant 96 : index
      %swap3A_279 = tpu.vector_load %arg8[%swap3A_278] {strides = array<i32>} : memref<128xi32, #tpu.memory_space<vmem>>, vector<16xi32>,
      tpu.vector_store %arg8[%swap3A_278], %add3A_277 {strides = array<i32>} : memref<128xi32, #tpu.memory_space<vmem>>, vector<16xi32>,
      %add3A_280 = arith.constant 112 : i32
      %add3A_281 = arith.addi %mul3A_216, %add3A_280 : i32
      %get3A_282 = arith.index_cast %add3A_281 : i32 to index
      %get3A_283 = tpu.vector_load %arg7[%get3A_282] {strides = array<i32>} : memref<10000xi32, #tpu.memory_space<vmem>>, vector<16xi32>,
      %add3A_284 = arith.constant 0 : i32
      %add3A_285 = vector.broadcast %add3A_284 : i32 to vector<16xi32>
      %add3A_286 = arith.addi %get3A_283, %add3A_285 : vector<16xi32>
      %swap3A_287 = arith.constant 112 : index
      %swap3A_288 = tpu.vector_load %arg8[%swap3A_287] {strides = array<i32>} : memref<128xi32, #tpu.memory_space<vmem>>, vector<16xi32>,
      tpu.vector_store %arg8[%swap3A_287], %add3A_286 {strides = array<i32>} : memref<128xi32, #tpu.memory_space<vmem>>, vector<16xi32>,
      %dma_start3A = tpu.memref_slice %arg5[%add3A_210] : memref<20000xf32, #tpu.memory_space<vmem>> -> memref<128xf32, #tpu.memory_space<vmem>>
      %dma_start3A_289 = arith.constant 0 : i32
      %dma_start3A_290 = tpu.memref_slice %arg15[%dma_start3A_289] : memref<20000xf32, #tpu.memory_space<vmem_shared>> -> memref<20000xf32, #tpu.memory_space<vmem_shared>>
      tpu.enqueue_indirect_dma source(%dma_start3A : memref<128xf32, #tpu.memory_space<vmem>>) target(%dma_start3A_290 : memref<20000xf32, #tpu.memory_space<vmem_shared>>) offsets(%arg8 : memref<128xi32, #tpu.memory_space<vmem>>) semaphore(%arg17 : memref<!tpu.dma_semaphore, #tpu.memory_space<semaphore_mem>>)
      %mul3A_291 = arith.constant 6 : i32
      %mul3A_292 = arith.muli %scan3A_202, %mul3A_291 : i32
      %add3A_293 = arith.constant 1 : i32
      %add3A_294 = arith.addi %mul3A_292, %add3A_293 : i32
      %mul3A_295 = arith.constant 128 : i32
      %mul3A_296 = arith.muli %add3A_294, %mul3A_295 : i32
      %add3A_297 = arith.constant 0 : i32
      %add3A_298 = arith.addi %add3A_297, %mul3A_296 : i32
      %gt3A_299 = arith.constant 0 : i32
      %gt3A_300 = arith.cmpi sgt, %scan3A_202, %gt3A_299 : i32
      %convert_element_type3A_301 = arith.extui %gt3A_300 : i1 to i32
      %cond3A_302 = arith.constant 0 : i32
      %cond3A_303 = arith.cmpi ne, %convert_element_type3A_301, %cond3A_302 : i32
      scf.if %cond3A_303 {
        %dma_wait3A_741 = tpu.memref_slice %arg5[%add3A_298] : memref<20000xf32, #tpu.memory_space<vmem>> -> memref<128xf32, #tpu.memory_space<vmem>>
        %dma_wait3A_742 = arith.constant 0 : i32
        %dma_wait3A_743 = tpu.memref_slice %arg15[%dma_wait3A_742] : memref<20000xf32, #tpu.memory_space<vmem_shared>> -> memref<20000xf32, #tpu.memory_space<vmem_shared>>
        tpu.wait_indirect_dma semaphore(%arg18 : memref<!tpu.dma_semaphore, #tpu.memory_space<semaphore_mem>>) src(%dma_wait3A_741 : memref<128xf32, #tpu.memory_space<vmem>>) dst(%dma_wait3A_743 : memref<20000xf32, #tpu.memory_space<vmem_shared>>)
      } else {
      }
      %mul3A_304 = arith.constant 128 : i32
      %mul3A_305 = arith.muli %add3A_294, %mul3A_304 : i32
      %add3A_306 = arith.constant 0 : i32
      %add3A_307 = arith.addi %mul3A_305, %add3A_306 : i32
      %get3A_308 = arith.index_cast %add3A_307 : i32 to index
      %get3A_309 = tpu.vector_load %arg7[%get3A_308] {strides = array<i32>} : memref<10000xi32, #tpu.memory_space<vmem>>, vector<16xi32>,
      %add3A_310 = arith.constant 0 : i32
      %add3A_311 = vector.broadcast %add3A_310 : i32 to vector<16xi32>
      %add3A_312 = arith.addi %get3A_309, %add3A_311 : vector<16xi32>
      %swap3A_313 = arith.constant 0 : index
      %swap3A_314 = tpu.vector_load %arg9[%swap3A_313] {strides = array<i32>} : memref<128xi32, #tpu.memory_space<vmem>>, vector<16xi32>,
      tpu.vector_store %arg9[%swap3A_313], %add3A_312 {strides = array<i32>} : memref<128xi32, #tpu.memory_space<vmem>>, vector<16xi32>,
      %add3A_315 = arith.constant 16 : i32
      %add3A_316 = arith.addi %mul3A_305, %add3A_315 : i32
      %get3A_317 = arith.index_cast %add3A_316 : i32 to index
      %get3A_318 = tpu.vector_load %arg7[%get3A_317] {strides = array<i32>} : memref<10000xi32, #tpu.memory_space<vmem>>, vector<16xi32>,
      %add3A_319 = arith.constant 0 : i32
      %add3A_320 = vector.broadcast %add3A_319 : i32 to vector<16xi32>
      %add3A_321 = arith.addi %get3A_318, %add3A_320 : vector<16xi32>
      %swap3A_322 = arith.constant 16 : index
      %swap3A_323 = tpu.vector_load %arg9[%swap3A_322] {strides = array<i32>} : memref<128xi32, #tpu.memory_space<vmem>>, vector<16xi32>,
      tpu.vector_store %arg9[%swap3A_322], %add3A_321 {strides = array<i32>} : memref<128xi32, #tpu.memory_space<vmem>>, vector<16xi32>,
      %add3A_324 = arith.constant 32 : i32
      %add3A_325 = arith.addi %mul3A_305, %add3A_324 : i32
      %get3A_326 = arith.index_cast %add3A_325 : i32 to index
      %get3A_327 = tpu.vector_load %arg7[%get3A_326] {strides = array<i32>} : memref<10000xi32, #tpu.memory_space<vmem>>, vector<16xi32>,
      %add3A_328 = arith.constant 0 : i32
      %add3A_329 = vector.broadcast %add3A_328 : i32 to vector<16xi32>
      %add3A_330 = arith.addi %get3A_327, %add3A_329 : vector<16xi32>
      %swap3A_331 = arith.constant 32 : index
      %swap3A_332 = tpu.vector_load %arg9[%swap3A_331] {strides = array<i32>} : memref<128xi32, #tpu.memory_space<vmem>>, vector<16xi32>,
      tpu.vector_store %arg9[%swap3A_331], %add3A_330 {strides = array<i32>} : memref<128xi32, #tpu.memory_space<vmem>>, vector<16xi32>,
      %add3A_333 = arith.constant 48 : i32
      %add3A_334 = arith.addi %mul3A_305, %add3A_333 : i32
      %get3A_335 = arith.index_cast %add3A_334 : i32 to index
      %get3A_336 = tpu.vector_load %arg7[%get3A_335] {strides = array<i32>} : memref<10000xi32, #tpu.memory_space<vmem>>, vector<16xi32>,
      %add3A_337 = arith.constant 0 : i32
      %add3A_338 = vector.broadcast %add3A_337 : i32 to vector<16xi32>
      %add3A_339 = arith.addi %get3A_336, %add3A_338 : vector<16xi32>
      %swap3A_340 = arith.constant 48 : index
      %swap3A_341 = tpu.vector_load %arg9[%swap3A_340] {strides = array<i32>} : memref<128xi32, #tpu.memory_space<vmem>>, vector<16xi32>,
      tpu.vector_store %arg9[%swap3A_340], %add3A_339 {strides = array<i32>} : memref<128xi32, #tpu.memory_space<vmem>>, vector<16xi32>,
      %add3A_342 = arith.constant 64 : i32
      %add3A_343 = arith.addi %mul3A_305, %add3A_342 : i32
      %get3A_344 = arith.index_cast %add3A_343 : i32 to index
      %get3A_345 = tpu.vector_load %arg7[%get3A_344] {strides = array<i32>} : memref<10000xi32, #tpu.memory_space<vmem>>, vector<16xi32>,
      %add3A_346 = arith.constant 0 : i32
      %add3A_347 = vector.broadcast %add3A_346 : i32 to vector<16xi32>
      %add3A_348 = arith.addi %get3A_345, %add3A_347 : vector<16xi32>
      %swap3A_349 = arith.constant 64 : index
      %swap3A_350 = tpu.vector_load %arg9[%swap3A_349] {strides = array<i32>} : memref<128xi32, #tpu.memory_space<vmem>>, vector<16xi32>,
      tpu.vector_store %arg9[%swap3A_349], %add3A_348 {strides = array<i32>} : memref<128xi32, #tpu.memory_space<vmem>>, vector<16xi32>,
      %add3A_351 = arith.constant 80 : i32
      %add3A_352 = arith.addi %mul3A_305, %add3A_351 : i32
      %get3A_353 = arith.index_cast %add3A_352 : i32 to index
      %get3A_354 = tpu.vector_load %arg7[%get3A_353] {strides = array<i32>} : memref<10000xi32, #tpu.memory_space<vmem>>, vector<16xi32>,
      %add3A_355 = arith.constant 0 : i32
      %add3A_356 = vector.broadcast %add3A_355 : i32 to vector<16xi32>
      %add3A_357 = arith.addi %get3A_354, %add3A_356 : vector<16xi32>
      %swap3A_358 = arith.constant 80 : index
      %swap3A_359 = tpu.vector_load %arg9[%swap3A_358] {strides = array<i32>} : memref<128xi32, #tpu.memory_space<vmem>>, vector<16xi32>,
      tpu.vector_store %arg9[%swap3A_358], %add3A_357 {strides = array<i32>} : memref<128xi32, #tpu.memory_space<vmem>>, vector<16xi32>,
      %add3A_360 = arith.constant 96 : i32
      %add3A_361 = arith.addi %mul3A_305, %add3A_360 : i32
      %get3A_362 = arith.index_cast %add3A_361 : i32 to index
      %get3A_363 = tpu.vector_load %arg7[%get3A_362] {strides = array<i32>} : memref<10000xi32, #tpu.memory_space<vmem>>, vector<16xi32>,
      %add3A_364 = arith.constant 0 : i32
      %add3A_365 = vector.broadcast %add3A_364 : i32 to vector<16xi32>
      %add3A_366 = arith.addi %get3A_363, %add3A_365 : vector<16xi32>
      %swap3A_367 = arith.constant 96 : index
      %swap3A_368 = tpu.vector_load %arg9[%swap3A_367] {strides = array<i32>} : memref<128xi32, #tpu.memory_space<vmem>>, vector<16xi32>,
      tpu.vector_store %arg9[%swap3A_367], %add3A_366 {strides = array<i32>} : memref<128xi32, #tpu.memory_space<vmem>>, vector<16xi32>,
      %add3A_369 = arith.constant 112 : i32
      %add3A_370 = arith.addi %mul3A_305, %add3A_369 : i32
      %get3A_371 = arith.index_cast %add3A_370 : i32 to index
      %get3A_372 = tpu.vector_load %arg7[%get3A_371] {strides = array<i32>} : memref<10000xi32, #tpu.memory_space<vmem>>, vector<16xi32>,
      %add3A_373 = arith.constant 0 : i32
      %add3A_374 = vector.broadcast %add3A_373 : i32 to vector<16xi32>
      %add3A_375 = arith.addi %get3A_372, %add3A_374 : vector<16xi32>
      %swap3A_376 = arith.constant 112 : index
      %swap3A_377 = tpu.vector_load %arg9[%swap3A_376] {strides = array<i32>} : memref<128xi32, #tpu.memory_space<vmem>>, vector<16xi32>,
      tpu.vector_store %arg9[%swap3A_376], %add3A_375 {strides = array<i32>} : memref<128xi32, #tpu.memory_space<vmem>>, vector<16xi32>,
      %dma_start3A_378 = tpu.memref_slice %arg5[%add3A_298] : memref<20000xf32, #tpu.memory_space<vmem>> -> memref<128xf32, #tpu.memory_space<vmem>>
      %dma_start3A_379 = arith.constant 0 : i32
      %dma_start3A_380 = tpu.memref_slice %arg15[%dma_start3A_379] : memref<20000xf32, #tpu.memory_space<vmem_shared>> -> memref<20000xf32, #tpu.memory_space<vmem_shared>>
      tpu.enqueue_indirect_dma source(%dma_start3A_378 : memref<128xf32, #tpu.memory_space<vmem>>) target(%dma_start3A_380 : memref<20000xf32, #tpu.memory_space<vmem_shared>>) offsets(%arg9 : memref<128xi32, #tpu.memory_space<vmem>>) semaphore(%arg18 : memref<!tpu.dma_semaphore, #tpu.memory_space<semaphore_mem>>)
      %mul3A_381 = arith.constant 6 : i32
      %mul3A_382 = arith.muli %scan3A_202, %mul3A_381 : i32
      %add3A_383 = arith.constant 2 : i32
      %add3A_384 = arith.addi %mul3A_382, %add3A_383 : i32
      %mul3A_385 = arith.constant 128 : i32
      %mul3A_386 = arith.muli %add3A_384, %mul3A_385 : i32
      %add3A_387 = arith.constant 0 : i32
      %add3A_388 = arith.addi %add3A_387, %mul3A_386 : i32
      %gt3A_389 = arith.constant 0 : i32
      %gt3A_390 = arith.cmpi sgt, %scan3A_202, %gt3A_389 : i32
      %convert_element_type3A_391 = arith.extui %gt3A_390 : i1 to i32
      %cond3A_392 = arith.constant 0 : i32
      %cond3A_393 = arith.cmpi ne, %convert_element_type3A_391, %cond3A_392 : i32
      scf.if %cond3A_393 {
        %dma_wait3A_741 = tpu.memref_slice %arg5[%add3A_388] : memref<20000xf32, #tpu.memory_space<vmem>> -> memref<128xf32, #tpu.memory_space<vmem>>
        %dma_wait3A_742 = arith.constant 0 : i32
        %dma_wait3A_743 = tpu.memref_slice %arg15[%dma_wait3A_742] : memref<20000xf32, #tpu.memory_space<vmem_shared>> -> memref<20000xf32, #tpu.memory_space<vmem_shared>>
        tpu.wait_indirect_dma semaphore(%arg19 : memref<!tpu.dma_semaphore, #tpu.memory_space<semaphore_mem>>) src(%dma_wait3A_741 : memref<128xf32, #tpu.memory_space<vmem>>) dst(%dma_wait3A_743 : memref<20000xf32, #tpu.memory_space<vmem_shared>>)
      } else {
      }
      %mul3A_394 = arith.constant 128 : i32
      %mul3A_395 = arith.muli %add3A_384, %mul3A_394 : i32
      %add3A_396 = arith.constant 0 : i32
      %add3A_397 = arith.addi %mul3A_395, %add3A_396 : i32
      %get3A_398 = arith.index_cast %add3A_397 : i32 to index
      %get3A_399 = tpu.vector_load %arg7[%get3A_398] {strides = array<i32>} : memref<10000xi32, #tpu.memory_space<vmem>>, vector<16xi32>,
      %add3A_400 = arith.constant 0 : i32
      %add3A_401 = vector.broadcast %add3A_400 : i32 to vector<16xi32>
      %add3A_402 = arith.addi %get3A_399, %add3A_401 : vector<16xi32>
      %swap3A_403 = arith.constant 0 : index
      %swap3A_404 = tpu.vector_load %arg10[%swap3A_403] {strides = array<i32>} : memref<128xi32, #tpu.memory_space<vmem>>, vector<16xi32>,
      tpu.vector_store %arg10[%swap3A_403], %add3A_402 {strides = array<i32>} : memref<128xi32, #tpu.memory_space<vmem>>, vector<16xi32>,
      %add3A_405 = arith.constant 16 : i32
      %add3A_406 = arith.addi %mul3A_395, %add3A_405 : i32
      %get3A_407 = arith.index_cast %add3A_406 : i32 to index
      %get3A_408 = tpu.vector_load %arg7[%get3A_407] {strides = array<i32>} : memref<10000xi32, #tpu.memory_space<vmem>>, vector<16xi32>,
      %add3A_409 = arith.constant 0 : i32
      %add3A_410 = vector.broadcast %add3A_409 : i32 to vector<16xi32>
      %add3A_411 = arith.addi %get3A_408, %add3A_410 : vector<16xi32>
      %swap3A_412 = arith.constant 16 : index
      %swap3A_413 = tpu.vector_load %arg10[%swap3A_412] {strides = array<i32>} : memref<128xi32, #tpu.memory_space<vmem>>, vector<16xi32>,
      tpu.vector_store %arg10[%swap3A_412], %add3A_411 {strides = array<i32>} : memref<128xi32, #tpu.memory_space<vmem>>, vector<16xi32>,
      %add3A_414 = arith.constant 32 : i32
      %add3A_415 = arith.addi %mul3A_395, %add3A_414 : i32
      %get3A_416 = arith.index_cast %add3A_415 : i32 to index
      %get3A_417 = tpu.vector_load %arg7[%get3A_416] {strides = array<i32>} : memref<10000xi32, #tpu.memory_space<vmem>>, vector<16xi32>,
      %add3A_418 = arith.constant 0 : i32
      %add3A_419 = vector.broadcast %add3A_418 : i32 to vector<16xi32>
      %add3A_420 = arith.addi %get3A_417, %add3A_419 : vector<16xi32>
      %swap3A_421 = arith.constant 32 : index
      %swap3A_422 = tpu.vector_load %arg10[%swap3A_421] {strides = array<i32>} : memref<128xi32, #tpu.memory_space<vmem>>, vector<16xi32>,
      tpu.vector_store %arg10[%swap3A_421], %add3A_420 {strides = array<i32>} : memref<128xi32, #tpu.memory_space<vmem>>, vector<16xi32>,
      %add3A_423 = arith.constant 48 : i32
      %add3A_424 = arith.addi %mul3A_395, %add3A_423 : i32
      %get3A_425 = arith.index_cast %add3A_424 : i32 to index
      %get3A_426 = tpu.vector_load %arg7[%get3A_425] {strides = array<i32>} : memref<10000xi32, #tpu.memory_space<vmem>>, vector<16xi32>,
      %add3A_427 = arith.constant 0 : i32
      %add3A_428 = vector.broadcast %add3A_427 : i32 to vector<16xi32>
      %add3A_429 = arith.addi %get3A_426, %add3A_428 : vector<16xi32>
      %swap3A_430 = arith.constant 48 : index
      %swap3A_431 = tpu.vector_load %arg10[%swap3A_430] {strides = array<i32>} : memref<128xi32, #tpu.memory_space<vmem>>, vector<16xi32>,
      tpu.vector_store %arg10[%swap3A_430], %add3A_429 {strides = array<i32>} : memref<128xi32, #tpu.memory_space<vmem>>, vector<16xi32>,
      %add3A_432 = arith.constant 64 : i32
      %add3A_433 = arith.addi %mul3A_395, %add3A_432 : i32
      %get3A_434 = arith.index_cast %add3A_433 : i32 to index
      %get3A_435 = tpu.vector_load %arg7[%get3A_434] {strides = array<i32>} : memref<10000xi32, #tpu.memory_space<vmem>>, vector<16xi32>,
      %add3A_436 = arith.constant 0 : i32
      %add3A_437 = vector.broadcast %add3A_436 : i32 to vector<16xi32>
      %add3A_438 = arith.addi %get3A_435, %add3A_437 : vector<16xi32>
      %swap3A_439 = arith.constant 64 : index
      %swap3A_440 = tpu.vector_load %arg10[%swap3A_439] {strides = array<i32>} : memref<128xi32, #tpu.memory_space<vmem>>, vector<16xi32>,
      tpu.vector_store %arg10[%swap3A_439], %add3A_438 {strides = array<i32>} : memref<128xi32, #tpu.memory_space<vmem>>, vector<16xi32>,
      %add3A_441 = arith.constant 80 : i32
      %add3A_442 = arith.addi %mul3A_395, %add3A_441 : i32
      %get3A_443 = arith.index_cast %add3A_442 : i32 to index
      %get3A_444 = tpu.vector_load %arg7[%get3A_443] {strides = array<i32>} : memref<10000xi32, #tpu.memory_space<vmem>>, vector<16xi32>,
      %add3A_445 = arith.constant 0 : i32
      %add3A_446 = vector.broadcast %add3A_445 : i32 to vector<16xi32>
      %add3A_447 = arith.addi %get3A_444, %add3A_446 : vector<16xi32>
      %swap3A_448 = arith.constant 80 : index
      %swap3A_449 = tpu.vector_load %arg10[%swap3A_448] {strides = array<i32>} : memref<128xi32, #tpu.memory_space<vmem>>, vector<16xi32>,
      tpu.vector_store %arg10[%swap3A_448], %add3A_447 {strides = array<i32>} : memref<128xi32, #tpu.memory_space<vmem>>, vector<16xi32>,
      %add3A_450 = arith.constant 96 : i32
      %add3A_451 = arith.addi %mul3A_395, %add3A_450 : i32
      %get3A_452 = arith.index_cast %add3A_451 : i32 to index
      %get3A_453 = tpu.vector_load %arg7[%get3A_452] {strides = array<i32>} : memref<10000xi32, #tpu.memory_space<vmem>>, vector<16xi32>,
      %add3A_454 = arith.constant 0 : i32
      %add3A_455 = vector.broadcast %add3A_454 : i32 to vector<16xi32>
      %add3A_456 = arith.addi %get3A_453, %add3A_455 : vector<16xi32>
      %swap3A_457 = arith.constant 96 : index
      %swap3A_458 = tpu.vector_load %arg10[%swap3A_457] {strides = array<i32>} : memref<128xi32, #tpu.memory_space<vmem>>, vector<16xi32>,
      tpu.vector_store %arg10[%swap3A_457], %add3A_456 {strides = array<i32>} : memref<128xi32, #tpu.memory_space<vmem>>, vector<16xi32>,
      %add3A_459 = arith.constant 112 : i32
      %add3A_460 = arith.addi %mul3A_395, %add3A_459 : i32
      %get3A_461 = arith.index_cast %add3A_460 : i32 to index
      %get3A_462 = tpu.vector_load %arg7[%get3A_461] {strides = array<i32>} : memref<10000xi32, #tpu.memory_space<vmem>>, vector<16xi32>,
      %add3A_463 = arith.constant 0 : i32
      %add3A_464 = vector.broadcast %add3A_463 : i32 to vector<16xi32>
      %add3A_465 = arith.addi %get3A_462, %add3A_464 : vector<16xi32>
      %swap3A_466 = arith.constant 112 : index
      %swap3A_467 = tpu.vector_load %arg10[%swap3A_466] {strides = array<i32>} : memref<128xi32, #tpu.memory_space<vmem>>, vector<16xi32>,
      tpu.vector_store %arg10[%swap3A_466], %add3A_465 {strides = array<i32>} : memref<128xi32, #tpu.memory_space<vmem>>, vector<16xi32>,
      %dma_start3A_468 = tpu.memref_slice %arg5[%add3A_388] : memref<20000xf32, #tpu.memory_space<vmem>> -> memref<128xf32, #tpu.memory_space<vmem>>
      %dma_start3A_469 = arith.constant 0 : i32
      %dma_start3A_470 = tpu.memref_slice %arg15[%dma_start3A_469] : memref<20000xf32, #tpu.memory_space<vmem_shared>> -> memref<20000xf32, #tpu.memory_space<vmem_shared>>
      tpu.enqueue_indirect_dma source(%dma_start3A_468 : memref<128xf32, #tpu.memory_space<vmem>>) target(%dma_start3A_470 : memref<20000xf32, #tpu.memory_space<vmem_shared>>) offsets(%arg10 : memref<128xi32, #tpu.memory_space<vmem>>) semaphore(%arg19 : memref<!tpu.dma_semaphore, #tpu.memory_space<semaphore_mem>>)
      %mul3A_471 = arith.constant 6 : i32
      %mul3A_472 = arith.muli %scan3A_202, %mul3A_471 : i32
      %add3A_473 = arith.constant 3 : i32
      %add3A_474 = arith.addi %mul3A_472, %add3A_473 : i32
      %mul3A_475 = arith.constant 128 : i32
      %mul3A_476 = arith.muli %add3A_474, %mul3A_475 : i32
      %add3A_477 = arith.constant 0 : i32
      %add3A_478 = arith.addi %add3A_477, %mul3A_476 : i32
      %gt3A_479 = arith.constant 0 : i32
      %gt3A_480 = arith.cmpi sgt, %scan3A_202, %gt3A_479 : i32
      %convert_element_type3A_481 = arith.extui %gt3A_480 : i1 to i32
      %cond3A_482 = arith.constant 0 : i32
      %cond3A_483 = arith.cmpi ne, %convert_element_type3A_481, %cond3A_482 : i32
      scf.if %cond3A_483 {
        %dma_wait3A_741 = tpu.memref_slice %arg5[%add3A_478] : memref<20000xf32, #tpu.memory_space<vmem>> -> memref<128xf32, #tpu.memory_space<vmem>>
        %dma_wait3A_742 = arith.constant 0 : i32
        %dma_wait3A_743 = tpu.memref_slice %arg15[%dma_wait3A_742] : memref<20000xf32, #tpu.memory_space<vmem_shared>> -> memref<20000xf32, #tpu.memory_space<vmem_shared>>
        tpu.wait_indirect_dma semaphore(%arg20 : memref<!tpu.dma_semaphore, #tpu.memory_space<semaphore_mem>>) src(%dma_wait3A_741 : memref<128xf32, #tpu.memory_space<vmem>>) dst(%dma_wait3A_743 : memref<20000xf32, #tpu.memory_space<vmem_shared>>)
      } else {
      }
      %mul3A_484 = arith.constant 128 : i32
      %mul3A_485 = arith.muli %add3A_474, %mul3A_484 : i32
      %add3A_486 = arith.constant 0 : i32
      %add3A_487 = arith.addi %mul3A_485, %add3A_486 : i32
      %get3A_488 = arith.index_cast %add3A_487 : i32 to index
      %get3A_489 = tpu.vector_load %arg7[%get3A_488] {strides = array<i32>} : memref<10000xi32, #tpu.memory_space<vmem>>, vector<16xi32>,
      %add3A_490 = arith.constant 0 : i32
      %add3A_491 = vector.broadcast %add3A_490 : i32 to vector<16xi32>
      %add3A_492 = arith.addi %get3A_489, %add3A_491 : vector<16xi32>
      %swap3A_493 = arith.constant 0 : index
      %swap3A_494 = tpu.vector_load %arg11[%swap3A_493] {strides = array<i32>} : memref<128xi32, #tpu.memory_space<vmem>>, vector<16xi32>,
      tpu.vector_store %arg11[%swap3A_493], %add3A_492 {strides = array<i32>} : memref<128xi32, #tpu.memory_space<vmem>>, vector<16xi32>,
      %add3A_495 = arith.constant 16 : i32
      %add3A_496 = arith.addi %mul3A_485, %add3A_495 : i32
      %get3A_497 = arith.index_cast %add3A_496 : i32 to index
      %get3A_498 = tpu.vector_load %arg7[%get3A_497] {strides = array<i32>} : memref<10000xi32, #tpu.memory_space<vmem>>, vector<16xi32>,
      %add3A_499 = arith.constant 0 : i32
      %add3A_500 = vector.broadcast %add3A_499 : i32 to vector<16xi32>
      %add3A_501 = arith.addi %get3A_498, %add3A_500 : vector<16xi32>
      %swap3A_502 = arith.constant 16 : index
      %swap3A_503 = tpu.vector_load %arg11[%swap3A_502] {strides = array<i32>} : memref<128xi32, #tpu.memory_space<vmem>>, vector<16xi32>,
      tpu.vector_store %arg11[%swap3A_502], %add3A_501 {strides = array<i32>} : memref<128xi32, #tpu.memory_space<vmem>>, vector<16xi32>,
      %add3A_504 = arith.constant 32 : i32
      %add3A_505 = arith.addi %mul3A_485, %add3A_504 : i32
      %get3A_506 = arith.index_cast %add3A_505 : i32 to index
      %get3A_507 = tpu.vector_load %arg7[%get3A_506] {strides = array<i32>} : memref<10000xi32, #tpu.memory_space<vmem>>, vector<16xi32>,
      %add3A_508 = arith.constant 0 : i32
      %add3A_509 = vector.broadcast %add3A_508 : i32 to vector<16xi32>
      %add3A_510 = arith.addi %get3A_507, %add3A_509 : vector<16xi32>
      %swap3A_511 = arith.constant 32 : index
      %swap3A_512 = tpu.vector_load %arg11[%swap3A_511] {strides = array<i32>} : memref<128xi32, #tpu.memory_space<vmem>>, vector<16xi32>,
      tpu.vector_store %arg11[%swap3A_511], %add3A_510 {strides = array<i32>} : memref<128xi32, #tpu.memory_space<vmem>>, vector<16xi32>,
      %add3A_513 = arith.constant 48 : i32
      %add3A_514 = arith.addi %mul3A_485, %add3A_513 : i32
      %get3A_515 = arith.index_cast %add3A_514 : i32 to index
      %get3A_516 = tpu.vector_load %arg7[%get3A_515] {strides = array<i32>} : memref<10000xi32, #tpu.memory_space<vmem>>, vector<16xi32>,
      %add3A_517 = arith.constant 0 : i32
      %add3A_518 = vector.broadcast %add3A_517 : i32 to vector<16xi32>
      %add3A_519 = arith.addi %get3A_516, %add3A_518 : vector<16xi32>
      %swap3A_520 = arith.constant 48 : index
      %swap3A_521 = tpu.vector_load %arg11[%swap3A_520] {strides = array<i32>} : memref<128xi32, #tpu.memory_space<vmem>>, vector<16xi32>,
      tpu.vector_store %arg11[%swap3A_520], %add3A_519 {strides = array<i32>} : memref<128xi32, #tpu.memory_space<vmem>>, vector<16xi32>,
      %add3A_522 = arith.constant 64 : i32
      %add3A_523 = arith.addi %mul3A_485, %add3A_522 : i32
      %get3A_524 = arith.index_cast %add3A_523 : i32 to index
      %get3A_525 = tpu.vector_load %arg7[%get3A_524] {strides = array<i32>} : memref<10000xi32, #tpu.memory_space<vmem>>, vector<16xi32>,
      %add3A_526 = arith.constant 0 : i32
      %add3A_527 = vector.broadcast %add3A_526 : i32 to vector<16xi32>
      %add3A_528 = arith.addi %get3A_525, %add3A_527 : vector<16xi32>
      %swap3A_529 = arith.constant 64 : index
      %swap3A_530 = tpu.vector_load %arg11[%swap3A_529] {strides = array<i32>} : memref<128xi32, #tpu.memory_space<vmem>>, vector<16xi32>,
      tpu.vector_store %arg11[%swap3A_529], %add3A_528 {strides = array<i32>} : memref<128xi32, #tpu.memory_space<vmem>>, vector<16xi32>,
      %add3A_531 = arith.constant 80 : i32
      %add3A_532 = arith.addi %mul3A_485, %add3A_531 : i32
      %get3A_533 = arith.index_cast %add3A_532 : i32 to index
      %get3A_534 = tpu.vector_load %arg7[%get3A_533] {strides = array<i32>} : memref<10000xi32, #tpu.memory_space<vmem>>, vector<16xi32>,
      %add3A_535 = arith.constant 0 : i32
      %add3A_536 = vector.broadcast %add3A_535 : i32 to vector<16xi32>
      %add3A_537 = arith.addi %get3A_534, %add3A_536 : vector<16xi32>
      %swap3A_538 = arith.constant 80 : index
      %swap3A_539 = tpu.vector_load %arg11[%swap3A_538] {strides = array<i32>} : memref<128xi32, #tpu.memory_space<vmem>>, vector<16xi32>,
      tpu.vector_store %arg11[%swap3A_538], %add3A_537 {strides = array<i32>} : memref<128xi32, #tpu.memory_space<vmem>>, vector<16xi32>,
      %add3A_540 = arith.constant 96 : i32
      %add3A_541 = arith.addi %mul3A_485, %add3A_540 : i32
      %get3A_542 = arith.index_cast %add3A_541 : i32 to index
      %get3A_543 = tpu.vector_load %arg7[%get3A_542] {strides = array<i32>} : memref<10000xi32, #tpu.memory_space<vmem>>, vector<16xi32>,
      %add3A_544 = arith.constant 0 : i32
      %add3A_545 = vector.broadcast %add3A_544 : i32 to vector<16xi32>
      %add3A_546 = arith.addi %get3A_543, %add3A_545 : vector<16xi32>
      %swap3A_547 = arith.constant 96 : index
      %swap3A_548 = tpu.vector_load %arg11[%swap3A_547] {strides = array<i32>} : memref<128xi32, #tpu.memory_space<vmem>>, vector<16xi32>,
      tpu.vector_store %arg11[%swap3A_547], %add3A_546 {strides = array<i32>} : memref<128xi32, #tpu.memory_space<vmem>>, vector<16xi32>,
      %add3A_549 = arith.constant 112 : i32
      %add3A_550 = arith.addi %mul3A_485, %add3A_549 : i32
      %get3A_551 = arith.index_cast %add3A_550 : i32 to index
      %get3A_552 = tpu.vector_load %arg7[%get3A_551] {strides = array<i32>} : memref<10000xi32, #tpu.memory_space<vmem>>, vector<16xi32>,
      %add3A_553 = arith.constant 0 : i32
      %add3A_554 = vector.broadcast %add3A_553 : i32 to vector<16xi32>
      %add3A_555 = arith.addi %get3A_552, %add3A_554 : vector<16xi32>
      %swap3A_556 = arith.constant 112 : index
      %swap3A_557 = tpu.vector_load %arg11[%swap3A_556] {strides = array<i32>} : memref<128xi32, #tpu.memory_space<vmem>>, vector<16xi32>,
      tpu.vector_store %arg11[%swap3A_556], %add3A_555 {strides = array<i32>} : memref<128xi32, #tpu.memory_space<vmem>>, vector<16xi32>,
      %dma_start3A_558 = tpu.memref_slice %arg5[%add3A_478] : memref<20000xf32, #tpu.memory_space<vmem>> -> memref<128xf32, #tpu.memory_space<vmem>>
      %dma_start3A_559 = arith.constant 0 : i32
      %dma_start3A_560 = tpu.memref_slice %arg15[%dma_start3A_559] : memref<20000xf32, #tpu.memory_space<vmem_shared>> -> memref<20000xf32, #tpu.memory_space<vmem_shared>>
      tpu.enqueue_indirect_dma source(%dma_start3A_558 : memref<128xf32, #tpu.memory_space<vmem>>) target(%dma_start3A_560 : memref<20000xf32, #tpu.memory_space<vmem_shared>>) offsets(%arg11 : memref<128xi32, #tpu.memory_space<vmem>>) semaphore(%arg20 : memref<!tpu.dma_semaphore, #tpu.memory_space<semaphore_mem>>)
      %mul3A_561 = arith.constant 6 : i32
      %mul3A_562 = arith.muli %scan3A_202, %mul3A_561 : i32
      %add3A_563 = arith.constant 4 : i32
      %add3A_564 = arith.addi %mul3A_562, %add3A_563 : i32
      %mul3A_565 = arith.constant 128 : i32
      %mul3A_566 = arith.muli %add3A_564, %mul3A_565 : i32
      %add3A_567 = arith.constant 0 : i32
      %add3A_568 = arith.addi %add3A_567, %mul3A_566 : i32
      %gt3A_569 = arith.constant 0 : i32
      %gt3A_570 = arith.cmpi sgt, %scan3A_202, %gt3A_569 : i32
      %convert_element_type3A_571 = arith.extui %gt3A_570 : i1 to i32
      %cond3A_572 = arith.constant 0 : i32
      %cond3A_573 = arith.cmpi ne, %convert_element_type3A_571, %cond3A_572 : i32
      scf.if %cond3A_573 {
        %dma_wait3A_741 = tpu.memref_slice %arg5[%add3A_568] : memref<20000xf32, #tpu.memory_space<vmem>> -> memref<128xf32, #tpu.memory_space<vmem>>
        %dma_wait3A_742 = arith.constant 0 : i32
        %dma_wait3A_743 = tpu.memref_slice %arg15[%dma_wait3A_742] : memref<20000xf32, #tpu.memory_space<vmem_shared>> -> memref<20000xf32, #tpu.memory_space<vmem_shared>>
        tpu.wait_indirect_dma semaphore(%arg21 : memref<!tpu.dma_semaphore, #tpu.memory_space<semaphore_mem>>) src(%dma_wait3A_741 : memref<128xf32, #tpu.memory_space<vmem>>) dst(%dma_wait3A_743 : memref<20000xf32, #tpu.memory_space<vmem_shared>>)
      } else {
      }
      %mul3A_574 = arith.constant 128 : i32
      %mul3A_575 = arith.muli %add3A_564, %mul3A_574 : i32
      %add3A_576 = arith.constant 0 : i32
      %add3A_577 = arith.addi %mul3A_575, %add3A_576 : i32
      %get3A_578 = arith.index_cast %add3A_577 : i32 to index
      %get3A_579 = tpu.vector_load %arg7[%get3A_578] {strides = array<i32>} : memref<10000xi32, #tpu.memory_space<vmem>>, vector<16xi32>,
      %add3A_580 = arith.constant 0 : i32
      %add3A_581 = vector.broadcast %add3A_580 : i32 to vector<16xi32>
      %add3A_582 = arith.addi %get3A_579, %add3A_581 : vector<16xi32>
      %swap3A_583 = arith.constant 0 : index
      %swap3A_584 = tpu.vector_load %arg12[%swap3A_583] {strides = array<i32>} : memref<128xi32, #tpu.memory_space<vmem>>, vector<16xi32>,
      tpu.vector_store %arg12[%swap3A_583], %add3A_582 {strides = array<i32>} : memref<128xi32, #tpu.memory_space<vmem>>, vector<16xi32>,
      %add3A_585 = arith.constant 16 : i32
      %add3A_586 = arith.addi %mul3A_575, %add3A_585 : i32
      %get3A_587 = arith.index_cast %add3A_586 : i32 to index
      %get3A_588 = tpu.vector_load %arg7[%get3A_587] {strides = array<i32>} : memref<10000xi32, #tpu.memory_space<vmem>>, vector<16xi32>,
      %add3A_589 = arith.constant 0 : i32
      %add3A_590 = vector.broadcast %add3A_589 : i32 to vector<16xi32>
      %add3A_591 = arith.addi %get3A_588, %add3A_590 : vector<16xi32>
      %swap3A_592 = arith.constant 16 : index
      %swap3A_593 = tpu.vector_load %arg12[%swap3A_592] {strides = array<i32>} : memref<128xi32, #tpu.memory_space<vmem>>, vector<16xi32>,
      tpu.vector_store %arg12[%swap3A_592], %add3A_591 {strides = array<i32>} : memref<128xi32, #tpu.memory_space<vmem>>, vector<16xi32>,
      %add3A_594 = arith.constant 32 : i32
      %add3A_595 = arith.addi %mul3A_575, %add3A_594 : i32
      %get3A_596 = arith.index_cast %add3A_595 : i32 to index
      %get3A_597 = tpu.vector_load %arg7[%get3A_596] {strides = array<i32>} : memref<10000xi32, #tpu.memory_space<vmem>>, vector<16xi32>,
      %add3A_598 = arith.constant 0 : i32
      %add3A_599 = vector.broadcast %add3A_598 : i32 to vector<16xi32>
      %add3A_600 = arith.addi %get3A_597, %add3A_599 : vector<16xi32>
      %swap3A_601 = arith.constant 32 : index
      %swap3A_602 = tpu.vector_load %arg12[%swap3A_601] {strides = array<i32>} : memref<128xi32, #tpu.memory_space<vmem>>, vector<16xi32>,
      tpu.vector_store %arg12[%swap3A_601], %add3A_600 {strides = array<i32>} : memref<128xi32, #tpu.memory_space<vmem>>, vector<16xi32>,
      %add3A_603 = arith.constant 48 : i32
      %add3A_604 = arith.addi %mul3A_575, %add3A_603 : i32
      %get3A_605 = arith.index_cast %add3A_604 : i32 to index
      %get3A_606 = tpu.vector_load %arg7[%get3A_605] {strides = array<i32>} : memref<10000xi32, #tpu.memory_space<vmem>>, vector<16xi32>,
      %add3A_607 = arith.constant 0 : i32
      %add3A_608 = vector.broadcast %add3A_607 : i32 to vector<16xi32>
      %add3A_609 = arith.addi %get3A_606, %add3A_608 : vector<16xi32>
      %swap3A_610 = arith.constant 48 : index
      %swap3A_611 = tpu.vector_load %arg12[%swap3A_610] {strides = array<i32>} : memref<128xi32, #tpu.memory_space<vmem>>, vector<16xi32>,
      tpu.vector_store %arg12[%swap3A_610], %add3A_609 {strides = array<i32>} : memref<128xi32, #tpu.memory_space<vmem>>, vector<16xi32>,
      %add3A_612 = arith.constant 64 : i32
      %add3A_613 = arith.addi %mul3A_575, %add3A_612 : i32
      %get3A_614 = arith.index_cast %add3A_613 : i32 to index
      %get3A_615 = tpu.vector_load %arg7[%get3A_614] {strides = array<i32>} : memref<10000xi32, #tpu.memory_space<vmem>>, vector<16xi32>,
      %add3A_616 = arith.constant 0 : i32
      %add3A_617 = vector.broadcast %add3A_616 : i32 to vector<16xi32>
      %add3A_618 = arith.addi %get3A_615, %add3A_617 : vector<16xi32>
      %swap3A_619 = arith.constant 64 : index
      %swap3A_620 = tpu.vector_load %arg12[%swap3A_619] {strides = array<i32>} : memref<128xi32, #tpu.memory_space<vmem>>, vector<16xi32>,
      tpu.vector_store %arg12[%swap3A_619], %add3A_618 {strides = array<i32>} : memref<128xi32, #tpu.memory_space<vmem>>, vector<16xi32>,
      %add3A_621 = arith.constant 80 : i32
      %add3A_622 = arith.addi %mul3A_575, %add3A_621 : i32
      %get3A_623 = arith.index_cast %add3A_622 : i32 to index
      %get3A_624 = tpu.vector_load %arg7[%get3A_623] {strides = array<i32>} : memref<10000xi32, #tpu.memory_space<vmem>>, vector<16xi32>,
      %add3A_625 = arith.constant 0 : i32
      %add3A_626 = vector.broadcast %add3A_625 : i32 to vector<16xi32>
      %add3A_627 = arith.addi %get3A_624, %add3A_626 : vector<16xi32>
      %swap3A_628 = arith.constant 80 : index
      %swap3A_629 = tpu.vector_load %arg12[%swap3A_628] {strides = array<i32>} : memref<128xi32, #tpu.memory_space<vmem>>, vector<16xi32>,
      tpu.vector_store %arg12[%swap3A_628], %add3A_627 {strides = array<i32>} : memref<128xi32, #tpu.memory_space<vmem>>, vector<16xi32>,
      %add3A_630 = arith.constant 96 : i32
      %add3A_631 = arith.addi %mul3A_575, %add3A_630 : i32
      %get3A_632 = arith.index_cast %add3A_631 : i32 to index
      %get3A_633 = tpu.vector_load %arg7[%get3A_632] {strides = array<i32>} : memref<10000xi32, #tpu.memory_space<vmem>>, vector<16xi32>,
      %add3A_634 = arith.constant 0 : i32
      %add3A_635 = vector.broadcast %add3A_634 : i32 to vector<16xi32>
      %add3A_636 = arith.addi %get3A_633, %add3A_635 : vector<16xi32>
      %swap3A_637 = arith.constant 96 : index
      %swap3A_638 = tpu.vector_load %arg12[%swap3A_637] {strides = array<i32>} : memref<128xi32, #tpu.memory_space<vmem>>, vector<16xi32>,
      tpu.vector_store %arg12[%swap3A_637], %add3A_636 {strides = array<i32>} : memref<128xi32, #tpu.memory_space<vmem>>, vector<16xi32>,
      %add3A_639 = arith.constant 112 : i32
      %add3A_640 = arith.addi %mul3A_575, %add3A_639 : i32
      %get3A_641 = arith.index_cast %add3A_640 : i32 to index
      %get3A_642 = tpu.vector_load %arg7[%get3A_641] {strides = array<i32>} : memref<10000xi32, #tpu.memory_space<vmem>>, vector<16xi32>,
      %add3A_643 = arith.constant 0 : i32
      %add3A_644 = vector.broadcast %add3A_643 : i32 to vector<16xi32>
      %add3A_645 = arith.addi %get3A_642, %add3A_644 : vector<16xi32>
      %swap3A_646 = arith.constant 112 : index
      %swap3A_647 = tpu.vector_load %arg12[%swap3A_646] {strides = array<i32>} : memref<128xi32, #tpu.memory_space<vmem>>, vector<16xi32>,
      tpu.vector_store %arg12[%swap3A_646], %add3A_645 {strides = array<i32>} : memref<128xi32, #tpu.memory_space<vmem>>, vector<16xi32>,
      %dma_start3A_648 = tpu.memref_slice %arg5[%add3A_568] : memref<20000xf32, #tpu.memory_space<vmem>> -> memref<128xf32, #tpu.memory_space<vmem>>
      %dma_start3A_649 = arith.constant 0 : i32
      %dma_start3A_650 = tpu.memref_slice %arg15[%dma_start3A_649] : memref<20000xf32, #tpu.memory_space<vmem_shared>> -> memref<20000xf32, #tpu.memory_space<vmem_shared>>
      tpu.enqueue_indirect_dma source(%dma_start3A_648 : memref<128xf32, #tpu.memory_space<vmem>>) target(%dma_start3A_650 : memref<20000xf32, #tpu.memory_space<vmem_shared>>) offsets(%arg12 : memref<128xi32, #tpu.memory_space<vmem>>) semaphore(%arg21 : memref<!tpu.dma_semaphore, #tpu.memory_space<semaphore_mem>>)
      %mul3A_651 = arith.constant 6 : i32
      %mul3A_652 = arith.muli %scan3A_202, %mul3A_651 : i32
      %add3A_653 = arith.constant 5 : i32
      %add3A_654 = arith.addi %mul3A_652, %add3A_653 : i32
      %mul3A_655 = arith.constant 128 : i32
      %mul3A_656 = arith.muli %add3A_654, %mul3A_655 : i32
      %add3A_657 = arith.constant 0 : i32
      %add3A_658 = arith.addi %add3A_657, %mul3A_656 : i32
      %gt3A_659 = arith.constant 0 : i32
      %gt3A_660 = arith.cmpi sgt, %scan3A_202, %gt3A_659 : i32
      %convert_element_type3A_661 = arith.extui %gt3A_660 : i1 to i32
      %cond3A_662 = arith.constant 0 : i32
      %cond3A_663 = arith.cmpi ne, %convert_element_type3A_661, %cond3A_662 : i32
      scf.if %cond3A_663 {
        %dma_wait3A_741 = tpu.memref_slice %arg5[%add3A_658] : memref<20000xf32, #tpu.memory_space<vmem>> -> memref<128xf32, #tpu.memory_space<vmem>>
        %dma_wait3A_742 = arith.constant 0 : i32
        %dma_wait3A_743 = tpu.memref_slice %arg15[%dma_wait3A_742] : memref<20000xf32, #tpu.memory_space<vmem_shared>> -> memref<20000xf32, #tpu.memory_space<vmem_shared>>
        tpu.wait_indirect_dma semaphore(%arg22 : memref<!tpu.dma_semaphore, #tpu.memory_space<semaphore_mem>>) src(%dma_wait3A_741 : memref<128xf32, #tpu.memory_space<vmem>>) dst(%dma_wait3A_743 : memref<20000xf32, #tpu.memory_space<vmem_shared>>)
      } else {
      }
      %mul3A_664 = arith.constant 128 : i32
      %mul3A_665 = arith.muli %add3A_654, %mul3A_664 : i32
      %add3A_666 = arith.constant 0 : i32
      %add3A_667 = arith.addi %mul3A_665, %add3A_666 : i32
      %get3A_668 = arith.index_cast %add3A_667 : i32 to index
      %get3A_669 = tpu.vector_load %arg7[%get3A_668] {strides = array<i32>} : memref<10000xi32, #tpu.memory_space<vmem>>, vector<16xi32>,
      %add3A_670 = arith.constant 0 : i32
      %add3A_671 = vector.broadcast %add3A_670 : i32 to vector<16xi32>
      %add3A_672 = arith.addi %get3A_669, %add3A_671 : vector<16xi32>
      %swap3A_673 = arith.constant 0 : index
      %swap3A_674 = tpu.vector_load %arg13[%swap3A_673] {strides = array<i32>} : memref<128xi32, #tpu.memory_space<vmem>>, vector<16xi32>,
      tpu.vector_store %arg13[%swap3A_673], %add3A_672 {strides = array<i32>} : memref<128xi32, #tpu.memory_space<vmem>>, vector<16xi32>,
      %add3A_675 = arith.constant 16 : i32
      %add3A_676 = arith.addi %mul3A_665, %add3A_675 : i32
      %get3A_677 = arith.index_cast %add3A_676 : i32 to index
      %get3A_678 = tpu.vector_load %arg7[%get3A_677] {strides = array<i32>} : memref<10000xi32, #tpu.memory_space<vmem>>, vector<16xi32>,
      %add3A_679 = arith.constant 0 : i32
      %add3A_680 = vector.broadcast %add3A_679 : i32 to vector<16xi32>
      %add3A_681 = arith.addi %get3A_678, %add3A_680 : vector<16xi32>
      %swap3A_682 = arith.constant 16 : index
      %swap3A_683 = tpu.vector_load %arg13[%swap3A_682] {strides = array<i32>} : memref<128xi32, #tpu.memory_space<vmem>>, vector<16xi32>,
      tpu.vector_store %arg13[%swap3A_682], %add3A_681 {strides = array<i32>} : memref<128xi32, #tpu.memory_space<vmem>>, vector<16xi32>,
      %add3A_684 = arith.constant 32 : i32
      %add3A_685 = arith.addi %mul3A_665, %add3A_684 : i32
      %get3A_686 = arith.index_cast %add3A_685 : i32 to index
      %get3A_687 = tpu.vector_load %arg7[%get3A_686] {strides = array<i32>} : memref<10000xi32, #tpu.memory_space<vmem>>, vector<16xi32>,
      %add3A_688 = arith.constant 0 : i32
      %add3A_689 = vector.broadcast %add3A_688 : i32 to vector<16xi32>
      %add3A_690 = arith.addi %get3A_687, %add3A_689 : vector<16xi32>
      %swap3A_691 = arith.constant 32 : index
      %swap3A_692 = tpu.vector_load %arg13[%swap3A_691] {strides = array<i32>} : memref<128xi32, #tpu.memory_space<vmem>>, vector<16xi32>,
      tpu.vector_store %arg13[%swap3A_691], %add3A_690 {strides = array<i32>} : memref<128xi32, #tpu.memory_space<vmem>>, vector<16xi32>,
      %add3A_693 = arith.constant 48 : i32
      %add3A_694 = arith.addi %mul3A_665, %add3A_693 : i32
      %get3A_695 = arith.index_cast %add3A_694 : i32 to index
      %get3A_696 = tpu.vector_load %arg7[%get3A_695] {strides = array<i32>} : memref<10000xi32, #tpu.memory_space<vmem>>, vector<16xi32>,
      %add3A_697 = arith.constant 0 : i32
      %add3A_698 = vector.broadcast %add3A_697 : i32 to vector<16xi32>
      %add3A_699 = arith.addi %get3A_696, %add3A_698 : vector<16xi32>
      %swap3A_700 = arith.constant 48 : index
      %swap3A_701 = tpu.vector_load %arg13[%swap3A_700] {strides = array<i32>} : memref<128xi32, #tpu.memory_space<vmem>>, vector<16xi32>,
      tpu.vector_store %arg13[%swap3A_700], %add3A_699 {strides = array<i32>} : memref<128xi32, #tpu.memory_space<vmem>>, vector<16xi32>,
      %add3A_702 = arith.constant 64 : i32
      %add3A_703 = arith.addi %mul3A_665, %add3A_702 : i32
      %get3A_704 = arith.index_cast %add3A_703 : i32 to index
      %get3A_705 = tpu.vector_load %arg7[%get3A_704] {strides = array<i32>} : memref<10000xi32, #tpu.memory_space<vmem>>, vector<16xi32>,
      %add3A_706 = arith.constant 0 : i32
      %add3A_707 = vector.broadcast %add3A_706 : i32 to vector<16xi32>
      %add3A_708 = arith.addi %get3A_705, %add3A_707 : vector<16xi32>
      %swap3A_709 = arith.constant 64 : index
      %swap3A_710 = tpu.vector_load %arg13[%swap3A_709] {strides = array<i32>} : memref<128xi32, #tpu.memory_space<vmem>>, vector<16xi32>,
      tpu.vector_store %arg13[%swap3A_709], %add3A_708 {strides = array<i32>} : memref<128xi32, #tpu.memory_space<vmem>>, vector<16xi32>,
      %add3A_711 = arith.constant 80 : i32
      %add3A_712 = arith.addi %mul3A_665, %add3A_711 : i32
      %get3A_713 = arith.index_cast %add3A_712 : i32 to index
      %get3A_714 = tpu.vector_load %arg7[%get3A_713] {strides = array<i32>} : memref<10000xi32, #tpu.memory_space<vmem>>, vector<16xi32>,
      %add3A_715 = arith.constant 0 : i32
      %add3A_716 = vector.broadcast %add3A_715 : i32 to vector<16xi32>
      %add3A_717 = arith.addi %get3A_714, %add3A_716 : vector<16xi32>
      %swap3A_718 = arith.constant 80 : index
      %swap3A_719 = tpu.vector_load %arg13[%swap3A_718] {strides = array<i32>} : memref<128xi32, #tpu.memory_space<vmem>>, vector<16xi32>,
      tpu.vector_store %arg13[%swap3A_718], %add3A_717 {strides = array<i32>} : memref<128xi32, #tpu.memory_space<vmem>>, vector<16xi32>,
      %add3A_720 = arith.constant 96 : i32
      %add3A_721 = arith.addi %mul3A_665, %add3A_720 : i32
      %get3A_722 = arith.index_cast %add3A_721 : i32 to index
      %get3A_723 = tpu.vector_load %arg7[%get3A_722] {strides = array<i32>} : memref<10000xi32, #tpu.memory_space<vmem>>, vector<16xi32>,
      %add3A_724 = arith.constant 0 : i32
      %add3A_725 = vector.broadcast %add3A_724 : i32 to vector<16xi32>
      %add3A_726 = arith.addi %get3A_723, %add3A_725 : vector<16xi32>
      %swap3A_727 = arith.constant 96 : index
      %swap3A_728 = tpu.vector_load %arg13[%swap3A_727] {strides = array<i32>} : memref<128xi32, #tpu.memory_space<vmem>>, vector<16xi32>,
      tpu.vector_store %arg13[%swap3A_727], %add3A_726 {strides = array<i32>} : memref<128xi32, #tpu.memory_space<vmem>>, vector<16xi32>,
      %add3A_729 = arith.constant 112 : i32
      %add3A_730 = arith.addi %mul3A_665, %add3A_729 : i32
      %get3A_731 = arith.index_cast %add3A_730 : i32 to index
      %get3A_732 = tpu.vector_load %arg7[%get3A_731] {strides = array<i32>} : memref<10000xi32, #tpu.memory_space<vmem>>, vector<16xi32>,
      %add3A_733 = arith.constant 0 : i32
      %add3A_734 = vector.broadcast %add3A_733 : i32 to vector<16xi32>
      %add3A_735 = arith.addi %get3A_732, %add3A_734 : vector<16xi32>
      %swap3A_736 = arith.constant 112 : index
      %swap3A_737 = tpu.vector_load %arg13[%swap3A_736] {strides = array<i32>} : memref<128xi32, #tpu.memory_space<vmem>>, vector<16xi32>,
      tpu.vector_store %arg13[%swap3A_736], %add3A_735 {strides = array<i32>} : memref<128xi32, #tpu.memory_space<vmem>>, vector<16xi32>,
      %dma_start3A_738 = tpu.memref_slice %arg5[%add3A_658] : memref<20000xf32, #tpu.memory_space<vmem>> -> memref<128xf32, #tpu.memory_space<vmem>>
      %dma_start3A_739 = arith.constant 0 : i32
      %dma_start3A_740 = tpu.memref_slice %arg15[%dma_start3A_739] : memref<20000xf32, #tpu.memory_space<vmem_shared>> -> memref<20000xf32, #tpu.memory_space<vmem_shared>>
      tpu.enqueue_indirect_dma source(%dma_start3A_738 : memref<128xf32, #tpu.memory_space<vmem>>) target(%dma_start3A_740 : memref<20000xf32, #tpu.memory_space<vmem_shared>>) offsets(%arg13 : memref<128xi32, #tpu.memory_space<vmem>>) semaphore(%arg22 : memref<!tpu.dma_semaphore, #tpu.memory_space<semaphore_mem>>)
    }
    %scan3A_27 = arith.constant 13 : i32
    %dma_wait3A = arith.constant 9216 : i32
    %dma_wait3A_28 = tpu.memref_slice %arg5[%dma_wait3A] : memref<20000xf32, #tpu.memory_space<vmem>> -> memref<128xf32, #tpu.memory_space<vmem>>
    %dma_wait3A_29 = arith.constant 0 : i32
    %dma_wait3A_30 = tpu.memref_slice %arg15[%dma_wait3A_29] : memref<20000xf32, #tpu.memory_space<vmem_shared>> -> memref<20000xf32, #tpu.memory_space<vmem_shared>>
    tpu.wait_indirect_dma semaphore(%arg17 : memref<!tpu.dma_semaphore, #tpu.memory_space<semaphore_mem>>) src(%dma_wait3A_28 : memref<128xf32, #tpu.memory_space<vmem>>) dst(%dma_wait3A_30 : memref<20000xf32, #tpu.memory_space<vmem_shared>>)
    %dma_wait3A_31 = arith.constant 9344 : i32
    %dma_wait3A_32 = tpu.memref_slice %arg5[%dma_wait3A_31] : memref<20000xf32, #tpu.memory_space<vmem>> -> memref<128xf32, #tpu.memory_space<vmem>>
    %dma_wait3A_33 = arith.constant 0 : i32
    %dma_wait3A_34 = tpu.memref_slice %arg15[%dma_wait3A_33] : memref<20000xf32, #tpu.memory_space<vmem_shared>> -> memref<20000xf32, #tpu.memory_space<vmem_shared>>
    tpu.wait_indirect_dma semaphore(%arg18 : memref<!tpu.dma_semaphore, #tpu.memory_space<semaphore_mem>>) src(%dma_wait3A_32 : memref<128xf32, #tpu.memory_space<vmem>>) dst(%dma_wait3A_34 : memref<20000xf32, #tpu.memory_space<vmem_shared>>)
    %dma_wait3A_35 = arith.constant 9472 : i32
    %dma_wait3A_36 = tpu.memref_slice %arg5[%dma_wait3A_35] : memref<20000xf32, #tpu.memory_space<vmem>> -> memref<128xf32, #tpu.memory_space<vmem>>
    %dma_wait3A_37 = arith.constant 0 : i32
    %dma_wait3A_38 = tpu.memref_slice %arg15[%dma_wait3A_37] : memref<20000xf32, #tpu.memory_space<vmem_shared>> -> memref<20000xf32, #tpu.memory_space<vmem_shared>>
    tpu.wait_indirect_dma semaphore(%arg19 : memref<!tpu.dma_semaphore, #tpu.memory_space<semaphore_mem>>) src(%dma_wait3A_36 : memref<128xf32, #tpu.memory_space<vmem>>) dst(%dma_wait3A_38 : memref<20000xf32, #tpu.memory_space<vmem_shared>>)
    %dma_wait3A_39 = arith.constant 9600 : i32
    %dma_wait3A_40 = tpu.memref_slice %arg5[%dma_wait3A_39] : memref<20000xf32, #tpu.memory_space<vmem>> -> memref<128xf32, #tpu.memory_space<vmem>>
    %dma_wait3A_41 = arith.constant 0 : i32
    %dma_wait3A_42 = tpu.memref_slice %arg15[%dma_wait3A_41] : memref<20000xf32, #tpu.memory_space<vmem_shared>> -> memref<20000xf32, #tpu.memory_space<vmem_shared>>
    tpu.wait_indirect_dma semaphore(%arg20 : memref<!tpu.dma_semaphore, #tpu.memory_space<semaphore_mem>>) src(%dma_wait3A_40 : memref<128xf32, #tpu.memory_space<vmem>>) dst(%dma_wait3A_42 : memref<20000xf32, #tpu.memory_space<vmem_shared>>)
    %dma_wait3A_43 = arith.constant 9728 : i32
    %dma_wait3A_44 = tpu.memref_slice %arg5[%dma_wait3A_43] : memref<20000xf32, #tpu.memory_space<vmem>> -> memref<128xf32, #tpu.memory_space<vmem>>
    %dma_wait3A_45 = arith.constant 0 : i32
    %dma_wait3A_46 = tpu.memref_slice %arg15[%dma_wait3A_45] : memref<20000xf32, #tpu.memory_space<vmem_shared>> -> memref<20000xf32, #tpu.memory_space<vmem_shared>>
    tpu.wait_indirect_dma semaphore(%arg21 : memref<!tpu.dma_semaphore, #tpu.memory_space<semaphore_mem>>) src(%dma_wait3A_44 : memref<128xf32, #tpu.memory_space<vmem>>) dst(%dma_wait3A_46 : memref<20000xf32, #tpu.memory_space<vmem_shared>>)
    %dma_wait3A_47 = arith.constant 9856 : i32
    %dma_wait3A_48 = tpu.memref_slice %arg5[%dma_wait3A_47] : memref<20000xf32, #tpu.memory_space<vmem>> -> memref<128xf32, #tpu.memory_space<vmem>>
    %dma_wait3A_49 = arith.constant 0 : i32
    %dma_wait3A_50 = tpu.memref_slice %arg15[%dma_wait3A_49] : memref<20000xf32, #tpu.memory_space<vmem_shared>> -> memref<20000xf32, #tpu.memory_space<vmem_shared>>
    tpu.wait_indirect_dma semaphore(%arg22 : memref<!tpu.dma_semaphore, #tpu.memory_space<semaphore_mem>>) src(%dma_wait3A_48 : memref<128xf32, #tpu.memory_space<vmem>>) dst(%dma_wait3A_50 : memref<20000xf32, #tpu.memory_space<vmem_shared>>)
    %get3A = arith.constant 9984 : index
    %get3A_51 = tpu.vector_load %arg7[%get3A] {strides = array<i32>} : memref<10000xi32, #tpu.memory_space<vmem>>, vector<16xi32>,
    %add3A_52 = arith.constant 0 : i32
    %add3A_53 = vector.broadcast %add3A_52 : i32 to vector<16xi32>
    %add3A_54 = arith.addi %get3A_51, %add3A_53 : vector<16xi32>
    %swap3A = arith.constant 0 : index
    %swap3A_55 = tpu.vector_load %arg14[%swap3A] {strides = array<i32>} : memref<16xi32, #tpu.memory_space<vmem>>, vector<16xi32>,
    tpu.vector_store %arg14[%swap3A], %add3A_54 {strides = array<i32>} : memref<16xi32, #tpu.memory_space<vmem>>, vector<16xi32>,
    "tpu.region"() ({
      %run_scoped3A = tpu.sem_alloc : memref<!tpu.dma_semaphore, #tpu.memory_space<semaphore_mem>>
      %dma_start3A = arith.constant 9984 : i32
      %dma_start3A_202 = tpu.memref_slice %arg5[%dma_start3A] : memref<20000xf32, #tpu.memory_space<vmem>> -> memref<16xf32, #tpu.memory_space<vmem>>
      %dma_start3A_203 = arith.constant 0 : i32
      %dma_start3A_204 = tpu.memref_slice %arg15[%dma_start3A_203] : memref<20000xf32, #tpu.memory_space<vmem_shared>> -> memref<20000xf32, #tpu.memory_space<vmem_shared>>
      tpu.enqueue_indirect_dma source(%dma_start3A_202 : memref<16xf32, #tpu.memory_space<vmem>>) target(%dma_start3A_204 : memref<20000xf32, #tpu.memory_space<vmem_shared>>) offsets(%arg14 : memref<16xi32, #tpu.memory_space<vmem>>) semaphore(%run_scoped3A : memref<!tpu.dma_semaphore, #tpu.memory_space<semaphore_mem>>)
      %dma_wait3A_205 = arith.constant 9984 : i32
      %dma_wait3A_206 = tpu.memref_slice %arg5[%dma_wait3A_205] : memref<20000xf32, #tpu.memory_space<vmem>> -> memref<16xf32, #tpu.memory_space<vmem>>
      %dma_wait3A_207 = arith.constant 0 : i32
      %dma_wait3A_208 = tpu.memref_slice %arg15[%dma_wait3A_207] : memref<20000xf32, #tpu.memory_space<vmem_shared>> -> memref<20000xf32, #tpu.memory_space<vmem_shared>>
      tpu.wait_indirect_dma semaphore(%run_scoped3A : memref<!tpu.dma_semaphore, #tpu.memory_space<semaphore_mem>>) src(%dma_wait3A_206 : memref<16xf32, #tpu.memory_space<vmem>>) dst(%dma_wait3A_208 : memref<20000xf32, #tpu.memory_space<vmem_shared>>)
      tpu.yield
    }) : () -> ()
    %scan3A_56 = arith.constant 0 : i32
    %scan3A_57 = arith.constant 0 : i32
    %scan3A_58 = arith.constant 13 : i32
    %scan3A_59 = arith.addi %scan3A_57, %scan3A_58 : i32
    %scan3A_60 = arith.constant 1 : i32
    scf.for %scan3A_202 = %scan3A_57 to %scan3A_59 step %scan3A_60  : i32 {
      %mul3A_203 = arith.constant 6 : i32
      %mul3A_204 = arith.muli %scan3A_202, %mul3A_203 : i32
      %add3A_205 = arith.constant 0 : i32
      %add3A_206 = arith.addi %mul3A_204, %add3A_205 : i32
      %mul3A_207 = arith.constant 128 : i32
      %mul3A_208 = arith.muli %add3A_206, %mul3A_207 : i32
      %add3A_209 = arith.constant 10000 : i32
      %add3A_210 = arith.addi %add3A_209, %mul3A_208 : i32
      %gt3A = arith.constant 0 : i32
      %gt3A_211 = arith.cmpi sgt, %scan3A_202, %gt3A : i32
      %convert_element_type3A_212 = arith.extui %gt3A_211 : i1 to i32
      %cond3A_213 = arith.constant 0 : i32
      %cond3A_214 = arith.cmpi ne, %convert_element_type3A_212, %cond3A_213 : i32
      scf.if %cond3A_214 {
        %dma_wait3A_741 = tpu.memref_slice %arg5[%add3A_210] : memref<20000xf32, #tpu.memory_space<vmem>> -> memref<128xf32, #tpu.memory_space<vmem>>
        %dma_wait3A_742 = arith.constant 0 : i32
        %dma_wait3A_743 = tpu.memref_slice %arg15[%dma_wait3A_742] : memref<20000xf32, #tpu.memory_space<vmem_shared>> -> memref<20000xf32, #tpu.memory_space<vmem_shared>>
        tpu.wait_indirect_dma semaphore(%arg17 : memref<!tpu.dma_semaphore, #tpu.memory_space<semaphore_mem>>) src(%dma_wait3A_741 : memref<128xf32, #tpu.memory_space<vmem>>) dst(%dma_wait3A_743 : memref<20000xf32, #tpu.memory_space<vmem_shared>>)
      } else {
      }
      %mul3A_215 = arith.constant 128 : i32
      %mul3A_216 = arith.muli %add3A_206, %mul3A_215 : i32
      %add3A_217 = arith.constant 0 : i32
      %add3A_218 = arith.addi %mul3A_216, %add3A_217 : i32
      %get3A_219 = arith.index_cast %add3A_218 : i32 to index
      %get3A_220 = tpu.vector_load %arg7[%get3A_219] {strides = array<i32>} : memref<10000xi32, #tpu.memory_space<vmem>>, vector<16xi32>,
      %add3A_221 = arith.constant 10000 : i32
      %add3A_222 = vector.broadcast %add3A_221 : i32 to vector<16xi32>
      %add3A_223 = arith.addi %get3A_220, %add3A_222 : vector<16xi32>
      %swap3A_224 = arith.constant 0 : index
      %swap3A_225 = tpu.vector_load %arg8[%swap3A_224] {strides = array<i32>} : memref<128xi32, #tpu.memory_space<vmem>>, vector<16xi32>,
      tpu.vector_store %arg8[%swap3A_224], %add3A_223 {strides = array<i32>} : memref<128xi32, #tpu.memory_space<vmem>>, vector<16xi32>,
      %add3A_226 = arith.constant 16 : i32
      %add3A_227 = arith.addi %mul3A_216, %add3A_226 : i32
      %get3A_228 = arith.index_cast %add3A_227 : i32 to index
      %get3A_229 = tpu.vector_load %arg7[%get3A_228] {strides = array<i32>} : memref<10000xi32, #tpu.memory_space<vmem>>, vector<16xi32>,
      %add3A_230 = arith.constant 10000 : i32
      %add3A_231 = vector.broadcast %add3A_230 : i32 to vector<16xi32>
      %add3A_232 = arith.addi %get3A_229, %add3A_231 : vector<16xi32>
      %swap3A_233 = arith.constant 16 : index
      %swap3A_234 = tpu.vector_load %arg8[%swap3A_233] {strides = array<i32>} : memref<128xi32, #tpu.memory_space<vmem>>, vector<16xi32>,
      tpu.vector_store %arg8[%swap3A_233], %add3A_232 {strides = array<i32>} : memref<128xi32, #tpu.memory_space<vmem>>, vector<16xi32>,
      %add3A_235 = arith.constant 32 : i32
      %add3A_236 = arith.addi %mul3A_216, %add3A_235 : i32
      %get3A_237 = arith.index_cast %add3A_236 : i32 to index
      %get3A_238 = tpu.vector_load %arg7[%get3A_237] {strides = array<i32>} : memref<10000xi32, #tpu.memory_space<vmem>>, vector<16xi32>,
      %add3A_239 = arith.constant 10000 : i32
      %add3A_240 = vector.broadcast %add3A_239 : i32 to vector<16xi32>
      %add3A_241 = arith.addi %get3A_238, %add3A_240 : vector<16xi32>
      %swap3A_242 = arith.constant 32 : index
      %swap3A_243 = tpu.vector_load %arg8[%swap3A_242] {strides = array<i32>} : memref<128xi32, #tpu.memory_space<vmem>>, vector<16xi32>,
      tpu.vector_store %arg8[%swap3A_242], %add3A_241 {strides = array<i32>} : memref<128xi32, #tpu.memory_space<vmem>>, vector<16xi32>,
      %add3A_244 = arith.constant 48 : i32
      %add3A_245 = arith.addi %mul3A_216, %add3A_244 : i32
      %get3A_246 = arith.index_cast %add3A_245 : i32 to index
      %get3A_247 = tpu.vector_load %arg7[%get3A_246] {strides = array<i32>} : memref<10000xi32, #tpu.memory_space<vmem>>, vector<16xi32>,
      %add3A_248 = arith.constant 10000 : i32
      %add3A_249 = vector.broadcast %add3A_248 : i32 to vector<16xi32>
      %add3A_250 = arith.addi %get3A_247, %add3A_249 : vector<16xi32>
      %swap3A_251 = arith.constant 48 : index
      %swap3A_252 = tpu.vector_load %arg8[%swap3A_251] {strides = array<i32>} : memref<128xi32, #tpu.memory_space<vmem>>, vector<16xi32>,
      tpu.vector_store %arg8[%swap3A_251], %add3A_250 {strides = array<i32>} : memref<128xi32, #tpu.memory_space<vmem>>, vector<16xi32>,
      %add3A_253 = arith.constant 64 : i32
      %add3A_254 = arith.addi %mul3A_216, %add3A_253 : i32
      %get3A_255 = arith.index_cast %add3A_254 : i32 to index
      %get3A_256 = tpu.vector_load %arg7[%get3A_255] {strides = array<i32>} : memref<10000xi32, #tpu.memory_space<vmem>>, vector<16xi32>,
      %add3A_257 = arith.constant 10000 : i32
      %add3A_258 = vector.broadcast %add3A_257 : i32 to vector<16xi32>
      %add3A_259 = arith.addi %get3A_256, %add3A_258 : vector<16xi32>
      %swap3A_260 = arith.constant 64 : index
      %swap3A_261 = tpu.vector_load %arg8[%swap3A_260] {strides = array<i32>} : memref<128xi32, #tpu.memory_space<vmem>>, vector<16xi32>,
      tpu.vector_store %arg8[%swap3A_260], %add3A_259 {strides = array<i32>} : memref<128xi32, #tpu.memory_space<vmem>>, vector<16xi32>,
      %add3A_262 = arith.constant 80 : i32
      %add3A_263 = arith.addi %mul3A_216, %add3A_262 : i32
      %get3A_264 = arith.index_cast %add3A_263 : i32 to index
      %get3A_265 = tpu.vector_load %arg7[%get3A_264] {strides = array<i32>} : memref<10000xi32, #tpu.memory_space<vmem>>, vector<16xi32>,
      %add3A_266 = arith.constant 10000 : i32
      %add3A_267 = vector.broadcast %add3A_266 : i32 to vector<16xi32>
      %add3A_268 = arith.addi %get3A_265, %add3A_267 : vector<16xi32>
      %swap3A_269 = arith.constant 80 : index
      %swap3A_270 = tpu.vector_load %arg8[%swap3A_269] {strides = array<i32>} : memref<128xi32, #tpu.memory_space<vmem>>, vector<16xi32>,
      tpu.vector_store %arg8[%swap3A_269], %add3A_268 {strides = array<i32>} : memref<128xi32, #tpu.memory_space<vmem>>, vector<16xi32>,
      %add3A_271 = arith.constant 96 : i32
      %add3A_272 = arith.addi %mul3A_216, %add3A_271 : i32
      %get3A_273 = arith.index_cast %add3A_272 : i32 to index
      %get3A_274 = tpu.vector_load %arg7[%get3A_273] {strides = array<i32>} : memref<10000xi32, #tpu.memory_space<vmem>>, vector<16xi32>,
      %add3A_275 = arith.constant 10000 : i32
      %add3A_276 = vector.broadcast %add3A_275 : i32 to vector<16xi32>
      %add3A_277 = arith.addi %get3A_274, %add3A_276 : vector<16xi32>
      %swap3A_278 = arith.constant 96 : index
      %swap3A_279 = tpu.vector_load %arg8[%swap3A_278] {strides = array<i32>} : memref<128xi32, #tpu.memory_space<vmem>>, vector<16xi32>,
      tpu.vector_store %arg8[%swap3A_278], %add3A_277 {strides = array<i32>} : memref<128xi32, #tpu.memory_space<vmem>>, vector<16xi32>,
      %add3A_280 = arith.constant 112 : i32
      %add3A_281 = arith.addi %mul3A_216, %add3A_280 : i32
      %get3A_282 = arith.index_cast %add3A_281 : i32 to index
      %get3A_283 = tpu.vector_load %arg7[%get3A_282] {strides = array<i32>} : memref<10000xi32, #tpu.memory_space<vmem>>, vector<16xi32>,
      %add3A_284 = arith.constant 10000 : i32
      %add3A_285 = vector.broadcast %add3A_284 : i32 to vector<16xi32>
      %add3A_286 = arith.addi %get3A_283, %add3A_285 : vector<16xi32>
      %swap3A_287 = arith.constant 112 : index
      %swap3A_288 = tpu.vector_load %arg8[%swap3A_287] {strides = array<i32>} : memref<128xi32, #tpu.memory_space<vmem>>, vector<16xi32>,
      tpu.vector_store %arg8[%swap3A_287], %add3A_286 {strides = array<i32>} : memref<128xi32, #tpu.memory_space<vmem>>, vector<16xi32>,
      %dma_start3A = tpu.memref_slice %arg5[%add3A_210] : memref<20000xf32, #tpu.memory_space<vmem>> -> memref<128xf32, #tpu.memory_space<vmem>>
      %dma_start3A_289 = arith.constant 0 : i32
      %dma_start3A_290 = tpu.memref_slice %arg15[%dma_start3A_289] : memref<20000xf32, #tpu.memory_space<vmem_shared>> -> memref<20000xf32, #tpu.memory_space<vmem_shared>>
      tpu.enqueue_indirect_dma source(%dma_start3A : memref<128xf32, #tpu.memory_space<vmem>>) target(%dma_start3A_290 : memref<20000xf32, #tpu.memory_space<vmem_shared>>) offsets(%arg8 : memref<128xi32, #tpu.memory_space<vmem>>) semaphore(%arg17 : memref<!tpu.dma_semaphore, #tpu.memory_space<semaphore_mem>>)
      %mul3A_291 = arith.constant 6 : i32
      %mul3A_292 = arith.muli %scan3A_202, %mul3A_291 : i32
      %add3A_293 = arith.constant 1 : i32
      %add3A_294 = arith.addi %mul3A_292, %add3A_293 : i32
      %mul3A_295 = arith.constant 128 : i32
      %mul3A_296 = arith.muli %add3A_294, %mul3A_295 : i32
      %add3A_297 = arith.constant 10000 : i32
      %add3A_298 = arith.addi %add3A_297, %mul3A_296 : i32
      %gt3A_299 = arith.constant 0 : i32
      %gt3A_300 = arith.cmpi sgt, %scan3A_202, %gt3A_299 : i32
      %convert_element_type3A_301 = arith.extui %gt3A_300 : i1 to i32
      %cond3A_302 = arith.constant 0 : i32
      %cond3A_303 = arith.cmpi ne, %convert_element_type3A_301, %cond3A_302 : i32
      scf.if %cond3A_303 {
        %dma_wait3A_741 = tpu.memref_slice %arg5[%add3A_298] : memref<20000xf32, #tpu.memory_space<vmem>> -> memref<128xf32, #tpu.memory_space<vmem>>
        %dma_wait3A_742 = arith.constant 0 : i32
        %dma_wait3A_743 = tpu.memref_slice %arg15[%dma_wait3A_742] : memref<20000xf32, #tpu.memory_space<vmem_shared>> -> memref<20000xf32, #tpu.memory_space<vmem_shared>>
        tpu.wait_indirect_dma semaphore(%arg18 : memref<!tpu.dma_semaphore, #tpu.memory_space<semaphore_mem>>) src(%dma_wait3A_741 : memref<128xf32, #tpu.memory_space<vmem>>) dst(%dma_wait3A_743 : memref<20000xf32, #tpu.memory_space<vmem_shared>>)
      } else {
      }
      %mul3A_304 = arith.constant 128 : i32
      %mul3A_305 = arith.muli %add3A_294, %mul3A_304 : i32
      %add3A_306 = arith.constant 0 : i32
      %add3A_307 = arith.addi %mul3A_305, %add3A_306 : i32
      %get3A_308 = arith.index_cast %add3A_307 : i32 to index
      %get3A_309 = tpu.vector_load %arg7[%get3A_308] {strides = array<i32>} : memref<10000xi32, #tpu.memory_space<vmem>>, vector<16xi32>,
      %add3A_310 = arith.constant 10000 : i32
      %add3A_311 = vector.broadcast %add3A_310 : i32 to vector<16xi32>
      %add3A_312 = arith.addi %get3A_309, %add3A_311 : vector<16xi32>
      %swap3A_313 = arith.constant 0 : index
      %swap3A_314 = tpu.vector_load %arg9[%swap3A_313] {strides = array<i32>} : memref<128xi32, #tpu.memory_space<vmem>>, vector<16xi32>,
      tpu.vector_store %arg9[%swap3A_313], %add3A_312 {strides = array<i32>} : memref<128xi32, #tpu.memory_space<vmem>>, vector<16xi32>,
      %add3A_315 = arith.constant 16 : i32
      %add3A_316 = arith.addi %mul3A_305, %add3A_315 : i32
      %get3A_317 = arith.index_cast %add3A_316 : i32 to index
      %get3A_318 = tpu.vector_load %arg7[%get3A_317] {strides = array<i32>} : memref<10000xi32, #tpu.memory_space<vmem>>, vector<16xi32>,
      %add3A_319 = arith.constant 10000 : i32
      %add3A_320 = vector.broadcast %add3A_319 : i32 to vector<16xi32>
      %add3A_321 = arith.addi %get3A_318, %add3A_320 : vector<16xi32>
      %swap3A_322 = arith.constant 16 : index
      %swap3A_323 = tpu.vector_load %arg9[%swap3A_322] {strides = array<i32>} : memref<128xi32, #tpu.memory_space<vmem>>, vector<16xi32>,
      tpu.vector_store %arg9[%swap3A_322], %add3A_321 {strides = array<i32>} : memref<128xi32, #tpu.memory_space<vmem>>, vector<16xi32>,
      %add3A_324 = arith.constant 32 : i32
      %add3A_325 = arith.addi %mul3A_305, %add3A_324 : i32
      %get3A_326 = arith.index_cast %add3A_325 : i32 to index
      %get3A_327 = tpu.vector_load %arg7[%get3A_326] {strides = array<i32>} : memref<10000xi32, #tpu.memory_space<vmem>>, vector<16xi32>,
      %add3A_328 = arith.constant 10000 : i32
      %add3A_329 = vector.broadcast %add3A_328 : i32 to vector<16xi32>
      %add3A_330 = arith.addi %get3A_327, %add3A_329 : vector<16xi32>
      %swap3A_331 = arith.constant 32 : index
      %swap3A_332 = tpu.vector_load %arg9[%swap3A_331] {strides = array<i32>} : memref<128xi32, #tpu.memory_space<vmem>>, vector<16xi32>,
      tpu.vector_store %arg9[%swap3A_331], %add3A_330 {strides = array<i32>} : memref<128xi32, #tpu.memory_space<vmem>>, vector<16xi32>,
      %add3A_333 = arith.constant 48 : i32
      %add3A_334 = arith.addi %mul3A_305, %add3A_333 : i32
      %get3A_335 = arith.index_cast %add3A_334 : i32 to index
      %get3A_336 = tpu.vector_load %arg7[%get3A_335] {strides = array<i32>} : memref<10000xi32, #tpu.memory_space<vmem>>, vector<16xi32>,
      %add3A_337 = arith.constant 10000 : i32
      %add3A_338 = vector.broadcast %add3A_337 : i32 to vector<16xi32>
      %add3A_339 = arith.addi %get3A_336, %add3A_338 : vector<16xi32>
      %swap3A_340 = arith.constant 48 : index
      %swap3A_341 = tpu.vector_load %arg9[%swap3A_340] {strides = array<i32>} : memref<128xi32, #tpu.memory_space<vmem>>, vector<16xi32>,
      tpu.vector_store %arg9[%swap3A_340], %add3A_339 {strides = array<i32>} : memref<128xi32, #tpu.memory_space<vmem>>, vector<16xi32>,
      %add3A_342 = arith.constant 64 : i32
      %add3A_343 = arith.addi %mul3A_305, %add3A_342 : i32
      %get3A_344 = arith.index_cast %add3A_343 : i32 to index
      %get3A_345 = tpu.vector_load %arg7[%get3A_344] {strides = array<i32>} : memref<10000xi32, #tpu.memory_space<vmem>>, vector<16xi32>,
      %add3A_346 = arith.constant 10000 : i32
      %add3A_347 = vector.broadcast %add3A_346 : i32 to vector<16xi32>
      %add3A_348 = arith.addi %get3A_345, %add3A_347 : vector<16xi32>
      %swap3A_349 = arith.constant 64 : index
      %swap3A_350 = tpu.vector_load %arg9[%swap3A_349] {strides = array<i32>} : memref<128xi32, #tpu.memory_space<vmem>>, vector<16xi32>,
      tpu.vector_store %arg9[%swap3A_349], %add3A_348 {strides = array<i32>} : memref<128xi32, #tpu.memory_space<vmem>>, vector<16xi32>,
      %add3A_351 = arith.constant 80 : i32
      %add3A_352 = arith.addi %mul3A_305, %add3A_351 : i32
      %get3A_353 = arith.index_cast %add3A_352 : i32 to index
      %get3A_354 = tpu.vector_load %arg7[%get3A_353] {strides = array<i32>} : memref<10000xi32, #tpu.memory_space<vmem>>, vector<16xi32>,
      %add3A_355 = arith.constant 10000 : i32
      %add3A_356 = vector.broadcast %add3A_355 : i32 to vector<16xi32>
      %add3A_357 = arith.addi %get3A_354, %add3A_356 : vector<16xi32>
      %swap3A_358 = arith.constant 80 : index
      %swap3A_359 = tpu.vector_load %arg9[%swap3A_358] {strides = array<i32>} : memref<128xi32, #tpu.memory_space<vmem>>, vector<16xi32>,
      tpu.vector_store %arg9[%swap3A_358], %add3A_357 {strides = array<i32>} : memref<128xi32, #tpu.memory_space<vmem>>, vector<16xi32>,
      %add3A_360 = arith.constant 96 : i32
      %add3A_361 = arith.addi %mul3A_305, %add3A_360 : i32
      %get3A_362 = arith.index_cast %add3A_361 : i32 to index
      %get3A_363 = tpu.vector_load %arg7[%get3A_362] {strides = array<i32>} : memref<10000xi32, #tpu.memory_space<vmem>>, vector<16xi32>,
      %add3A_364 = arith.constant 10000 : i32
      %add3A_365 = vector.broadcast %add3A_364 : i32 to vector<16xi32>
      %add3A_366 = arith.addi %get3A_363, %add3A_365 : vector<16xi32>
      %swap3A_367 = arith.constant 96 : index
      %swap3A_368 = tpu.vector_load %arg9[%swap3A_367] {strides = array<i32>} : memref<128xi32, #tpu.memory_space<vmem>>, vector<16xi32>,
      tpu.vector_store %arg9[%swap3A_367], %add3A_366 {strides = array<i32>} : memref<128xi32, #tpu.memory_space<vmem>>, vector<16xi32>,
      %add3A_369 = arith.constant 112 : i32
      %add3A_370 = arith.addi %mul3A_305, %add3A_369 : i32
      %get3A_371 = arith.index_cast %add3A_370 : i32 to index
      %get3A_372 = tpu.vector_load %arg7[%get3A_371] {strides = array<i32>} : memref<10000xi32, #tpu.memory_space<vmem>>, vector<16xi32>,
      %add3A_373 = arith.constant 10000 : i32
      %add3A_374 = vector.broadcast %add3A_373 : i32 to vector<16xi32>
      %add3A_375 = arith.addi %get3A_372, %add3A_374 : vector<16xi32>
      %swap3A_376 = arith.constant 112 : index
      %swap3A_377 = tpu.vector_load %arg9[%swap3A_376] {strides = array<i32>} : memref<128xi32, #tpu.memory_space<vmem>>, vector<16xi32>,
      tpu.vector_store %arg9[%swap3A_376], %add3A_375 {strides = array<i32>} : memref<128xi32, #tpu.memory_space<vmem>>, vector<16xi32>,
      %dma_start3A_378 = tpu.memref_slice %arg5[%add3A_298] : memref<20000xf32, #tpu.memory_space<vmem>> -> memref<128xf32, #tpu.memory_space<vmem>>
      %dma_start3A_379 = arith.constant 0 : i32
      %dma_start3A_380 = tpu.memref_slice %arg15[%dma_start3A_379] : memref<20000xf32, #tpu.memory_space<vmem_shared>> -> memref<20000xf32, #tpu.memory_space<vmem_shared>>
      tpu.enqueue_indirect_dma source(%dma_start3A_378 : memref<128xf32, #tpu.memory_space<vmem>>) target(%dma_start3A_380 : memref<20000xf32, #tpu.memory_space<vmem_shared>>) offsets(%arg9 : memref<128xi32, #tpu.memory_space<vmem>>) semaphore(%arg18 : memref<!tpu.dma_semaphore, #tpu.memory_space<semaphore_mem>>)
      %mul3A_381 = arith.constant 6 : i32
      %mul3A_382 = arith.muli %scan3A_202, %mul3A_381 : i32
      %add3A_383 = arith.constant 2 : i32
      %add3A_384 = arith.addi %mul3A_382, %add3A_383 : i32
      %mul3A_385 = arith.constant 128 : i32
      %mul3A_386 = arith.muli %add3A_384, %mul3A_385 : i32
      %add3A_387 = arith.constant 10000 : i32
      %add3A_388 = arith.addi %add3A_387, %mul3A_386 : i32
      %gt3A_389 = arith.constant 0 : i32
      %gt3A_390 = arith.cmpi sgt, %scan3A_202, %gt3A_389 : i32
      %convert_element_type3A_391 = arith.extui %gt3A_390 : i1 to i32
      %cond3A_392 = arith.constant 0 : i32
      %cond3A_393 = arith.cmpi ne, %convert_element_type3A_391, %cond3A_392 : i32
      scf.if %cond3A_393 {
        %dma_wait3A_741 = tpu.memref_slice %arg5[%add3A_388] : memref<20000xf32, #tpu.memory_space<vmem>> -> memref<128xf32, #tpu.memory_space<vmem>>
        %dma_wait3A_742 = arith.constant 0 : i32
        %dma_wait3A_743 = tpu.memref_slice %arg15[%dma_wait3A_742] : memref<20000xf32, #tpu.memory_space<vmem_shared>> -> memref<20000xf32, #tpu.memory_space<vmem_shared>>
        tpu.wait_indirect_dma semaphore(%arg19 : memref<!tpu.dma_semaphore, #tpu.memory_space<semaphore_mem>>) src(%dma_wait3A_741 : memref<128xf32, #tpu.memory_space<vmem>>) dst(%dma_wait3A_743 : memref<20000xf32, #tpu.memory_space<vmem_shared>>)
      } else {
      }
      %mul3A_394 = arith.constant 128 : i32
      %mul3A_395 = arith.muli %add3A_384, %mul3A_394 : i32
      %add3A_396 = arith.constant 0 : i32
      %add3A_397 = arith.addi %mul3A_395, %add3A_396 : i32
      %get3A_398 = arith.index_cast %add3A_397 : i32 to index
      %get3A_399 = tpu.vector_load %arg7[%get3A_398] {strides = array<i32>} : memref<10000xi32, #tpu.memory_space<vmem>>, vector<16xi32>,
      %add3A_400 = arith.constant 10000 : i32
      %add3A_401 = vector.broadcast %add3A_400 : i32 to vector<16xi32>
      %add3A_402 = arith.addi %get3A_399, %add3A_401 : vector<16xi32>
      %swap3A_403 = arith.constant 0 : index
      %swap3A_404 = tpu.vector_load %arg10[%swap3A_403] {strides = array<i32>} : memref<128xi32, #tpu.memory_space<vmem>>, vector<16xi32>,
      tpu.vector_store %arg10[%swap3A_403], %add3A_402 {strides = array<i32>} : memref<128xi32, #tpu.memory_space<vmem>>, vector<16xi32>,
      %add3A_405 = arith.constant 16 : i32
      %add3A_406 = arith.addi %mul3A_395, %add3A_405 : i32
      %get3A_407 = arith.index_cast %add3A_406 : i32 to index
      %get3A_408 = tpu.vector_load %arg7[%get3A_407] {strides = array<i32>} : memref<10000xi32, #tpu.memory_space<vmem>>, vector<16xi32>,
      %add3A_409 = arith.constant 10000 : i32
      %add3A_410 = vector.broadcast %add3A_409 : i32 to vector<16xi32>
      %add3A_411 = arith.addi %get3A_408, %add3A_410 : vector<16xi32>
      %swap3A_412 = arith.constant 16 : index
      %swap3A_413 = tpu.vector_load %arg10[%swap3A_412] {strides = array<i32>} : memref<128xi32, #tpu.memory_space<vmem>>, vector<16xi32>,
      tpu.vector_store %arg10[%swap3A_412], %add3A_411 {strides = array<i32>} : memref<128xi32, #tpu.memory_space<vmem>>, vector<16xi32>,
      %add3A_414 = arith.constant 32 : i32
      %add3A_415 = arith.addi %mul3A_395, %add3A_414 : i32
      %get3A_416 = arith.index_cast %add3A_415 : i32 to index
      %get3A_417 = tpu.vector_load %arg7[%get3A_416] {strides = array<i32>} : memref<10000xi32, #tpu.memory_space<vmem>>, vector<16xi32>,
      %add3A_418 = arith.constant 10000 : i32
      %add3A_419 = vector.broadcast %add3A_418 : i32 to vector<16xi32>
      %add3A_420 = arith.addi %get3A_417, %add3A_419 : vector<16xi32>
      %swap3A_421 = arith.constant 32 : index
      %swap3A_422 = tpu.vector_load %arg10[%swap3A_421] {strides = array<i32>} : memref<128xi32, #tpu.memory_space<vmem>>, vector<16xi32>,
      tpu.vector_store %arg10[%swap3A_421], %add3A_420 {strides = array<i32>} : memref<128xi32, #tpu.memory_space<vmem>>, vector<16xi32>,
      %add3A_423 = arith.constant 48 : i32
      %add3A_424 = arith.addi %mul3A_395, %add3A_423 : i32
      %get3A_425 = arith.index_cast %add3A_424 : i32 to index
      %get3A_426 = tpu.vector_load %arg7[%get3A_425] {strides = array<i32>} : memref<10000xi32, #tpu.memory_space<vmem>>, vector<16xi32>,
      %add3A_427 = arith.constant 10000 : i32
      %add3A_428 = vector.broadcast %add3A_427 : i32 to vector<16xi32>
      %add3A_429 = arith.addi %get3A_426, %add3A_428 : vector<16xi32>
      %swap3A_430 = arith.constant 48 : index
      %swap3A_431 = tpu.vector_load %arg10[%swap3A_430] {strides = array<i32>} : memref<128xi32, #tpu.memory_space<vmem>>, vector<16xi32>,
      tpu.vector_store %arg10[%swap3A_430], %add3A_429 {strides = array<i32>} : memref<128xi32, #tpu.memory_space<vmem>>, vector<16xi32>,
      %add3A_432 = arith.constant 64 : i32
      %add3A_433 = arith.addi %mul3A_395, %add3A_432 : i32
      %get3A_434 = arith.index_cast %add3A_433 : i32 to index
      %get3A_435 = tpu.vector_load %arg7[%get3A_434] {strides = array<i32>} : memref<10000xi32, #tpu.memory_space<vmem>>, vector<16xi32>,
      %add3A_436 = arith.constant 10000 : i32
      %add3A_437 = vector.broadcast %add3A_436 : i32 to vector<16xi32>
      %add3A_438 = arith.addi %get3A_435, %add3A_437 : vector<16xi32>
      %swap3A_439 = arith.constant 64 : index
      %swap3A_440 = tpu.vector_load %arg10[%swap3A_439] {strides = array<i32>} : memref<128xi32, #tpu.memory_space<vmem>>, vector<16xi32>,
      tpu.vector_store %arg10[%swap3A_439], %add3A_438 {strides = array<i32>} : memref<128xi32, #tpu.memory_space<vmem>>, vector<16xi32>,
      %add3A_441 = arith.constant 80 : i32
      %add3A_442 = arith.addi %mul3A_395, %add3A_441 : i32
      %get3A_443 = arith.index_cast %add3A_442 : i32 to index
      %get3A_444 = tpu.vector_load %arg7[%get3A_443] {strides = array<i32>} : memref<10000xi32, #tpu.memory_space<vmem>>, vector<16xi32>,
      %add3A_445 = arith.constant 10000 : i32
      %add3A_446 = vector.broadcast %add3A_445 : i32 to vector<16xi32>
      %add3A_447 = arith.addi %get3A_444, %add3A_446 : vector<16xi32>
      %swap3A_448 = arith.constant 80 : index
      %swap3A_449 = tpu.vector_load %arg10[%swap3A_448] {strides = array<i32>} : memref<128xi32, #tpu.memory_space<vmem>>, vector<16xi32>,
      tpu.vector_store %arg10[%swap3A_448], %add3A_447 {strides = array<i32>} : memref<128xi32, #tpu.memory_space<vmem>>, vector<16xi32>,
      %add3A_450 = arith.constant 96 : i32
      %add3A_451 = arith.addi %mul3A_395, %add3A_450 : i32
      %get3A_452 = arith.index_cast %add3A_451 : i32 to index
      %get3A_453 = tpu.vector_load %arg7[%get3A_452] {strides = array<i32>} : memref<10000xi32, #tpu.memory_space<vmem>>, vector<16xi32>,
      %add3A_454 = arith.constant 10000 : i32
      %add3A_455 = vector.broadcast %add3A_454 : i32 to vector<16xi32>
      %add3A_456 = arith.addi %get3A_453, %add3A_455 : vector<16xi32>
      %swap3A_457 = arith.constant 96 : index
      %swap3A_458 = tpu.vector_load %arg10[%swap3A_457] {strides = array<i32>} : memref<128xi32, #tpu.memory_space<vmem>>, vector<16xi32>,
      tpu.vector_store %arg10[%swap3A_457], %add3A_456 {strides = array<i32>} : memref<128xi32, #tpu.memory_space<vmem>>, vector<16xi32>,
      %add3A_459 = arith.constant 112 : i32
      %add3A_460 = arith.addi %mul3A_395, %add3A_459 : i32
      %get3A_461 = arith.index_cast %add3A_460 : i32 to index
      %get3A_462 = tpu.vector_load %arg7[%get3A_461] {strides = array<i32>} : memref<10000xi32, #tpu.memory_space<vmem>>, vector<16xi32>,
      %add3A_463 = arith.constant 10000 : i32
      %add3A_464 = vector.broadcast %add3A_463 : i32 to vector<16xi32>
      %add3A_465 = arith.addi %get3A_462, %add3A_464 : vector<16xi32>
      %swap3A_466 = arith.constant 112 : index
      %swap3A_467 = tpu.vector_load %arg10[%swap3A_466] {strides = array<i32>} : memref<128xi32, #tpu.memory_space<vmem>>, vector<16xi32>,
      tpu.vector_store %arg10[%swap3A_466], %add3A_465 {strides = array<i32>} : memref<128xi32, #tpu.memory_space<vmem>>, vector<16xi32>,
      %dma_start3A_468 = tpu.memref_slice %arg5[%add3A_388] : memref<20000xf32, #tpu.memory_space<vmem>> -> memref<128xf32, #tpu.memory_space<vmem>>
      %dma_start3A_469 = arith.constant 0 : i32
      %dma_start3A_470 = tpu.memref_slice %arg15[%dma_start3A_469] : memref<20000xf32, #tpu.memory_space<vmem_shared>> -> memref<20000xf32, #tpu.memory_space<vmem_shared>>
      tpu.enqueue_indirect_dma source(%dma_start3A_468 : memref<128xf32, #tpu.memory_space<vmem>>) target(%dma_start3A_470 : memref<20000xf32, #tpu.memory_space<vmem_shared>>) offsets(%arg10 : memref<128xi32, #tpu.memory_space<vmem>>) semaphore(%arg19 : memref<!tpu.dma_semaphore, #tpu.memory_space<semaphore_mem>>)
      %mul3A_471 = arith.constant 6 : i32
      %mul3A_472 = arith.muli %scan3A_202, %mul3A_471 : i32
      %add3A_473 = arith.constant 3 : i32
      %add3A_474 = arith.addi %mul3A_472, %add3A_473 : i32
      %mul3A_475 = arith.constant 128 : i32
      %mul3A_476 = arith.muli %add3A_474, %mul3A_475 : i32
      %add3A_477 = arith.constant 10000 : i32
      %add3A_478 = arith.addi %add3A_477, %mul3A_476 : i32
      %gt3A_479 = arith.constant 0 : i32
      %gt3A_480 = arith.cmpi sgt, %scan3A_202, %gt3A_479 : i32
      %convert_element_type3A_481 = arith.extui %gt3A_480 : i1 to i32
      %cond3A_482 = arith.constant 0 : i32
      %cond3A_483 = arith.cmpi ne, %convert_element_type3A_481, %cond3A_482 : i32
      scf.if %cond3A_483 {
        %dma_wait3A_741 = tpu.memref_slice %arg5[%add3A_478] : memref<20000xf32, #tpu.memory_space<vmem>> -> memref<128xf32, #tpu.memory_space<vmem>>
        %dma_wait3A_742 = arith.constant 0 : i32
        %dma_wait3A_743 = tpu.memref_slice %arg15[%dma_wait3A_742] : memref<20000xf32, #tpu.memory_space<vmem_shared>> -> memref<20000xf32, #tpu.memory_space<vmem_shared>>
        tpu.wait_indirect_dma semaphore(%arg20 : memref<!tpu.dma_semaphore, #tpu.memory_space<semaphore_mem>>) src(%dma_wait3A_741 : memref<128xf32, #tpu.memory_space<vmem>>) dst(%dma_wait3A_743 : memref<20000xf32, #tpu.memory_space<vmem_shared>>)
      } else {
      }
      %mul3A_484 = arith.constant 128 : i32
      %mul3A_485 = arith.muli %add3A_474, %mul3A_484 : i32
      %add3A_486 = arith.constant 0 : i32
      %add3A_487 = arith.addi %mul3A_485, %add3A_486 : i32
      %get3A_488 = arith.index_cast %add3A_487 : i32 to index
      %get3A_489 = tpu.vector_load %arg7[%get3A_488] {strides = array<i32>} : memref<10000xi32, #tpu.memory_space<vmem>>, vector<16xi32>,
      %add3A_490 = arith.constant 10000 : i32
      %add3A_491 = vector.broadcast %add3A_490 : i32 to vector<16xi32>
      %add3A_492 = arith.addi %get3A_489, %add3A_491 : vector<16xi32>
      %swap3A_493 = arith.constant 0 : index
      %swap3A_494 = tpu.vector_load %arg11[%swap3A_493] {strides = array<i32>} : memref<128xi32, #tpu.memory_space<vmem>>, vector<16xi32>,
      tpu.vector_store %arg11[%swap3A_493], %add3A_492 {strides = array<i32>} : memref<128xi32, #tpu.memory_space<vmem>>, vector<16xi32>,
      %add3A_495 = arith.constant 16 : i32
      %add3A_496 = arith.addi %mul3A_485, %add3A_495 : i32
      %get3A_497 = arith.index_cast %add3A_496 : i32 to index
      %get3A_498 = tpu.vector_load %arg7[%get3A_497] {strides = array<i32>} : memref<10000xi32, #tpu.memory_space<vmem>>, vector<16xi32>,
      %add3A_499 = arith.constant 10000 : i32
      %add3A_500 = vector.broadcast %add3A_499 : i32 to vector<16xi32>
      %add3A_501 = arith.addi %get3A_498, %add3A_500 : vector<16xi32>
      %swap3A_502 = arith.constant 16 : index
      %swap3A_503 = tpu.vector_load %arg11[%swap3A_502] {strides = array<i32>} : memref<128xi32, #tpu.memory_space<vmem>>, vector<16xi32>,
      tpu.vector_store %arg11[%swap3A_502], %add3A_501 {strides = array<i32>} : memref<128xi32, #tpu.memory_space<vmem>>, vector<16xi32>,
      %add3A_504 = arith.constant 32 : i32
      %add3A_505 = arith.addi %mul3A_485, %add3A_504 : i32
      %get3A_506 = arith.index_cast %add3A_505 : i32 to index
      %get3A_507 = tpu.vector_load %arg7[%get3A_506] {strides = array<i32>} : memref<10000xi32, #tpu.memory_space<vmem>>, vector<16xi32>,
      %add3A_508 = arith.constant 10000 : i32
      %add3A_509 = vector.broadcast %add3A_508 : i32 to vector<16xi32>
      %add3A_510 = arith.addi %get3A_507, %add3A_509 : vector<16xi32>
      %swap3A_511 = arith.constant 32 : index
      %swap3A_512 = tpu.vector_load %arg11[%swap3A_511] {strides = array<i32>} : memref<128xi32, #tpu.memory_space<vmem>>, vector<16xi32>,
      tpu.vector_store %arg11[%swap3A_511], %add3A_510 {strides = array<i32>} : memref<128xi32, #tpu.memory_space<vmem>>, vector<16xi32>,
      %add3A_513 = arith.constant 48 : i32
      %add3A_514 = arith.addi %mul3A_485, %add3A_513 : i32
      %get3A_515 = arith.index_cast %add3A_514 : i32 to index
      %get3A_516 = tpu.vector_load %arg7[%get3A_515] {strides = array<i32>} : memref<10000xi32, #tpu.memory_space<vmem>>, vector<16xi32>,
      %add3A_517 = arith.constant 10000 : i32
      %add3A_518 = vector.broadcast %add3A_517 : i32 to vector<16xi32>
      %add3A_519 = arith.addi %get3A_516, %add3A_518 : vector<16xi32>
      %swap3A_520 = arith.constant 48 : index
      %swap3A_521 = tpu.vector_load %arg11[%swap3A_520] {strides = array<i32>} : memref<128xi32, #tpu.memory_space<vmem>>, vector<16xi32>,
      tpu.vector_store %arg11[%swap3A_520], %add3A_519 {strides = array<i32>} : memref<128xi32, #tpu.memory_space<vmem>>, vector<16xi32>,
      %add3A_522 = arith.constant 64 : i32
      %add3A_523 = arith.addi %mul3A_485, %add3A_522 : i32
      %get3A_524 = arith.index_cast %add3A_523 : i32 to index
      %get3A_525 = tpu.vector_load %arg7[%get3A_524] {strides = array<i32>} : memref<10000xi32, #tpu.memory_space<vmem>>, vector<16xi32>,
      %add3A_526 = arith.constant 10000 : i32
      %add3A_527 = vector.broadcast %add3A_526 : i32 to vector<16xi32>
      %add3A_528 = arith.addi %get3A_525, %add3A_527 : vector<16xi32>
      %swap3A_529 = arith.constant 64 : index
      %swap3A_530 = tpu.vector_load %arg11[%swap3A_529] {strides = array<i32>} : memref<128xi32, #tpu.memory_space<vmem>>, vector<16xi32>,
      tpu.vector_store %arg11[%swap3A_529], %add3A_528 {strides = array<i32>} : memref<128xi32, #tpu.memory_space<vmem>>, vector<16xi32>,
      %add3A_531 = arith.constant 80 : i32
      %add3A_532 = arith.addi %mul3A_485, %add3A_531 : i32
      %get3A_533 = arith.index_cast %add3A_532 : i32 to index
      %get3A_534 = tpu.vector_load %arg7[%get3A_533] {strides = array<i32>} : memref<10000xi32, #tpu.memory_space<vmem>>, vector<16xi32>,
      %add3A_535 = arith.constant 10000 : i32
      %add3A_536 = vector.broadcast %add3A_535 : i32 to vector<16xi32>
      %add3A_537 = arith.addi %get3A_534, %add3A_536 : vector<16xi32>
      %swap3A_538 = arith.constant 80 : index
      %swap3A_539 = tpu.vector_load %arg11[%swap3A_538] {strides = array<i32>} : memref<128xi32, #tpu.memory_space<vmem>>, vector<16xi32>,
      tpu.vector_store %arg11[%swap3A_538], %add3A_537 {strides = array<i32>} : memref<128xi32, #tpu.memory_space<vmem>>, vector<16xi32>,
      %add3A_540 = arith.constant 96 : i32
      %add3A_541 = arith.addi %mul3A_485, %add3A_540 : i32
      %get3A_542 = arith.index_cast %add3A_541 : i32 to index
      %get3A_543 = tpu.vector_load %arg7[%get3A_542] {strides = array<i32>} : memref<10000xi32, #tpu.memory_space<vmem>>, vector<16xi32>,
      %add3A_544 = arith.constant 10000 : i32
      %add3A_545 = vector.broadcast %add3A_544 : i32 to vector<16xi32>
      %add3A_546 = arith.addi %get3A_543, %add3A_545 : vector<16xi32>
      %swap3A_547 = arith.constant 96 : index
      %swap3A_548 = tpu.vector_load %arg11[%swap3A_547] {strides = array<i32>} : memref<128xi32, #tpu.memory_space<vmem>>, vector<16xi32>,
      tpu.vector_store %arg11[%swap3A_547], %add3A_546 {strides = array<i32>} : memref<128xi32, #tpu.memory_space<vmem>>, vector<16xi32>,
      %add3A_549 = arith.constant 112 : i32
      %add3A_550 = arith.addi %mul3A_485, %add3A_549 : i32
      %get3A_551 = arith.index_cast %add3A_550 : i32 to index
      %get3A_552 = tpu.vector_load %arg7[%get3A_551] {strides = array<i32>} : memref<10000xi32, #tpu.memory_space<vmem>>, vector<16xi32>,
      %add3A_553 = arith.constant 10000 : i32
      %add3A_554 = vector.broadcast %add3A_553 : i32 to vector<16xi32>
      %add3A_555 = arith.addi %get3A_552, %add3A_554 : vector<16xi32>
      %swap3A_556 = arith.constant 112 : index
      %swap3A_557 = tpu.vector_load %arg11[%swap3A_556] {strides = array<i32>} : memref<128xi32, #tpu.memory_space<vmem>>, vector<16xi32>,
      tpu.vector_store %arg11[%swap3A_556], %add3A_555 {strides = array<i32>} : memref<128xi32, #tpu.memory_space<vmem>>, vector<16xi32>,
      %dma_start3A_558 = tpu.memref_slice %arg5[%add3A_478] : memref<20000xf32, #tpu.memory_space<vmem>> -> memref<128xf32, #tpu.memory_space<vmem>>
      %dma_start3A_559 = arith.constant 0 : i32
      %dma_start3A_560 = tpu.memref_slice %arg15[%dma_start3A_559] : memref<20000xf32, #tpu.memory_space<vmem_shared>> -> memref<20000xf32, #tpu.memory_space<vmem_shared>>
      tpu.enqueue_indirect_dma source(%dma_start3A_558 : memref<128xf32, #tpu.memory_space<vmem>>) target(%dma_start3A_560 : memref<20000xf32, #tpu.memory_space<vmem_shared>>) offsets(%arg11 : memref<128xi32, #tpu.memory_space<vmem>>) semaphore(%arg20 : memref<!tpu.dma_semaphore, #tpu.memory_space<semaphore_mem>>)
      %mul3A_561 = arith.constant 6 : i32
      %mul3A_562 = arith.muli %scan3A_202, %mul3A_561 : i32
      %add3A_563 = arith.constant 4 : i32
      %add3A_564 = arith.addi %mul3A_562, %add3A_563 : i32
      %mul3A_565 = arith.constant 128 : i32
      %mul3A_566 = arith.muli %add3A_564, %mul3A_565 : i32
      %add3A_567 = arith.constant 10000 : i32
      %add3A_568 = arith.addi %add3A_567, %mul3A_566 : i32
      %gt3A_569 = arith.constant 0 : i32
      %gt3A_570 = arith.cmpi sgt, %scan3A_202, %gt3A_569 : i32
      %convert_element_type3A_571 = arith.extui %gt3A_570 : i1 to i32
      %cond3A_572 = arith.constant 0 : i32
      %cond3A_573 = arith.cmpi ne, %convert_element_type3A_571, %cond3A_572 : i32
      scf.if %cond3A_573 {
        %dma_wait3A_741 = tpu.memref_slice %arg5[%add3A_568] : memref<20000xf32, #tpu.memory_space<vmem>> -> memref<128xf32, #tpu.memory_space<vmem>>
        %dma_wait3A_742 = arith.constant 0 : i32
        %dma_wait3A_743 = tpu.memref_slice %arg15[%dma_wait3A_742] : memref<20000xf32, #tpu.memory_space<vmem_shared>> -> memref<20000xf32, #tpu.memory_space<vmem_shared>>
        tpu.wait_indirect_dma semaphore(%arg21 : memref<!tpu.dma_semaphore, #tpu.memory_space<semaphore_mem>>) src(%dma_wait3A_741 : memref<128xf32, #tpu.memory_space<vmem>>) dst(%dma_wait3A_743 : memref<20000xf32, #tpu.memory_space<vmem_shared>>)
      } else {
      }
      %mul3A_574 = arith.constant 128 : i32
      %mul3A_575 = arith.muli %add3A_564, %mul3A_574 : i32
      %add3A_576 = arith.constant 0 : i32
      %add3A_577 = arith.addi %mul3A_575, %add3A_576 : i32
      %get3A_578 = arith.index_cast %add3A_577 : i32 to index
      %get3A_579 = tpu.vector_load %arg7[%get3A_578] {strides = array<i32>} : memref<10000xi32, #tpu.memory_space<vmem>>, vector<16xi32>,
      %add3A_580 = arith.constant 10000 : i32
      %add3A_581 = vector.broadcast %add3A_580 : i32 to vector<16xi32>
      %add3A_582 = arith.addi %get3A_579, %add3A_581 : vector<16xi32>
      %swap3A_583 = arith.constant 0 : index
      %swap3A_584 = tpu.vector_load %arg12[%swap3A_583] {strides = array<i32>} : memref<128xi32, #tpu.memory_space<vmem>>, vector<16xi32>,
      tpu.vector_store %arg12[%swap3A_583], %add3A_582 {strides = array<i32>} : memref<128xi32, #tpu.memory_space<vmem>>, vector<16xi32>,
      %add3A_585 = arith.constant 16 : i32
      %add3A_586 = arith.addi %mul3A_575, %add3A_585 : i32
      %get3A_587 = arith.index_cast %add3A_586 : i32 to index
      %get3A_588 = tpu.vector_load %arg7[%get3A_587] {strides = array<i32>} : memref<10000xi32, #tpu.memory_space<vmem>>, vector<16xi32>,
      %add3A_589 = arith.constant 10000 : i32
      %add3A_590 = vector.broadcast %add3A_589 : i32 to vector<16xi32>
      %add3A_591 = arith.addi %get3A_588, %add3A_590 : vector<16xi32>
      %swap3A_592 = arith.constant 16 : index
      %swap3A_593 = tpu.vector_load %arg12[%swap3A_592] {strides = array<i32>} : memref<128xi32, #tpu.memory_space<vmem>>, vector<16xi32>,
      tpu.vector_store %arg12[%swap3A_592], %add3A_591 {strides = array<i32>} : memref<128xi32, #tpu.memory_space<vmem>>, vector<16xi32>,
      %add3A_594 = arith.constant 32 : i32
      %add3A_595 = arith.addi %mul3A_575, %add3A_594 : i32
      %get3A_596 = arith.index_cast %add3A_595 : i32 to index
      %get3A_597 = tpu.vector_load %arg7[%get3A_596] {strides = array<i32>} : memref<10000xi32, #tpu.memory_space<vmem>>, vector<16xi32>,
      %add3A_598 = arith.constant 10000 : i32
      %add3A_599 = vector.broadcast %add3A_598 : i32 to vector<16xi32>
      %add3A_600 = arith.addi %get3A_597, %add3A_599 : vector<16xi32>
      %swap3A_601 = arith.constant 32 : index
      %swap3A_602 = tpu.vector_load %arg12[%swap3A_601] {strides = array<i32>} : memref<128xi32, #tpu.memory_space<vmem>>, vector<16xi32>,
      tpu.vector_store %arg12[%swap3A_601], %add3A_600 {strides = array<i32>} : memref<128xi32, #tpu.memory_space<vmem>>, vector<16xi32>,
      %add3A_603 = arith.constant 48 : i32
      %add3A_604 = arith.addi %mul3A_575, %add3A_603 : i32
      %get3A_605 = arith.index_cast %add3A_604 : i32 to index
      %get3A_606 = tpu.vector_load %arg7[%get3A_605] {strides = array<i32>} : memref<10000xi32, #tpu.memory_space<vmem>>, vector<16xi32>,
      %add3A_607 = arith.constant 10000 : i32
      %add3A_608 = vector.broadcast %add3A_607 : i32 to vector<16xi32>
      %add3A_609 = arith.addi %get3A_606, %add3A_608 : vector<16xi32>
      %swap3A_610 = arith.constant 48 : index
      %swap3A_611 = tpu.vector_load %arg12[%swap3A_610] {strides = array<i32>} : memref<128xi32, #tpu.memory_space<vmem>>, vector<16xi32>,
      tpu.vector_store %arg12[%swap3A_610], %add3A_609 {strides = array<i32>} : memref<128xi32, #tpu.memory_space<vmem>>, vector<16xi32>,
      %add3A_612 = arith.constant 64 : i32
      %add3A_613 = arith.addi %mul3A_575, %add3A_612 : i32
      %get3A_614 = arith.index_cast %add3A_613 : i32 to index
      %get3A_615 = tpu.vector_load %arg7[%get3A_614] {strides = array<i32>} : memref<10000xi32, #tpu.memory_space<vmem>>, vector<16xi32>,
      %add3A_616 = arith.constant 10000 : i32
      %add3A_617 = vector.broadcast %add3A_616 : i32 to vector<16xi32>
      %add3A_618 = arith.addi %get3A_615, %add3A_617 : vector<16xi32>
      %swap3A_619 = arith.constant 64 : index
      %swap3A_620 = tpu.vector_load %arg12[%swap3A_619] {strides = array<i32>} : memref<128xi32, #tpu.memory_space<vmem>>, vector<16xi32>,
      tpu.vector_store %arg12[%swap3A_619], %add3A_618 {strides = array<i32>} : memref<128xi32, #tpu.memory_space<vmem>>, vector<16xi32>,
      %add3A_621 = arith.constant 80 : i32
      %add3A_622 = arith.addi %mul3A_575, %add3A_621 : i32
      %get3A_623 = arith.index_cast %add3A_622 : i32 to index
      %get3A_624 = tpu.vector_load %arg7[%get3A_623] {strides = array<i32>} : memref<10000xi32, #tpu.memory_space<vmem>>, vector<16xi32>,
      %add3A_625 = arith.constant 10000 : i32
      %add3A_626 = vector.broadcast %add3A_625 : i32 to vector<16xi32>
      %add3A_627 = arith.addi %get3A_624, %add3A_626 : vector<16xi32>
      %swap3A_628 = arith.constant 80 : index
      %swap3A_629 = tpu.vector_load %arg12[%swap3A_628] {strides = array<i32>} : memref<128xi32, #tpu.memory_space<vmem>>, vector<16xi32>,
      tpu.vector_store %arg12[%swap3A_628], %add3A_627 {strides = array<i32>} : memref<128xi32, #tpu.memory_space<vmem>>, vector<16xi32>,
      %add3A_630 = arith.constant 96 : i32
      %add3A_631 = arith.addi %mul3A_575, %add3A_630 : i32
      %get3A_632 = arith.index_cast %add3A_631 : i32 to index
      %get3A_633 = tpu.vector_load %arg7[%get3A_632] {strides = array<i32>} : memref<10000xi32, #tpu.memory_space<vmem>>, vector<16xi32>,
      %add3A_634 = arith.constant 10000 : i32
      %add3A_635 = vector.broadcast %add3A_634 : i32 to vector<16xi32>
      %add3A_636 = arith.addi %get3A_633, %add3A_635 : vector<16xi32>
      %swap3A_637 = arith.constant 96 : index
      %swap3A_638 = tpu.vector_load %arg12[%swap3A_637] {strides = array<i32>} : memref<128xi32, #tpu.memory_space<vmem>>, vector<16xi32>,
      tpu.vector_store %arg12[%swap3A_637], %add3A_636 {strides = array<i32>} : memref<128xi32, #tpu.memory_space<vmem>>, vector<16xi32>,
      %add3A_639 = arith.constant 112 : i32
      %add3A_640 = arith.addi %mul3A_575, %add3A_639 : i32
      %get3A_641 = arith.index_cast %add3A_640 : i32 to index
      %get3A_642 = tpu.vector_load %arg7[%get3A_641] {strides = array<i32>} : memref<10000xi32, #tpu.memory_space<vmem>>, vector<16xi32>,
      %add3A_643 = arith.constant 10000 : i32
      %add3A_644 = vector.broadcast %add3A_643 : i32 to vector<16xi32>
      %add3A_645 = arith.addi %get3A_642, %add3A_644 : vector<16xi32>
      %swap3A_646 = arith.constant 112 : index
      %swap3A_647 = tpu.vector_load %arg12[%swap3A_646] {strides = array<i32>} : memref<128xi32, #tpu.memory_space<vmem>>, vector<16xi32>,
      tpu.vector_store %arg12[%swap3A_646], %add3A_645 {strides = array<i32>} : memref<128xi32, #tpu.memory_space<vmem>>, vector<16xi32>,
      %dma_start3A_648 = tpu.memref_slice %arg5[%add3A_568] : memref<20000xf32, #tpu.memory_space<vmem>> -> memref<128xf32, #tpu.memory_space<vmem>>
      %dma_start3A_649 = arith.constant 0 : i32
      %dma_start3A_650 = tpu.memref_slice %arg15[%dma_start3A_649] : memref<20000xf32, #tpu.memory_space<vmem_shared>> -> memref<20000xf32, #tpu.memory_space<vmem_shared>>
      tpu.enqueue_indirect_dma source(%dma_start3A_648 : memref<128xf32, #tpu.memory_space<vmem>>) target(%dma_start3A_650 : memref<20000xf32, #tpu.memory_space<vmem_shared>>) offsets(%arg12 : memref<128xi32, #tpu.memory_space<vmem>>) semaphore(%arg21 : memref<!tpu.dma_semaphore, #tpu.memory_space<semaphore_mem>>)
      %mul3A_651 = arith.constant 6 : i32
      %mul3A_652 = arith.muli %scan3A_202, %mul3A_651 : i32
      %add3A_653 = arith.constant 5 : i32
      %add3A_654 = arith.addi %mul3A_652, %add3A_653 : i32
      %mul3A_655 = arith.constant 128 : i32
      %mul3A_656 = arith.muli %add3A_654, %mul3A_655 : i32
      %add3A_657 = arith.constant 10000 : i32
      %add3A_658 = arith.addi %add3A_657, %mul3A_656 : i32
      %gt3A_659 = arith.constant 0 : i32
      %gt3A_660 = arith.cmpi sgt, %scan3A_202, %gt3A_659 : i32
      %convert_element_type3A_661 = arith.extui %gt3A_660 : i1 to i32
      %cond3A_662 = arith.constant 0 : i32
      %cond3A_663 = arith.cmpi ne, %convert_element_type3A_661, %cond3A_662 : i32
      scf.if %cond3A_663 {
        %dma_wait3A_741 = tpu.memref_slice %arg5[%add3A_658] : memref<20000xf32, #tpu.memory_space<vmem>> -> memref<128xf32, #tpu.memory_space<vmem>>
        %dma_wait3A_742 = arith.constant 0 : i32
        %dma_wait3A_743 = tpu.memref_slice %arg15[%dma_wait3A_742] : memref<20000xf32, #tpu.memory_space<vmem_shared>> -> memref<20000xf32, #tpu.memory_space<vmem_shared>>
        tpu.wait_indirect_dma semaphore(%arg22 : memref<!tpu.dma_semaphore, #tpu.memory_space<semaphore_mem>>) src(%dma_wait3A_741 : memref<128xf32, #tpu.memory_space<vmem>>) dst(%dma_wait3A_743 : memref<20000xf32, #tpu.memory_space<vmem_shared>>)
      } else {
      }
      %mul3A_664 = arith.constant 128 : i32
      %mul3A_665 = arith.muli %add3A_654, %mul3A_664 : i32
      %add3A_666 = arith.constant 0 : i32
      %add3A_667 = arith.addi %mul3A_665, %add3A_666 : i32
      %get3A_668 = arith.index_cast %add3A_667 : i32 to index
      %get3A_669 = tpu.vector_load %arg7[%get3A_668] {strides = array<i32>} : memref<10000xi32, #tpu.memory_space<vmem>>, vector<16xi32>,
      %add3A_670 = arith.constant 10000 : i32
      %add3A_671 = vector.broadcast %add3A_670 : i32 to vector<16xi32>
      %add3A_672 = arith.addi %get3A_669, %add3A_671 : vector<16xi32>
      %swap3A_673 = arith.constant 0 : index
      %swap3A_674 = tpu.vector_load %arg13[%swap3A_673] {strides = array<i32>} : memref<128xi32, #tpu.memory_space<vmem>>, vector<16xi32>,
      tpu.vector_store %arg13[%swap3A_673], %add3A_672 {strides = array<i32>} : memref<128xi32, #tpu.memory_space<vmem>>, vector<16xi32>,
      %add3A_675 = arith.constant 16 : i32
      %add3A_676 = arith.addi %mul3A_665, %add3A_675 : i32
      %get3A_677 = arith.index_cast %add3A_676 : i32 to index
      %get3A_678 = tpu.vector_load %arg7[%get3A_677] {strides = array<i32>} : memref<10000xi32, #tpu.memory_space<vmem>>, vector<16xi32>,
      %add3A_679 = arith.constant 10000 : i32
      %add3A_680 = vector.broadcast %add3A_679 : i32 to vector<16xi32>
      %add3A_681 = arith.addi %get3A_678, %add3A_680 : vector<16xi32>
      %swap3A_682 = arith.constant 16 : index
      %swap3A_683 = tpu.vector_load %arg13[%swap3A_682] {strides = array<i32>} : memref<128xi32, #tpu.memory_space<vmem>>, vector<16xi32>,
      tpu.vector_store %arg13[%swap3A_682], %add3A_681 {strides = array<i32>} : memref<128xi32, #tpu.memory_space<vmem>>, vector<16xi32>,
      %add3A_684 = arith.constant 32 : i32
      %add3A_685 = arith.addi %mul3A_665, %add3A_684 : i32
      %get3A_686 = arith.index_cast %add3A_685 : i32 to index
      %get3A_687 = tpu.vector_load %arg7[%get3A_686] {strides = array<i32>} : memref<10000xi32, #tpu.memory_space<vmem>>, vector<16xi32>,
      %add3A_688 = arith.constant 10000 : i32
      %add3A_689 = vector.broadcast %add3A_688 : i32 to vector<16xi32>
      %add3A_690 = arith.addi %get3A_687, %add3A_689 : vector<16xi32>
      %swap3A_691 = arith.constant 32 : index
      %swap3A_692 = tpu.vector_load %arg13[%swap3A_691] {strides = array<i32>} : memref<128xi32, #tpu.memory_space<vmem>>, vector<16xi32>,
      tpu.vector_store %arg13[%swap3A_691], %add3A_690 {strides = array<i32>} : memref<128xi32, #tpu.memory_space<vmem>>, vector<16xi32>,
      %add3A_693 = arith.constant 48 : i32
      %add3A_694 = arith.addi %mul3A_665, %add3A_693 : i32
      %get3A_695 = arith.index_cast %add3A_694 : i32 to index
      %get3A_696 = tpu.vector_load %arg7[%get3A_695] {strides = array<i32>} : memref<10000xi32, #tpu.memory_space<vmem>>, vector<16xi32>,
      %add3A_697 = arith.constant 10000 : i32
      %add3A_698 = vector.broadcast %add3A_697 : i32 to vector<16xi32>
      %add3A_699 = arith.addi %get3A_696, %add3A_698 : vector<16xi32>
      %swap3A_700 = arith.constant 48 : index
      %swap3A_701 = tpu.vector_load %arg13[%swap3A_700] {strides = array<i32>} : memref<128xi32, #tpu.memory_space<vmem>>, vector<16xi32>,
      tpu.vector_store %arg13[%swap3A_700], %add3A_699 {strides = array<i32>} : memref<128xi32, #tpu.memory_space<vmem>>, vector<16xi32>,
      %add3A_702 = arith.constant 64 : i32
      %add3A_703 = arith.addi %mul3A_665, %add3A_702 : i32
      %get3A_704 = arith.index_cast %add3A_703 : i32 to index
      %get3A_705 = tpu.vector_load %arg7[%get3A_704] {strides = array<i32>} : memref<10000xi32, #tpu.memory_space<vmem>>, vector<16xi32>,
      %add3A_706 = arith.constant 10000 : i32
      %add3A_707 = vector.broadcast %add3A_706 : i32 to vector<16xi32>
      %add3A_708 = arith.addi %get3A_705, %add3A_707 : vector<16xi32>
      %swap3A_709 = arith.constant 64 : index
      %swap3A_710 = tpu.vector_load %arg13[%swap3A_709] {strides = array<i32>} : memref<128xi32, #tpu.memory_space<vmem>>, vector<16xi32>,
      tpu.vector_store %arg13[%swap3A_709], %add3A_708 {strides = array<i32>} : memref<128xi32, #tpu.memory_space<vmem>>, vector<16xi32>,
      %add3A_711 = arith.constant 80 : i32
      %add3A_712 = arith.addi %mul3A_665, %add3A_711 : i32
      %get3A_713 = arith.index_cast %add3A_712 : i32 to index
      %get3A_714 = tpu.vector_load %arg7[%get3A_713] {strides = array<i32>} : memref<10000xi32, #tpu.memory_space<vmem>>, vector<16xi32>,
      %add3A_715 = arith.constant 10000 : i32
      %add3A_716 = vector.broadcast %add3A_715 : i32 to vector<16xi32>
      %add3A_717 = arith.addi %get3A_714, %add3A_716 : vector<16xi32>
      %swap3A_718 = arith.constant 80 : index
      %swap3A_719 = tpu.vector_load %arg13[%swap3A_718] {strides = array<i32>} : memref<128xi32, #tpu.memory_space<vmem>>, vector<16xi32>,
      tpu.vector_store %arg13[%swap3A_718], %add3A_717 {strides = array<i32>} : memref<128xi32, #tpu.memory_space<vmem>>, vector<16xi32>,
      %add3A_720 = arith.constant 96 : i32
      %add3A_721 = arith.addi %mul3A_665, %add3A_720 : i32
      %get3A_722 = arith.index_cast %add3A_721 : i32 to index
      %get3A_723 = tpu.vector_load %arg7[%get3A_722] {strides = array<i32>} : memref<10000xi32, #tpu.memory_space<vmem>>, vector<16xi32>,
      %add3A_724 = arith.constant 10000 : i32
      %add3A_725 = vector.broadcast %add3A_724 : i32 to vector<16xi32>
      %add3A_726 = arith.addi %get3A_723, %add3A_725 : vector<16xi32>
      %swap3A_727 = arith.constant 96 : index
      %swap3A_728 = tpu.vector_load %arg13[%swap3A_727] {strides = array<i32>} : memref<128xi32, #tpu.memory_space<vmem>>, vector<16xi32>,
      tpu.vector_store %arg13[%swap3A_727], %add3A_726 {strides = array<i32>} : memref<128xi32, #tpu.memory_space<vmem>>, vector<16xi32>,
      %add3A_729 = arith.constant 112 : i32
      %add3A_730 = arith.addi %mul3A_665, %add3A_729 : i32
      %get3A_731 = arith.index_cast %add3A_730 : i32 to index
      %get3A_732 = tpu.vector_load %arg7[%get3A_731] {strides = array<i32>} : memref<10000xi32, #tpu.memory_space<vmem>>, vector<16xi32>,
      %add3A_733 = arith.constant 10000 : i32
      %add3A_734 = vector.broadcast %add3A_733 : i32 to vector<16xi32>
      %add3A_735 = arith.addi %get3A_732, %add3A_734 : vector<16xi32>
      %swap3A_736 = arith.constant 112 : index
      %swap3A_737 = tpu.vector_load %arg13[%swap3A_736] {strides = array<i32>} : memref<128xi32, #tpu.memory_space<vmem>>, vector<16xi32>,
      tpu.vector_store %arg13[%swap3A_736], %add3A_735 {strides = array<i32>} : memref<128xi32, #tpu.memory_space<vmem>>, vector<16xi32>,
      %dma_start3A_738 = tpu.memref_slice %arg5[%add3A_658] : memref<20000xf32, #tpu.memory_space<vmem>> -> memref<128xf32, #tpu.memory_space<vmem>>
      %dma_start3A_739 = arith.constant 0 : i32
      %dma_start3A_740 = tpu.memref_slice %arg15[%dma_start3A_739] : memref<20000xf32, #tpu.memory_space<vmem_shared>> -> memref<20000xf32, #tpu.memory_space<vmem_shared>>
      tpu.enqueue_indirect_dma source(%dma_start3A_738 : memref<128xf32, #tpu.memory_space<vmem>>) target(%dma_start3A_740 : memref<20000xf32, #tpu.memory_space<vmem_shared>>) offsets(%arg13 : memref<128xi32, #tpu.memory_space<vmem>>) semaphore(%arg22 : memref<!tpu.dma_semaphore, #tpu.memory_space<semaphore_mem>>)
    }
    %scan3A_61 = arith.constant 13 : i32
    %dma_wait3A_62 = arith.constant 19216 : i32
    %dma_wait3A_63 = tpu.memref_slice %arg5[%dma_wait3A_62] : memref<20000xf32, #tpu.memory_space<vmem>> -> memref<128xf32, #tpu.memory_space<vmem>>
    %dma_wait3A_64 = arith.constant 0 : i32
    %dma_wait3A_65 = tpu.memref_slice %arg15[%dma_wait3A_64] : memref<20000xf32, #tpu.memory_space<vmem_shared>> -> memref<20000xf32, #tpu.memory_space<vmem_shared>>
    tpu.wait_indirect_dma semaphore(%arg17 : memref<!tpu.dma_semaphore, #tpu.memory_space<semaphore_mem>>) src(%dma_wait3A_63 : memref<128xf32, #tpu.memory_space<vmem>>) dst(%dma_wait3A_65 : memref<20000xf32, #tpu.memory_space<vmem_shared>>)
    %dma_wait3A_66 = arith.constant 19344 : i32
    %dma_wait3A_67 = tpu.memref_slice %arg5[%dma_wait3A_66] : memref<20000xf32, #tpu.memory_space<vmem>> -> memref<128xf32, #tpu.memory_space<vmem>>
    %dma_wait3A_68 = arith.constant 0 : i32
    %dma_wait3A_69 = tpu.memref_slice %arg15[%dma_wait3A_68] : memref<20000xf32, #tpu.memory_space<vmem_shared>> -> memref<20000xf32, #tpu.memory_space<vmem_shared>>
    tpu.wait_indirect_dma semaphore(%arg18 : memref<!tpu.dma_semaphore, #tpu.memory_space<semaphore_mem>>) src(%dma_wait3A_67 : memref<128xf32, #tpu.memory_space<vmem>>) dst(%dma_wait3A_69 : memref<20000xf32, #tpu.memory_space<vmem_shared>>)
    %dma_wait3A_70 = arith.constant 19472 : i32
    %dma_wait3A_71 = tpu.memref_slice %arg5[%dma_wait3A_70] : memref<20000xf32, #tpu.memory_space<vmem>> -> memref<128xf32, #tpu.memory_space<vmem>>
    %dma_wait3A_72 = arith.constant 0 : i32
    %dma_wait3A_73 = tpu.memref_slice %arg15[%dma_wait3A_72] : memref<20000xf32, #tpu.memory_space<vmem_shared>> -> memref<20000xf32, #tpu.memory_space<vmem_shared>>
    tpu.wait_indirect_dma semaphore(%arg19 : memref<!tpu.dma_semaphore, #tpu.memory_space<semaphore_mem>>) src(%dma_wait3A_71 : memref<128xf32, #tpu.memory_space<vmem>>) dst(%dma_wait3A_73 : memref<20000xf32, #tpu.memory_space<vmem_shared>>)
    %dma_wait3A_74 = arith.constant 19600 : i32
    %dma_wait3A_75 = tpu.memref_slice %arg5[%dma_wait3A_74] : memref<20000xf32, #tpu.memory_space<vmem>> -> memref<128xf32, #tpu.memory_space<vmem>>
    %dma_wait3A_76 = arith.constant 0 : i32
    %dma_wait3A_77 = tpu.memref_slice %arg15[%dma_wait3A_76] : memref<20000xf32, #tpu.memory_space<vmem_shared>> -> memref<20000xf32, #tpu.memory_space<vmem_shared>>
    tpu.wait_indirect_dma semaphore(%arg20 : memref<!tpu.dma_semaphore, #tpu.memory_space<semaphore_mem>>) src(%dma_wait3A_75 : memref<128xf32, #tpu.memory_space<vmem>>) dst(%dma_wait3A_77 : memref<20000xf32, #tpu.memory_space<vmem_shared>>)
    %dma_wait3A_78 = arith.constant 19728 : i32
    %dma_wait3A_79 = tpu.memref_slice %arg5[%dma_wait3A_78] : memref<20000xf32, #tpu.memory_space<vmem>> -> memref<128xf32, #tpu.memory_space<vmem>>
    %dma_wait3A_80 = arith.constant 0 : i32
    %dma_wait3A_81 = tpu.memref_slice %arg15[%dma_wait3A_80] : memref<20000xf32, #tpu.memory_space<vmem_shared>> -> memref<20000xf32, #tpu.memory_space<vmem_shared>>
    tpu.wait_indirect_dma semaphore(%arg21 : memref<!tpu.dma_semaphore, #tpu.memory_space<semaphore_mem>>) src(%dma_wait3A_79 : memref<128xf32, #tpu.memory_space<vmem>>) dst(%dma_wait3A_81 : memref<20000xf32, #tpu.memory_space<vmem_shared>>)
    %dma_wait3A_82 = arith.constant 19856 : i32
    %dma_wait3A_83 = tpu.memref_slice %arg5[%dma_wait3A_82] : memref<20000xf32, #tpu.memory_space<vmem>> -> memref<128xf32, #tpu.memory_space<vmem>>
    %dma_wait3A_84 = arith.constant 0 : i32
    %dma_wait3A_85 = tpu.memref_slice %arg15[%dma_wait3A_84] : memref<20000xf32, #tpu.memory_space<vmem_shared>> -> memref<20000xf32, #tpu.memory_space<vmem_shared>>
    tpu.wait_indirect_dma semaphore(%arg22 : memref<!tpu.dma_semaphore, #tpu.memory_space<semaphore_mem>>) src(%dma_wait3A_83 : memref<128xf32, #tpu.memory_space<vmem>>) dst(%dma_wait3A_85 : memref<20000xf32, #tpu.memory_space<vmem_shared>>)
    %get3A_86 = arith.constant 9984 : index
    %get3A_87 = tpu.vector_load %arg7[%get3A_86] {strides = array<i32>} : memref<10000xi32, #tpu.memory_space<vmem>>, vector<16xi32>,
    %add3A_88 = arith.constant 10000 : i32
    %add3A_89 = vector.broadcast %add3A_88 : i32 to vector<16xi32>
    %add3A_90 = arith.addi %get3A_87, %add3A_89 : vector<16xi32>
    %swap3A_91 = arith.constant 0 : index
    %swap3A_92 = tpu.vector_load %arg14[%swap3A_91] {strides = array<i32>} : memref<16xi32, #tpu.memory_space<vmem>>, vector<16xi32>,
    tpu.vector_store %arg14[%swap3A_91], %add3A_90 {strides = array<i32>} : memref<16xi32, #tpu.memory_space<vmem>>, vector<16xi32>,
    "tpu.region"() ({
      %run_scoped3A = tpu.sem_alloc : memref<!tpu.dma_semaphore, #tpu.memory_space<semaphore_mem>>
      %dma_start3A = arith.constant 19984 : i32
      %dma_start3A_202 = tpu.memref_slice %arg5[%dma_start3A] : memref<20000xf32, #tpu.memory_space<vmem>> -> memref<16xf32, #tpu.memory_space<vmem>>
      %dma_start3A_203 = arith.constant 0 : i32
      %dma_start3A_204 = tpu.memref_slice %arg15[%dma_start3A_203] : memref<20000xf32, #tpu.memory_space<vmem_shared>> -> memref<20000xf32, #tpu.memory_space<vmem_shared>>
      tpu.enqueue_indirect_dma source(%dma_start3A_202 : memref<16xf32, #tpu.memory_space<vmem>>) target(%dma_start3A_204 : memref<20000xf32, #tpu.memory_space<vmem_shared>>) offsets(%arg14 : memref<16xi32, #tpu.memory_space<vmem>>) semaphore(%run_scoped3A : memref<!tpu.dma_semaphore, #tpu.memory_space<semaphore_mem>>)
      %dma_wait3A_205 = arith.constant 19984 : i32
      %dma_wait3A_206 = tpu.memref_slice %arg5[%dma_wait3A_205] : memref<20000xf32, #tpu.memory_space<vmem>> -> memref<16xf32, #tpu.memory_space<vmem>>
      %dma_wait3A_207 = arith.constant 0 : i32
      %dma_wait3A_208 = tpu.memref_slice %arg15[%dma_wait3A_207] : memref<20000xf32, #tpu.memory_space<vmem_shared>> -> memref<20000xf32, #tpu.memory_space<vmem_shared>>
      tpu.wait_indirect_dma semaphore(%run_scoped3A : memref<!tpu.dma_semaphore, #tpu.memory_space<semaphore_mem>>) src(%dma_wait3A_206 : memref<16xf32, #tpu.memory_space<vmem>>) dst(%dma_wait3A_208 : memref<20000xf32, #tpu.memory_space<vmem_shared>>)
      tpu.yield
    }) : () -> ()
    %barrier3A = arith.constant 0 : index
    tpu.barrier barrier_id(%barrier3A)
    "tpu.region"() ({
      %run_scoped3A = tpu.sem_alloc : memref<!tpu.dma_semaphore, #tpu.memory_space<semaphore_mem>>
      tpu.enqueue_dma source(%arg15 : memref<20000xf32, #tpu.memory_space<vmem_shared>>) target(%arg6 : memref<20000xf32, #tpu.memory_space<vmem>>) target_semaphore(%run_scoped3A : memref<!tpu.dma_semaphore, #tpu.memory_space<semaphore_mem>>)
      tpu.wait_dma2 semaphore(%run_scoped3A : memref<!tpu.dma_semaphore, #tpu.memory_space<semaphore_mem>>) src(%arg15 : memref<20000xf32, #tpu.memory_space<vmem_shared>>) dst(%arg6 : memref<20000xf32, #tpu.memory_space<vmem>>)
      tpu.yield
    }) : () -> ()
    %scan3A_93 = arith.constant 0 : i32
    %scan3A_94 = arith.constant 0 : i32
    %scan3A_95 = arith.constant 625 : i32
    %scan3A_96 = arith.addi %scan3A_94, %scan3A_95 : i32
    %scan3A_97 = arith.constant 1 : i32
    scf.for %scan3A_202 = %scan3A_94 to %scan3A_96 step %scan3A_97  : i32 {
      %mul3A_203 = arith.constant 16 : i32
      %mul3A_204 = arith.muli %scan3A_202, %mul3A_203 : i32
      %get3A_205 = arith.index_cast %mul3A_204 : i32 to index
      %get3A_206 = tpu.vector_load %arg7[%get3A_205] {strides = array<i32>} : memref<10000xi32, #tpu.memory_space<vmem>>, vector<16xi32>,
      %add3A_207 = arith.constant 0 : i32
      %add3A_208 = vector.broadcast %add3A_207 : i32 to vector<16xi32>
      %add3A_209 = arith.addi %get3A_206, %add3A_208 : vector<16xi32>
      %gather3A = tpu.vector_load_idx %arg6[%add3A_209] : memref<20000xf32, #tpu.memory_space<vmem>>[vector<16xi32>], vector<16xf32>,
      %mul3A_210 = arith.constant 16 : i32
      %mul3A_211 = arith.muli %scan3A_202, %mul3A_210 : i32
      %add3A_212 = arith.constant 0 : i32
      %add3A_213 = arith.addi %add3A_212, %mul3A_211 : i32
      %get3A_214 = arith.index_cast %add3A_213 : i32 to index
      %get3A_215 = tpu.vector_load %arg5[%get3A_214] {strides = array<i32>} : memref<20000xf32, #tpu.memory_space<vmem>>, vector<16xf32>,
      %sub3A = arith.subf %get3A_215, %gather3A : vector<16xf32>
      %exp3A = math.exp %sub3A : vector<16xf32>
      %mul3A_216 = arith.constant 16 : i32
      %mul3A_217 = arith.muli %scan3A_202, %mul3A_216 : i32
      %add3A_218 = arith.constant 0 : i32
      %add3A_219 = arith.addi %add3A_218, %mul3A_217 : i32
      %swap3A_220 = arith.index_cast %add3A_219 : i32 to index
      %swap3A_221 = tpu.vector_load %arg5[%swap3A_220] {strides = array<i32>} : memref<20000xf32, #tpu.memory_space<vmem>>, vector<16xf32>,
      tpu.vector_store %arg5[%swap3A_220], %exp3A {strides = array<i32>} : memref<20000xf32, #tpu.memory_space<vmem>>, vector<16xf32>,
    }
    %scan3A_98 = arith.constant 625 : i32
    %scan3A_99 = arith.constant 0 : i32
    %scan3A_100 = arith.constant 0 : i32
    %scan3A_101 = arith.constant 625 : i32
    %scan3A_102 = arith.addi %scan3A_100, %scan3A_101 : i32
    %scan3A_103 = arith.constant 1 : i32
    scf.for %scan3A_202 = %scan3A_100 to %scan3A_102 step %scan3A_103  : i32 {
      %mul3A_203 = arith.constant 16 : i32
      %mul3A_204 = arith.muli %scan3A_202, %mul3A_203 : i32
      %get3A_205 = arith.index_cast %mul3A_204 : i32 to index
      %get3A_206 = tpu.vector_load %arg7[%get3A_205] {strides = array<i32>} : memref<10000xi32, #tpu.memory_space<vmem>>, vector<16xi32>,
      %add3A_207 = arith.constant 10000 : i32
      %add3A_208 = vector.broadcast %add3A_207 : i32 to vector<16xi32>
      %add3A_209 = arith.addi %get3A_206, %add3A_208 : vector<16xi32>
      %gather3A = tpu.vector_load_idx %arg6[%add3A_209] : memref<20000xf32, #tpu.memory_space<vmem>>[vector<16xi32>], vector<16xf32>,
      %mul3A_210 = arith.constant 16 : i32
      %mul3A_211 = arith.muli %scan3A_202, %mul3A_210 : i32
      %add3A_212 = arith.constant 10000 : i32
      %add3A_213 = arith.addi %add3A_212, %mul3A_211 : i32
      %get3A_214 = arith.index_cast %add3A_213 : i32 to index
      %get3A_215 = tpu.vector_load %arg5[%get3A_214] {strides = array<i32>} : memref<20000xf32, #tpu.memory_space<vmem>>, vector<16xf32>,
      %sub3A = arith.subf %get3A_215, %gather3A : vector<16xf32>
      %exp3A = math.exp %sub3A : vector<16xf32>
      %mul3A_216 = arith.constant 16 : i32
      %mul3A_217 = arith.muli %scan3A_202, %mul3A_216 : i32
      %add3A_218 = arith.constant 10000 : i32
      %add3A_219 = arith.addi %add3A_218, %mul3A_217 : i32
      %swap3A_220 = arith.index_cast %add3A_219 : i32 to index
      %swap3A_221 = tpu.vector_load %arg5[%swap3A_220] {strides = array<i32>} : memref<20000xf32, #tpu.memory_space<vmem>>, vector<16xf32>,
      tpu.vector_store %arg5[%swap3A_220], %exp3A {strides = array<i32>} : memref<20000xf32, #tpu.memory_space<vmem>>, vector<16xf32>,
    }
    %scan3A_104 = arith.constant 625 : i32
    %scan3A_105 = arith.constant 0 : i32
    %scan3A_106 = arith.constant 0 : i32
    %scan3A_107 = arith.constant 13 : i32
    %scan3A_108 = arith.addi %scan3A_106, %scan3A_107 : i32
    %scan3A_109 = arith.constant 1 : i32
    scf.for %scan3A_202 = %scan3A_106 to %scan3A_108 step %scan3A_109  : i32 {
      %mul3A_203 = arith.constant 6 : i32
      %mul3A_204 = arith.muli %scan3A_202, %mul3A_203 : i32
      %add3A_205 = arith.constant 0 : i32
      %add3A_206 = arith.addi %mul3A_204, %add3A_205 : i32
      %mul3A_207 = arith.constant 128 : i32
      %mul3A_208 = arith.muli %add3A_206, %mul3A_207 : i32
      %add3A_209 = arith.constant 0 : i32
      %add3A_210 = arith.addi %add3A_209, %mul3A_208 : i32
      %gt3A = arith.constant 0 : i32
      %gt3A_211 = arith.cmpi sgt, %scan3A_202, %gt3A : i32
      %convert_element_type3A_212 = arith.extui %gt3A_211 : i1 to i32
      %cond3A_213 = arith.constant 0 : i32
      %cond3A_214 = arith.cmpi ne, %convert_element_type3A_212, %cond3A_213 : i32
      scf.if %cond3A_214 {
        %dma_wait3A_741 = tpu.memref_slice %arg5[%add3A_210] : memref<20000xf32, #tpu.memory_space<vmem>> -> memref<128xf32, #tpu.memory_space<vmem>>
        %dma_wait3A_742 = arith.constant 0 : i32
        %dma_wait3A_743 = tpu.memref_slice %arg16[%dma_wait3A_742] : memref<20000xf32, #tpu.memory_space<vmem_shared>> -> memref<20000xf32, #tpu.memory_space<vmem_shared>>
        tpu.wait_indirect_dma semaphore(%arg17 : memref<!tpu.dma_semaphore, #tpu.memory_space<semaphore_mem>>) src(%dma_wait3A_741 : memref<128xf32, #tpu.memory_space<vmem>>) dst(%dma_wait3A_743 : memref<20000xf32, #tpu.memory_space<vmem_shared>>)
      } else {
      }
      %mul3A_215 = arith.constant 128 : i32
      %mul3A_216 = arith.muli %add3A_206, %mul3A_215 : i32
      %add3A_217 = arith.constant 0 : i32
      %add3A_218 = arith.addi %mul3A_216, %add3A_217 : i32
      %get3A_219 = arith.index_cast %add3A_218 : i32 to index
      %get3A_220 = tpu.vector_load %arg7[%get3A_219] {strides = array<i32>} : memref<10000xi32, #tpu.memory_space<vmem>>, vector<16xi32>,
      %add3A_221 = arith.constant 0 : i32
      %add3A_222 = vector.broadcast %add3A_221 : i32 to vector<16xi32>
      %add3A_223 = arith.addi %get3A_220, %add3A_222 : vector<16xi32>
      %swap3A_224 = arith.constant 0 : index
      %swap3A_225 = tpu.vector_load %arg8[%swap3A_224] {strides = array<i32>} : memref<128xi32, #tpu.memory_space<vmem>>, vector<16xi32>,
      tpu.vector_store %arg8[%swap3A_224], %add3A_223 {strides = array<i32>} : memref<128xi32, #tpu.memory_space<vmem>>, vector<16xi32>,
      %add3A_226 = arith.constant 16 : i32
      %add3A_227 = arith.addi %mul3A_216, %add3A_226 : i32
      %get3A_228 = arith.index_cast %add3A_227 : i32 to index
      %get3A_229 = tpu.vector_load %arg7[%get3A_228] {strides = array<i32>} : memref<10000xi32, #tpu.memory_space<vmem>>, vector<16xi32>,
      %add3A_230 = arith.constant 0 : i32
      %add3A_231 = vector.broadcast %add3A_230 : i32 to vector<16xi32>
      %add3A_232 = arith.addi %get3A_229, %add3A_231 : vector<16xi32>
      %swap3A_233 = arith.constant 16 : index
      %swap3A_234 = tpu.vector_load %arg8[%swap3A_233] {strides = array<i32>} : memref<128xi32, #tpu.memory_space<vmem>>, vector<16xi32>,
      tpu.vector_store %arg8[%swap3A_233], %add3A_232 {strides = array<i32>} : memref<128xi32, #tpu.memory_space<vmem>>, vector<16xi32>,
      %add3A_235 = arith.constant 32 : i32
      %add3A_236 = arith.addi %mul3A_216, %add3A_235 : i32
      %get3A_237 = arith.index_cast %add3A_236 : i32 to index
      %get3A_238 = tpu.vector_load %arg7[%get3A_237] {strides = array<i32>} : memref<10000xi32, #tpu.memory_space<vmem>>, vector<16xi32>,
      %add3A_239 = arith.constant 0 : i32
      %add3A_240 = vector.broadcast %add3A_239 : i32 to vector<16xi32>
      %add3A_241 = arith.addi %get3A_238, %add3A_240 : vector<16xi32>
      %swap3A_242 = arith.constant 32 : index
      %swap3A_243 = tpu.vector_load %arg8[%swap3A_242] {strides = array<i32>} : memref<128xi32, #tpu.memory_space<vmem>>, vector<16xi32>,
      tpu.vector_store %arg8[%swap3A_242], %add3A_241 {strides = array<i32>} : memref<128xi32, #tpu.memory_space<vmem>>, vector<16xi32>,
      %add3A_244 = arith.constant 48 : i32
      %add3A_245 = arith.addi %mul3A_216, %add3A_244 : i32
      %get3A_246 = arith.index_cast %add3A_245 : i32 to index
      %get3A_247 = tpu.vector_load %arg7[%get3A_246] {strides = array<i32>} : memref<10000xi32, #tpu.memory_space<vmem>>, vector<16xi32>,
      %add3A_248 = arith.constant 0 : i32
      %add3A_249 = vector.broadcast %add3A_248 : i32 to vector<16xi32>
      %add3A_250 = arith.addi %get3A_247, %add3A_249 : vector<16xi32>
      %swap3A_251 = arith.constant 48 : index
      %swap3A_252 = tpu.vector_load %arg8[%swap3A_251] {strides = array<i32>} : memref<128xi32, #tpu.memory_space<vmem>>, vector<16xi32>,
      tpu.vector_store %arg8[%swap3A_251], %add3A_250 {strides = array<i32>} : memref<128xi32, #tpu.memory_space<vmem>>, vector<16xi32>,
      %add3A_253 = arith.constant 64 : i32
      %add3A_254 = arith.addi %mul3A_216, %add3A_253 : i32
      %get3A_255 = arith.index_cast %add3A_254 : i32 to index
      %get3A_256 = tpu.vector_load %arg7[%get3A_255] {strides = array<i32>} : memref<10000xi32, #tpu.memory_space<vmem>>, vector<16xi32>,
      %add3A_257 = arith.constant 0 : i32
      %add3A_258 = vector.broadcast %add3A_257 : i32 to vector<16xi32>
      %add3A_259 = arith.addi %get3A_256, %add3A_258 : vector<16xi32>
      %swap3A_260 = arith.constant 64 : index
      %swap3A_261 = tpu.vector_load %arg8[%swap3A_260] {strides = array<i32>} : memref<128xi32, #tpu.memory_space<vmem>>, vector<16xi32>,
      tpu.vector_store %arg8[%swap3A_260], %add3A_259 {strides = array<i32>} : memref<128xi32, #tpu.memory_space<vmem>>, vector<16xi32>,
      %add3A_262 = arith.constant 80 : i32
      %add3A_263 = arith.addi %mul3A_216, %add3A_262 : i32
      %get3A_264 = arith.index_cast %add3A_263 : i32 to index
      %get3A_265 = tpu.vector_load %arg7[%get3A_264] {strides = array<i32>} : memref<10000xi32, #tpu.memory_space<vmem>>, vector<16xi32>,
      %add3A_266 = arith.constant 0 : i32
      %add3A_267 = vector.broadcast %add3A_266 : i32 to vector<16xi32>
      %add3A_268 = arith.addi %get3A_265, %add3A_267 : vector<16xi32>
      %swap3A_269 = arith.constant 80 : index
      %swap3A_270 = tpu.vector_load %arg8[%swap3A_269] {strides = array<i32>} : memref<128xi32, #tpu.memory_space<vmem>>, vector<16xi32>,
      tpu.vector_store %arg8[%swap3A_269], %add3A_268 {strides = array<i32>} : memref<128xi32, #tpu.memory_space<vmem>>, vector<16xi32>,
      %add3A_271 = arith.constant 96 : i32
      %add3A_272 = arith.addi %mul3A_216, %add3A_271 : i32
      %get3A_273 = arith.index_cast %add3A_272 : i32 to index
      %get3A_274 = tpu.vector_load %arg7[%get3A_273] {strides = array<i32>} : memref<10000xi32, #tpu.memory_space<vmem>>, vector<16xi32>,
      %add3A_275 = arith.constant 0 : i32
      %add3A_276 = vector.broadcast %add3A_275 : i32 to vector<16xi32>
      %add3A_277 = arith.addi %get3A_274, %add3A_276 : vector<16xi32>
      %swap3A_278 = arith.constant 96 : index
      %swap3A_279 = tpu.vector_load %arg8[%swap3A_278] {strides = array<i32>} : memref<128xi32, #tpu.memory_space<vmem>>, vector<16xi32>,
      tpu.vector_store %arg8[%swap3A_278], %add3A_277 {strides = array<i32>} : memref<128xi32, #tpu.memory_space<vmem>>, vector<16xi32>,
      %add3A_280 = arith.constant 112 : i32
      %add3A_281 = arith.addi %mul3A_216, %add3A_280 : i32
      %get3A_282 = arith.index_cast %add3A_281 : i32 to index
      %get3A_283 = tpu.vector_load %arg7[%get3A_282] {strides = array<i32>} : memref<10000xi32, #tpu.memory_space<vmem>>, vector<16xi32>,
      %add3A_284 = arith.constant 0 : i32
      %add3A_285 = vector.broadcast %add3A_284 : i32 to vector<16xi32>
      %add3A_286 = arith.addi %get3A_283, %add3A_285 : vector<16xi32>
      %swap3A_287 = arith.constant 112 : index
      %swap3A_288 = tpu.vector_load %arg8[%swap3A_287] {strides = array<i32>} : memref<128xi32, #tpu.memory_space<vmem>>, vector<16xi32>,
      tpu.vector_store %arg8[%swap3A_287], %add3A_286 {strides = array<i32>} : memref<128xi32, #tpu.memory_space<vmem>>, vector<16xi32>,
      %dma_start3A = tpu.memref_slice %arg5[%add3A_210] : memref<20000xf32, #tpu.memory_space<vmem>> -> memref<128xf32, #tpu.memory_space<vmem>>
      %dma_start3A_289 = arith.constant 0 : i32
      %dma_start3A_290 = tpu.memref_slice %arg16[%dma_start3A_289] : memref<20000xf32, #tpu.memory_space<vmem_shared>> -> memref<20000xf32, #tpu.memory_space<vmem_shared>>
      tpu.enqueue_indirect_dma source(%dma_start3A : memref<128xf32, #tpu.memory_space<vmem>>) target(%dma_start3A_290 : memref<20000xf32, #tpu.memory_space<vmem_shared>>) offsets(%arg8 : memref<128xi32, #tpu.memory_space<vmem>>) semaphore(%arg17 : memref<!tpu.dma_semaphore, #tpu.memory_space<semaphore_mem>>) {add = true}
      %mul3A_291 = arith.constant 6 : i32
      %mul3A_292 = arith.muli %scan3A_202, %mul3A_291 : i32
      %add3A_293 = arith.constant 1 : i32
      %add3A_294 = arith.addi %mul3A_292, %add3A_293 : i32
      %mul3A_295 = arith.constant 128 : i32
      %mul3A_296 = arith.muli %add3A_294, %mul3A_295 : i32
      %add3A_297 = arith.constant 0 : i32
      %add3A_298 = arith.addi %add3A_297, %mul3A_296 : i32
      %gt3A_299 = arith.constant 0 : i32
      %gt3A_300 = arith.cmpi sgt, %scan3A_202, %gt3A_299 : i32
      %convert_element_type3A_301 = arith.extui %gt3A_300 : i1 to i32
      %cond3A_302 = arith.constant 0 : i32
      %cond3A_303 = arith.cmpi ne, %convert_element_type3A_301, %cond3A_302 : i32
      scf.if %cond3A_303 {
        %dma_wait3A_741 = tpu.memref_slice %arg5[%add3A_298] : memref<20000xf32, #tpu.memory_space<vmem>> -> memref<128xf32, #tpu.memory_space<vmem>>
        %dma_wait3A_742 = arith.constant 0 : i32
        %dma_wait3A_743 = tpu.memref_slice %arg16[%dma_wait3A_742] : memref<20000xf32, #tpu.memory_space<vmem_shared>> -> memref<20000xf32, #tpu.memory_space<vmem_shared>>
        tpu.wait_indirect_dma semaphore(%arg18 : memref<!tpu.dma_semaphore, #tpu.memory_space<semaphore_mem>>) src(%dma_wait3A_741 : memref<128xf32, #tpu.memory_space<vmem>>) dst(%dma_wait3A_743 : memref<20000xf32, #tpu.memory_space<vmem_shared>>)
      } else {
      }
      %mul3A_304 = arith.constant 128 : i32
      %mul3A_305 = arith.muli %add3A_294, %mul3A_304 : i32
      %add3A_306 = arith.constant 0 : i32
      %add3A_307 = arith.addi %mul3A_305, %add3A_306 : i32
      %get3A_308 = arith.index_cast %add3A_307 : i32 to index
      %get3A_309 = tpu.vector_load %arg7[%get3A_308] {strides = array<i32>} : memref<10000xi32, #tpu.memory_space<vmem>>, vector<16xi32>,
      %add3A_310 = arith.constant 0 : i32
      %add3A_311 = vector.broadcast %add3A_310 : i32 to vector<16xi32>
      %add3A_312 = arith.addi %get3A_309, %add3A_311 : vector<16xi32>
      %swap3A_313 = arith.constant 0 : index
      %swap3A_314 = tpu.vector_load %arg9[%swap3A_313] {strides = array<i32>} : memref<128xi32, #tpu.memory_space<vmem>>, vector<16xi32>,
      tpu.vector_store %arg9[%swap3A_313], %add3A_312 {strides = array<i32>} : memref<128xi32, #tpu.memory_space<vmem>>, vector<16xi32>,
      %add3A_315 = arith.constant 16 : i32
      %add3A_316 = arith.addi %mul3A_305, %add3A_315 : i32
      %get3A_317 = arith.index_cast %add3A_316 : i32 to index
      %get3A_318 = tpu.vector_load %arg7[%get3A_317] {strides = array<i32>} : memref<10000xi32, #tpu.memory_space<vmem>>, vector<16xi32>,
      %add3A_319 = arith.constant 0 : i32
      %add3A_320 = vector.broadcast %add3A_319 : i32 to vector<16xi32>
      %add3A_321 = arith.addi %get3A_318, %add3A_320 : vector<16xi32>
      %swap3A_322 = arith.constant 16 : index
      %swap3A_323 = tpu.vector_load %arg9[%swap3A_322] {strides = array<i32>} : memref<128xi32, #tpu.memory_space<vmem>>, vector<16xi32>,
      tpu.vector_store %arg9[%swap3A_322], %add3A_321 {strides = array<i32>} : memref<128xi32, #tpu.memory_space<vmem>>, vector<16xi32>,
      %add3A_324 = arith.constant 32 : i32
      %add3A_325 = arith.addi %mul3A_305, %add3A_324 : i32
      %get3A_326 = arith.index_cast %add3A_325 : i32 to index
      %get3A_327 = tpu.vector_load %arg7[%get3A_326] {strides = array<i32>} : memref<10000xi32, #tpu.memory_space<vmem>>, vector<16xi32>,
      %add3A_328 = arith.constant 0 : i32
      %add3A_329 = vector.broadcast %add3A_328 : i32 to vector<16xi32>
      %add3A_330 = arith.addi %get3A_327, %add3A_329 : vector<16xi32>
      %swap3A_331 = arith.constant 32 : index
      %swap3A_332 = tpu.vector_load %arg9[%swap3A_331] {strides = array<i32>} : memref<128xi32, #tpu.memory_space<vmem>>, vector<16xi32>,
      tpu.vector_store %arg9[%swap3A_331], %add3A_330 {strides = array<i32>} : memref<128xi32, #tpu.memory_space<vmem>>, vector<16xi32>,
      %add3A_333 = arith.constant 48 : i32
      %add3A_334 = arith.addi %mul3A_305, %add3A_333 : i32
      %get3A_335 = arith.index_cast %add3A_334 : i32 to index
      %get3A_336 = tpu.vector_load %arg7[%get3A_335] {strides = array<i32>} : memref<10000xi32, #tpu.memory_space<vmem>>, vector<16xi32>,
      %add3A_337 = arith.constant 0 : i32
      %add3A_338 = vector.broadcast %add3A_337 : i32 to vector<16xi32>
      %add3A_339 = arith.addi %get3A_336, %add3A_338 : vector<16xi32>
      %swap3A_340 = arith.constant 48 : index
      %swap3A_341 = tpu.vector_load %arg9[%swap3A_340] {strides = array<i32>} : memref<128xi32, #tpu.memory_space<vmem>>, vector<16xi32>,
      tpu.vector_store %arg9[%swap3A_340], %add3A_339 {strides = array<i32>} : memref<128xi32, #tpu.memory_space<vmem>>, vector<16xi32>,
      %add3A_342 = arith.constant 64 : i32
      %add3A_343 = arith.addi %mul3A_305, %add3A_342 : i32
      %get3A_344 = arith.index_cast %add3A_343 : i32 to index
      %get3A_345 = tpu.vector_load %arg7[%get3A_344] {strides = array<i32>} : memref<10000xi32, #tpu.memory_space<vmem>>, vector<16xi32>,
      %add3A_346 = arith.constant 0 : i32
      %add3A_347 = vector.broadcast %add3A_346 : i32 to vector<16xi32>
      %add3A_348 = arith.addi %get3A_345, %add3A_347 : vector<16xi32>
      %swap3A_349 = arith.constant 64 : index
      %swap3A_350 = tpu.vector_load %arg9[%swap3A_349] {strides = array<i32>} : memref<128xi32, #tpu.memory_space<vmem>>, vector<16xi32>,
      tpu.vector_store %arg9[%swap3A_349], %add3A_348 {strides = array<i32>} : memref<128xi32, #tpu.memory_space<vmem>>, vector<16xi32>,
      %add3A_351 = arith.constant 80 : i32
      %add3A_352 = arith.addi %mul3A_305, %add3A_351 : i32
      %get3A_353 = arith.index_cast %add3A_352 : i32 to index
      %get3A_354 = tpu.vector_load %arg7[%get3A_353] {strides = array<i32>} : memref<10000xi32, #tpu.memory_space<vmem>>, vector<16xi32>,
      %add3A_355 = arith.constant 0 : i32
      %add3A_356 = vector.broadcast %add3A_355 : i32 to vector<16xi32>
      %add3A_357 = arith.addi %get3A_354, %add3A_356 : vector<16xi32>
      %swap3A_358 = arith.constant 80 : index
      %swap3A_359 = tpu.vector_load %arg9[%swap3A_358] {strides = array<i32>} : memref<128xi32, #tpu.memory_space<vmem>>, vector<16xi32>,
      tpu.vector_store %arg9[%swap3A_358], %add3A_357 {strides = array<i32>} : memref<128xi32, #tpu.memory_space<vmem>>, vector<16xi32>,
      %add3A_360 = arith.constant 96 : i32
      %add3A_361 = arith.addi %mul3A_305, %add3A_360 : i32
      %get3A_362 = arith.index_cast %add3A_361 : i32 to index
      %get3A_363 = tpu.vector_load %arg7[%get3A_362] {strides = array<i32>} : memref<10000xi32, #tpu.memory_space<vmem>>, vector<16xi32>,
      %add3A_364 = arith.constant 0 : i32
      %add3A_365 = vector.broadcast %add3A_364 : i32 to vector<16xi32>
      %add3A_366 = arith.addi %get3A_363, %add3A_365 : vector<16xi32>
      %swap3A_367 = arith.constant 96 : index
      %swap3A_368 = tpu.vector_load %arg9[%swap3A_367] {strides = array<i32>} : memref<128xi32, #tpu.memory_space<vmem>>, vector<16xi32>,
      tpu.vector_store %arg9[%swap3A_367], %add3A_366 {strides = array<i32>} : memref<128xi32, #tpu.memory_space<vmem>>, vector<16xi32>,
      %add3A_369 = arith.constant 112 : i32
      %add3A_370 = arith.addi %mul3A_305, %add3A_369 : i32
      %get3A_371 = arith.index_cast %add3A_370 : i32 to index
      %get3A_372 = tpu.vector_load %arg7[%get3A_371] {strides = array<i32>} : memref<10000xi32, #tpu.memory_space<vmem>>, vector<16xi32>,
      %add3A_373 = arith.constant 0 : i32
      %add3A_374 = vector.broadcast %add3A_373 : i32 to vector<16xi32>
      %add3A_375 = arith.addi %get3A_372, %add3A_374 : vector<16xi32>
      %swap3A_376 = arith.constant 112 : index
      %swap3A_377 = tpu.vector_load %arg9[%swap3A_376] {strides = array<i32>} : memref<128xi32, #tpu.memory_space<vmem>>, vector<16xi32>,
      tpu.vector_store %arg9[%swap3A_376], %add3A_375 {strides = array<i32>} : memref<128xi32, #tpu.memory_space<vmem>>, vector<16xi32>,
      %dma_start3A_378 = tpu.memref_slice %arg5[%add3A_298] : memref<20000xf32, #tpu.memory_space<vmem>> -> memref<128xf32, #tpu.memory_space<vmem>>
      %dma_start3A_379 = arith.constant 0 : i32
      %dma_start3A_380 = tpu.memref_slice %arg16[%dma_start3A_379] : memref<20000xf32, #tpu.memory_space<vmem_shared>> -> memref<20000xf32, #tpu.memory_space<vmem_shared>>
      tpu.enqueue_indirect_dma source(%dma_start3A_378 : memref<128xf32, #tpu.memory_space<vmem>>) target(%dma_start3A_380 : memref<20000xf32, #tpu.memory_space<vmem_shared>>) offsets(%arg9 : memref<128xi32, #tpu.memory_space<vmem>>) semaphore(%arg18 : memref<!tpu.dma_semaphore, #tpu.memory_space<semaphore_mem>>) {add = true}
      %mul3A_381 = arith.constant 6 : i32
      %mul3A_382 = arith.muli %scan3A_202, %mul3A_381 : i32
      %add3A_383 = arith.constant 2 : i32
      %add3A_384 = arith.addi %mul3A_382, %add3A_383 : i32
      %mul3A_385 = arith.constant 128 : i32
      %mul3A_386 = arith.muli %add3A_384, %mul3A_385 : i32
      %add3A_387 = arith.constant 0 : i32
      %add3A_388 = arith.addi %add3A_387, %mul3A_386 : i32
      %gt3A_389 = arith.constant 0 : i32
      %gt3A_390 = arith.cmpi sgt, %scan3A_202, %gt3A_389 : i32
      %convert_element_type3A_391 = arith.extui %gt3A_390 : i1 to i32
      %cond3A_392 = arith.constant 0 : i32
      %cond3A_393 = arith.cmpi ne, %convert_element_type3A_391, %cond3A_392 : i32
      scf.if %cond3A_393 {
        %dma_wait3A_741 = tpu.memref_slice %arg5[%add3A_388] : memref<20000xf32, #tpu.memory_space<vmem>> -> memref<128xf32, #tpu.memory_space<vmem>>
        %dma_wait3A_742 = arith.constant 0 : i32
        %dma_wait3A_743 = tpu.memref_slice %arg16[%dma_wait3A_742] : memref<20000xf32, #tpu.memory_space<vmem_shared>> -> memref<20000xf32, #tpu.memory_space<vmem_shared>>
        tpu.wait_indirect_dma semaphore(%arg19 : memref<!tpu.dma_semaphore, #tpu.memory_space<semaphore_mem>>) src(%dma_wait3A_741 : memref<128xf32, #tpu.memory_space<vmem>>) dst(%dma_wait3A_743 : memref<20000xf32, #tpu.memory_space<vmem_shared>>)
      } else {
      }
      %mul3A_394 = arith.constant 128 : i32
      %mul3A_395 = arith.muli %add3A_384, %mul3A_394 : i32
      %add3A_396 = arith.constant 0 : i32
      %add3A_397 = arith.addi %mul3A_395, %add3A_396 : i32
      %get3A_398 = arith.index_cast %add3A_397 : i32 to index
      %get3A_399 = tpu.vector_load %arg7[%get3A_398] {strides = array<i32>} : memref<10000xi32, #tpu.memory_space<vmem>>, vector<16xi32>,
      %add3A_400 = arith.constant 0 : i32
      %add3A_401 = vector.broadcast %add3A_400 : i32 to vector<16xi32>
      %add3A_402 = arith.addi %get3A_399, %add3A_401 : vector<16xi32>
      %swap3A_403 = arith.constant 0 : index
      %swap3A_404 = tpu.vector_load %arg10[%swap3A_403] {strides = array<i32>} : memref<128xi32, #tpu.memory_space<vmem>>, vector<16xi32>,
      tpu.vector_store %arg10[%swap3A_403], %add3A_402 {strides = array<i32>} : memref<128xi32, #tpu.memory_space<vmem>>, vector<16xi32>,
      %add3A_405 = arith.constant 16 : i32
      %add3A_406 = arith.addi %mul3A_395, %add3A_405 : i32
      %get3A_407 = arith.index_cast %add3A_406 : i32 to index
      %get3A_408 = tpu.vector_load %arg7[%get3A_407] {strides = array<i32>} : memref<10000xi32, #tpu.memory_space<vmem>>, vector<16xi32>,
      %add3A_409 = arith.constant 0 : i32
      %add3A_410 = vector.broadcast %add3A_409 : i32 to vector<16xi32>
      %add3A_411 = arith.addi %get3A_408, %add3A_410 : vector<16xi32>
      %swap3A_412 = arith.constant 16 : index
      %swap3A_413 = tpu.vector_load %arg10[%swap3A_412] {strides = array<i32>} : memref<128xi32, #tpu.memory_space<vmem>>, vector<16xi32>,
      tpu.vector_store %arg10[%swap3A_412], %add3A_411 {strides = array<i32>} : memref<128xi32, #tpu.memory_space<vmem>>, vector<16xi32>,
      %add3A_414 = arith.constant 32 : i32
      %add3A_415 = arith.addi %mul3A_395, %add3A_414 : i32
      %get3A_416 = arith.index_cast %add3A_415 : i32 to index
      %get3A_417 = tpu.vector_load %arg7[%get3A_416] {strides = array<i32>} : memref<10000xi32, #tpu.memory_space<vmem>>, vector<16xi32>,
      %add3A_418 = arith.constant 0 : i32
      %add3A_419 = vector.broadcast %add3A_418 : i32 to vector<16xi32>
      %add3A_420 = arith.addi %get3A_417, %add3A_419 : vector<16xi32>
      %swap3A_421 = arith.constant 32 : index
      %swap3A_422 = tpu.vector_load %arg10[%swap3A_421] {strides = array<i32>} : memref<128xi32, #tpu.memory_space<vmem>>, vector<16xi32>,
      tpu.vector_store %arg10[%swap3A_421], %add3A_420 {strides = array<i32>} : memref<128xi32, #tpu.memory_space<vmem>>, vector<16xi32>,
      %add3A_423 = arith.constant 48 : i32
      %add3A_424 = arith.addi %mul3A_395, %add3A_423 : i32
      %get3A_425 = arith.index_cast %add3A_424 : i32 to index
      %get3A_426 = tpu.vector_load %arg7[%get3A_425] {strides = array<i32>} : memref<10000xi32, #tpu.memory_space<vmem>>, vector<16xi32>,
      %add3A_427 = arith.constant 0 : i32
      %add3A_428 = vector.broadcast %add3A_427 : i32 to vector<16xi32>
      %add3A_429 = arith.addi %get3A_426, %add3A_428 : vector<16xi32>
      %swap3A_430 = arith.constant 48 : index
      %swap3A_431 = tpu.vector_load %arg10[%swap3A_430] {strides = array<i32>} : memref<128xi32, #tpu.memory_space<vmem>>, vector<16xi32>,
      tpu.vector_store %arg10[%swap3A_430], %add3A_429 {strides = array<i32>} : memref<128xi32, #tpu.memory_space<vmem>>, vector<16xi32>,
      %add3A_432 = arith.constant 64 : i32
      %add3A_433 = arith.addi %mul3A_395, %add3A_432 : i32
      %get3A_434 = arith.index_cast %add3A_433 : i32 to index
      %get3A_435 = tpu.vector_load %arg7[%get3A_434] {strides = array<i32>} : memref<10000xi32, #tpu.memory_space<vmem>>, vector<16xi32>,
      %add3A_436 = arith.constant 0 : i32
      %add3A_437 = vector.broadcast %add3A_436 : i32 to vector<16xi32>
      %add3A_438 = arith.addi %get3A_435, %add3A_437 : vector<16xi32>
      %swap3A_439 = arith.constant 64 : index
      %swap3A_440 = tpu.vector_load %arg10[%swap3A_439] {strides = array<i32>} : memref<128xi32, #tpu.memory_space<vmem>>, vector<16xi32>,
      tpu.vector_store %arg10[%swap3A_439], %add3A_438 {strides = array<i32>} : memref<128xi32, #tpu.memory_space<vmem>>, vector<16xi32>,
      %add3A_441 = arith.constant 80 : i32
      %add3A_442 = arith.addi %mul3A_395, %add3A_441 : i32
      %get3A_443 = arith.index_cast %add3A_442 : i32 to index
      %get3A_444 = tpu.vector_load %arg7[%get3A_443] {strides = array<i32>} : memref<10000xi32, #tpu.memory_space<vmem>>, vector<16xi32>,
      %add3A_445 = arith.constant 0 : i32
      %add3A_446 = vector.broadcast %add3A_445 : i32 to vector<16xi32>
      %add3A_447 = arith.addi %get3A_444, %add3A_446 : vector<16xi32>
      %swap3A_448 = arith.constant 80 : index
      %swap3A_449 = tpu.vector_load %arg10[%swap3A_448] {strides = array<i32>} : memref<128xi32, #tpu.memory_space<vmem>>, vector<16xi32>,
      tpu.vector_store %arg10[%swap3A_448], %add3A_447 {strides = array<i32>} : memref<128xi32, #tpu.memory_space<vmem>>, vector<16xi32>,
      %add3A_450 = arith.constant 96 : i32
      %add3A_451 = arith.addi %mul3A_395, %add3A_450 : i32
      %get3A_452 = arith.index_cast %add3A_451 : i32 to index
      %get3A_453 = tpu.vector_load %arg7[%get3A_452] {strides = array<i32>} : memref<10000xi32, #tpu.memory_space<vmem>>, vector<16xi32>,
      %add3A_454 = arith.constant 0 : i32
      %add3A_455 = vector.broadcast %add3A_454 : i32 to vector<16xi32>
      %add3A_456 = arith.addi %get3A_453, %add3A_455 : vector<16xi32>
      %swap3A_457 = arith.constant 96 : index
      %swap3A_458 = tpu.vector_load %arg10[%swap3A_457] {strides = array<i32>} : memref<128xi32, #tpu.memory_space<vmem>>, vector<16xi32>,
      tpu.vector_store %arg10[%swap3A_457], %add3A_456 {strides = array<i32>} : memref<128xi32, #tpu.memory_space<vmem>>, vector<16xi32>,
      %add3A_459 = arith.constant 112 : i32
      %add3A_460 = arith.addi %mul3A_395, %add3A_459 : i32
      %get3A_461 = arith.index_cast %add3A_460 : i32 to index
      %get3A_462 = tpu.vector_load %arg7[%get3A_461] {strides = array<i32>} : memref<10000xi32, #tpu.memory_space<vmem>>, vector<16xi32>,
      %add3A_463 = arith.constant 0 : i32
      %add3A_464 = vector.broadcast %add3A_463 : i32 to vector<16xi32>
      %add3A_465 = arith.addi %get3A_462, %add3A_464 : vector<16xi32>
      %swap3A_466 = arith.constant 112 : index
      %swap3A_467 = tpu.vector_load %arg10[%swap3A_466] {strides = array<i32>} : memref<128xi32, #tpu.memory_space<vmem>>, vector<16xi32>,
      tpu.vector_store %arg10[%swap3A_466], %add3A_465 {strides = array<i32>} : memref<128xi32, #tpu.memory_space<vmem>>, vector<16xi32>,
      %dma_start3A_468 = tpu.memref_slice %arg5[%add3A_388] : memref<20000xf32, #tpu.memory_space<vmem>> -> memref<128xf32, #tpu.memory_space<vmem>>
      %dma_start3A_469 = arith.constant 0 : i32
      %dma_start3A_470 = tpu.memref_slice %arg16[%dma_start3A_469] : memref<20000xf32, #tpu.memory_space<vmem_shared>> -> memref<20000xf32, #tpu.memory_space<vmem_shared>>
      tpu.enqueue_indirect_dma source(%dma_start3A_468 : memref<128xf32, #tpu.memory_space<vmem>>) target(%dma_start3A_470 : memref<20000xf32, #tpu.memory_space<vmem_shared>>) offsets(%arg10 : memref<128xi32, #tpu.memory_space<vmem>>) semaphore(%arg19 : memref<!tpu.dma_semaphore, #tpu.memory_space<semaphore_mem>>) {add = true}
      %mul3A_471 = arith.constant 6 : i32
      %mul3A_472 = arith.muli %scan3A_202, %mul3A_471 : i32
      %add3A_473 = arith.constant 3 : i32
      %add3A_474 = arith.addi %mul3A_472, %add3A_473 : i32
      %mul3A_475 = arith.constant 128 : i32
      %mul3A_476 = arith.muli %add3A_474, %mul3A_475 : i32
      %add3A_477 = arith.constant 0 : i32
      %add3A_478 = arith.addi %add3A_477, %mul3A_476 : i32
      %gt3A_479 = arith.constant 0 : i32
      %gt3A_480 = arith.cmpi sgt, %scan3A_202, %gt3A_479 : i32
      %convert_element_type3A_481 = arith.extui %gt3A_480 : i1 to i32
      %cond3A_482 = arith.constant 0 : i32
      %cond3A_483 = arith.cmpi ne, %convert_element_type3A_481, %cond3A_482 : i32
      scf.if %cond3A_483 {
        %dma_wait3A_741 = tpu.memref_slice %arg5[%add3A_478] : memref<20000xf32, #tpu.memory_space<vmem>> -> memref<128xf32, #tpu.memory_space<vmem>>
        %dma_wait3A_742 = arith.constant 0 : i32
        %dma_wait3A_743 = tpu.memref_slice %arg16[%dma_wait3A_742] : memref<20000xf32, #tpu.memory_space<vmem_shared>> -> memref<20000xf32, #tpu.memory_space<vmem_shared>>
        tpu.wait_indirect_dma semaphore(%arg20 : memref<!tpu.dma_semaphore, #tpu.memory_space<semaphore_mem>>) src(%dma_wait3A_741 : memref<128xf32, #tpu.memory_space<vmem>>) dst(%dma_wait3A_743 : memref<20000xf32, #tpu.memory_space<vmem_shared>>)
      } else {
      }
      %mul3A_484 = arith.constant 128 : i32
      %mul3A_485 = arith.muli %add3A_474, %mul3A_484 : i32
      %add3A_486 = arith.constant 0 : i32
      %add3A_487 = arith.addi %mul3A_485, %add3A_486 : i32
      %get3A_488 = arith.index_cast %add3A_487 : i32 to index
      %get3A_489 = tpu.vector_load %arg7[%get3A_488] {strides = array<i32>} : memref<10000xi32, #tpu.memory_space<vmem>>, vector<16xi32>,
      %add3A_490 = arith.constant 0 : i32
      %add3A_491 = vector.broadcast %add3A_490 : i32 to vector<16xi32>
      %add3A_492 = arith.addi %get3A_489, %add3A_491 : vector<16xi32>
      %swap3A_493 = arith.constant 0 : index
      %swap3A_494 = tpu.vector_load %arg11[%swap3A_493] {strides = array<i32>} : memref<128xi32, #tpu.memory_space<vmem>>, vector<16xi32>,
      tpu.vector_store %arg11[%swap3A_493], %add3A_492 {strides = array<i32>} : memref<128xi32, #tpu.memory_space<vmem>>, vector<16xi32>,
      %add3A_495 = arith.constant 16 : i32
      %add3A_496 = arith.addi %mul3A_485, %add3A_495 : i32
      %get3A_497 = arith.index_cast %add3A_496 : i32 to index
      %get3A_498 = tpu.vector_load %arg7[%get3A_497] {strides = array<i32>} : memref<10000xi32, #tpu.memory_space<vmem>>, vector<16xi32>,
      %add3A_499 = arith.constant 0 : i32
      %add3A_500 = vector.broadcast %add3A_499 : i32 to vector<16xi32>
      %add3A_501 = arith.addi %get3A_498, %add3A_500 : vector<16xi32>
      %swap3A_502 = arith.constant 16 : index
      %swap3A_503 = tpu.vector_load %arg11[%swap3A_502] {strides = array<i32>} : memref<128xi32, #tpu.memory_space<vmem>>, vector<16xi32>,
      tpu.vector_store %arg11[%swap3A_502], %add3A_501 {strides = array<i32>} : memref<128xi32, #tpu.memory_space<vmem>>, vector<16xi32>,
      %add3A_504 = arith.constant 32 : i32
      %add3A_505 = arith.addi %mul3A_485, %add3A_504 : i32
      %get3A_506 = arith.index_cast %add3A_505 : i32 to index
      %get3A_507 = tpu.vector_load %arg7[%get3A_506] {strides = array<i32>} : memref<10000xi32, #tpu.memory_space<vmem>>, vector<16xi32>,
      %add3A_508 = arith.constant 0 : i32
      %add3A_509 = vector.broadcast %add3A_508 : i32 to vector<16xi32>
      %add3A_510 = arith.addi %get3A_507, %add3A_509 : vector<16xi32>
      %swap3A_511 = arith.constant 32 : index
      %swap3A_512 = tpu.vector_load %arg11[%swap3A_511] {strides = array<i32>} : memref<128xi32, #tpu.memory_space<vmem>>, vector<16xi32>,
      tpu.vector_store %arg11[%swap3A_511], %add3A_510 {strides = array<i32>} : memref<128xi32, #tpu.memory_space<vmem>>, vector<16xi32>,
      %add3A_513 = arith.constant 48 : i32
      %add3A_514 = arith.addi %mul3A_485, %add3A_513 : i32
      %get3A_515 = arith.index_cast %add3A_514 : i32 to index
      %get3A_516 = tpu.vector_load %arg7[%get3A_515] {strides = array<i32>} : memref<10000xi32, #tpu.memory_space<vmem>>, vector<16xi32>,
      %add3A_517 = arith.constant 0 : i32
      %add3A_518 = vector.broadcast %add3A_517 : i32 to vector<16xi32>
      %add3A_519 = arith.addi %get3A_516, %add3A_518 : vector<16xi32>
      %swap3A_520 = arith.constant 48 : index
      %swap3A_521 = tpu.vector_load %arg11[%swap3A_520] {strides = array<i32>} : memref<128xi32, #tpu.memory_space<vmem>>, vector<16xi32>,
      tpu.vector_store %arg11[%swap3A_520], %add3A_519 {strides = array<i32>} : memref<128xi32, #tpu.memory_space<vmem>>, vector<16xi32>,
      %add3A_522 = arith.constant 64 : i32
      %add3A_523 = arith.addi %mul3A_485, %add3A_522 : i32
      %get3A_524 = arith.index_cast %add3A_523 : i32 to index
      %get3A_525 = tpu.vector_load %arg7[%get3A_524] {strides = array<i32>} : memref<10000xi32, #tpu.memory_space<vmem>>, vector<16xi32>,
      %add3A_526 = arith.constant 0 : i32
      %add3A_527 = vector.broadcast %add3A_526 : i32 to vector<16xi32>
      %add3A_528 = arith.addi %get3A_525, %add3A_527 : vector<16xi32>
      %swap3A_529 = arith.constant 64 : index
      %swap3A_530 = tpu.vector_load %arg11[%swap3A_529] {strides = array<i32>} : memref<128xi32, #tpu.memory_space<vmem>>, vector<16xi32>,
      tpu.vector_store %arg11[%swap3A_529], %add3A_528 {strides = array<i32>} : memref<128xi32, #tpu.memory_space<vmem>>, vector<16xi32>,
      %add3A_531 = arith.constant 80 : i32
      %add3A_532 = arith.addi %mul3A_485, %add3A_531 : i32
      %get3A_533 = arith.index_cast %add3A_532 : i32 to index
      %get3A_534 = tpu.vector_load %arg7[%get3A_533] {strides = array<i32>} : memref<10000xi32, #tpu.memory_space<vmem>>, vector<16xi32>,
      %add3A_535 = arith.constant 0 : i32
      %add3A_536 = vector.broadcast %add3A_535 : i32 to vector<16xi32>
      %add3A_537 = arith.addi %get3A_534, %add3A_536 : vector<16xi32>
      %swap3A_538 = arith.constant 80 : index
      %swap3A_539 = tpu.vector_load %arg11[%swap3A_538] {strides = array<i32>} : memref<128xi32, #tpu.memory_space<vmem>>, vector<16xi32>,
      tpu.vector_store %arg11[%swap3A_538], %add3A_537 {strides = array<i32>} : memref<128xi32, #tpu.memory_space<vmem>>, vector<16xi32>,
      %add3A_540 = arith.constant 96 : i32
      %add3A_541 = arith.addi %mul3A_485, %add3A_540 : i32
      %get3A_542 = arith.index_cast %add3A_541 : i32 to index
      %get3A_543 = tpu.vector_load %arg7[%get3A_542] {strides = array<i32>} : memref<10000xi32, #tpu.memory_space<vmem>>, vector<16xi32>,
      %add3A_544 = arith.constant 0 : i32
      %add3A_545 = vector.broadcast %add3A_544 : i32 to vector<16xi32>
      %add3A_546 = arith.addi %get3A_543, %add3A_545 : vector<16xi32>
      %swap3A_547 = arith.constant 96 : index
      %swap3A_548 = tpu.vector_load %arg11[%swap3A_547] {strides = array<i32>} : memref<128xi32, #tpu.memory_space<vmem>>, vector<16xi32>,
      tpu.vector_store %arg11[%swap3A_547], %add3A_546 {strides = array<i32>} : memref<128xi32, #tpu.memory_space<vmem>>, vector<16xi32>,
      %add3A_549 = arith.constant 112 : i32
      %add3A_550 = arith.addi %mul3A_485, %add3A_549 : i32
      %get3A_551 = arith.index_cast %add3A_550 : i32 to index
      %get3A_552 = tpu.vector_load %arg7[%get3A_551] {strides = array<i32>} : memref<10000xi32, #tpu.memory_space<vmem>>, vector<16xi32>,
      %add3A_553 = arith.constant 0 : i32
      %add3A_554 = vector.broadcast %add3A_553 : i32 to vector<16xi32>
      %add3A_555 = arith.addi %get3A_552, %add3A_554 : vector<16xi32>
      %swap3A_556 = arith.constant 112 : index
      %swap3A_557 = tpu.vector_load %arg11[%swap3A_556] {strides = array<i32>} : memref<128xi32, #tpu.memory_space<vmem>>, vector<16xi32>,
      tpu.vector_store %arg11[%swap3A_556], %add3A_555 {strides = array<i32>} : memref<128xi32, #tpu.memory_space<vmem>>, vector<16xi32>,
      %dma_start3A_558 = tpu.memref_slice %arg5[%add3A_478] : memref<20000xf32, #tpu.memory_space<vmem>> -> memref<128xf32, #tpu.memory_space<vmem>>
      %dma_start3A_559 = arith.constant 0 : i32
      %dma_start3A_560 = tpu.memref_slice %arg16[%dma_start3A_559] : memref<20000xf32, #tpu.memory_space<vmem_shared>> -> memref<20000xf32, #tpu.memory_space<vmem_shared>>
      tpu.enqueue_indirect_dma source(%dma_start3A_558 : memref<128xf32, #tpu.memory_space<vmem>>) target(%dma_start3A_560 : memref<20000xf32, #tpu.memory_space<vmem_shared>>) offsets(%arg11 : memref<128xi32, #tpu.memory_space<vmem>>) semaphore(%arg20 : memref<!tpu.dma_semaphore, #tpu.memory_space<semaphore_mem>>) {add = true}
      %mul3A_561 = arith.constant 6 : i32
      %mul3A_562 = arith.muli %scan3A_202, %mul3A_561 : i32
      %add3A_563 = arith.constant 4 : i32
      %add3A_564 = arith.addi %mul3A_562, %add3A_563 : i32
      %mul3A_565 = arith.constant 128 : i32
      %mul3A_566 = arith.muli %add3A_564, %mul3A_565 : i32
      %add3A_567 = arith.constant 0 : i32
      %add3A_568 = arith.addi %add3A_567, %mul3A_566 : i32
      %gt3A_569 = arith.constant 0 : i32
      %gt3A_570 = arith.cmpi sgt, %scan3A_202, %gt3A_569 : i32
      %convert_element_type3A_571 = arith.extui %gt3A_570 : i1 to i32
      %cond3A_572 = arith.constant 0 : i32
      %cond3A_573 = arith.cmpi ne, %convert_element_type3A_571, %cond3A_572 : i32
      scf.if %cond3A_573 {
        %dma_wait3A_741 = tpu.memref_slice %arg5[%add3A_568] : memref<20000xf32, #tpu.memory_space<vmem>> -> memref<128xf32, #tpu.memory_space<vmem>>
        %dma_wait3A_742 = arith.constant 0 : i32
        %dma_wait3A_743 = tpu.memref_slice %arg16[%dma_wait3A_742] : memref<20000xf32, #tpu.memory_space<vmem_shared>> -> memref<20000xf32, #tpu.memory_space<vmem_shared>>
        tpu.wait_indirect_dma semaphore(%arg21 : memref<!tpu.dma_semaphore, #tpu.memory_space<semaphore_mem>>) src(%dma_wait3A_741 : memref<128xf32, #tpu.memory_space<vmem>>) dst(%dma_wait3A_743 : memref<20000xf32, #tpu.memory_space<vmem_shared>>)
      } else {
      }
      %mul3A_574 = arith.constant 128 : i32
      %mul3A_575 = arith.muli %add3A_564, %mul3A_574 : i32
      %add3A_576 = arith.constant 0 : i32
      %add3A_577 = arith.addi %mul3A_575, %add3A_576 : i32
      %get3A_578 = arith.index_cast %add3A_577 : i32 to index
      %get3A_579 = tpu.vector_load %arg7[%get3A_578] {strides = array<i32>} : memref<10000xi32, #tpu.memory_space<vmem>>, vector<16xi32>,
      %add3A_580 = arith.constant 0 : i32
      %add3A_581 = vector.broadcast %add3A_580 : i32 to vector<16xi32>
      %add3A_582 = arith.addi %get3A_579, %add3A_581 : vector<16xi32>
      %swap3A_583 = arith.constant 0 : index
      %swap3A_584 = tpu.vector_load %arg12[%swap3A_583] {strides = array<i32>} : memref<128xi32, #tpu.memory_space<vmem>>, vector<16xi32>,
      tpu.vector_store %arg12[%swap3A_583], %add3A_582 {strides = array<i32>} : memref<128xi32, #tpu.memory_space<vmem>>, vector<16xi32>,
      %add3A_585 = arith.constant 16 : i32
      %add3A_586 = arith.addi %mul3A_575, %add3A_585 : i32
      %get3A_587 = arith.index_cast %add3A_586 : i32 to index
      %get3A_588 = tpu.vector_load %arg7[%get3A_587] {strides = array<i32>} : memref<10000xi32, #tpu.memory_space<vmem>>, vector<16xi32>,
      %add3A_589 = arith.constant 0 : i32
      %add3A_590 = vector.broadcast %add3A_589 : i32 to vector<16xi32>
      %add3A_591 = arith.addi %get3A_588, %add3A_590 : vector<16xi32>
      %swap3A_592 = arith.constant 16 : index
      %swap3A_593 = tpu.vector_load %arg12[%swap3A_592] {strides = array<i32>} : memref<128xi32, #tpu.memory_space<vmem>>, vector<16xi32>,
      tpu.vector_store %arg12[%swap3A_592], %add3A_591 {strides = array<i32>} : memref<128xi32, #tpu.memory_space<vmem>>, vector<16xi32>,
      %add3A_594 = arith.constant 32 : i32
      %add3A_595 = arith.addi %mul3A_575, %add3A_594 : i32
      %get3A_596 = arith.index_cast %add3A_595 : i32 to index
      %get3A_597 = tpu.vector_load %arg7[%get3A_596] {strides = array<i32>} : memref<10000xi32, #tpu.memory_space<vmem>>, vector<16xi32>,
      %add3A_598 = arith.constant 0 : i32
      %add3A_599 = vector.broadcast %add3A_598 : i32 to vector<16xi32>
      %add3A_600 = arith.addi %get3A_597, %add3A_599 : vector<16xi32>
      %swap3A_601 = arith.constant 32 : index
      %swap3A_602 = tpu.vector_load %arg12[%swap3A_601] {strides = array<i32>} : memref<128xi32, #tpu.memory_space<vmem>>, vector<16xi32>,
      tpu.vector_store %arg12[%swap3A_601], %add3A_600 {strides = array<i32>} : memref<128xi32, #tpu.memory_space<vmem>>, vector<16xi32>,
      %add3A_603 = arith.constant 48 : i32
      %add3A_604 = arith.addi %mul3A_575, %add3A_603 : i32
      %get3A_605 = arith.index_cast %add3A_604 : i32 to index
      %get3A_606 = tpu.vector_load %arg7[%get3A_605] {strides = array<i32>} : memref<10000xi32, #tpu.memory_space<vmem>>, vector<16xi32>,
      %add3A_607 = arith.constant 0 : i32
      %add3A_608 = vector.broadcast %add3A_607 : i32 to vector<16xi32>
      %add3A_609 = arith.addi %get3A_606, %add3A_608 : vector<16xi32>
      %swap3A_610 = arith.constant 48 : index
      %swap3A_611 = tpu.vector_load %arg12[%swap3A_610] {strides = array<i32>} : memref<128xi32, #tpu.memory_space<vmem>>, vector<16xi32>,
      tpu.vector_store %arg12[%swap3A_610], %add3A_609 {strides = array<i32>} : memref<128xi32, #tpu.memory_space<vmem>>, vector<16xi32>,
      %add3A_612 = arith.constant 64 : i32
      %add3A_613 = arith.addi %mul3A_575, %add3A_612 : i32
      %get3A_614 = arith.index_cast %add3A_613 : i32 to index
      %get3A_615 = tpu.vector_load %arg7[%get3A_614] {strides = array<i32>} : memref<10000xi32, #tpu.memory_space<vmem>>, vector<16xi32>,
      %add3A_616 = arith.constant 0 : i32
      %add3A_617 = vector.broadcast %add3A_616 : i32 to vector<16xi32>
      %add3A_618 = arith.addi %get3A_615, %add3A_617 : vector<16xi32>
      %swap3A_619 = arith.constant 64 : index
      %swap3A_620 = tpu.vector_load %arg12[%swap3A_619] {strides = array<i32>} : memref<128xi32, #tpu.memory_space<vmem>>, vector<16xi32>,
      tpu.vector_store %arg12[%swap3A_619], %add3A_618 {strides = array<i32>} : memref<128xi32, #tpu.memory_space<vmem>>, vector<16xi32>,
      %add3A_621 = arith.constant 80 : i32
      %add3A_622 = arith.addi %mul3A_575, %add3A_621 : i32
      %get3A_623 = arith.index_cast %add3A_622 : i32 to index
      %get3A_624 = tpu.vector_load %arg7[%get3A_623] {strides = array<i32>} : memref<10000xi32, #tpu.memory_space<vmem>>, vector<16xi32>,
      %add3A_625 = arith.constant 0 : i32
      %add3A_626 = vector.broadcast %add3A_625 : i32 to vector<16xi32>
      %add3A_627 = arith.addi %get3A_624, %add3A_626 : vector<16xi32>
      %swap3A_628 = arith.constant 80 : index
      %swap3A_629 = tpu.vector_load %arg12[%swap3A_628] {strides = array<i32>} : memref<128xi32, #tpu.memory_space<vmem>>, vector<16xi32>,
      tpu.vector_store %arg12[%swap3A_628], %add3A_627 {strides = array<i32>} : memref<128xi32, #tpu.memory_space<vmem>>, vector<16xi32>,
      %add3A_630 = arith.constant 96 : i32
      %add3A_631 = arith.addi %mul3A_575, %add3A_630 : i32
      %get3A_632 = arith.index_cast %add3A_631 : i32 to index
      %get3A_633 = tpu.vector_load %arg7[%get3A_632] {strides = array<i32>} : memref<10000xi32, #tpu.memory_space<vmem>>, vector<16xi32>,
      %add3A_634 = arith.constant 0 : i32
      %add3A_635 = vector.broadcast %add3A_634 : i32 to vector<16xi32>
      %add3A_636 = arith.addi %get3A_633, %add3A_635 : vector<16xi32>
      %swap3A_637 = arith.constant 96 : index
      %swap3A_638 = tpu.vector_load %arg12[%swap3A_637] {strides = array<i32>} : memref<128xi32, #tpu.memory_space<vmem>>, vector<16xi32>,
      tpu.vector_store %arg12[%swap3A_637], %add3A_636 {strides = array<i32>} : memref<128xi32, #tpu.memory_space<vmem>>, vector<16xi32>,
      %add3A_639 = arith.constant 112 : i32
      %add3A_640 = arith.addi %mul3A_575, %add3A_639 : i32
      %get3A_641 = arith.index_cast %add3A_640 : i32 to index
      %get3A_642 = tpu.vector_load %arg7[%get3A_641] {strides = array<i32>} : memref<10000xi32, #tpu.memory_space<vmem>>, vector<16xi32>,
      %add3A_643 = arith.constant 0 : i32
      %add3A_644 = vector.broadcast %add3A_643 : i32 to vector<16xi32>
      %add3A_645 = arith.addi %get3A_642, %add3A_644 : vector<16xi32>
      %swap3A_646 = arith.constant 112 : index
      %swap3A_647 = tpu.vector_load %arg12[%swap3A_646] {strides = array<i32>} : memref<128xi32, #tpu.memory_space<vmem>>, vector<16xi32>,
      tpu.vector_store %arg12[%swap3A_646], %add3A_645 {strides = array<i32>} : memref<128xi32, #tpu.memory_space<vmem>>, vector<16xi32>,
      %dma_start3A_648 = tpu.memref_slice %arg5[%add3A_568] : memref<20000xf32, #tpu.memory_space<vmem>> -> memref<128xf32, #tpu.memory_space<vmem>>
      %dma_start3A_649 = arith.constant 0 : i32
      %dma_start3A_650 = tpu.memref_slice %arg16[%dma_start3A_649] : memref<20000xf32, #tpu.memory_space<vmem_shared>> -> memref<20000xf32, #tpu.memory_space<vmem_shared>>
      tpu.enqueue_indirect_dma source(%dma_start3A_648 : memref<128xf32, #tpu.memory_space<vmem>>) target(%dma_start3A_650 : memref<20000xf32, #tpu.memory_space<vmem_shared>>) offsets(%arg12 : memref<128xi32, #tpu.memory_space<vmem>>) semaphore(%arg21 : memref<!tpu.dma_semaphore, #tpu.memory_space<semaphore_mem>>) {add = true}
      %mul3A_651 = arith.constant 6 : i32
      %mul3A_652 = arith.muli %scan3A_202, %mul3A_651 : i32
      %add3A_653 = arith.constant 5 : i32
      %add3A_654 = arith.addi %mul3A_652, %add3A_653 : i32
      %mul3A_655 = arith.constant 128 : i32
      %mul3A_656 = arith.muli %add3A_654, %mul3A_655 : i32
      %add3A_657 = arith.constant 0 : i32
      %add3A_658 = arith.addi %add3A_657, %mul3A_656 : i32
      %gt3A_659 = arith.constant 0 : i32
      %gt3A_660 = arith.cmpi sgt, %scan3A_202, %gt3A_659 : i32
      %convert_element_type3A_661 = arith.extui %gt3A_660 : i1 to i32
      %cond3A_662 = arith.constant 0 : i32
      %cond3A_663 = arith.cmpi ne, %convert_element_type3A_661, %cond3A_662 : i32
      scf.if %cond3A_663 {
        %dma_wait3A_741 = tpu.memref_slice %arg5[%add3A_658] : memref<20000xf32, #tpu.memory_space<vmem>> -> memref<128xf32, #tpu.memory_space<vmem>>
        %dma_wait3A_742 = arith.constant 0 : i32
        %dma_wait3A_743 = tpu.memref_slice %arg16[%dma_wait3A_742] : memref<20000xf32, #tpu.memory_space<vmem_shared>> -> memref<20000xf32, #tpu.memory_space<vmem_shared>>
        tpu.wait_indirect_dma semaphore(%arg22 : memref<!tpu.dma_semaphore, #tpu.memory_space<semaphore_mem>>) src(%dma_wait3A_741 : memref<128xf32, #tpu.memory_space<vmem>>) dst(%dma_wait3A_743 : memref<20000xf32, #tpu.memory_space<vmem_shared>>)
      } else {
      }
      %mul3A_664 = arith.constant 128 : i32
      %mul3A_665 = arith.muli %add3A_654, %mul3A_664 : i32
      %add3A_666 = arith.constant 0 : i32
      %add3A_667 = arith.addi %mul3A_665, %add3A_666 : i32
      %get3A_668 = arith.index_cast %add3A_667 : i32 to index
      %get3A_669 = tpu.vector_load %arg7[%get3A_668] {strides = array<i32>} : memref<10000xi32, #tpu.memory_space<vmem>>, vector<16xi32>,
      %add3A_670 = arith.constant 0 : i32
      %add3A_671 = vector.broadcast %add3A_670 : i32 to vector<16xi32>
      %add3A_672 = arith.addi %get3A_669, %add3A_671 : vector<16xi32>
      %swap3A_673 = arith.constant 0 : index
      %swap3A_674 = tpu.vector_load %arg13[%swap3A_673] {strides = array<i32>} : memref<128xi32, #tpu.memory_space<vmem>>, vector<16xi32>,
      tpu.vector_store %arg13[%swap3A_673], %add3A_672 {strides = array<i32>} : memref<128xi32, #tpu.memory_space<vmem>>, vector<16xi32>,
      %add3A_675 = arith.constant 16 : i32
      %add3A_676 = arith.addi %mul3A_665, %add3A_675 : i32
      %get3A_677 = arith.index_cast %add3A_676 : i32 to index
      %get3A_678 = tpu.vector_load %arg7[%get3A_677] {strides = array<i32>} : memref<10000xi32, #tpu.memory_space<vmem>>, vector<16xi32>,
      %add3A_679 = arith.constant 0 : i32
      %add3A_680 = vector.broadcast %add3A_679 : i32 to vector<16xi32>
      %add3A_681 = arith.addi %get3A_678, %add3A_680 : vector<16xi32>
      %swap3A_682 = arith.constant 16 : index
      %swap3A_683 = tpu.vector_load %arg13[%swap3A_682] {strides = array<i32>} : memref<128xi32, #tpu.memory_space<vmem>>, vector<16xi32>,
      tpu.vector_store %arg13[%swap3A_682], %add3A_681 {strides = array<i32>} : memref<128xi32, #tpu.memory_space<vmem>>, vector<16xi32>,
      %add3A_684 = arith.constant 32 : i32
      %add3A_685 = arith.addi %mul3A_665, %add3A_684 : i32
      %get3A_686 = arith.index_cast %add3A_685 : i32 to index
      %get3A_687 = tpu.vector_load %arg7[%get3A_686] {strides = array<i32>} : memref<10000xi32, #tpu.memory_space<vmem>>, vector<16xi32>,
      %add3A_688 = arith.constant 0 : i32
      %add3A_689 = vector.broadcast %add3A_688 : i32 to vector<16xi32>
      %add3A_690 = arith.addi %get3A_687, %add3A_689 : vector<16xi32>
      %swap3A_691 = arith.constant 32 : index
      %swap3A_692 = tpu.vector_load %arg13[%swap3A_691] {strides = array<i32>} : memref<128xi32, #tpu.memory_space<vmem>>, vector<16xi32>,
      tpu.vector_store %arg13[%swap3A_691], %add3A_690 {strides = array<i32>} : memref<128xi32, #tpu.memory_space<vmem>>, vector<16xi32>,
      %add3A_693 = arith.constant 48 : i32
      %add3A_694 = arith.addi %mul3A_665, %add3A_693 : i32
      %get3A_695 = arith.index_cast %add3A_694 : i32 to index
      %get3A_696 = tpu.vector_load %arg7[%get3A_695] {strides = array<i32>} : memref<10000xi32, #tpu.memory_space<vmem>>, vector<16xi32>,
      %add3A_697 = arith.constant 0 : i32
      %add3A_698 = vector.broadcast %add3A_697 : i32 to vector<16xi32>
      %add3A_699 = arith.addi %get3A_696, %add3A_698 : vector<16xi32>
      %swap3A_700 = arith.constant 48 : index
      %swap3A_701 = tpu.vector_load %arg13[%swap3A_700] {strides = array<i32>} : memref<128xi32, #tpu.memory_space<vmem>>, vector<16xi32>,
      tpu.vector_store %arg13[%swap3A_700], %add3A_699 {strides = array<i32>} : memref<128xi32, #tpu.memory_space<vmem>>, vector<16xi32>,
      %add3A_702 = arith.constant 64 : i32
      %add3A_703 = arith.addi %mul3A_665, %add3A_702 : i32
      %get3A_704 = arith.index_cast %add3A_703 : i32 to index
      %get3A_705 = tpu.vector_load %arg7[%get3A_704] {strides = array<i32>} : memref<10000xi32, #tpu.memory_space<vmem>>, vector<16xi32>,
      %add3A_706 = arith.constant 0 : i32
      %add3A_707 = vector.broadcast %add3A_706 : i32 to vector<16xi32>
      %add3A_708 = arith.addi %get3A_705, %add3A_707 : vector<16xi32>
      %swap3A_709 = arith.constant 64 : index
      %swap3A_710 = tpu.vector_load %arg13[%swap3A_709] {strides = array<i32>} : memref<128xi32, #tpu.memory_space<vmem>>, vector<16xi32>,
      tpu.vector_store %arg13[%swap3A_709], %add3A_708 {strides = array<i32>} : memref<128xi32, #tpu.memory_space<vmem>>, vector<16xi32>,
      %add3A_711 = arith.constant 80 : i32
      %add3A_712 = arith.addi %mul3A_665, %add3A_711 : i32
      %get3A_713 = arith.index_cast %add3A_712 : i32 to index
      %get3A_714 = tpu.vector_load %arg7[%get3A_713] {strides = array<i32>} : memref<10000xi32, #tpu.memory_space<vmem>>, vector<16xi32>,
      %add3A_715 = arith.constant 0 : i32
      %add3A_716 = vector.broadcast %add3A_715 : i32 to vector<16xi32>
      %add3A_717 = arith.addi %get3A_714, %add3A_716 : vector<16xi32>
      %swap3A_718 = arith.constant 80 : index
      %swap3A_719 = tpu.vector_load %arg13[%swap3A_718] {strides = array<i32>} : memref<128xi32, #tpu.memory_space<vmem>>, vector<16xi32>,
      tpu.vector_store %arg13[%swap3A_718], %add3A_717 {strides = array<i32>} : memref<128xi32, #tpu.memory_space<vmem>>, vector<16xi32>,
      %add3A_720 = arith.constant 96 : i32
      %add3A_721 = arith.addi %mul3A_665, %add3A_720 : i32
      %get3A_722 = arith.index_cast %add3A_721 : i32 to index
      %get3A_723 = tpu.vector_load %arg7[%get3A_722] {strides = array<i32>} : memref<10000xi32, #tpu.memory_space<vmem>>, vector<16xi32>,
      %add3A_724 = arith.constant 0 : i32
      %add3A_725 = vector.broadcast %add3A_724 : i32 to vector<16xi32>
      %add3A_726 = arith.addi %get3A_723, %add3A_725 : vector<16xi32>
      %swap3A_727 = arith.constant 96 : index
      %swap3A_728 = tpu.vector_load %arg13[%swap3A_727] {strides = array<i32>} : memref<128xi32, #tpu.memory_space<vmem>>, vector<16xi32>,
      tpu.vector_store %arg13[%swap3A_727], %add3A_726 {strides = array<i32>} : memref<128xi32, #tpu.memory_space<vmem>>, vector<16xi32>,
      %add3A_729 = arith.constant 112 : i32
      %add3A_730 = arith.addi %mul3A_665, %add3A_729 : i32
      %get3A_731 = arith.index_cast %add3A_730 : i32 to index
      %get3A_732 = tpu.vector_load %arg7[%get3A_731] {strides = array<i32>} : memref<10000xi32, #tpu.memory_space<vmem>>, vector<16xi32>,
      %add3A_733 = arith.constant 0 : i32
      %add3A_734 = vector.broadcast %add3A_733 : i32 to vector<16xi32>
      %add3A_735 = arith.addi %get3A_732, %add3A_734 : vector<16xi32>
      %swap3A_736 = arith.constant 112 : index
      %swap3A_737 = tpu.vector_load %arg13[%swap3A_736] {strides = array<i32>} : memref<128xi32, #tpu.memory_space<vmem>>, vector<16xi32>,
      tpu.vector_store %arg13[%swap3A_736], %add3A_735 {strides = array<i32>} : memref<128xi32, #tpu.memory_space<vmem>>, vector<16xi32>,
      %dma_start3A_738 = tpu.memref_slice %arg5[%add3A_658] : memref<20000xf32, #tpu.memory_space<vmem>> -> memref<128xf32, #tpu.memory_space<vmem>>
      %dma_start3A_739 = arith.constant 0 : i32
      %dma_start3A_740 = tpu.memref_slice %arg16[%dma_start3A_739] : memref<20000xf32, #tpu.memory_space<vmem_shared>> -> memref<20000xf32, #tpu.memory_space<vmem_shared>>
      tpu.enqueue_indirect_dma source(%dma_start3A_738 : memref<128xf32, #tpu.memory_space<vmem>>) target(%dma_start3A_740 : memref<20000xf32, #tpu.memory_space<vmem_shared>>) offsets(%arg13 : memref<128xi32, #tpu.memory_space<vmem>>) semaphore(%arg22 : memref<!tpu.dma_semaphore, #tpu.memory_space<semaphore_mem>>) {add = true}
    }
    %scan3A_110 = arith.constant 13 : i32
    %dma_wait3A_111 = arith.constant 9216 : i32
    %dma_wait3A_112 = tpu.memref_slice %arg5[%dma_wait3A_111] : memref<20000xf32, #tpu.memory_space<vmem>> -> memref<128xf32, #tpu.memory_space<vmem>>
    %dma_wait3A_113 = arith.constant 0 : i32
    %dma_wait3A_114 = tpu.memref_slice %arg16[%dma_wait3A_113] : memref<20000xf32, #tpu.memory_space<vmem_shared>> -> memref<20000xf32, #tpu.memory_space<vmem_shared>>
    tpu.wait_indirect_dma semaphore(%arg17 : memref<!tpu.dma_semaphore, #tpu.memory_space<semaphore_mem>>) src(%dma_wait3A_112 : memref<128xf32, #tpu.memory_space<vmem>>) dst(%dma_wait3A_114 : memref<20000xf32, #tpu.memory_space<vmem_shared>>)
    %dma_wait3A_115 = arith.constant 9344 : i32
    %dma_wait3A_116 = tpu.memref_slice %arg5[%dma_wait3A_115] : memref<20000xf32, #tpu.memory_space<vmem>> -> memref<128xf32, #tpu.memory_space<vmem>>
    %dma_wait3A_117 = arith.constant 0 : i32
    %dma_wait3A_118 = tpu.memref_slice %arg16[%dma_wait3A_117] : memref<20000xf32, #tpu.memory_space<vmem_shared>> -> memref<20000xf32, #tpu.memory_space<vmem_shared>>
    tpu.wait_indirect_dma semaphore(%arg18 : memref<!tpu.dma_semaphore, #tpu.memory_space<semaphore_mem>>) src(%dma_wait3A_116 : memref<128xf32, #tpu.memory_space<vmem>>) dst(%dma_wait3A_118 : memref<20000xf32, #tpu.memory_space<vmem_shared>>)
    %dma_wait3A_119 = arith.constant 9472 : i32
    %dma_wait3A_120 = tpu.memref_slice %arg5[%dma_wait3A_119] : memref<20000xf32, #tpu.memory_space<vmem>> -> memref<128xf32, #tpu.memory_space<vmem>>
    %dma_wait3A_121 = arith.constant 0 : i32
    %dma_wait3A_122 = tpu.memref_slice %arg16[%dma_wait3A_121] : memref<20000xf32, #tpu.memory_space<vmem_shared>> -> memref<20000xf32, #tpu.memory_space<vmem_shared>>
    tpu.wait_indirect_dma semaphore(%arg19 : memref<!tpu.dma_semaphore, #tpu.memory_space<semaphore_mem>>) src(%dma_wait3A_120 : memref<128xf32, #tpu.memory_space<vmem>>) dst(%dma_wait3A_122 : memref<20000xf32, #tpu.memory_space<vmem_shared>>)
    %dma_wait3A_123 = arith.constant 9600 : i32
    %dma_wait3A_124 = tpu.memref_slice %arg5[%dma_wait3A_123] : memref<20000xf32, #tpu.memory_space<vmem>> -> memref<128xf32, #tpu.memory_space<vmem>>
    %dma_wait3A_125 = arith.constant 0 : i32
    %dma_wait3A_126 = tpu.memref_slice %arg16[%dma_wait3A_125] : memref<20000xf32, #tpu.memory_space<vmem_shared>> -> memref<20000xf32, #tpu.memory_space<vmem_shared>>
    tpu.wait_indirect_dma semaphore(%arg20 : memref<!tpu.dma_semaphore, #tpu.memory_space<semaphore_mem>>) src(%dma_wait3A_124 : memref<128xf32, #tpu.memory_space<vmem>>) dst(%dma_wait3A_126 : memref<20000xf32, #tpu.memory_space<vmem_shared>>)
    %dma_wait3A_127 = arith.constant 9728 : i32
    %dma_wait3A_128 = tpu.memref_slice %arg5[%dma_wait3A_127] : memref<20000xf32, #tpu.memory_space<vmem>> -> memref<128xf32, #tpu.memory_space<vmem>>
    %dma_wait3A_129 = arith.constant 0 : i32
    %dma_wait3A_130 = tpu.memref_slice %arg16[%dma_wait3A_129] : memref<20000xf32, #tpu.memory_space<vmem_shared>> -> memref<20000xf32, #tpu.memory_space<vmem_shared>>
    tpu.wait_indirect_dma semaphore(%arg21 : memref<!tpu.dma_semaphore, #tpu.memory_space<semaphore_mem>>) src(%dma_wait3A_128 : memref<128xf32, #tpu.memory_space<vmem>>) dst(%dma_wait3A_130 : memref<20000xf32, #tpu.memory_space<vmem_shared>>)
    %dma_wait3A_131 = arith.constant 9856 : i32
    %dma_wait3A_132 = tpu.memref_slice %arg5[%dma_wait3A_131] : memref<20000xf32, #tpu.memory_space<vmem>> -> memref<128xf32, #tpu.memory_space<vmem>>
    %dma_wait3A_133 = arith.constant 0 : i32
    %dma_wait3A_134 = tpu.memref_slice %arg16[%dma_wait3A_133] : memref<20000xf32, #tpu.memory_space<vmem_shared>> -> memref<20000xf32, #tpu.memory_space<vmem_shared>>
    tpu.wait_indirect_dma semaphore(%arg22 : memref<!tpu.dma_semaphore, #tpu.memory_space<semaphore_mem>>) src(%dma_wait3A_132 : memref<128xf32, #tpu.memory_space<vmem>>) dst(%dma_wait3A_134 : memref<20000xf32, #tpu.memory_space<vmem_shared>>)
    %get3A_135 = arith.constant 9984 : index
    %get3A_136 = tpu.vector_load %arg7[%get3A_135] {strides = array<i32>} : memref<10000xi32, #tpu.memory_space<vmem>>, vector<16xi32>,
    %add3A_137 = arith.constant 0 : i32
    %add3A_138 = vector.broadcast %add3A_137 : i32 to vector<16xi32>
    %add3A_139 = arith.addi %get3A_136, %add3A_138 : vector<16xi32>
    %swap3A_140 = arith.constant 0 : index
    %swap3A_141 = tpu.vector_load %arg14[%swap3A_140] {strides = array<i32>} : memref<16xi32, #tpu.memory_space<vmem>>, vector<16xi32>,
    tpu.vector_store %arg14[%swap3A_140], %add3A_139 {strides = array<i32>} : memref<16xi32, #tpu.memory_space<vmem>>, vector<16xi32>,
    "tpu.region"() ({
      %run_scoped3A = tpu.sem_alloc : memref<!tpu.dma_semaphore, #tpu.memory_space<semaphore_mem>>
      %dma_start3A = arith.constant 9984 : i32
      %dma_start3A_202 = tpu.memref_slice %arg5[%dma_start3A] : memref<20000xf32, #tpu.memory_space<vmem>> -> memref<16xf32, #tpu.memory_space<vmem>>
      %dma_start3A_203 = arith.constant 0 : i32
      %dma_start3A_204 = tpu.memref_slice %arg16[%dma_start3A_203] : memref<20000xf32, #tpu.memory_space<vmem_shared>> -> memref<20000xf32, #tpu.memory_space<vmem_shared>>
      tpu.enqueue_indirect_dma source(%dma_start3A_202 : memref<16xf32, #tpu.memory_space<vmem>>) target(%dma_start3A_204 : memref<20000xf32, #tpu.memory_space<vmem_shared>>) offsets(%arg14 : memref<16xi32, #tpu.memory_space<vmem>>) semaphore(%run_scoped3A : memref<!tpu.dma_semaphore, #tpu.memory_space<semaphore_mem>>) {add = true}
      %dma_wait3A_205 = arith.constant 9984 : i32
      %dma_wait3A_206 = tpu.memref_slice %arg5[%dma_wait3A_205] : memref<20000xf32, #tpu.memory_space<vmem>> -> memref<16xf32, #tpu.memory_space<vmem>>
      %dma_wait3A_207 = arith.constant 0 : i32
      %dma_wait3A_208 = tpu.memref_slice %arg16[%dma_wait3A_207] : memref<20000xf32, #tpu.memory_space<vmem_shared>> -> memref<20000xf32, #tpu.memory_space<vmem_shared>>
      tpu.wait_indirect_dma semaphore(%run_scoped3A : memref<!tpu.dma_semaphore, #tpu.memory_space<semaphore_mem>>) src(%dma_wait3A_206 : memref<16xf32, #tpu.memory_space<vmem>>) dst(%dma_wait3A_208 : memref<20000xf32, #tpu.memory_space<vmem_shared>>)
      tpu.yield
    }) : () -> ()
    %scan3A_142 = arith.constant 0 : i32
    %scan3A_143 = arith.constant 0 : i32
    %scan3A_144 = arith.constant 13 : i32
    %scan3A_145 = arith.addi %scan3A_143, %scan3A_144 : i32
    %scan3A_146 = arith.constant 1 : i32
    scf.for %scan3A_202 = %scan3A_143 to %scan3A_145 step %scan3A_146  : i32 {
      %mul3A_203 = arith.constant 6 : i32
      %mul3A_204 = arith.muli %scan3A_202, %mul3A_203 : i32
      %add3A_205 = arith.constant 0 : i32
      %add3A_206 = arith.addi %mul3A_204, %add3A_205 : i32
      %mul3A_207 = arith.constant 128 : i32
      %mul3A_208 = arith.muli %add3A_206, %mul3A_207 : i32
      %add3A_209 = arith.constant 10000 : i32
      %add3A_210 = arith.addi %add3A_209, %mul3A_208 : i32
      %gt3A = arith.constant 0 : i32
      %gt3A_211 = arith.cmpi sgt, %scan3A_202, %gt3A : i32
      %convert_element_type3A_212 = arith.extui %gt3A_211 : i1 to i32
      %cond3A_213 = arith.constant 0 : i32
      %cond3A_214 = arith.cmpi ne, %convert_element_type3A_212, %cond3A_213 : i32
      scf.if %cond3A_214 {
        %dma_wait3A_741 = tpu.memref_slice %arg5[%add3A_210] : memref<20000xf32, #tpu.memory_space<vmem>> -> memref<128xf32, #tpu.memory_space<vmem>>
        %dma_wait3A_742 = arith.constant 0 : i32
        %dma_wait3A_743 = tpu.memref_slice %arg16[%dma_wait3A_742] : memref<20000xf32, #tpu.memory_space<vmem_shared>> -> memref<20000xf32, #tpu.memory_space<vmem_shared>>
        tpu.wait_indirect_dma semaphore(%arg17 : memref<!tpu.dma_semaphore, #tpu.memory_space<semaphore_mem>>) src(%dma_wait3A_741 : memref<128xf32, #tpu.memory_space<vmem>>) dst(%dma_wait3A_743 : memref<20000xf32, #tpu.memory_space<vmem_shared>>)
      } else {
      }
      %mul3A_215 = arith.constant 128 : i32
      %mul3A_216 = arith.muli %add3A_206, %mul3A_215 : i32
      %add3A_217 = arith.constant 0 : i32
      %add3A_218 = arith.addi %mul3A_216, %add3A_217 : i32
      %get3A_219 = arith.index_cast %add3A_218 : i32 to index
      %get3A_220 = tpu.vector_load %arg7[%get3A_219] {strides = array<i32>} : memref<10000xi32, #tpu.memory_space<vmem>>, vector<16xi32>,
      %add3A_221 = arith.constant 10000 : i32
      %add3A_222 = vector.broadcast %add3A_221 : i32 to vector<16xi32>
      %add3A_223 = arith.addi %get3A_220, %add3A_222 : vector<16xi32>
      %swap3A_224 = arith.constant 0 : index
      %swap3A_225 = tpu.vector_load %arg8[%swap3A_224] {strides = array<i32>} : memref<128xi32, #tpu.memory_space<vmem>>, vector<16xi32>,
      tpu.vector_store %arg8[%swap3A_224], %add3A_223 {strides = array<i32>} : memref<128xi32, #tpu.memory_space<vmem>>, vector<16xi32>,
      %add3A_226 = arith.constant 16 : i32
      %add3A_227 = arith.addi %mul3A_216, %add3A_226 : i32
      %get3A_228 = arith.index_cast %add3A_227 : i32 to index
      %get3A_229 = tpu.vector_load %arg7[%get3A_228] {strides = array<i32>} : memref<10000xi32, #tpu.memory_space<vmem>>, vector<16xi32>,
      %add3A_230 = arith.constant 10000 : i32
      %add3A_231 = vector.broadcast %add3A_230 : i32 to vector<16xi32>
      %add3A_232 = arith.addi %get3A_229, %add3A_231 : vector<16xi32>
      %swap3A_233 = arith.constant 16 : index
      %swap3A_234 = tpu.vector_load %arg8[%swap3A_233] {strides = array<i32>} : memref<128xi32, #tpu.memory_space<vmem>>, vector<16xi32>,
      tpu.vector_store %arg8[%swap3A_233], %add3A_232 {strides = array<i32>} : memref<128xi32, #tpu.memory_space<vmem>>, vector<16xi32>,
      %add3A_235 = arith.constant 32 : i32
      %add3A_236 = arith.addi %mul3A_216, %add3A_235 : i32
      %get3A_237 = arith.index_cast %add3A_236 : i32 to index
      %get3A_238 = tpu.vector_load %arg7[%get3A_237] {strides = array<i32>} : memref<10000xi32, #tpu.memory_space<vmem>>, vector<16xi32>,
      %add3A_239 = arith.constant 10000 : i32
      %add3A_240 = vector.broadcast %add3A_239 : i32 to vector<16xi32>
      %add3A_241 = arith.addi %get3A_238, %add3A_240 : vector<16xi32>
      %swap3A_242 = arith.constant 32 : index
      %swap3A_243 = tpu.vector_load %arg8[%swap3A_242] {strides = array<i32>} : memref<128xi32, #tpu.memory_space<vmem>>, vector<16xi32>,
      tpu.vector_store %arg8[%swap3A_242], %add3A_241 {strides = array<i32>} : memref<128xi32, #tpu.memory_space<vmem>>, vector<16xi32>,
      %add3A_244 = arith.constant 48 : i32
      %add3A_245 = arith.addi %mul3A_216, %add3A_244 : i32
      %get3A_246 = arith.index_cast %add3A_245 : i32 to index
      %get3A_247 = tpu.vector_load %arg7[%get3A_246] {strides = array<i32>} : memref<10000xi32, #tpu.memory_space<vmem>>, vector<16xi32>,
      %add3A_248 = arith.constant 10000 : i32
      %add3A_249 = vector.broadcast %add3A_248 : i32 to vector<16xi32>
      %add3A_250 = arith.addi %get3A_247, %add3A_249 : vector<16xi32>
      %swap3A_251 = arith.constant 48 : index
      %swap3A_252 = tpu.vector_load %arg8[%swap3A_251] {strides = array<i32>} : memref<128xi32, #tpu.memory_space<vmem>>, vector<16xi32>,
      tpu.vector_store %arg8[%swap3A_251], %add3A_250 {strides = array<i32>} : memref<128xi32, #tpu.memory_space<vmem>>, vector<16xi32>,
      %add3A_253 = arith.constant 64 : i32
      %add3A_254 = arith.addi %mul3A_216, %add3A_253 : i32
      %get3A_255 = arith.index_cast %add3A_254 : i32 to index
      %get3A_256 = tpu.vector_load %arg7[%get3A_255] {strides = array<i32>} : memref<10000xi32, #tpu.memory_space<vmem>>, vector<16xi32>,
      %add3A_257 = arith.constant 10000 : i32
      %add3A_258 = vector.broadcast %add3A_257 : i32 to vector<16xi32>
      %add3A_259 = arith.addi %get3A_256, %add3A_258 : vector<16xi32>
      %swap3A_260 = arith.constant 64 : index
      %swap3A_261 = tpu.vector_load %arg8[%swap3A_260] {strides = array<i32>} : memref<128xi32, #tpu.memory_space<vmem>>, vector<16xi32>,
      tpu.vector_store %arg8[%swap3A_260], %add3A_259 {strides = array<i32>} : memref<128xi32, #tpu.memory_space<vmem>>, vector<16xi32>,
      %add3A_262 = arith.constant 80 : i32
      %add3A_263 = arith.addi %mul3A_216, %add3A_262 : i32
      %get3A_264 = arith.index_cast %add3A_263 : i32 to index
      %get3A_265 = tpu.vector_load %arg7[%get3A_264] {strides = array<i32>} : memref<10000xi32, #tpu.memory_space<vmem>>, vector<16xi32>,
      %add3A_266 = arith.constant 10000 : i32
      %add3A_267 = vector.broadcast %add3A_266 : i32 to vector<16xi32>
      %add3A_268 = arith.addi %get3A_265, %add3A_267 : vector<16xi32>
      %swap3A_269 = arith.constant 80 : index
      %swap3A_270 = tpu.vector_load %arg8[%swap3A_269] {strides = array<i32>} : memref<128xi32, #tpu.memory_space<vmem>>, vector<16xi32>,
      tpu.vector_store %arg8[%swap3A_269], %add3A_268 {strides = array<i32>} : memref<128xi32, #tpu.memory_space<vmem>>, vector<16xi32>,
      %add3A_271 = arith.constant 96 : i32
      %add3A_272 = arith.addi %mul3A_216, %add3A_271 : i32
      %get3A_273 = arith.index_cast %add3A_272 : i32 to index
      %get3A_274 = tpu.vector_load %arg7[%get3A_273] {strides = array<i32>} : memref<10000xi32, #tpu.memory_space<vmem>>, vector<16xi32>,
      %add3A_275 = arith.constant 10000 : i32
      %add3A_276 = vector.broadcast %add3A_275 : i32 to vector<16xi32>
      %add3A_277 = arith.addi %get3A_274, %add3A_276 : vector<16xi32>
      %swap3A_278 = arith.constant 96 : index
      %swap3A_279 = tpu.vector_load %arg8[%swap3A_278] {strides = array<i32>} : memref<128xi32, #tpu.memory_space<vmem>>, vector<16xi32>,
      tpu.vector_store %arg8[%swap3A_278], %add3A_277 {strides = array<i32>} : memref<128xi32, #tpu.memory_space<vmem>>, vector<16xi32>,
      %add3A_280 = arith.constant 112 : i32
      %add3A_281 = arith.addi %mul3A_216, %add3A_280 : i32
      %get3A_282 = arith.index_cast %add3A_281 : i32 to index
      %get3A_283 = tpu.vector_load %arg7[%get3A_282] {strides = array<i32>} : memref<10000xi32, #tpu.memory_space<vmem>>, vector<16xi32>,
      %add3A_284 = arith.constant 10000 : i32
      %add3A_285 = vector.broadcast %add3A_284 : i32 to vector<16xi32>
      %add3A_286 = arith.addi %get3A_283, %add3A_285 : vector<16xi32>
      %swap3A_287 = arith.constant 112 : index
      %swap3A_288 = tpu.vector_load %arg8[%swap3A_287] {strides = array<i32>} : memref<128xi32, #tpu.memory_space<vmem>>, vector<16xi32>,
      tpu.vector_store %arg8[%swap3A_287], %add3A_286 {strides = array<i32>} : memref<128xi32, #tpu.memory_space<vmem>>, vector<16xi32>,
      %dma_start3A = tpu.memref_slice %arg5[%add3A_210] : memref<20000xf32, #tpu.memory_space<vmem>> -> memref<128xf32, #tpu.memory_space<vmem>>
      %dma_start3A_289 = arith.constant 0 : i32
      %dma_start3A_290 = tpu.memref_slice %arg16[%dma_start3A_289] : memref<20000xf32, #tpu.memory_space<vmem_shared>> -> memref<20000xf32, #tpu.memory_space<vmem_shared>>
      tpu.enqueue_indirect_dma source(%dma_start3A : memref<128xf32, #tpu.memory_space<vmem>>) target(%dma_start3A_290 : memref<20000xf32, #tpu.memory_space<vmem_shared>>) offsets(%arg8 : memref<128xi32, #tpu.memory_space<vmem>>) semaphore(%arg17 : memref<!tpu.dma_semaphore, #tpu.memory_space<semaphore_mem>>) {add = true}
      %mul3A_291 = arith.constant 6 : i32
      %mul3A_292 = arith.muli %scan3A_202, %mul3A_291 : i32
      %add3A_293 = arith.constant 1 : i32
      %add3A_294 = arith.addi %mul3A_292, %add3A_293 : i32
      %mul3A_295 = arith.constant 128 : i32
      %mul3A_296 = arith.muli %add3A_294, %mul3A_295 : i32
      %add3A_297 = arith.constant 10000 : i32
      %add3A_298 = arith.addi %add3A_297, %mul3A_296 : i32
      %gt3A_299 = arith.constant 0 : i32
      %gt3A_300 = arith.cmpi sgt, %scan3A_202, %gt3A_299 : i32
      %convert_element_type3A_301 = arith.extui %gt3A_300 : i1 to i32
      %cond3A_302 = arith.constant 0 : i32
      %cond3A_303 = arith.cmpi ne, %convert_element_type3A_301, %cond3A_302 : i32
      scf.if %cond3A_303 {
        %dma_wait3A_741 = tpu.memref_slice %arg5[%add3A_298] : memref<20000xf32, #tpu.memory_space<vmem>> -> memref<128xf32, #tpu.memory_space<vmem>>
        %dma_wait3A_742 = arith.constant 0 : i32
        %dma_wait3A_743 = tpu.memref_slice %arg16[%dma_wait3A_742] : memref<20000xf32, #tpu.memory_space<vmem_shared>> -> memref<20000xf32, #tpu.memory_space<vmem_shared>>
        tpu.wait_indirect_dma semaphore(%arg18 : memref<!tpu.dma_semaphore, #tpu.memory_space<semaphore_mem>>) src(%dma_wait3A_741 : memref<128xf32, #tpu.memory_space<vmem>>) dst(%dma_wait3A_743 : memref<20000xf32, #tpu.memory_space<vmem_shared>>)
      } else {
      }
      %mul3A_304 = arith.constant 128 : i32
      %mul3A_305 = arith.muli %add3A_294, %mul3A_304 : i32
      %add3A_306 = arith.constant 0 : i32
      %add3A_307 = arith.addi %mul3A_305, %add3A_306 : i32
      %get3A_308 = arith.index_cast %add3A_307 : i32 to index
      %get3A_309 = tpu.vector_load %arg7[%get3A_308] {strides = array<i32>} : memref<10000xi32, #tpu.memory_space<vmem>>, vector<16xi32>,
      %add3A_310 = arith.constant 10000 : i32
      %add3A_311 = vector.broadcast %add3A_310 : i32 to vector<16xi32>
      %add3A_312 = arith.addi %get3A_309, %add3A_311 : vector<16xi32>
      %swap3A_313 = arith.constant 0 : index
      %swap3A_314 = tpu.vector_load %arg9[%swap3A_313] {strides = array<i32>} : memref<128xi32, #tpu.memory_space<vmem>>, vector<16xi32>,
      tpu.vector_store %arg9[%swap3A_313], %add3A_312 {strides = array<i32>} : memref<128xi32, #tpu.memory_space<vmem>>, vector<16xi32>,
      %add3A_315 = arith.constant 16 : i32
      %add3A_316 = arith.addi %mul3A_305, %add3A_315 : i32
      %get3A_317 = arith.index_cast %add3A_316 : i32 to index
      %get3A_318 = tpu.vector_load %arg7[%get3A_317] {strides = array<i32>} : memref<10000xi32, #tpu.memory_space<vmem>>, vector<16xi32>,
      %add3A_319 = arith.constant 10000 : i32
      %add3A_320 = vector.broadcast %add3A_319 : i32 to vector<16xi32>
      %add3A_321 = arith.addi %get3A_318, %add3A_320 : vector<16xi32>
      %swap3A_322 = arith.constant 16 : index
      %swap3A_323 = tpu.vector_load %arg9[%swap3A_322] {strides = array<i32>} : memref<128xi32, #tpu.memory_space<vmem>>, vector<16xi32>,
      tpu.vector_store %arg9[%swap3A_322], %add3A_321 {strides = array<i32>} : memref<128xi32, #tpu.memory_space<vmem>>, vector<16xi32>,
      %add3A_324 = arith.constant 32 : i32
      %add3A_325 = arith.addi %mul3A_305, %add3A_324 : i32
      %get3A_326 = arith.index_cast %add3A_325 : i32 to index
      %get3A_327 = tpu.vector_load %arg7[%get3A_326] {strides = array<i32>} : memref<10000xi32, #tpu.memory_space<vmem>>, vector<16xi32>,
      %add3A_328 = arith.constant 10000 : i32
      %add3A_329 = vector.broadcast %add3A_328 : i32 to vector<16xi32>
      %add3A_330 = arith.addi %get3A_327, %add3A_329 : vector<16xi32>
      %swap3A_331 = arith.constant 32 : index
      %swap3A_332 = tpu.vector_load %arg9[%swap3A_331] {strides = array<i32>} : memref<128xi32, #tpu.memory_space<vmem>>, vector<16xi32>,
      tpu.vector_store %arg9[%swap3A_331], %add3A_330 {strides = array<i32>} : memref<128xi32, #tpu.memory_space<vmem>>, vector<16xi32>,
      %add3A_333 = arith.constant 48 : i32
      %add3A_334 = arith.addi %mul3A_305, %add3A_333 : i32
      %get3A_335 = arith.index_cast %add3A_334 : i32 to index
      %get3A_336 = tpu.vector_load %arg7[%get3A_335] {strides = array<i32>} : memref<10000xi32, #tpu.memory_space<vmem>>, vector<16xi32>,
      %add3A_337 = arith.constant 10000 : i32
      %add3A_338 = vector.broadcast %add3A_337 : i32 to vector<16xi32>
      %add3A_339 = arith.addi %get3A_336, %add3A_338 : vector<16xi32>
      %swap3A_340 = arith.constant 48 : index
      %swap3A_341 = tpu.vector_load %arg9[%swap3A_340] {strides = array<i32>} : memref<128xi32, #tpu.memory_space<vmem>>, vector<16xi32>,
      tpu.vector_store %arg9[%swap3A_340], %add3A_339 {strides = array<i32>} : memref<128xi32, #tpu.memory_space<vmem>>, vector<16xi32>,
      %add3A_342 = arith.constant 64 : i32
      %add3A_343 = arith.addi %mul3A_305, %add3A_342 : i32
      %get3A_344 = arith.index_cast %add3A_343 : i32 to index
      %get3A_345 = tpu.vector_load %arg7[%get3A_344] {strides = array<i32>} : memref<10000xi32, #tpu.memory_space<vmem>>, vector<16xi32>,
      %add3A_346 = arith.constant 10000 : i32
      %add3A_347 = vector.broadcast %add3A_346 : i32 to vector<16xi32>
      %add3A_348 = arith.addi %get3A_345, %add3A_347 : vector<16xi32>
      %swap3A_349 = arith.constant 64 : index
      %swap3A_350 = tpu.vector_load %arg9[%swap3A_349] {strides = array<i32>} : memref<128xi32, #tpu.memory_space<vmem>>, vector<16xi32>,
      tpu.vector_store %arg9[%swap3A_349], %add3A_348 {strides = array<i32>} : memref<128xi32, #tpu.memory_space<vmem>>, vector<16xi32>,
      %add3A_351 = arith.constant 80 : i32
      %add3A_352 = arith.addi %mul3A_305, %add3A_351 : i32
      %get3A_353 = arith.index_cast %add3A_352 : i32 to index
      %get3A_354 = tpu.vector_load %arg7[%get3A_353] {strides = array<i32>} : memref<10000xi32, #tpu.memory_space<vmem>>, vector<16xi32>,
      %add3A_355 = arith.constant 10000 : i32
      %add3A_356 = vector.broadcast %add3A_355 : i32 to vector<16xi32>
      %add3A_357 = arith.addi %get3A_354, %add3A_356 : vector<16xi32>
      %swap3A_358 = arith.constant 80 : index
      %swap3A_359 = tpu.vector_load %arg9[%swap3A_358] {strides = array<i32>} : memref<128xi32, #tpu.memory_space<vmem>>, vector<16xi32>,
      tpu.vector_store %arg9[%swap3A_358], %add3A_357 {strides = array<i32>} : memref<128xi32, #tpu.memory_space<vmem>>, vector<16xi32>,
      %add3A_360 = arith.constant 96 : i32
      %add3A_361 = arith.addi %mul3A_305, %add3A_360 : i32
      %get3A_362 = arith.index_cast %add3A_361 : i32 to index
      %get3A_363 = tpu.vector_load %arg7[%get3A_362] {strides = array<i32>} : memref<10000xi32, #tpu.memory_space<vmem>>, vector<16xi32>,
      %add3A_364 = arith.constant 10000 : i32
      %add3A_365 = vector.broadcast %add3A_364 : i32 to vector<16xi32>
      %add3A_366 = arith.addi %get3A_363, %add3A_365 : vector<16xi32>
      %swap3A_367 = arith.constant 96 : index
      %swap3A_368 = tpu.vector_load %arg9[%swap3A_367] {strides = array<i32>} : memref<128xi32, #tpu.memory_space<vmem>>, vector<16xi32>,
      tpu.vector_store %arg9[%swap3A_367], %add3A_366 {strides = array<i32>} : memref<128xi32, #tpu.memory_space<vmem>>, vector<16xi32>,
      %add3A_369 = arith.constant 112 : i32
      %add3A_370 = arith.addi %mul3A_305, %add3A_369 : i32
      %get3A_371 = arith.index_cast %add3A_370 : i32 to index
      %get3A_372 = tpu.vector_load %arg7[%get3A_371] {strides = array<i32>} : memref<10000xi32, #tpu.memory_space<vmem>>, vector<16xi32>,
      %add3A_373 = arith.constant 10000 : i32
      %add3A_374 = vector.broadcast %add3A_373 : i32 to vector<16xi32>
      %add3A_375 = arith.addi %get3A_372, %add3A_374 : vector<16xi32>
      %swap3A_376 = arith.constant 112 : index
      %swap3A_377 = tpu.vector_load %arg9[%swap3A_376] {strides = array<i32>} : memref<128xi32, #tpu.memory_space<vmem>>, vector<16xi32>,
      tpu.vector_store %arg9[%swap3A_376], %add3A_375 {strides = array<i32>} : memref<128xi32, #tpu.memory_space<vmem>>, vector<16xi32>,
      %dma_start3A_378 = tpu.memref_slice %arg5[%add3A_298] : memref<20000xf32, #tpu.memory_space<vmem>> -> memref<128xf32, #tpu.memory_space<vmem>>
      %dma_start3A_379 = arith.constant 0 : i32
      %dma_start3A_380 = tpu.memref_slice %arg16[%dma_start3A_379] : memref<20000xf32, #tpu.memory_space<vmem_shared>> -> memref<20000xf32, #tpu.memory_space<vmem_shared>>
      tpu.enqueue_indirect_dma source(%dma_start3A_378 : memref<128xf32, #tpu.memory_space<vmem>>) target(%dma_start3A_380 : memref<20000xf32, #tpu.memory_space<vmem_shared>>) offsets(%arg9 : memref<128xi32, #tpu.memory_space<vmem>>) semaphore(%arg18 : memref<!tpu.dma_semaphore, #tpu.memory_space<semaphore_mem>>) {add = true}
      %mul3A_381 = arith.constant 6 : i32
      %mul3A_382 = arith.muli %scan3A_202, %mul3A_381 : i32
      %add3A_383 = arith.constant 2 : i32
      %add3A_384 = arith.addi %mul3A_382, %add3A_383 : i32
      %mul3A_385 = arith.constant 128 : i32
      %mul3A_386 = arith.muli %add3A_384, %mul3A_385 : i32
      %add3A_387 = arith.constant 10000 : i32
      %add3A_388 = arith.addi %add3A_387, %mul3A_386 : i32
      %gt3A_389 = arith.constant 0 : i32
      %gt3A_390 = arith.cmpi sgt, %scan3A_202, %gt3A_389 : i32
      %convert_element_type3A_391 = arith.extui %gt3A_390 : i1 to i32
      %cond3A_392 = arith.constant 0 : i32
      %cond3A_393 = arith.cmpi ne, %convert_element_type3A_391, %cond3A_392 : i32
      scf.if %cond3A_393 {
        %dma_wait3A_741 = tpu.memref_slice %arg5[%add3A_388] : memref<20000xf32, #tpu.memory_space<vmem>> -> memref<128xf32, #tpu.memory_space<vmem>>
        %dma_wait3A_742 = arith.constant 0 : i32
        %dma_wait3A_743 = tpu.memref_slice %arg16[%dma_wait3A_742] : memref<20000xf32, #tpu.memory_space<vmem_shared>> -> memref<20000xf32, #tpu.memory_space<vmem_shared>>
        tpu.wait_indirect_dma semaphore(%arg19 : memref<!tpu.dma_semaphore, #tpu.memory_space<semaphore_mem>>) src(%dma_wait3A_741 : memref<128xf32, #tpu.memory_space<vmem>>) dst(%dma_wait3A_743 : memref<20000xf32, #tpu.memory_space<vmem_shared>>)
      } else {
      }
      %mul3A_394 = arith.constant 128 : i32
      %mul3A_395 = arith.muli %add3A_384, %mul3A_394 : i32
      %add3A_396 = arith.constant 0 : i32
      %add3A_397 = arith.addi %mul3A_395, %add3A_396 : i32
      %get3A_398 = arith.index_cast %add3A_397 : i32 to index
      %get3A_399 = tpu.vector_load %arg7[%get3A_398] {strides = array<i32>} : memref<10000xi32, #tpu.memory_space<vmem>>, vector<16xi32>,
      %add3A_400 = arith.constant 10000 : i32
      %add3A_401 = vector.broadcast %add3A_400 : i32 to vector<16xi32>
      %add3A_402 = arith.addi %get3A_399, %add3A_401 : vector<16xi32>
      %swap3A_403 = arith.constant 0 : index
      %swap3A_404 = tpu.vector_load %arg10[%swap3A_403] {strides = array<i32>} : memref<128xi32, #tpu.memory_space<vmem>>, vector<16xi32>,
      tpu.vector_store %arg10[%swap3A_403], %add3A_402 {strides = array<i32>} : memref<128xi32, #tpu.memory_space<vmem>>, vector<16xi32>,
      %add3A_405 = arith.constant 16 : i32
      %add3A_406 = arith.addi %mul3A_395, %add3A_405 : i32
      %get3A_407 = arith.index_cast %add3A_406 : i32 to index
      %get3A_408 = tpu.vector_load %arg7[%get3A_407] {strides = array<i32>} : memref<10000xi32, #tpu.memory_space<vmem>>, vector<16xi32>,
      %add3A_409 = arith.constant 10000 : i32
      %add3A_410 = vector.broadcast %add3A_409 : i32 to vector<16xi32>
      %add3A_411 = arith.addi %get3A_408, %add3A_410 : vector<16xi32>
      %swap3A_412 = arith.constant 16 : index
      %swap3A_413 = tpu.vector_load %arg10[%swap3A_412] {strides = array<i32>} : memref<128xi32, #tpu.memory_space<vmem>>, vector<16xi32>,
      tpu.vector_store %arg10[%swap3A_412], %add3A_411 {strides = array<i32>} : memref<128xi32, #tpu.memory_space<vmem>>, vector<16xi32>,
      %add3A_414 = arith.constant 32 : i32
      %add3A_415 = arith.addi %mul3A_395, %add3A_414 : i32
      %get3A_416 = arith.index_cast %add3A_415 : i32 to index
      %get3A_417 = tpu.vector_load %arg7[%get3A_416] {strides = array<i32>} : memref<10000xi32, #tpu.memory_space<vmem>>, vector<16xi32>,
      %add3A_418 = arith.constant 10000 : i32
      %add3A_419 = vector.broadcast %add3A_418 : i32 to vector<16xi32>
      %add3A_420 = arith.addi %get3A_417, %add3A_419 : vector<16xi32>
      %swap3A_421 = arith.constant 32 : index
      %swap3A_422 = tpu.vector_load %arg10[%swap3A_421] {strides = array<i32>} : memref<128xi32, #tpu.memory_space<vmem>>, vector<16xi32>,
      tpu.vector_store %arg10[%swap3A_421], %add3A_420 {strides = array<i32>} : memref<128xi32, #tpu.memory_space<vmem>>, vector<16xi32>,
      %add3A_423 = arith.constant 48 : i32
      %add3A_424 = arith.addi %mul3A_395, %add3A_423 : i32
      %get3A_425 = arith.index_cast %add3A_424 : i32 to index
      %get3A_426 = tpu.vector_load %arg7[%get3A_425] {strides = array<i32>} : memref<10000xi32, #tpu.memory_space<vmem>>, vector<16xi32>,
      %add3A_427 = arith.constant 10000 : i32
      %add3A_428 = vector.broadcast %add3A_427 : i32 to vector<16xi32>
      %add3A_429 = arith.addi %get3A_426, %add3A_428 : vector<16xi32>
      %swap3A_430 = arith.constant 48 : index
      %swap3A_431 = tpu.vector_load %arg10[%swap3A_430] {strides = array<i32>} : memref<128xi32, #tpu.memory_space<vmem>>, vector<16xi32>,
      tpu.vector_store %arg10[%swap3A_430], %add3A_429 {strides = array<i32>} : memref<128xi32, #tpu.memory_space<vmem>>, vector<16xi32>,
      %add3A_432 = arith.constant 64 : i32
      %add3A_433 = arith.addi %mul3A_395, %add3A_432 : i32
      %get3A_434 = arith.index_cast %add3A_433 : i32 to index
      %get3A_435 = tpu.vector_load %arg7[%get3A_434] {strides = array<i32>} : memref<10000xi32, #tpu.memory_space<vmem>>, vector<16xi32>,
      %add3A_436 = arith.constant 10000 : i32
      %add3A_437 = vector.broadcast %add3A_436 : i32 to vector<16xi32>
      %add3A_438 = arith.addi %get3A_435, %add3A_437 : vector<16xi32>
      %swap3A_439 = arith.constant 64 : index
      %swap3A_440 = tpu.vector_load %arg10[%swap3A_439] {strides = array<i32>} : memref<128xi32, #tpu.memory_space<vmem>>, vector<16xi32>,
      tpu.vector_store %arg10[%swap3A_439], %add3A_438 {strides = array<i32>} : memref<128xi32, #tpu.memory_space<vmem>>, vector<16xi32>,
      %add3A_441 = arith.constant 80 : i32
      %add3A_442 = arith.addi %mul3A_395, %add3A_441 : i32
      %get3A_443 = arith.index_cast %add3A_442 : i32 to index
      %get3A_444 = tpu.vector_load %arg7[%get3A_443] {strides = array<i32>} : memref<10000xi32, #tpu.memory_space<vmem>>, vector<16xi32>,
      %add3A_445 = arith.constant 10000 : i32
      %add3A_446 = vector.broadcast %add3A_445 : i32 to vector<16xi32>
      %add3A_447 = arith.addi %get3A_444, %add3A_446 : vector<16xi32>
      %swap3A_448 = arith.constant 80 : index
      %swap3A_449 = tpu.vector_load %arg10[%swap3A_448] {strides = array<i32>} : memref<128xi32, #tpu.memory_space<vmem>>, vector<16xi32>,
      tpu.vector_store %arg10[%swap3A_448], %add3A_447 {strides = array<i32>} : memref<128xi32, #tpu.memory_space<vmem>>, vector<16xi32>,
      %add3A_450 = arith.constant 96 : i32
      %add3A_451 = arith.addi %mul3A_395, %add3A_450 : i32
      %get3A_452 = arith.index_cast %add3A_451 : i32 to index
      %get3A_453 = tpu.vector_load %arg7[%get3A_452] {strides = array<i32>} : memref<10000xi32, #tpu.memory_space<vmem>>, vector<16xi32>,
      %add3A_454 = arith.constant 10000 : i32
      %add3A_455 = vector.broadcast %add3A_454 : i32 to vector<16xi32>
      %add3A_456 = arith.addi %get3A_453, %add3A_455 : vector<16xi32>
      %swap3A_457 = arith.constant 96 : index
      %swap3A_458 = tpu.vector_load %arg10[%swap3A_457] {strides = array<i32>} : memref<128xi32, #tpu.memory_space<vmem>>, vector<16xi32>,
      tpu.vector_store %arg10[%swap3A_457], %add3A_456 {strides = array<i32>} : memref<128xi32, #tpu.memory_space<vmem>>, vector<16xi32>,
      %add3A_459 = arith.constant 112 : i32
      %add3A_460 = arith.addi %mul3A_395, %add3A_459 : i32
      %get3A_461 = arith.index_cast %add3A_460 : i32 to index
      %get3A_462 = tpu.vector_load %arg7[%get3A_461] {strides = array<i32>} : memref<10000xi32, #tpu.memory_space<vmem>>, vector<16xi32>,
      %add3A_463 = arith.constant 10000 : i32
      %add3A_464 = vector.broadcast %add3A_463 : i32 to vector<16xi32>
      %add3A_465 = arith.addi %get3A_462, %add3A_464 : vector<16xi32>
      %swap3A_466 = arith.constant 112 : index
      %swap3A_467 = tpu.vector_load %arg10[%swap3A_466] {strides = array<i32>} : memref<128xi32, #tpu.memory_space<vmem>>, vector<16xi32>,
      tpu.vector_store %arg10[%swap3A_466], %add3A_465 {strides = array<i32>} : memref<128xi32, #tpu.memory_space<vmem>>, vector<16xi32>,
      %dma_start3A_468 = tpu.memref_slice %arg5[%add3A_388] : memref<20000xf32, #tpu.memory_space<vmem>> -> memref<128xf32, #tpu.memory_space<vmem>>
      %dma_start3A_469 = arith.constant 0 : i32
      %dma_start3A_470 = tpu.memref_slice %arg16[%dma_start3A_469] : memref<20000xf32, #tpu.memory_space<vmem_shared>> -> memref<20000xf32, #tpu.memory_space<vmem_shared>>
      tpu.enqueue_indirect_dma source(%dma_start3A_468 : memref<128xf32, #tpu.memory_space<vmem>>) target(%dma_start3A_470 : memref<20000xf32, #tpu.memory_space<vmem_shared>>) offsets(%arg10 : memref<128xi32, #tpu.memory_space<vmem>>) semaphore(%arg19 : memref<!tpu.dma_semaphore, #tpu.memory_space<semaphore_mem>>) {add = true}
      %mul3A_471 = arith.constant 6 : i32
      %mul3A_472 = arith.muli %scan3A_202, %mul3A_471 : i32
      %add3A_473 = arith.constant 3 : i32
      %add3A_474 = arith.addi %mul3A_472, %add3A_473 : i32
      %mul3A_475 = arith.constant 128 : i32
      %mul3A_476 = arith.muli %add3A_474, %mul3A_475 : i32
      %add3A_477 = arith.constant 10000 : i32
      %add3A_478 = arith.addi %add3A_477, %mul3A_476 : i32
      %gt3A_479 = arith.constant 0 : i32
      %gt3A_480 = arith.cmpi sgt, %scan3A_202, %gt3A_479 : i32
      %convert_element_type3A_481 = arith.extui %gt3A_480 : i1 to i32
      %cond3A_482 = arith.constant 0 : i32
      %cond3A_483 = arith.cmpi ne, %convert_element_type3A_481, %cond3A_482 : i32
      scf.if %cond3A_483 {
        %dma_wait3A_741 = tpu.memref_slice %arg5[%add3A_478] : memref<20000xf32, #tpu.memory_space<vmem>> -> memref<128xf32, #tpu.memory_space<vmem>>
        %dma_wait3A_742 = arith.constant 0 : i32
        %dma_wait3A_743 = tpu.memref_slice %arg16[%dma_wait3A_742] : memref<20000xf32, #tpu.memory_space<vmem_shared>> -> memref<20000xf32, #tpu.memory_space<vmem_shared>>
        tpu.wait_indirect_dma semaphore(%arg20 : memref<!tpu.dma_semaphore, #tpu.memory_space<semaphore_mem>>) src(%dma_wait3A_741 : memref<128xf32, #tpu.memory_space<vmem>>) dst(%dma_wait3A_743 : memref<20000xf32, #tpu.memory_space<vmem_shared>>)
      } else {
      }
      %mul3A_484 = arith.constant 128 : i32
      %mul3A_485 = arith.muli %add3A_474, %mul3A_484 : i32
      %add3A_486 = arith.constant 0 : i32
      %add3A_487 = arith.addi %mul3A_485, %add3A_486 : i32
      %get3A_488 = arith.index_cast %add3A_487 : i32 to index
      %get3A_489 = tpu.vector_load %arg7[%get3A_488] {strides = array<i32>} : memref<10000xi32, #tpu.memory_space<vmem>>, vector<16xi32>,
      %add3A_490 = arith.constant 10000 : i32
      %add3A_491 = vector.broadcast %add3A_490 : i32 to vector<16xi32>
      %add3A_492 = arith.addi %get3A_489, %add3A_491 : vector<16xi32>
      %swap3A_493 = arith.constant 0 : index
      %swap3A_494 = tpu.vector_load %arg11[%swap3A_493] {strides = array<i32>} : memref<128xi32, #tpu.memory_space<vmem>>, vector<16xi32>,
      tpu.vector_store %arg11[%swap3A_493], %add3A_492 {strides = array<i32>} : memref<128xi32, #tpu.memory_space<vmem>>, vector<16xi32>,
      %add3A_495 = arith.constant 16 : i32
      %add3A_496 = arith.addi %mul3A_485, %add3A_495 : i32
      %get3A_497 = arith.index_cast %add3A_496 : i32 to index
      %get3A_498 = tpu.vector_load %arg7[%get3A_497] {strides = array<i32>} : memref<10000xi32, #tpu.memory_space<vmem>>, vector<16xi32>,
      %add3A_499 = arith.constant 10000 : i32
      %add3A_500 = vector.broadcast %add3A_499 : i32 to vector<16xi32>
      %add3A_501 = arith.addi %get3A_498, %add3A_500 : vector<16xi32>
      %swap3A_502 = arith.constant 16 : index
      %swap3A_503 = tpu.vector_load %arg11[%swap3A_502] {strides = array<i32>} : memref<128xi32, #tpu.memory_space<vmem>>, vector<16xi32>,
      tpu.vector_store %arg11[%swap3A_502], %add3A_501 {strides = array<i32>} : memref<128xi32, #tpu.memory_space<vmem>>, vector<16xi32>,
      %add3A_504 = arith.constant 32 : i32
      %add3A_505 = arith.addi %mul3A_485, %add3A_504 : i32
      %get3A_506 = arith.index_cast %add3A_505 : i32 to index
      %get3A_507 = tpu.vector_load %arg7[%get3A_506] {strides = array<i32>} : memref<10000xi32, #tpu.memory_space<vmem>>, vector<16xi32>,
      %add3A_508 = arith.constant 10000 : i32
      %add3A_509 = vector.broadcast %add3A_508 : i32 to vector<16xi32>
      %add3A_510 = arith.addi %get3A_507, %add3A_509 : vector<16xi32>
      %swap3A_511 = arith.constant 32 : index
      %swap3A_512 = tpu.vector_load %arg11[%swap3A_511] {strides = array<i32>} : memref<128xi32, #tpu.memory_space<vmem>>, vector<16xi32>,
      tpu.vector_store %arg11[%swap3A_511], %add3A_510 {strides = array<i32>} : memref<128xi32, #tpu.memory_space<vmem>>, vector<16xi32>,
      %add3A_513 = arith.constant 48 : i32
      %add3A_514 = arith.addi %mul3A_485, %add3A_513 : i32
      %get3A_515 = arith.index_cast %add3A_514 : i32 to index
      %get3A_516 = tpu.vector_load %arg7[%get3A_515] {strides = array<i32>} : memref<10000xi32, #tpu.memory_space<vmem>>, vector<16xi32>,
      %add3A_517 = arith.constant 10000 : i32
      %add3A_518 = vector.broadcast %add3A_517 : i32 to vector<16xi32>
      %add3A_519 = arith.addi %get3A_516, %add3A_518 : vector<16xi32>
      %swap3A_520 = arith.constant 48 : index
      %swap3A_521 = tpu.vector_load %arg11[%swap3A_520] {strides = array<i32>} : memref<128xi32, #tpu.memory_space<vmem>>, vector<16xi32>,
      tpu.vector_store %arg11[%swap3A_520], %add3A_519 {strides = array<i32>} : memref<128xi32, #tpu.memory_space<vmem>>, vector<16xi32>,
      %add3A_522 = arith.constant 64 : i32
      %add3A_523 = arith.addi %mul3A_485, %add3A_522 : i32
      %get3A_524 = arith.index_cast %add3A_523 : i32 to index
      %get3A_525 = tpu.vector_load %arg7[%get3A_524] {strides = array<i32>} : memref<10000xi32, #tpu.memory_space<vmem>>, vector<16xi32>,
      %add3A_526 = arith.constant 10000 : i32
      %add3A_527 = vector.broadcast %add3A_526 : i32 to vector<16xi32>
      %add3A_528 = arith.addi %get3A_525, %add3A_527 : vector<16xi32>
      %swap3A_529 = arith.constant 64 : index
      %swap3A_530 = tpu.vector_load %arg11[%swap3A_529] {strides = array<i32>} : memref<128xi32, #tpu.memory_space<vmem>>, vector<16xi32>,
      tpu.vector_store %arg11[%swap3A_529], %add3A_528 {strides = array<i32>} : memref<128xi32, #tpu.memory_space<vmem>>, vector<16xi32>,
      %add3A_531 = arith.constant 80 : i32
      %add3A_532 = arith.addi %mul3A_485, %add3A_531 : i32
      %get3A_533 = arith.index_cast %add3A_532 : i32 to index
      %get3A_534 = tpu.vector_load %arg7[%get3A_533] {strides = array<i32>} : memref<10000xi32, #tpu.memory_space<vmem>>, vector<16xi32>,
      %add3A_535 = arith.constant 10000 : i32
      %add3A_536 = vector.broadcast %add3A_535 : i32 to vector<16xi32>
      %add3A_537 = arith.addi %get3A_534, %add3A_536 : vector<16xi32>
      %swap3A_538 = arith.constant 80 : index
      %swap3A_539 = tpu.vector_load %arg11[%swap3A_538] {strides = array<i32>} : memref<128xi32, #tpu.memory_space<vmem>>, vector<16xi32>,
      tpu.vector_store %arg11[%swap3A_538], %add3A_537 {strides = array<i32>} : memref<128xi32, #tpu.memory_space<vmem>>, vector<16xi32>,
      %add3A_540 = arith.constant 96 : i32
      %add3A_541 = arith.addi %mul3A_485, %add3A_540 : i32
      %get3A_542 = arith.index_cast %add3A_541 : i32 to index
      %get3A_543 = tpu.vector_load %arg7[%get3A_542] {strides = array<i32>} : memref<10000xi32, #tpu.memory_space<vmem>>, vector<16xi32>,
      %add3A_544 = arith.constant 10000 : i32
      %add3A_545 = vector.broadcast %add3A_544 : i32 to vector<16xi32>
      %add3A_546 = arith.addi %get3A_543, %add3A_545 : vector<16xi32>
      %swap3A_547 = arith.constant 96 : index
      %swap3A_548 = tpu.vector_load %arg11[%swap3A_547] {strides = array<i32>} : memref<128xi32, #tpu.memory_space<vmem>>, vector<16xi32>,
      tpu.vector_store %arg11[%swap3A_547], %add3A_546 {strides = array<i32>} : memref<128xi32, #tpu.memory_space<vmem>>, vector<16xi32>,
      %add3A_549 = arith.constant 112 : i32
      %add3A_550 = arith.addi %mul3A_485, %add3A_549 : i32
      %get3A_551 = arith.index_cast %add3A_550 : i32 to index
      %get3A_552 = tpu.vector_load %arg7[%get3A_551] {strides = array<i32>} : memref<10000xi32, #tpu.memory_space<vmem>>, vector<16xi32>,
      %add3A_553 = arith.constant 10000 : i32
      %add3A_554 = vector.broadcast %add3A_553 : i32 to vector<16xi32>
      %add3A_555 = arith.addi %get3A_552, %add3A_554 : vector<16xi32>
      %swap3A_556 = arith.constant 112 : index
      %swap3A_557 = tpu.vector_load %arg11[%swap3A_556] {strides = array<i32>} : memref<128xi32, #tpu.memory_space<vmem>>, vector<16xi32>,
      tpu.vector_store %arg11[%swap3A_556], %add3A_555 {strides = array<i32>} : memref<128xi32, #tpu.memory_space<vmem>>, vector<16xi32>,
      %dma_start3A_558 = tpu.memref_slice %arg5[%add3A_478] : memref<20000xf32, #tpu.memory_space<vmem>> -> memref<128xf32, #tpu.memory_space<vmem>>
      %dma_start3A_559 = arith.constant 0 : i32
      %dma_start3A_560 = tpu.memref_slice %arg16[%dma_start3A_559] : memref<20000xf32, #tpu.memory_space<vmem_shared>> -> memref<20000xf32, #tpu.memory_space<vmem_shared>>
      tpu.enqueue_indirect_dma source(%dma_start3A_558 : memref<128xf32, #tpu.memory_space<vmem>>) target(%dma_start3A_560 : memref<20000xf32, #tpu.memory_space<vmem_shared>>) offsets(%arg11 : memref<128xi32, #tpu.memory_space<vmem>>) semaphore(%arg20 : memref<!tpu.dma_semaphore, #tpu.memory_space<semaphore_mem>>) {add = true}
      %mul3A_561 = arith.constant 6 : i32
      %mul3A_562 = arith.muli %scan3A_202, %mul3A_561 : i32
      %add3A_563 = arith.constant 4 : i32
      %add3A_564 = arith.addi %mul3A_562, %add3A_563 : i32
      %mul3A_565 = arith.constant 128 : i32
      %mul3A_566 = arith.muli %add3A_564, %mul3A_565 : i32
      %add3A_567 = arith.constant 10000 : i32
      %add3A_568 = arith.addi %add3A_567, %mul3A_566 : i32
      %gt3A_569 = arith.constant 0 : i32
      %gt3A_570 = arith.cmpi sgt, %scan3A_202, %gt3A_569 : i32
      %convert_element_type3A_571 = arith.extui %gt3A_570 : i1 to i32
      %cond3A_572 = arith.constant 0 : i32
      %cond3A_573 = arith.cmpi ne, %convert_element_type3A_571, %cond3A_572 : i32
      scf.if %cond3A_573 {
        %dma_wait3A_741 = tpu.memref_slice %arg5[%add3A_568] : memref<20000xf32, #tpu.memory_space<vmem>> -> memref<128xf32, #tpu.memory_space<vmem>>
        %dma_wait3A_742 = arith.constant 0 : i32
        %dma_wait3A_743 = tpu.memref_slice %arg16[%dma_wait3A_742] : memref<20000xf32, #tpu.memory_space<vmem_shared>> -> memref<20000xf32, #tpu.memory_space<vmem_shared>>
        tpu.wait_indirect_dma semaphore(%arg21 : memref<!tpu.dma_semaphore, #tpu.memory_space<semaphore_mem>>) src(%dma_wait3A_741 : memref<128xf32, #tpu.memory_space<vmem>>) dst(%dma_wait3A_743 : memref<20000xf32, #tpu.memory_space<vmem_shared>>)
      } else {
      }
      %mul3A_574 = arith.constant 128 : i32
      %mul3A_575 = arith.muli %add3A_564, %mul3A_574 : i32
      %add3A_576 = arith.constant 0 : i32
      %add3A_577 = arith.addi %mul3A_575, %add3A_576 : i32
      %get3A_578 = arith.index_cast %add3A_577 : i32 to index
      %get3A_579 = tpu.vector_load %arg7[%get3A_578] {strides = array<i32>} : memref<10000xi32, #tpu.memory_space<vmem>>, vector<16xi32>,
      %add3A_580 = arith.constant 10000 : i32
      %add3A_581 = vector.broadcast %add3A_580 : i32 to vector<16xi32>
      %add3A_582 = arith.addi %get3A_579, %add3A_581 : vector<16xi32>
      %swap3A_583 = arith.constant 0 : index
      %swap3A_584 = tpu.vector_load %arg12[%swap3A_583] {strides = array<i32>} : memref<128xi32, #tpu.memory_space<vmem>>, vector<16xi32>,
      tpu.vector_store %arg12[%swap3A_583], %add3A_582 {strides = array<i32>} : memref<128xi32, #tpu.memory_space<vmem>>, vector<16xi32>,
      %add3A_585 = arith.constant 16 : i32
      %add3A_586 = arith.addi %mul3A_575, %add3A_585 : i32
      %get3A_587 = arith.index_cast %add3A_586 : i32 to index
      %get3A_588 = tpu.vector_load %arg7[%get3A_587] {strides = array<i32>} : memref<10000xi32, #tpu.memory_space<vmem>>, vector<16xi32>,
      %add3A_589 = arith.constant 10000 : i32
      %add3A_590 = vector.broadcast %add3A_589 : i32 to vector<16xi32>
      %add3A_591 = arith.addi %get3A_588, %add3A_590 : vector<16xi32>
      %swap3A_592 = arith.constant 16 : index
      %swap3A_593 = tpu.vector_load %arg12[%swap3A_592] {strides = array<i32>} : memref<128xi32, #tpu.memory_space<vmem>>, vector<16xi32>,
      tpu.vector_store %arg12[%swap3A_592], %add3A_591 {strides = array<i32>} : memref<128xi32, #tpu.memory_space<vmem>>, vector<16xi32>,
      %add3A_594 = arith.constant 32 : i32
      %add3A_595 = arith.addi %mul3A_575, %add3A_594 : i32
      %get3A_596 = arith.index_cast %add3A_595 : i32 to index
      %get3A_597 = tpu.vector_load %arg7[%get3A_596] {strides = array<i32>} : memref<10000xi32, #tpu.memory_space<vmem>>, vector<16xi32>,
      %add3A_598 = arith.constant 10000 : i32
      %add3A_599 = vector.broadcast %add3A_598 : i32 to vector<16xi32>
      %add3A_600 = arith.addi %get3A_597, %add3A_599 : vector<16xi32>
      %swap3A_601 = arith.constant 32 : index
      %swap3A_602 = tpu.vector_load %arg12[%swap3A_601] {strides = array<i32>} : memref<128xi32, #tpu.memory_space<vmem>>, vector<16xi32>,
      tpu.vector_store %arg12[%swap3A_601], %add3A_600 {strides = array<i32>} : memref<128xi32, #tpu.memory_space<vmem>>, vector<16xi32>,
      %add3A_603 = arith.constant 48 : i32
      %add3A_604 = arith.addi %mul3A_575, %add3A_603 : i32
      %get3A_605 = arith.index_cast %add3A_604 : i32 to index
      %get3A_606 = tpu.vector_load %arg7[%get3A_605] {strides = array<i32>} : memref<10000xi32, #tpu.memory_space<vmem>>, vector<16xi32>,
      %add3A_607 = arith.constant 10000 : i32
      %add3A_608 = vector.broadcast %add3A_607 : i32 to vector<16xi32>
      %add3A_609 = arith.addi %get3A_606, %add3A_608 : vector<16xi32>
      %swap3A_610 = arith.constant 48 : index
      %swap3A_611 = tpu.vector_load %arg12[%swap3A_610] {strides = array<i32>} : memref<128xi32, #tpu.memory_space<vmem>>, vector<16xi32>,
      tpu.vector_store %arg12[%swap3A_610], %add3A_609 {strides = array<i32>} : memref<128xi32, #tpu.memory_space<vmem>>, vector<16xi32>,
      %add3A_612 = arith.constant 64 : i32
      %add3A_613 = arith.addi %mul3A_575, %add3A_612 : i32
      %get3A_614 = arith.index_cast %add3A_613 : i32 to index
      %get3A_615 = tpu.vector_load %arg7[%get3A_614] {strides = array<i32>} : memref<10000xi32, #tpu.memory_space<vmem>>, vector<16xi32>,
      %add3A_616 = arith.constant 10000 : i32
      %add3A_617 = vector.broadcast %add3A_616 : i32 to vector<16xi32>
      %add3A_618 = arith.addi %get3A_615, %add3A_617 : vector<16xi32>
      %swap3A_619 = arith.constant 64 : index
      %swap3A_620 = tpu.vector_load %arg12[%swap3A_619] {strides = array<i32>} : memref<128xi32, #tpu.memory_space<vmem>>, vector<16xi32>,
      tpu.vector_store %arg12[%swap3A_619], %add3A_618 {strides = array<i32>} : memref<128xi32, #tpu.memory_space<vmem>>, vector<16xi32>,
      %add3A_621 = arith.constant 80 : i32
      %add3A_622 = arith.addi %mul3A_575, %add3A_621 : i32
      %get3A_623 = arith.index_cast %add3A_622 : i32 to index
      %get3A_624 = tpu.vector_load %arg7[%get3A_623] {strides = array<i32>} : memref<10000xi32, #tpu.memory_space<vmem>>, vector<16xi32>,
      %add3A_625 = arith.constant 10000 : i32
      %add3A_626 = vector.broadcast %add3A_625 : i32 to vector<16xi32>
      %add3A_627 = arith.addi %get3A_624, %add3A_626 : vector<16xi32>
      %swap3A_628 = arith.constant 80 : index
      %swap3A_629 = tpu.vector_load %arg12[%swap3A_628] {strides = array<i32>} : memref<128xi32, #tpu.memory_space<vmem>>, vector<16xi32>,
      tpu.vector_store %arg12[%swap3A_628], %add3A_627 {strides = array<i32>} : memref<128xi32, #tpu.memory_space<vmem>>, vector<16xi32>,
      %add3A_630 = arith.constant 96 : i32
      %add3A_631 = arith.addi %mul3A_575, %add3A_630 : i32
      %get3A_632 = arith.index_cast %add3A_631 : i32 to index
      %get3A_633 = tpu.vector_load %arg7[%get3A_632] {strides = array<i32>} : memref<10000xi32, #tpu.memory_space<vmem>>, vector<16xi32>,
      %add3A_634 = arith.constant 10000 : i32
      %add3A_635 = vector.broadcast %add3A_634 : i32 to vector<16xi32>
      %add3A_636 = arith.addi %get3A_633, %add3A_635 : vector<16xi32>
      %swap3A_637 = arith.constant 96 : index
      %swap3A_638 = tpu.vector_load %arg12[%swap3A_637] {strides = array<i32>} : memref<128xi32, #tpu.memory_space<vmem>>, vector<16xi32>,
      tpu.vector_store %arg12[%swap3A_637], %add3A_636 {strides = array<i32>} : memref<128xi32, #tpu.memory_space<vmem>>, vector<16xi32>,
      %add3A_639 = arith.constant 112 : i32
      %add3A_640 = arith.addi %mul3A_575, %add3A_639 : i32
      %get3A_641 = arith.index_cast %add3A_640 : i32 to index
      %get3A_642 = tpu.vector_load %arg7[%get3A_641] {strides = array<i32>} : memref<10000xi32, #tpu.memory_space<vmem>>, vector<16xi32>,
      %add3A_643 = arith.constant 10000 : i32
      %add3A_644 = vector.broadcast %add3A_643 : i32 to vector<16xi32>
      %add3A_645 = arith.addi %get3A_642, %add3A_644 : vector<16xi32>
      %swap3A_646 = arith.constant 112 : index
      %swap3A_647 = tpu.vector_load %arg12[%swap3A_646] {strides = array<i32>} : memref<128xi32, #tpu.memory_space<vmem>>, vector<16xi32>,
      tpu.vector_store %arg12[%swap3A_646], %add3A_645 {strides = array<i32>} : memref<128xi32, #tpu.memory_space<vmem>>, vector<16xi32>,
      %dma_start3A_648 = tpu.memref_slice %arg5[%add3A_568] : memref<20000xf32, #tpu.memory_space<vmem>> -> memref<128xf32, #tpu.memory_space<vmem>>
      %dma_start3A_649 = arith.constant 0 : i32
      %dma_start3A_650 = tpu.memref_slice %arg16[%dma_start3A_649] : memref<20000xf32, #tpu.memory_space<vmem_shared>> -> memref<20000xf32, #tpu.memory_space<vmem_shared>>
      tpu.enqueue_indirect_dma source(%dma_start3A_648 : memref<128xf32, #tpu.memory_space<vmem>>) target(%dma_start3A_650 : memref<20000xf32, #tpu.memory_space<vmem_shared>>) offsets(%arg12 : memref<128xi32, #tpu.memory_space<vmem>>) semaphore(%arg21 : memref<!tpu.dma_semaphore, #tpu.memory_space<semaphore_mem>>) {add = true}
      %mul3A_651 = arith.constant 6 : i32
      %mul3A_652 = arith.muli %scan3A_202, %mul3A_651 : i32
      %add3A_653 = arith.constant 5 : i32
      %add3A_654 = arith.addi %mul3A_652, %add3A_653 : i32
      %mul3A_655 = arith.constant 128 : i32
      %mul3A_656 = arith.muli %add3A_654, %mul3A_655 : i32
      %add3A_657 = arith.constant 10000 : i32
      %add3A_658 = arith.addi %add3A_657, %mul3A_656 : i32
      %gt3A_659 = arith.constant 0 : i32
      %gt3A_660 = arith.cmpi sgt, %scan3A_202, %gt3A_659 : i32
      %convert_element_type3A_661 = arith.extui %gt3A_660 : i1 to i32
      %cond3A_662 = arith.constant 0 : i32
      %cond3A_663 = arith.cmpi ne, %convert_element_type3A_661, %cond3A_662 : i32
      scf.if %cond3A_663 {
        %dma_wait3A_741 = tpu.memref_slice %arg5[%add3A_658] : memref<20000xf32, #tpu.memory_space<vmem>> -> memref<128xf32, #tpu.memory_space<vmem>>
        %dma_wait3A_742 = arith.constant 0 : i32
        %dma_wait3A_743 = tpu.memref_slice %arg16[%dma_wait3A_742] : memref<20000xf32, #tpu.memory_space<vmem_shared>> -> memref<20000xf32, #tpu.memory_space<vmem_shared>>
        tpu.wait_indirect_dma semaphore(%arg22 : memref<!tpu.dma_semaphore, #tpu.memory_space<semaphore_mem>>) src(%dma_wait3A_741 : memref<128xf32, #tpu.memory_space<vmem>>) dst(%dma_wait3A_743 : memref<20000xf32, #tpu.memory_space<vmem_shared>>)
      } else {
      }
      %mul3A_664 = arith.constant 128 : i32
      %mul3A_665 = arith.muli %add3A_654, %mul3A_664 : i32
      %add3A_666 = arith.constant 0 : i32
      %add3A_667 = arith.addi %mul3A_665, %add3A_666 : i32
      %get3A_668 = arith.index_cast %add3A_667 : i32 to index
      %get3A_669 = tpu.vector_load %arg7[%get3A_668] {strides = array<i32>} : memref<10000xi32, #tpu.memory_space<vmem>>, vector<16xi32>,
      %add3A_670 = arith.constant 10000 : i32
      %add3A_671 = vector.broadcast %add3A_670 : i32 to vector<16xi32>
      %add3A_672 = arith.addi %get3A_669, %add3A_671 : vector<16xi32>
      %swap3A_673 = arith.constant 0 : index
      %swap3A_674 = tpu.vector_load %arg13[%swap3A_673] {strides = array<i32>} : memref<128xi32, #tpu.memory_space<vmem>>, vector<16xi32>,
      tpu.vector_store %arg13[%swap3A_673], %add3A_672 {strides = array<i32>} : memref<128xi32, #tpu.memory_space<vmem>>, vector<16xi32>,
      %add3A_675 = arith.constant 16 : i32
      %add3A_676 = arith.addi %mul3A_665, %add3A_675 : i32
      %get3A_677 = arith.index_cast %add3A_676 : i32 to index
      %get3A_678 = tpu.vector_load %arg7[%get3A_677] {strides = array<i32>} : memref<10000xi32, #tpu.memory_space<vmem>>, vector<16xi32>,
      %add3A_679 = arith.constant 10000 : i32
      %add3A_680 = vector.broadcast %add3A_679 : i32 to vector<16xi32>
      %add3A_681 = arith.addi %get3A_678, %add3A_680 : vector<16xi32>
      %swap3A_682 = arith.constant 16 : index
      %swap3A_683 = tpu.vector_load %arg13[%swap3A_682] {strides = array<i32>} : memref<128xi32, #tpu.memory_space<vmem>>, vector<16xi32>,
      tpu.vector_store %arg13[%swap3A_682], %add3A_681 {strides = array<i32>} : memref<128xi32, #tpu.memory_space<vmem>>, vector<16xi32>,
      %add3A_684 = arith.constant 32 : i32
      %add3A_685 = arith.addi %mul3A_665, %add3A_684 : i32
      %get3A_686 = arith.index_cast %add3A_685 : i32 to index
      %get3A_687 = tpu.vector_load %arg7[%get3A_686] {strides = array<i32>} : memref<10000xi32, #tpu.memory_space<vmem>>, vector<16xi32>,
      %add3A_688 = arith.constant 10000 : i32
      %add3A_689 = vector.broadcast %add3A_688 : i32 to vector<16xi32>
      %add3A_690 = arith.addi %get3A_687, %add3A_689 : vector<16xi32>
      %swap3A_691 = arith.constant 32 : index
      %swap3A_692 = tpu.vector_load %arg13[%swap3A_691] {strides = array<i32>} : memref<128xi32, #tpu.memory_space<vmem>>, vector<16xi32>,
      tpu.vector_store %arg13[%swap3A_691], %add3A_690 {strides = array<i32>} : memref<128xi32, #tpu.memory_space<vmem>>, vector<16xi32>,
      %add3A_693 = arith.constant 48 : i32
      %add3A_694 = arith.addi %mul3A_665, %add3A_693 : i32
      %get3A_695 = arith.index_cast %add3A_694 : i32 to index
      %get3A_696 = tpu.vector_load %arg7[%get3A_695] {strides = array<i32>} : memref<10000xi32, #tpu.memory_space<vmem>>, vector<16xi32>,
      %add3A_697 = arith.constant 10000 : i32
      %add3A_698 = vector.broadcast %add3A_697 : i32 to vector<16xi32>
      %add3A_699 = arith.addi %get3A_696, %add3A_698 : vector<16xi32>
      %swap3A_700 = arith.constant 48 : index
      %swap3A_701 = tpu.vector_load %arg13[%swap3A_700] {strides = array<i32>} : memref<128xi32, #tpu.memory_space<vmem>>, vector<16xi32>,
      tpu.vector_store %arg13[%swap3A_700], %add3A_699 {strides = array<i32>} : memref<128xi32, #tpu.memory_space<vmem>>, vector<16xi32>,
      %add3A_702 = arith.constant 64 : i32
      %add3A_703 = arith.addi %mul3A_665, %add3A_702 : i32
      %get3A_704 = arith.index_cast %add3A_703 : i32 to index
      %get3A_705 = tpu.vector_load %arg7[%get3A_704] {strides = array<i32>} : memref<10000xi32, #tpu.memory_space<vmem>>, vector<16xi32>,
      %add3A_706 = arith.constant 10000 : i32
      %add3A_707 = vector.broadcast %add3A_706 : i32 to vector<16xi32>
      %add3A_708 = arith.addi %get3A_705, %add3A_707 : vector<16xi32>
      %swap3A_709 = arith.constant 64 : index
      %swap3A_710 = tpu.vector_load %arg13[%swap3A_709] {strides = array<i32>} : memref<128xi32, #tpu.memory_space<vmem>>, vector<16xi32>,
      tpu.vector_store %arg13[%swap3A_709], %add3A_708 {strides = array<i32>} : memref<128xi32, #tpu.memory_space<vmem>>, vector<16xi32>,
      %add3A_711 = arith.constant 80 : i32
      %add3A_712 = arith.addi %mul3A_665, %add3A_711 : i32
      %get3A_713 = arith.index_cast %add3A_712 : i32 to index
      %get3A_714 = tpu.vector_load %arg7[%get3A_713] {strides = array<i32>} : memref<10000xi32, #tpu.memory_space<vmem>>, vector<16xi32>,
      %add3A_715 = arith.constant 10000 : i32
      %add3A_716 = vector.broadcast %add3A_715 : i32 to vector<16xi32>
      %add3A_717 = arith.addi %get3A_714, %add3A_716 : vector<16xi32>
      %swap3A_718 = arith.constant 80 : index
      %swap3A_719 = tpu.vector_load %arg13[%swap3A_718] {strides = array<i32>} : memref<128xi32, #tpu.memory_space<vmem>>, vector<16xi32>,
      tpu.vector_store %arg13[%swap3A_718], %add3A_717 {strides = array<i32>} : memref<128xi32, #tpu.memory_space<vmem>>, vector<16xi32>,
      %add3A_720 = arith.constant 96 : i32
      %add3A_721 = arith.addi %mul3A_665, %add3A_720 : i32
      %get3A_722 = arith.index_cast %add3A_721 : i32 to index
      %get3A_723 = tpu.vector_load %arg7[%get3A_722] {strides = array<i32>} : memref<10000xi32, #tpu.memory_space<vmem>>, vector<16xi32>,
      %add3A_724 = arith.constant 10000 : i32
      %add3A_725 = vector.broadcast %add3A_724 : i32 to vector<16xi32>
      %add3A_726 = arith.addi %get3A_723, %add3A_725 : vector<16xi32>
      %swap3A_727 = arith.constant 96 : index
      %swap3A_728 = tpu.vector_load %arg13[%swap3A_727] {strides = array<i32>} : memref<128xi32, #tpu.memory_space<vmem>>, vector<16xi32>,
      tpu.vector_store %arg13[%swap3A_727], %add3A_726 {strides = array<i32>} : memref<128xi32, #tpu.memory_space<vmem>>, vector<16xi32>,
      %add3A_729 = arith.constant 112 : i32
      %add3A_730 = arith.addi %mul3A_665, %add3A_729 : i32
      %get3A_731 = arith.index_cast %add3A_730 : i32 to index
      %get3A_732 = tpu.vector_load %arg7[%get3A_731] {strides = array<i32>} : memref<10000xi32, #tpu.memory_space<vmem>>, vector<16xi32>,
      %add3A_733 = arith.constant 10000 : i32
      %add3A_734 = vector.broadcast %add3A_733 : i32 to vector<16xi32>
      %add3A_735 = arith.addi %get3A_732, %add3A_734 : vector<16xi32>
      %swap3A_736 = arith.constant 112 : index
      %swap3A_737 = tpu.vector_load %arg13[%swap3A_736] {strides = array<i32>} : memref<128xi32, #tpu.memory_space<vmem>>, vector<16xi32>,
      tpu.vector_store %arg13[%swap3A_736], %add3A_735 {strides = array<i32>} : memref<128xi32, #tpu.memory_space<vmem>>, vector<16xi32>,
      %dma_start3A_738 = tpu.memref_slice %arg5[%add3A_658] : memref<20000xf32, #tpu.memory_space<vmem>> -> memref<128xf32, #tpu.memory_space<vmem>>
      %dma_start3A_739 = arith.constant 0 : i32
      %dma_start3A_740 = tpu.memref_slice %arg16[%dma_start3A_739] : memref<20000xf32, #tpu.memory_space<vmem_shared>> -> memref<20000xf32, #tpu.memory_space<vmem_shared>>
      tpu.enqueue_indirect_dma source(%dma_start3A_738 : memref<128xf32, #tpu.memory_space<vmem>>) target(%dma_start3A_740 : memref<20000xf32, #tpu.memory_space<vmem_shared>>) offsets(%arg13 : memref<128xi32, #tpu.memory_space<vmem>>) semaphore(%arg22 : memref<!tpu.dma_semaphore, #tpu.memory_space<semaphore_mem>>) {add = true}
    }
    %scan3A_147 = arith.constant 13 : i32
    %dma_wait3A_148 = arith.constant 19216 : i32
    %dma_wait3A_149 = tpu.memref_slice %arg5[%dma_wait3A_148] : memref<20000xf32, #tpu.memory_space<vmem>> -> memref<128xf32, #tpu.memory_space<vmem>>
    %dma_wait3A_150 = arith.constant 0 : i32
    %dma_wait3A_151 = tpu.memref_slice %arg16[%dma_wait3A_150] : memref<20000xf32, #tpu.memory_space<vmem_shared>> -> memref<20000xf32, #tpu.memory_space<vmem_shared>>
    tpu.wait_indirect_dma semaphore(%arg17 : memref<!tpu.dma_semaphore, #tpu.memory_space<semaphore_mem>>) src(%dma_wait3A_149 : memref<128xf32, #tpu.memory_space<vmem>>) dst(%dma_wait3A_151 : memref<20000xf32, #tpu.memory_space<vmem_shared>>)
    %dma_wait3A_152 = arith.constant 19344 : i32
    %dma_wait3A_153 = tpu.memref_slice %arg5[%dma_wait3A_152] : memref<20000xf32, #tpu.memory_space<vmem>> -> memref<128xf32, #tpu.memory_space<vmem>>
    %dma_wait3A_154 = arith.constant 0 : i32
    %dma_wait3A_155 = tpu.memref_slice %arg16[%dma_wait3A_154] : memref<20000xf32, #tpu.memory_space<vmem_shared>> -> memref<20000xf32, #tpu.memory_space<vmem_shared>>
    tpu.wait_indirect_dma semaphore(%arg18 : memref<!tpu.dma_semaphore, #tpu.memory_space<semaphore_mem>>) src(%dma_wait3A_153 : memref<128xf32, #tpu.memory_space<vmem>>) dst(%dma_wait3A_155 : memref<20000xf32, #tpu.memory_space<vmem_shared>>)
    %dma_wait3A_156 = arith.constant 19472 : i32
    %dma_wait3A_157 = tpu.memref_slice %arg5[%dma_wait3A_156] : memref<20000xf32, #tpu.memory_space<vmem>> -> memref<128xf32, #tpu.memory_space<vmem>>
    %dma_wait3A_158 = arith.constant 0 : i32
    %dma_wait3A_159 = tpu.memref_slice %arg16[%dma_wait3A_158] : memref<20000xf32, #tpu.memory_space<vmem_shared>> -> memref<20000xf32, #tpu.memory_space<vmem_shared>>
    tpu.wait_indirect_dma semaphore(%arg19 : memref<!tpu.dma_semaphore, #tpu.memory_space<semaphore_mem>>) src(%dma_wait3A_157 : memref<128xf32, #tpu.memory_space<vmem>>) dst(%dma_wait3A_159 : memref<20000xf32, #tpu.memory_space<vmem_shared>>)
    %dma_wait3A_160 = arith.constant 19600 : i32
    %dma_wait3A_161 = tpu.memref_slice %arg5[%dma_wait3A_160] : memref<20000xf32, #tpu.memory_space<vmem>> -> memref<128xf32, #tpu.memory_space<vmem>>
    %dma_wait3A_162 = arith.constant 0 : i32
    %dma_wait3A_163 = tpu.memref_slice %arg16[%dma_wait3A_162] : memref<20000xf32, #tpu.memory_space<vmem_shared>> -> memref<20000xf32, #tpu.memory_space<vmem_shared>>
    tpu.wait_indirect_dma semaphore(%arg20 : memref<!tpu.dma_semaphore, #tpu.memory_space<semaphore_mem>>) src(%dma_wait3A_161 : memref<128xf32, #tpu.memory_space<vmem>>) dst(%dma_wait3A_163 : memref<20000xf32, #tpu.memory_space<vmem_shared>>)
    %dma_wait3A_164 = arith.constant 19728 : i32
    %dma_wait3A_165 = tpu.memref_slice %arg5[%dma_wait3A_164] : memref<20000xf32, #tpu.memory_space<vmem>> -> memref<128xf32, #tpu.memory_space<vmem>>
    %dma_wait3A_166 = arith.constant 0 : i32
    %dma_wait3A_167 = tpu.memref_slice %arg16[%dma_wait3A_166] : memref<20000xf32, #tpu.memory_space<vmem_shared>> -> memref<20000xf32, #tpu.memory_space<vmem_shared>>
    tpu.wait_indirect_dma semaphore(%arg21 : memref<!tpu.dma_semaphore, #tpu.memory_space<semaphore_mem>>) src(%dma_wait3A_165 : memref<128xf32, #tpu.memory_space<vmem>>) dst(%dma_wait3A_167 : memref<20000xf32, #tpu.memory_space<vmem_shared>>)
    %dma_wait3A_168 = arith.constant 19856 : i32
    %dma_wait3A_169 = tpu.memref_slice %arg5[%dma_wait3A_168] : memref<20000xf32, #tpu.memory_space<vmem>> -> memref<128xf32, #tpu.memory_space<vmem>>
    %dma_wait3A_170 = arith.constant 0 : i32
    %dma_wait3A_171 = tpu.memref_slice %arg16[%dma_wait3A_170] : memref<20000xf32, #tpu.memory_space<vmem_shared>> -> memref<20000xf32, #tpu.memory_space<vmem_shared>>
    tpu.wait_indirect_dma semaphore(%arg22 : memref<!tpu.dma_semaphore, #tpu.memory_space<semaphore_mem>>) src(%dma_wait3A_169 : memref<128xf32, #tpu.memory_space<vmem>>) dst(%dma_wait3A_171 : memref<20000xf32, #tpu.memory_space<vmem_shared>>)
    %get3A_172 = arith.constant 9984 : index
    %get3A_173 = tpu.vector_load %arg7[%get3A_172] {strides = array<i32>} : memref<10000xi32, #tpu.memory_space<vmem>>, vector<16xi32>,
    %add3A_174 = arith.constant 10000 : i32
    %add3A_175 = vector.broadcast %add3A_174 : i32 to vector<16xi32>
    %add3A_176 = arith.addi %get3A_173, %add3A_175 : vector<16xi32>
    %swap3A_177 = arith.constant 0 : index
    %swap3A_178 = tpu.vector_load %arg14[%swap3A_177] {strides = array<i32>} : memref<16xi32, #tpu.memory_space<vmem>>, vector<16xi32>,
    tpu.vector_store %arg14[%swap3A_177], %add3A_176 {strides = array<i32>} : memref<16xi32, #tpu.memory_space<vmem>>, vector<16xi32>,
    "tpu.region"() ({
      %run_scoped3A = tpu.sem_alloc : memref<!tpu.dma_semaphore, #tpu.memory_space<semaphore_mem>>
      %dma_start3A = arith.constant 19984 : i32
      %dma_start3A_202 = tpu.memref_slice %arg5[%dma_start3A] : memref<20000xf32, #tpu.memory_space<vmem>> -> memref<16xf32, #tpu.memory_space<vmem>>
      %dma_start3A_203 = arith.constant 0 : i32
      %dma_start3A_204 = tpu.memref_slice %arg16[%dma_start3A_203] : memref<20000xf32, #tpu.memory_space<vmem_shared>> -> memref<20000xf32, #tpu.memory_space<vmem_shared>>
      tpu.enqueue_indirect_dma source(%dma_start3A_202 : memref<16xf32, #tpu.memory_space<vmem>>) target(%dma_start3A_204 : memref<20000xf32, #tpu.memory_space<vmem_shared>>) offsets(%arg14 : memref<16xi32, #tpu.memory_space<vmem>>) semaphore(%run_scoped3A : memref<!tpu.dma_semaphore, #tpu.memory_space<semaphore_mem>>) {add = true}
      %dma_wait3A_205 = arith.constant 19984 : i32
      %dma_wait3A_206 = tpu.memref_slice %arg5[%dma_wait3A_205] : memref<20000xf32, #tpu.memory_space<vmem>> -> memref<16xf32, #tpu.memory_space<vmem>>
      %dma_wait3A_207 = arith.constant 0 : i32
      %dma_wait3A_208 = tpu.memref_slice %arg16[%dma_wait3A_207] : memref<20000xf32, #tpu.memory_space<vmem_shared>> -> memref<20000xf32, #tpu.memory_space<vmem_shared>>
      tpu.wait_indirect_dma semaphore(%run_scoped3A : memref<!tpu.dma_semaphore, #tpu.memory_space<semaphore_mem>>) src(%dma_wait3A_206 : memref<16xf32, #tpu.memory_space<vmem>>) dst(%dma_wait3A_208 : memref<20000xf32, #tpu.memory_space<vmem_shared>>)
      tpu.yield
    }) : () -> ()
    %barrier3A_179 = arith.constant 0 : index
    tpu.barrier barrier_id(%barrier3A_179)
    "tpu.region"() ({
      %run_scoped3A = tpu.sem_alloc : memref<!tpu.dma_semaphore, #tpu.memory_space<semaphore_mem>>
      tpu.enqueue_dma source(%arg16 : memref<20000xf32, #tpu.memory_space<vmem_shared>>) target(%arg6 : memref<20000xf32, #tpu.memory_space<vmem>>) target_semaphore(%run_scoped3A : memref<!tpu.dma_semaphore, #tpu.memory_space<semaphore_mem>>)
      tpu.wait_dma2 semaphore(%run_scoped3A : memref<!tpu.dma_semaphore, #tpu.memory_space<semaphore_mem>>) src(%arg16 : memref<20000xf32, #tpu.memory_space<vmem_shared>>) dst(%arg6 : memref<20000xf32, #tpu.memory_space<vmem>>)
      tpu.yield
    }) : () -> ()
    %scan3A_180 = arith.constant 0 : i32
    %scan3A_181 = arith.constant 0 : i32
    %scan3A_182 = arith.constant 625 : i32
    %scan3A_183 = arith.addi %scan3A_181, %scan3A_182 : i32
    %scan3A_184 = arith.constant 1 : i32
    scf.for %scan3A_202 = %scan3A_181 to %scan3A_183 step %scan3A_184  : i32 {
      %mul3A_203 = arith.constant 16 : i32
      %mul3A_204 = arith.muli %scan3A_202, %mul3A_203 : i32
      %get3A_205 = arith.index_cast %mul3A_204 : i32 to index
      %get3A_206 = tpu.vector_load %arg7[%get3A_205] {strides = array<i32>} : memref<10000xi32, #tpu.memory_space<vmem>>, vector<16xi32>,
      %add3A_207 = arith.constant 0 : i32
      %add3A_208 = vector.broadcast %add3A_207 : i32 to vector<16xi32>
      %add3A_209 = arith.addi %get3A_206, %add3A_208 : vector<16xi32>
      %gather3A = tpu.vector_load_idx %arg6[%add3A_209] : memref<20000xf32, #tpu.memory_space<vmem>>[vector<16xi32>], vector<16xf32>,
      %mul3A_210 = arith.constant 16 : i32
      %mul3A_211 = arith.muli %scan3A_202, %mul3A_210 : i32
      %add3A_212 = arith.constant 0 : i32
      %add3A_213 = arith.addi %add3A_212, %mul3A_211 : i32
      %get3A_214 = arith.index_cast %add3A_213 : i32 to index
      %get3A_215 = tpu.vector_load %arg5[%get3A_214] {strides = array<i32>} : memref<20000xf32, #tpu.memory_space<vmem>>, vector<16xf32>,
      %add3A_216 = arith.constant 1.000000e-16 : f32
      %add3A_217 = vector.broadcast %add3A_216 : f32 to vector<16xf32>
      %add3A_218 = arith.addf %gather3A, %add3A_217 : vector<16xf32>
      %div3A = arith.divf %get3A_215, %add3A_218 : vector<16xf32>
      %mul3A_219 = arith.constant 16 : i32
      %mul3A_220 = arith.muli %scan3A_202, %mul3A_219 : i32
      %add3A_221 = arith.constant 0 : i32
      %add3A_222 = arith.addi %add3A_221, %mul3A_220 : i32
      %swap3A_223 = arith.index_cast %add3A_222 : i32 to index
      %swap3A_224 = tpu.vector_load %arg5[%swap3A_223] {strides = array<i32>} : memref<20000xf32, #tpu.memory_space<vmem>>, vector<16xf32>,
      tpu.vector_store %arg5[%swap3A_223], %div3A {strides = array<i32>} : memref<20000xf32, #tpu.memory_space<vmem>>, vector<16xf32>,
    }
    %scan3A_185 = arith.constant 625 : i32
    %scan3A_186 = arith.constant 0 : i32
    %scan3A_187 = arith.constant 0 : i32
    %scan3A_188 = arith.constant 625 : i32
    %scan3A_189 = arith.addi %scan3A_187, %scan3A_188 : i32
    %scan3A_190 = arith.constant 1 : i32
    scf.for %scan3A_202 = %scan3A_187 to %scan3A_189 step %scan3A_190  : i32 {
      %mul3A_203 = arith.constant 16 : i32
      %mul3A_204 = arith.muli %scan3A_202, %mul3A_203 : i32
      %get3A_205 = arith.index_cast %mul3A_204 : i32 to index
      %get3A_206 = tpu.vector_load %arg7[%get3A_205] {strides = array<i32>} : memref<10000xi32, #tpu.memory_space<vmem>>, vector<16xi32>,
      %add3A_207 = arith.constant 10000 : i32
      %add3A_208 = vector.broadcast %add3A_207 : i32 to vector<16xi32>
      %add3A_209 = arith.addi %get3A_206, %add3A_208 : vector<16xi32>
      %gather3A = tpu.vector_load_idx %arg6[%add3A_209] : memref<20000xf32, #tpu.memory_space<vmem>>[vector<16xi32>], vector<16xf32>,
      %mul3A_210 = arith.constant 16 : i32
      %mul3A_211 = arith.muli %scan3A_202, %mul3A_210 : i32
      %add3A_212 = arith.constant 10000 : i32
      %add3A_213 = arith.addi %add3A_212, %mul3A_211 : i32
      %get3A_214 = arith.index_cast %add3A_213 : i32 to index
      %get3A_215 = tpu.vector_load %arg5[%get3A_214] {strides = array<i32>} : memref<20000xf32, #tpu.memory_space<vmem>>, vector<16xf32>,
      %add3A_216 = arith.constant 1.000000e-16 : f32
      %add3A_217 = vector.broadcast %add3A_216 : f32 to vector<16xf32>
      %add3A_218 = arith.addf %gather3A, %add3A_217 : vector<16xf32>
      %div3A = arith.divf %get3A_215, %add3A_218 : vector<16xf32>
      %mul3A_219 = arith.constant 16 : i32
      %mul3A_220 = arith.muli %scan3A_202, %mul3A_219 : i32
      %add3A_221 = arith.constant 10000 : i32
      %add3A_222 = arith.addi %add3A_221, %mul3A_220 : i32
      %swap3A_223 = arith.index_cast %add3A_222 : i32 to index
      %swap3A_224 = tpu.vector_load %arg5[%swap3A_223] {strides = array<i32>} : memref<20000xf32, #tpu.memory_space<vmem>>, vector<16xf32>,
      tpu.vector_store %arg5[%swap3A_223], %div3A {strides = array<i32>} : memref<20000xf32, #tpu.memory_space<vmem>>, vector<16xf32>,
    }
    %scan3A_191 = arith.constant 625 : i32
    %add3A_192 = arith.constant 0 : i32
    %add3A_193 = arith.addi %mul3A_0, %add3A_192 : i32
    %mul3A_194 = arith.constant 160000 : i32
    %mul3A_195 = arith.muli %add3A_193, %mul3A_194 : i32
    %add3A_196 = arith.addi %mul3A_195, %mul3A_2 : i32
    "tpu.region"() ({
      %run_scoped3A = tpu.sem_alloc : memref<!tpu.dma_semaphore, #tpu.memory_space<semaphore_mem>>
      %dma_start3A = arith.constant 0 : i32
      %dma_start3A_202 = tpu.memref_slice %arg5[%dma_start3A] : memref<20000xf32, #tpu.memory_space<vmem>> -> memref<10000xf32, #tpu.memory_space<vmem>>
      %dma_start3A_203 = tpu.memref_slice %arg4[%add3A_196] : memref<640000xf32, #tpu.memory_space<hbm>> -> memref<10000xf32, #tpu.memory_space<hbm>>
      %dma_start3A_204 = tpu.memref_slice %arg4[%add3A_196] : memref<640000xf32, #tpu.memory_space<hbm>> -> memref<10000xf32, #tpu.memory_space<hbm>>
      %dma_start3A_205 = arith.constant 0 : i32
      %dma_start3A_206 = tpu.memref_slice %arg5[%dma_start3A_205] : memref<20000xf32, #tpu.memory_space<vmem>> -> memref<10000xf32, #tpu.memory_space<vmem>>
      tpu.enqueue_dma source(%dma_start3A_206 : memref<10000xf32, #tpu.memory_space<vmem>>) target(%dma_start3A_204 : memref<10000xf32, #tpu.memory_space<hbm>>) target_semaphore(%run_scoped3A : memref<!tpu.dma_semaphore, #tpu.memory_space<semaphore_mem>>)
      %dma_wait3A_207 = arith.constant 0 : i32
      %dma_wait3A_208 = tpu.memref_slice %arg5[%dma_wait3A_207] : memref<20000xf32, #tpu.memory_space<vmem>> -> memref<10000xf32, #tpu.memory_space<vmem>>
      %dma_wait3A_209 = tpu.memref_slice %arg4[%add3A_196] : memref<640000xf32, #tpu.memory_space<hbm>> -> memref<10000xf32, #tpu.memory_space<hbm>>
      %dma_wait3A_210 = tpu.memref_slice %arg4[%add3A_196] : memref<640000xf32, #tpu.memory_space<hbm>> -> memref<10000xf32, #tpu.memory_space<hbm>>
      %dma_wait3A_211 = arith.constant 0 : i32
      %dma_wait3A_212 = tpu.memref_slice %arg5[%dma_wait3A_211] : memref<20000xf32, #tpu.memory_space<vmem>> -> memref<10000xf32, #tpu.memory_space<vmem>>
      tpu.wait_dma2 semaphore(%run_scoped3A : memref<!tpu.dma_semaphore, #tpu.memory_space<semaphore_mem>>) src(%dma_wait3A_212 : memref<10000xf32, #tpu.memory_space<vmem>>) dst(%dma_wait3A_210 : memref<10000xf32, #tpu.memory_space<hbm>>)
      tpu.yield
    }) : () -> ()
    %add3A_197 = arith.constant 1 : i32
    %add3A_198 = arith.addi %mul3A_0, %add3A_197 : i32
    %mul3A_199 = arith.constant 160000 : i32
    %mul3A_200 = arith.muli %add3A_198, %mul3A_199 : i32
    %add3A_201 = arith.addi %mul3A_200, %mul3A_2 : i32
    "tpu.region"() ({
      %run_scoped3A = tpu.sem_alloc : memref<!tpu.dma_semaphore, #tpu.memory_space<semaphore_mem>>
      %dma_start3A = arith.constant 10000 : i32
      %dma_start3A_202 = tpu.memref_slice %arg5[%dma_start3A] : memref<20000xf32, #tpu.memory_space<vmem>> -> memref<10000xf32, #tpu.memory_space<vmem>>
      %dma_start3A_203 = tpu.memref_slice %arg4[%add3A_201] : memref<640000xf32, #tpu.memory_space<hbm>> -> memref<10000xf32, #tpu.memory_space<hbm>>
      %dma_start3A_204 = tpu.memref_slice %arg4[%add3A_201] : memref<640000xf32, #tpu.memory_space<hbm>> -> memref<10000xf32, #tpu.memory_space<hbm>>
      %dma_start3A_205 = arith.constant 10000 : i32
      %dma_start3A_206 = tpu.memref_slice %arg5[%dma_start3A_205] : memref<20000xf32, #tpu.memory_space<vmem>> -> memref<10000xf32, #tpu.memory_space<vmem>>
      tpu.enqueue_dma source(%dma_start3A_206 : memref<10000xf32, #tpu.memory_space<vmem>>) target(%dma_start3A_204 : memref<10000xf32, #tpu.memory_space<hbm>>) target_semaphore(%run_scoped3A : memref<!tpu.dma_semaphore, #tpu.memory_space<semaphore_mem>>)
      %dma_wait3A_207 = arith.constant 10000 : i32
      %dma_wait3A_208 = tpu.memref_slice %arg5[%dma_wait3A_207] : memref<20000xf32, #tpu.memory_space<vmem>> -> memref<10000xf32, #tpu.memory_space<vmem>>
      %dma_wait3A_209 = tpu.memref_slice %arg4[%add3A_201] : memref<640000xf32, #tpu.memory_space<hbm>> -> memref<10000xf32, #tpu.memory_space<hbm>>
      %dma_wait3A_210 = tpu.memref_slice %arg4[%add3A_201] : memref<640000xf32, #tpu.memory_space<hbm>> -> memref<10000xf32, #tpu.memory_space<hbm>>
      %dma_wait3A_211 = arith.constant 10000 : i32
      %dma_wait3A_212 = tpu.memref_slice %arg5[%dma_wait3A_211] : memref<20000xf32, #tpu.memory_space<vmem>> -> memref<10000xf32, #tpu.memory_space<vmem>>
      tpu.wait_dma2 semaphore(%run_scoped3A : memref<!tpu.dma_semaphore, #tpu.memory_space<semaphore_mem>>) src(%dma_wait3A_212 : memref<10000xf32, #tpu.memory_space<vmem>>) dst(%dma_wait3A_210 : memref<10000xf32, #tpu.memory_space<hbm>>)
      tpu.yield
    }) : () -> ()
    return
  }
}

#map = affine_map<(d0, d1) -> (0, 0)>
#map1 = affine_map<(d0, d1) -> (0)>
module attributes {stable_mosaic.version = 14 : i64} {
  func.func @k(%arg0: i32, %arg1: i32, %arg2: memref<10000x128xi32, #tpu.memory_space<hbm>>, %arg3: memref<10000x128xi32, #tpu.memory_space<hbm>>, %arg4: memref<160000xi32, #tpu.memory_space<hbm>>, %arg5: memref<160000xi32, #tpu.memory_space<hbm>>, %arg6: memref<160000x128xi32, #tpu.memory_space<hbm>>, %arg7: memref<160000x128xi32, #tpu.memory_space<hbm>>, %arg8: memref<5000xi32, #tpu.memory_space<vmem>>, %arg9: memref<5000xi32, #tpu.memory_space<vmem>>, %arg10: memref<128x128xi32, #tpu.memory_space<vmem>>, %arg11: memref<128x128xi32, #tpu.memory_space<vmem>>, %arg12: memref<128x128xi32, #tpu.memory_space<vmem>>, %arg13: memref<!tpu.dma_semaphore, #tpu.memory_space<semaphore_mem>>, %arg14: memref<!tpu.dma_semaphore, #tpu.memory_space<semaphore_mem>>, %arg15: memref<!tpu.dma_semaphore, #tpu.memory_space<semaphore_mem>>, %arg16: memref<!tpu.dma_semaphore, #tpu.memory_space<semaphore_mem>>, %arg17: memref<!tpu.dma_semaphore, #tpu.memory_space<semaphore_mem>>, %arg18: memref<!tpu.dma_semaphore, #tpu.memory_space<semaphore_mem>>) attributes {dimension_semantics = [#tpu.dimension_semantics<core_parallel>, #tpu.dimension_semantics<subcore_parallel>], iteration_bounds = array<i64: 2, 16>, scalar_prefetch = 0 : i64, scratch_operands = 11 : i64, tpu.core_type = #tpu.core_type<sc_vector_subcore>, window_params = [{transform_indices = #map}, {transform_indices = #map}, {transform_indices = #map1}, {transform_indices = #map1}, {transform_indices = #map}, {transform_indices = #map}]} {
    %mul3A = arith.constant 2 : i32
    %mul3A_0 = arith.muli %arg1, %mul3A : i32
    %add3A = arith.addi %mul3A_0, %arg0 : i32
    %mul3A_1 = arith.constant 5000 : i32
    %mul3A_2 = arith.muli %add3A, %mul3A_1 : i32
    "tpu.region"() ({
      %run_scoped3A = tpu.sem_alloc : memref<!tpu.dma_semaphore, #tpu.memory_space<semaphore_mem>>
      %dma_start3A_114 = tpu.memref_slice %arg4[%mul3A_2] : memref<160000xi32, #tpu.memory_space<hbm>> -> memref<5000xi32, #tpu.memory_space<hbm>>
      %dma_start3A_115 = tpu.memref_slice %arg4[%mul3A_2] : memref<160000xi32, #tpu.memory_space<hbm>> -> memref<5000xi32, #tpu.memory_space<hbm>>
      tpu.enqueue_dma source(%dma_start3A_115 : memref<5000xi32, #tpu.memory_space<hbm>>) target(%arg8 : memref<5000xi32, #tpu.memory_space<vmem>>) target_semaphore(%run_scoped3A : memref<!tpu.dma_semaphore, #tpu.memory_space<semaphore_mem>>)
      %dma_wait3A_116 = tpu.memref_slice %arg4[%mul3A_2] : memref<160000xi32, #tpu.memory_space<hbm>> -> memref<5000xi32, #tpu.memory_space<hbm>>
      %dma_wait3A_117 = tpu.memref_slice %arg4[%mul3A_2] : memref<160000xi32, #tpu.memory_space<hbm>> -> memref<5000xi32, #tpu.memory_space<hbm>>
      tpu.wait_dma2 semaphore(%run_scoped3A : memref<!tpu.dma_semaphore, #tpu.memory_space<semaphore_mem>>) src(%dma_wait3A_117 : memref<5000xi32, #tpu.memory_space<hbm>>) dst(%arg8 : memref<5000xi32, #tpu.memory_space<vmem>>)
      tpu.yield
    }) : () -> ()
    "tpu.region"() ({
      %run_scoped3A = tpu.sem_alloc : memref<!tpu.dma_semaphore, #tpu.memory_space<semaphore_mem>>
      %dma_start3A_114 = tpu.memref_slice %arg5[%mul3A_2] : memref<160000xi32, #tpu.memory_space<hbm>> -> memref<5000xi32, #tpu.memory_space<hbm>>
      %dma_start3A_115 = tpu.memref_slice %arg5[%mul3A_2] : memref<160000xi32, #tpu.memory_space<hbm>> -> memref<5000xi32, #tpu.memory_space<hbm>>
      tpu.enqueue_dma source(%dma_start3A_115 : memref<5000xi32, #tpu.memory_space<hbm>>) target(%arg9 : memref<5000xi32, #tpu.memory_space<vmem>>) target_semaphore(%run_scoped3A : memref<!tpu.dma_semaphore, #tpu.memory_space<semaphore_mem>>)
      %dma_wait3A_116 = tpu.memref_slice %arg5[%mul3A_2] : memref<160000xi32, #tpu.memory_space<hbm>> -> memref<5000xi32, #tpu.memory_space<hbm>>
      %dma_wait3A_117 = tpu.memref_slice %arg5[%mul3A_2] : memref<160000xi32, #tpu.memory_space<hbm>> -> memref<5000xi32, #tpu.memory_space<hbm>>
      tpu.wait_dma2 semaphore(%run_scoped3A : memref<!tpu.dma_semaphore, #tpu.memory_space<semaphore_mem>>) src(%dma_wait3A_117 : memref<5000xi32, #tpu.memory_space<hbm>>) dst(%arg9 : memref<5000xi32, #tpu.memory_space<vmem>>)
      tpu.yield
    }) : () -> ()
    %dma_start3A = arith.constant 0 : i32
    %dma_start3A_3 = tpu.memref_slice %arg8[%dma_start3A] : memref<5000xi32, #tpu.memory_space<vmem>> -> memref<128xi32, #tpu.memory_space<vmem>>
    %dma_start3A_4 = arith.constant 0 : i32
    %dma_start3A_5 = arith.constant 0 : i32
    %dma_start3A_6 = tpu.memref_slice %arg2[%dma_start3A_4, %dma_start3A_5] : memref<10000x128xi32, #tpu.memory_space<hbm>> -> memref<10000x128xi32, #tpu.memory_space<hbm>>
    tpu.enqueue_indirect_dma source(%dma_start3A_6 : memref<10000x128xi32, #tpu.memory_space<hbm>>) target(%arg10 : memref<128x128xi32, #tpu.memory_space<vmem>>) offsets(%dma_start3A_3 : memref<128xi32, #tpu.memory_space<vmem>>) semaphore(%arg13 : memref<!tpu.dma_semaphore, #tpu.memory_space<semaphore_mem>>)
    %dma_start3A_7 = arith.constant 128 : i32
    %dma_start3A_8 = tpu.memref_slice %arg8[%dma_start3A_7] : memref<5000xi32, #tpu.memory_space<vmem>> -> memref<128xi32, #tpu.memory_space<vmem>>
    %dma_start3A_9 = arith.constant 0 : i32
    %dma_start3A_10 = arith.constant 0 : i32
    %dma_start3A_11 = tpu.memref_slice %arg2[%dma_start3A_9, %dma_start3A_10] : memref<10000x128xi32, #tpu.memory_space<hbm>> -> memref<10000x128xi32, #tpu.memory_space<hbm>>
    tpu.enqueue_indirect_dma source(%dma_start3A_11 : memref<10000x128xi32, #tpu.memory_space<hbm>>) target(%arg11 : memref<128x128xi32, #tpu.memory_space<vmem>>) offsets(%dma_start3A_8 : memref<128xi32, #tpu.memory_space<vmem>>) semaphore(%arg14 : memref<!tpu.dma_semaphore, #tpu.memory_space<semaphore_mem>>)
    %dma_start3A_12 = arith.constant 256 : i32
    %dma_start3A_13 = tpu.memref_slice %arg8[%dma_start3A_12] : memref<5000xi32, #tpu.memory_space<vmem>> -> memref<128xi32, #tpu.memory_space<vmem>>
    %dma_start3A_14 = arith.constant 0 : i32
    %dma_start3A_15 = arith.constant 0 : i32
    %dma_start3A_16 = tpu.memref_slice %arg2[%dma_start3A_14, %dma_start3A_15] : memref<10000x128xi32, #tpu.memory_space<hbm>> -> memref<10000x128xi32, #tpu.memory_space<hbm>>
    tpu.enqueue_indirect_dma source(%dma_start3A_16 : memref<10000x128xi32, #tpu.memory_space<hbm>>) target(%arg12 : memref<128x128xi32, #tpu.memory_space<vmem>>) offsets(%dma_start3A_13 : memref<128xi32, #tpu.memory_space<vmem>>) semaphore(%arg15 : memref<!tpu.dma_semaphore, #tpu.memory_space<semaphore_mem>>)
    %scan3A = arith.constant 0 : i32
    %scan3A_17 = arith.constant 0 : i32
    %scan3A_18 = arith.constant 13 : i32
    %scan3A_19 = arith.addi %scan3A_17, %scan3A_18 : i32
    %scan3A_20 = arith.constant 1 : i32
    scf.for %scan3A_114 = %scan3A_17 to %scan3A_19 step %scan3A_20  : i32 {
      %mul3A_115 = arith.constant 3 : i32
      %mul3A_116 = arith.muli %scan3A_114, %mul3A_115 : i32
      %add3A_117 = arith.constant 0 : i32
      %add3A_118 = arith.addi %mul3A_116, %add3A_117 : i32
      %mul3A_119 = arith.constant 128 : i32
      %mul3A_120 = arith.muli %add3A_118, %mul3A_119 : i32
      %dma_wait3A_121 = tpu.memref_slice %arg8[%mul3A_120] : memref<5000xi32, #tpu.memory_space<vmem>> -> memref<128xi32, #tpu.memory_space<vmem>>
      %dma_wait3A_122 = arith.constant 0 : i32
      %dma_wait3A_123 = arith.constant 0 : i32
      %dma_wait3A_124 = tpu.memref_slice %arg2[%dma_wait3A_122, %dma_wait3A_123] : memref<10000x128xi32, #tpu.memory_space<hbm>> -> memref<10000x128xi32, #tpu.memory_space<hbm>>
      tpu.wait_indirect_dma semaphore(%arg13 : memref<!tpu.dma_semaphore, #tpu.memory_space<semaphore_mem>>) src(%dma_wait3A_124 : memref<10000x128xi32, #tpu.memory_space<hbm>>) dst(%arg10 : memref<128x128xi32, #tpu.memory_space<vmem>>)
      %mul3A_125 = arith.constant 128 : i32
      %mul3A_126 = arith.muli %add3A_118, %mul3A_125 : i32
      %add3A_127 = arith.addi %mul3A_2, %mul3A_126 : i32
      %dma_start3A_128 = arith.constant 0 : i32
      %dma_start3A_129 = tpu.memref_slice %arg6[%add3A_127, %dma_start3A_128] : memref<160000x128xi32, #tpu.memory_space<hbm>> -> memref<128x128xi32, #tpu.memory_space<hbm>>
      %dma_start3A_130 = arith.constant 0 : i32
      %dma_start3A_131 = tpu.memref_slice %arg6[%add3A_127, %dma_start3A_130] : memref<160000x128xi32, #tpu.memory_space<hbm>> -> memref<128x128xi32, #tpu.memory_space<hbm>>
      tpu.enqueue_dma source(%arg10 : memref<128x128xi32, #tpu.memory_space<vmem>>) target(%dma_start3A_131 : memref<128x128xi32, #tpu.memory_space<hbm>>) target_semaphore(%arg16 : memref<!tpu.dma_semaphore, #tpu.memory_space<semaphore_mem>>)
      %lt3A = arith.constant 12 : i32
      %lt3A_132 = arith.cmpi slt, %scan3A_114, %lt3A : i32
      %convert_element_type3A = arith.extui %lt3A_132 : i1 to i32
      %cond3A = arith.constant 0 : i32
      %cond3A_133 = arith.cmpi ne, %convert_element_type3A, %cond3A : i32
      scf.if %cond3A_133 {
        %mul3A_178 = arith.constant 128 : i32
        %mul3A_179 = arith.muli %add3A_118, %mul3A_178 : i32
        %add3A_180 = arith.addi %mul3A_2, %mul3A_179 : i32
        %dma_wait3A_181 = arith.constant 0 : i32
        %dma_wait3A_182 = tpu.memref_slice %arg6[%add3A_180, %dma_wait3A_181] : memref<160000x128xi32, #tpu.memory_space<hbm>> -> memref<128x128xi32, #tpu.memory_space<hbm>>
        %dma_wait3A_183 = arith.constant 0 : i32
        %dma_wait3A_184 = tpu.memref_slice %arg6[%add3A_180, %dma_wait3A_183] : memref<160000x128xi32, #tpu.memory_space<hbm>> -> memref<128x128xi32, #tpu.memory_space<hbm>>
        tpu.wait_dma2 semaphore(%arg16 : memref<!tpu.dma_semaphore, #tpu.memory_space<semaphore_mem>>) src(%arg10 : memref<128x128xi32, #tpu.memory_space<vmem>>) dst(%dma_wait3A_184 : memref<128x128xi32, #tpu.memory_space<hbm>>)
        %add3A_185 = arith.constant 3 : i32
        %add3A_186 = arith.addi %add3A_118, %add3A_185 : i32
        %mul3A_187 = arith.constant 128 : i32
        %mul3A_188 = arith.muli %add3A_186, %mul3A_187 : i32
        %dma_start3A_189 = tpu.memref_slice %arg8[%mul3A_188] : memref<5000xi32, #tpu.memory_space<vmem>> -> memref<128xi32, #tpu.memory_space<vmem>>
        %dma_start3A_190 = arith.constant 0 : i32
        %dma_start3A_191 = arith.constant 0 : i32
        %dma_start3A_192 = tpu.memref_slice %arg2[%dma_start3A_190, %dma_start3A_191] : memref<10000x128xi32, #tpu.memory_space<hbm>> -> memref<10000x128xi32, #tpu.memory_space<hbm>>
        tpu.enqueue_indirect_dma source(%dma_start3A_192 : memref<10000x128xi32, #tpu.memory_space<hbm>>) target(%arg10 : memref<128x128xi32, #tpu.memory_space<vmem>>) offsets(%dma_start3A_189 : memref<128xi32, #tpu.memory_space<vmem>>) semaphore(%arg13 : memref<!tpu.dma_semaphore, #tpu.memory_space<semaphore_mem>>)
      } else {
      }
      %mul3A_134 = arith.constant 3 : i32
      %mul3A_135 = arith.muli %scan3A_114, %mul3A_134 : i32
      %add3A_136 = arith.constant 1 : i32
      %add3A_137 = arith.addi %mul3A_135, %add3A_136 : i32
      %mul3A_138 = arith.constant 128 : i32
      %mul3A_139 = arith.muli %add3A_137, %mul3A_138 : i32
      %dma_wait3A_140 = tpu.memref_slice %arg8[%mul3A_139] : memref<5000xi32, #tpu.memory_space<vmem>> -> memref<128xi32, #tpu.memory_space<vmem>>
      %dma_wait3A_141 = arith.constant 0 : i32
      %dma_wait3A_142 = arith.constant 0 : i32
      %dma_wait3A_143 = tpu.memref_slice %arg2[%dma_wait3A_141, %dma_wait3A_142] : memref<10000x128xi32, #tpu.memory_space<hbm>> -> memref<10000x128xi32, #tpu.memory_space<hbm>>
      tpu.wait_indirect_dma semaphore(%arg14 : memref<!tpu.dma_semaphore, #tpu.memory_space<semaphore_mem>>) src(%dma_wait3A_143 : memref<10000x128xi32, #tpu.memory_space<hbm>>) dst(%arg11 : memref<128x128xi32, #tpu.memory_space<vmem>>)
      %mul3A_144 = arith.constant 128 : i32
      %mul3A_145 = arith.muli %add3A_137, %mul3A_144 : i32
      %add3A_146 = arith.addi %mul3A_2, %mul3A_145 : i32
      %dma_start3A_147 = arith.constant 0 : i32
      %dma_start3A_148 = tpu.memref_slice %arg6[%add3A_146, %dma_start3A_147] : memref<160000x128xi32, #tpu.memory_space<hbm>> -> memref<128x128xi32, #tpu.memory_space<hbm>>
      %dma_start3A_149 = arith.constant 0 : i32
      %dma_start3A_150 = tpu.memref_slice %arg6[%add3A_146, %dma_start3A_149] : memref<160000x128xi32, #tpu.memory_space<hbm>> -> memref<128x128xi32, #tpu.memory_space<hbm>>
      tpu.enqueue_dma source(%arg11 : memref<128x128xi32, #tpu.memory_space<vmem>>) target(%dma_start3A_150 : memref<128x128xi32, #tpu.memory_space<hbm>>) target_semaphore(%arg17 : memref<!tpu.dma_semaphore, #tpu.memory_space<semaphore_mem>>)
      %lt3A_151 = arith.constant 12 : i32
      %lt3A_152 = arith.cmpi slt, %scan3A_114, %lt3A_151 : i32
      %convert_element_type3A_153 = arith.extui %lt3A_152 : i1 to i32
      %cond3A_154 = arith.constant 0 : i32
      %cond3A_155 = arith.cmpi ne, %convert_element_type3A_153, %cond3A_154 : i32
      scf.if %cond3A_155 {
        %mul3A_178 = arith.constant 128 : i32
        %mul3A_179 = arith.muli %add3A_137, %mul3A_178 : i32
        %add3A_180 = arith.addi %mul3A_2, %mul3A_179 : i32
        %dma_wait3A_181 = arith.constant 0 : i32
        %dma_wait3A_182 = tpu.memref_slice %arg6[%add3A_180, %dma_wait3A_181] : memref<160000x128xi32, #tpu.memory_space<hbm>> -> memref<128x128xi32, #tpu.memory_space<hbm>>
        %dma_wait3A_183 = arith.constant 0 : i32
        %dma_wait3A_184 = tpu.memref_slice %arg6[%add3A_180, %dma_wait3A_183] : memref<160000x128xi32, #tpu.memory_space<hbm>> -> memref<128x128xi32, #tpu.memory_space<hbm>>
        tpu.wait_dma2 semaphore(%arg17 : memref<!tpu.dma_semaphore, #tpu.memory_space<semaphore_mem>>) src(%arg11 : memref<128x128xi32, #tpu.memory_space<vmem>>) dst(%dma_wait3A_184 : memref<128x128xi32, #tpu.memory_space<hbm>>)
        %add3A_185 = arith.constant 3 : i32
        %add3A_186 = arith.addi %add3A_137, %add3A_185 : i32
        %mul3A_187 = arith.constant 128 : i32
        %mul3A_188 = arith.muli %add3A_186, %mul3A_187 : i32
        %dma_start3A_189 = tpu.memref_slice %arg8[%mul3A_188] : memref<5000xi32, #tpu.memory_space<vmem>> -> memref<128xi32, #tpu.memory_space<vmem>>
        %dma_start3A_190 = arith.constant 0 : i32
        %dma_start3A_191 = arith.constant 0 : i32
        %dma_start3A_192 = tpu.memref_slice %arg2[%dma_start3A_190, %dma_start3A_191] : memref<10000x128xi32, #tpu.memory_space<hbm>> -> memref<10000x128xi32, #tpu.memory_space<hbm>>
        tpu.enqueue_indirect_dma source(%dma_start3A_192 : memref<10000x128xi32, #tpu.memory_space<hbm>>) target(%arg11 : memref<128x128xi32, #tpu.memory_space<vmem>>) offsets(%dma_start3A_189 : memref<128xi32, #tpu.memory_space<vmem>>) semaphore(%arg14 : memref<!tpu.dma_semaphore, #tpu.memory_space<semaphore_mem>>)
      } else {
      }
      %mul3A_156 = arith.constant 3 : i32
      %mul3A_157 = arith.muli %scan3A_114, %mul3A_156 : i32
      %add3A_158 = arith.constant 2 : i32
      %add3A_159 = arith.addi %mul3A_157, %add3A_158 : i32
      %mul3A_160 = arith.constant 128 : i32
      %mul3A_161 = arith.muli %add3A_159, %mul3A_160 : i32
      %dma_wait3A_162 = tpu.memref_slice %arg8[%mul3A_161] : memref<5000xi32, #tpu.memory_space<vmem>> -> memref<128xi32, #tpu.memory_space<vmem>>
      %dma_wait3A_163 = arith.constant 0 : i32
      %dma_wait3A_164 = arith.constant 0 : i32
      %dma_wait3A_165 = tpu.memref_slice %arg2[%dma_wait3A_163, %dma_wait3A_164] : memref<10000x128xi32, #tpu.memory_space<hbm>> -> memref<10000x128xi32, #tpu.memory_space<hbm>>
      tpu.wait_indirect_dma semaphore(%arg15 : memref<!tpu.dma_semaphore, #tpu.memory_space<semaphore_mem>>) src(%dma_wait3A_165 : memref<10000x128xi32, #tpu.memory_space<hbm>>) dst(%arg12 : memref<128x128xi32, #tpu.memory_space<vmem>>)
      %mul3A_166 = arith.constant 128 : i32
      %mul3A_167 = arith.muli %add3A_159, %mul3A_166 : i32
      %add3A_168 = arith.addi %mul3A_2, %mul3A_167 : i32
      %dma_start3A_169 = arith.constant 0 : i32
      %dma_start3A_170 = tpu.memref_slice %arg6[%add3A_168, %dma_start3A_169] : memref<160000x128xi32, #tpu.memory_space<hbm>> -> memref<128x128xi32, #tpu.memory_space<hbm>>
      %dma_start3A_171 = arith.constant 0 : i32
      %dma_start3A_172 = tpu.memref_slice %arg6[%add3A_168, %dma_start3A_171] : memref<160000x128xi32, #tpu.memory_space<hbm>> -> memref<128x128xi32, #tpu.memory_space<hbm>>
      tpu.enqueue_dma source(%arg12 : memref<128x128xi32, #tpu.memory_space<vmem>>) target(%dma_start3A_172 : memref<128x128xi32, #tpu.memory_space<hbm>>) target_semaphore(%arg18 : memref<!tpu.dma_semaphore, #tpu.memory_space<semaphore_mem>>)
      %lt3A_173 = arith.constant 12 : i32
      %lt3A_174 = arith.cmpi slt, %scan3A_114, %lt3A_173 : i32
      %convert_element_type3A_175 = arith.extui %lt3A_174 : i1 to i32
      %cond3A_176 = arith.constant 0 : i32
      %cond3A_177 = arith.cmpi ne, %convert_element_type3A_175, %cond3A_176 : i32
      scf.if %cond3A_177 {
        %mul3A_178 = arith.constant 128 : i32
        %mul3A_179 = arith.muli %add3A_159, %mul3A_178 : i32
        %add3A_180 = arith.addi %mul3A_2, %mul3A_179 : i32
        %dma_wait3A_181 = arith.constant 0 : i32
        %dma_wait3A_182 = tpu.memref_slice %arg6[%add3A_180, %dma_wait3A_181] : memref<160000x128xi32, #tpu.memory_space<hbm>> -> memref<128x128xi32, #tpu.memory_space<hbm>>
        %dma_wait3A_183 = arith.constant 0 : i32
        %dma_wait3A_184 = tpu.memref_slice %arg6[%add3A_180, %dma_wait3A_183] : memref<160000x128xi32, #tpu.memory_space<hbm>> -> memref<128x128xi32, #tpu.memory_space<hbm>>
        tpu.wait_dma2 semaphore(%arg18 : memref<!tpu.dma_semaphore, #tpu.memory_space<semaphore_mem>>) src(%arg12 : memref<128x128xi32, #tpu.memory_space<vmem>>) dst(%dma_wait3A_184 : memref<128x128xi32, #tpu.memory_space<hbm>>)
        %add3A_185 = arith.constant 3 : i32
        %add3A_186 = arith.addi %add3A_159, %add3A_185 : i32
        %mul3A_187 = arith.constant 128 : i32
        %mul3A_188 = arith.muli %add3A_186, %mul3A_187 : i32
        %dma_start3A_189 = tpu.memref_slice %arg8[%mul3A_188] : memref<5000xi32, #tpu.memory_space<vmem>> -> memref<128xi32, #tpu.memory_space<vmem>>
        %dma_start3A_190 = arith.constant 0 : i32
        %dma_start3A_191 = arith.constant 0 : i32
        %dma_start3A_192 = tpu.memref_slice %arg2[%dma_start3A_190, %dma_start3A_191] : memref<10000x128xi32, #tpu.memory_space<hbm>> -> memref<10000x128xi32, #tpu.memory_space<hbm>>
        tpu.enqueue_indirect_dma source(%dma_start3A_192 : memref<10000x128xi32, #tpu.memory_space<hbm>>) target(%arg12 : memref<128x128xi32, #tpu.memory_space<vmem>>) offsets(%dma_start3A_189 : memref<128xi32, #tpu.memory_space<vmem>>) semaphore(%arg15 : memref<!tpu.dma_semaphore, #tpu.memory_space<semaphore_mem>>)
      } else {
      }
    }
    %scan3A_21 = arith.constant 13 : i32
    %add3A_22 = arith.constant 4608 : i32
    %add3A_23 = arith.addi %mul3A_2, %add3A_22 : i32
    %dma_wait3A = arith.constant 0 : i32
    %dma_wait3A_24 = tpu.memref_slice %arg6[%add3A_23, %dma_wait3A] : memref<160000x128xi32, #tpu.memory_space<hbm>> -> memref<128x128xi32, #tpu.memory_space<hbm>>
    %dma_wait3A_25 = arith.constant 0 : i32
    %dma_wait3A_26 = tpu.memref_slice %arg6[%add3A_23, %dma_wait3A_25] : memref<160000x128xi32, #tpu.memory_space<hbm>> -> memref<128x128xi32, #tpu.memory_space<hbm>>
    tpu.wait_dma2 semaphore(%arg16 : memref<!tpu.dma_semaphore, #tpu.memory_space<semaphore_mem>>) src(%arg10 : memref<128x128xi32, #tpu.memory_space<vmem>>) dst(%dma_wait3A_26 : memref<128x128xi32, #tpu.memory_space<hbm>>)
    %add3A_27 = arith.constant 4736 : i32
    %add3A_28 = arith.addi %mul3A_2, %add3A_27 : i32
    %dma_wait3A_29 = arith.constant 0 : i32
    %dma_wait3A_30 = tpu.memref_slice %arg6[%add3A_28, %dma_wait3A_29] : memref<160000x128xi32, #tpu.memory_space<hbm>> -> memref<128x128xi32, #tpu.memory_space<hbm>>
    %dma_wait3A_31 = arith.constant 0 : i32
    %dma_wait3A_32 = tpu.memref_slice %arg6[%add3A_28, %dma_wait3A_31] : memref<160000x128xi32, #tpu.memory_space<hbm>> -> memref<128x128xi32, #tpu.memory_space<hbm>>
    tpu.wait_dma2 semaphore(%arg17 : memref<!tpu.dma_semaphore, #tpu.memory_space<semaphore_mem>>) src(%arg11 : memref<128x128xi32, #tpu.memory_space<vmem>>) dst(%dma_wait3A_32 : memref<128x128xi32, #tpu.memory_space<hbm>>)
    %add3A_33 = arith.constant 4864 : i32
    %add3A_34 = arith.addi %mul3A_2, %add3A_33 : i32
    %dma_wait3A_35 = arith.constant 0 : i32
    %dma_wait3A_36 = tpu.memref_slice %arg6[%add3A_34, %dma_wait3A_35] : memref<160000x128xi32, #tpu.memory_space<hbm>> -> memref<128x128xi32, #tpu.memory_space<hbm>>
    %dma_wait3A_37 = arith.constant 0 : i32
    %dma_wait3A_38 = tpu.memref_slice %arg6[%add3A_34, %dma_wait3A_37] : memref<160000x128xi32, #tpu.memory_space<hbm>> -> memref<128x128xi32, #tpu.memory_space<hbm>>
    tpu.wait_dma2 semaphore(%arg18 : memref<!tpu.dma_semaphore, #tpu.memory_space<semaphore_mem>>) src(%arg12 : memref<128x128xi32, #tpu.memory_space<vmem>>) dst(%dma_wait3A_38 : memref<128x128xi32, #tpu.memory_space<hbm>>)
    %dma_start3A_39 = arith.constant 0 : i32
    %dma_start3A_40 = arith.constant 0 : i32
    %dma_start3A_41 = tpu.memref_slice %arg10[%dma_start3A_39, %dma_start3A_40] : memref<128x128xi32, #tpu.memory_space<vmem>> -> memref<8x128xi32, #tpu.memory_space<vmem>>
    %dma_start3A_42 = arith.constant 4992 : i32
    %dma_start3A_43 = tpu.memref_slice %arg8[%dma_start3A_42] : memref<5000xi32, #tpu.memory_space<vmem>> -> memref<8xi32, #tpu.memory_space<vmem>>
    %dma_start3A_44 = arith.constant 0 : i32
    %dma_start3A_45 = arith.constant 0 : i32
    %dma_start3A_46 = tpu.memref_slice %arg2[%dma_start3A_44, %dma_start3A_45] : memref<10000x128xi32, #tpu.memory_space<hbm>> -> memref<10000x128xi32, #tpu.memory_space<hbm>>
    tpu.enqueue_indirect_dma source(%dma_start3A_46 : memref<10000x128xi32, #tpu.memory_space<hbm>>) target(%dma_start3A_41 : memref<8x128xi32, #tpu.memory_space<vmem>>) offsets(%dma_start3A_43 : memref<8xi32, #tpu.memory_space<vmem>>) semaphore(%arg13 : memref<!tpu.dma_semaphore, #tpu.memory_space<semaphore_mem>>)
    %dma_wait3A_47 = arith.constant 0 : i32
    %dma_wait3A_48 = arith.constant 0 : i32
    %dma_wait3A_49 = tpu.memref_slice %arg10[%dma_wait3A_47, %dma_wait3A_48] : memref<128x128xi32, #tpu.memory_space<vmem>> -> memref<8x128xi32, #tpu.memory_space<vmem>>
    %dma_wait3A_50 = arith.constant 4992 : i32
    %dma_wait3A_51 = tpu.memref_slice %arg8[%dma_wait3A_50] : memref<5000xi32, #tpu.memory_space<vmem>> -> memref<8xi32, #tpu.memory_space<vmem>>
    %dma_wait3A_52 = arith.constant 0 : i32
    %dma_wait3A_53 = arith.constant 0 : i32
    %dma_wait3A_54 = tpu.memref_slice %arg2[%dma_wait3A_52, %dma_wait3A_53] : memref<10000x128xi32, #tpu.memory_space<hbm>> -> memref<10000x128xi32, #tpu.memory_space<hbm>>
    tpu.wait_indirect_dma semaphore(%arg13 : memref<!tpu.dma_semaphore, #tpu.memory_space<semaphore_mem>>) src(%dma_wait3A_54 : memref<10000x128xi32, #tpu.memory_space<hbm>>) dst(%dma_wait3A_49 : memref<8x128xi32, #tpu.memory_space<vmem>>)
    %add3A_55 = arith.constant 4992 : i32
    %add3A_56 = arith.addi %mul3A_2, %add3A_55 : i32
    "tpu.region"() ({
      %run_scoped3A = tpu.sem_alloc : memref<!tpu.dma_semaphore, #tpu.memory_space<semaphore_mem>>
      %dma_start3A_114 = arith.constant 0 : i32
      %dma_start3A_115 = arith.constant 0 : i32
      %dma_start3A_116 = tpu.memref_slice %arg10[%dma_start3A_114, %dma_start3A_115] : memref<128x128xi32, #tpu.memory_space<vmem>> -> memref<8x128xi32, #tpu.memory_space<vmem>>
      %dma_start3A_117 = arith.constant 0 : i32
      %dma_start3A_118 = tpu.memref_slice %arg6[%add3A_56, %dma_start3A_117] : memref<160000x128xi32, #tpu.memory_space<hbm>> -> memref<8x128xi32, #tpu.memory_space<hbm>>
      %dma_start3A_119 = arith.constant 0 : i32
      %dma_start3A_120 = tpu.memref_slice %arg6[%add3A_56, %dma_start3A_119] : memref<160000x128xi32, #tpu.memory_space<hbm>> -> memref<8x128xi32, #tpu.memory_space<hbm>>
      %dma_start3A_121 = arith.constant 0 : i32
      %dma_start3A_122 = arith.constant 0 : i32
      %dma_start3A_123 = tpu.memref_slice %arg10[%dma_start3A_121, %dma_start3A_122] : memref<128x128xi32, #tpu.memory_space<vmem>> -> memref<8x128xi32, #tpu.memory_space<vmem>>
      tpu.enqueue_dma source(%dma_start3A_123 : memref<8x128xi32, #tpu.memory_space<vmem>>) target(%dma_start3A_120 : memref<8x128xi32, #tpu.memory_space<hbm>>) target_semaphore(%run_scoped3A : memref<!tpu.dma_semaphore, #tpu.memory_space<semaphore_mem>>)
      %dma_wait3A_124 = arith.constant 0 : i32
      %dma_wait3A_125 = arith.constant 0 : i32
      %dma_wait3A_126 = tpu.memref_slice %arg10[%dma_wait3A_124, %dma_wait3A_125] : memref<128x128xi32, #tpu.memory_space<vmem>> -> memref<8x128xi32, #tpu.memory_space<vmem>>
      %dma_wait3A_127 = arith.constant 0 : i32
      %dma_wait3A_128 = tpu.memref_slice %arg6[%add3A_56, %dma_wait3A_127] : memref<160000x128xi32, #tpu.memory_space<hbm>> -> memref<8x128xi32, #tpu.memory_space<hbm>>
      %dma_wait3A_129 = arith.constant 0 : i32
      %dma_wait3A_130 = tpu.memref_slice %arg6[%add3A_56, %dma_wait3A_129] : memref<160000x128xi32, #tpu.memory_space<hbm>> -> memref<8x128xi32, #tpu.memory_space<hbm>>
      %dma_wait3A_131 = arith.constant 0 : i32
      %dma_wait3A_132 = arith.constant 0 : i32
      %dma_wait3A_133 = tpu.memref_slice %arg10[%dma_wait3A_131, %dma_wait3A_132] : memref<128x128xi32, #tpu.memory_space<vmem>> -> memref<8x128xi32, #tpu.memory_space<vmem>>
      tpu.wait_dma2 semaphore(%run_scoped3A : memref<!tpu.dma_semaphore, #tpu.memory_space<semaphore_mem>>) src(%dma_wait3A_133 : memref<8x128xi32, #tpu.memory_space<vmem>>) dst(%dma_wait3A_130 : memref<8x128xi32, #tpu.memory_space<hbm>>)
      tpu.yield
    }) : () -> ()
    %dma_start3A_57 = arith.constant 0 : i32
    %dma_start3A_58 = tpu.memref_slice %arg9[%dma_start3A_57] : memref<5000xi32, #tpu.memory_space<vmem>> -> memref<128xi32, #tpu.memory_space<vmem>>
    %dma_start3A_59 = arith.constant 0 : i32
    %dma_start3A_60 = arith.constant 0 : i32
    %dma_start3A_61 = tpu.memref_slice %arg3[%dma_start3A_59, %dma_start3A_60] : memref<10000x128xi32, #tpu.memory_space<hbm>> -> memref<10000x128xi32, #tpu.memory_space<hbm>>
    tpu.enqueue_indirect_dma source(%dma_start3A_61 : memref<10000x128xi32, #tpu.memory_space<hbm>>) target(%arg10 : memref<128x128xi32, #tpu.memory_space<vmem>>) offsets(%dma_start3A_58 : memref<128xi32, #tpu.memory_space<vmem>>) semaphore(%arg13 : memref<!tpu.dma_semaphore, #tpu.memory_space<semaphore_mem>>)
    %dma_start3A_62 = arith.constant 128 : i32
    %dma_start3A_63 = tpu.memref_slice %arg9[%dma_start3A_62] : memref<5000xi32, #tpu.memory_space<vmem>> -> memref<128xi32, #tpu.memory_space<vmem>>
    %dma_start3A_64 = arith.constant 0 : i32
    %dma_start3A_65 = arith.constant 0 : i32
    %dma_start3A_66 = tpu.memref_slice %arg3[%dma_start3A_64, %dma_start3A_65] : memref<10000x128xi32, #tpu.memory_space<hbm>> -> memref<10000x128xi32, #tpu.memory_space<hbm>>
    tpu.enqueue_indirect_dma source(%dma_start3A_66 : memref<10000x128xi32, #tpu.memory_space<hbm>>) target(%arg11 : memref<128x128xi32, #tpu.memory_space<vmem>>) offsets(%dma_start3A_63 : memref<128xi32, #tpu.memory_space<vmem>>) semaphore(%arg14 : memref<!tpu.dma_semaphore, #tpu.memory_space<semaphore_mem>>)
    %dma_start3A_67 = arith.constant 256 : i32
    %dma_start3A_68 = tpu.memref_slice %arg9[%dma_start3A_67] : memref<5000xi32, #tpu.memory_space<vmem>> -> memref<128xi32, #tpu.memory_space<vmem>>
    %dma_start3A_69 = arith.constant 0 : i32
    %dma_start3A_70 = arith.constant 0 : i32
    %dma_start3A_71 = tpu.memref_slice %arg3[%dma_start3A_69, %dma_start3A_70] : memref<10000x128xi32, #tpu.memory_space<hbm>> -> memref<10000x128xi32, #tpu.memory_space<hbm>>
    tpu.enqueue_indirect_dma source(%dma_start3A_71 : memref<10000x128xi32, #tpu.memory_space<hbm>>) target(%arg12 : memref<128x128xi32, #tpu.memory_space<vmem>>) offsets(%dma_start3A_68 : memref<128xi32, #tpu.memory_space<vmem>>) semaphore(%arg15 : memref<!tpu.dma_semaphore, #tpu.memory_space<semaphore_mem>>)
    %scan3A_72 = arith.constant 0 : i32
    %scan3A_73 = arith.constant 0 : i32
    %scan3A_74 = arith.constant 13 : i32
    %scan3A_75 = arith.addi %scan3A_73, %scan3A_74 : i32
    %scan3A_76 = arith.constant 1 : i32
    scf.for %scan3A_114 = %scan3A_73 to %scan3A_75 step %scan3A_76  : i32 {
      %mul3A_115 = arith.constant 3 : i32
      %mul3A_116 = arith.muli %scan3A_114, %mul3A_115 : i32
      %add3A_117 = arith.constant 0 : i32
      %add3A_118 = arith.addi %mul3A_116, %add3A_117 : i32
      %mul3A_119 = arith.constant 128 : i32
      %mul3A_120 = arith.muli %add3A_118, %mul3A_119 : i32
      %dma_wait3A_121 = tpu.memref_slice %arg9[%mul3A_120] : memref<5000xi32, #tpu.memory_space<vmem>> -> memref<128xi32, #tpu.memory_space<vmem>>
      %dma_wait3A_122 = arith.constant 0 : i32
      %dma_wait3A_123 = arith.constant 0 : i32
      %dma_wait3A_124 = tpu.memref_slice %arg3[%dma_wait3A_122, %dma_wait3A_123] : memref<10000x128xi32, #tpu.memory_space<hbm>> -> memref<10000x128xi32, #tpu.memory_space<hbm>>
      tpu.wait_indirect_dma semaphore(%arg13 : memref<!tpu.dma_semaphore, #tpu.memory_space<semaphore_mem>>) src(%dma_wait3A_124 : memref<10000x128xi32, #tpu.memory_space<hbm>>) dst(%arg10 : memref<128x128xi32, #tpu.memory_space<vmem>>)
      %mul3A_125 = arith.constant 128 : i32
      %mul3A_126 = arith.muli %add3A_118, %mul3A_125 : i32
      %add3A_127 = arith.addi %mul3A_2, %mul3A_126 : i32
      %dma_start3A_128 = arith.constant 0 : i32
      %dma_start3A_129 = tpu.memref_slice %arg7[%add3A_127, %dma_start3A_128] : memref<160000x128xi32, #tpu.memory_space<hbm>> -> memref<128x128xi32, #tpu.memory_space<hbm>>
      %dma_start3A_130 = arith.constant 0 : i32
      %dma_start3A_131 = tpu.memref_slice %arg7[%add3A_127, %dma_start3A_130] : memref<160000x128xi32, #tpu.memory_space<hbm>> -> memref<128x128xi32, #tpu.memory_space<hbm>>
      tpu.enqueue_dma source(%arg10 : memref<128x128xi32, #tpu.memory_space<vmem>>) target(%dma_start3A_131 : memref<128x128xi32, #tpu.memory_space<hbm>>) target_semaphore(%arg16 : memref<!tpu.dma_semaphore, #tpu.memory_space<semaphore_mem>>)
      %lt3A = arith.constant 12 : i32
      %lt3A_132 = arith.cmpi slt, %scan3A_114, %lt3A : i32
      %convert_element_type3A = arith.extui %lt3A_132 : i1 to i32
      %cond3A = arith.constant 0 : i32
      %cond3A_133 = arith.cmpi ne, %convert_element_type3A, %cond3A : i32
      scf.if %cond3A_133 {
        %mul3A_178 = arith.constant 128 : i32
        %mul3A_179 = arith.muli %add3A_118, %mul3A_178 : i32
        %add3A_180 = arith.addi %mul3A_2, %mul3A_179 : i32
        %dma_wait3A_181 = arith.constant 0 : i32
        %dma_wait3A_182 = tpu.memref_slice %arg7[%add3A_180, %dma_wait3A_181] : memref<160000x128xi32, #tpu.memory_space<hbm>> -> memref<128x128xi32, #tpu.memory_space<hbm>>
        %dma_wait3A_183 = arith.constant 0 : i32
        %dma_wait3A_184 = tpu.memref_slice %arg7[%add3A_180, %dma_wait3A_183] : memref<160000x128xi32, #tpu.memory_space<hbm>> -> memref<128x128xi32, #tpu.memory_space<hbm>>
        tpu.wait_dma2 semaphore(%arg16 : memref<!tpu.dma_semaphore, #tpu.memory_space<semaphore_mem>>) src(%arg10 : memref<128x128xi32, #tpu.memory_space<vmem>>) dst(%dma_wait3A_184 : memref<128x128xi32, #tpu.memory_space<hbm>>)
        %add3A_185 = arith.constant 3 : i32
        %add3A_186 = arith.addi %add3A_118, %add3A_185 : i32
        %mul3A_187 = arith.constant 128 : i32
        %mul3A_188 = arith.muli %add3A_186, %mul3A_187 : i32
        %dma_start3A_189 = tpu.memref_slice %arg9[%mul3A_188] : memref<5000xi32, #tpu.memory_space<vmem>> -> memref<128xi32, #tpu.memory_space<vmem>>
        %dma_start3A_190 = arith.constant 0 : i32
        %dma_start3A_191 = arith.constant 0 : i32
        %dma_start3A_192 = tpu.memref_slice %arg3[%dma_start3A_190, %dma_start3A_191] : memref<10000x128xi32, #tpu.memory_space<hbm>> -> memref<10000x128xi32, #tpu.memory_space<hbm>>
        tpu.enqueue_indirect_dma source(%dma_start3A_192 : memref<10000x128xi32, #tpu.memory_space<hbm>>) target(%arg10 : memref<128x128xi32, #tpu.memory_space<vmem>>) offsets(%dma_start3A_189 : memref<128xi32, #tpu.memory_space<vmem>>) semaphore(%arg13 : memref<!tpu.dma_semaphore, #tpu.memory_space<semaphore_mem>>)
      } else {
      }
      %mul3A_134 = arith.constant 3 : i32
      %mul3A_135 = arith.muli %scan3A_114, %mul3A_134 : i32
      %add3A_136 = arith.constant 1 : i32
      %add3A_137 = arith.addi %mul3A_135, %add3A_136 : i32
      %mul3A_138 = arith.constant 128 : i32
      %mul3A_139 = arith.muli %add3A_137, %mul3A_138 : i32
      %dma_wait3A_140 = tpu.memref_slice %arg9[%mul3A_139] : memref<5000xi32, #tpu.memory_space<vmem>> -> memref<128xi32, #tpu.memory_space<vmem>>
      %dma_wait3A_141 = arith.constant 0 : i32
      %dma_wait3A_142 = arith.constant 0 : i32
      %dma_wait3A_143 = tpu.memref_slice %arg3[%dma_wait3A_141, %dma_wait3A_142] : memref<10000x128xi32, #tpu.memory_space<hbm>> -> memref<10000x128xi32, #tpu.memory_space<hbm>>
      tpu.wait_indirect_dma semaphore(%arg14 : memref<!tpu.dma_semaphore, #tpu.memory_space<semaphore_mem>>) src(%dma_wait3A_143 : memref<10000x128xi32, #tpu.memory_space<hbm>>) dst(%arg11 : memref<128x128xi32, #tpu.memory_space<vmem>>)
      %mul3A_144 = arith.constant 128 : i32
      %mul3A_145 = arith.muli %add3A_137, %mul3A_144 : i32
      %add3A_146 = arith.addi %mul3A_2, %mul3A_145 : i32
      %dma_start3A_147 = arith.constant 0 : i32
      %dma_start3A_148 = tpu.memref_slice %arg7[%add3A_146, %dma_start3A_147] : memref<160000x128xi32, #tpu.memory_space<hbm>> -> memref<128x128xi32, #tpu.memory_space<hbm>>
      %dma_start3A_149 = arith.constant 0 : i32
      %dma_start3A_150 = tpu.memref_slice %arg7[%add3A_146, %dma_start3A_149] : memref<160000x128xi32, #tpu.memory_space<hbm>> -> memref<128x128xi32, #tpu.memory_space<hbm>>
      tpu.enqueue_dma source(%arg11 : memref<128x128xi32, #tpu.memory_space<vmem>>) target(%dma_start3A_150 : memref<128x128xi32, #tpu.memory_space<hbm>>) target_semaphore(%arg17 : memref<!tpu.dma_semaphore, #tpu.memory_space<semaphore_mem>>)
      %lt3A_151 = arith.constant 12 : i32
      %lt3A_152 = arith.cmpi slt, %scan3A_114, %lt3A_151 : i32
      %convert_element_type3A_153 = arith.extui %lt3A_152 : i1 to i32
      %cond3A_154 = arith.constant 0 : i32
      %cond3A_155 = arith.cmpi ne, %convert_element_type3A_153, %cond3A_154 : i32
      scf.if %cond3A_155 {
        %mul3A_178 = arith.constant 128 : i32
        %mul3A_179 = arith.muli %add3A_137, %mul3A_178 : i32
        %add3A_180 = arith.addi %mul3A_2, %mul3A_179 : i32
        %dma_wait3A_181 = arith.constant 0 : i32
        %dma_wait3A_182 = tpu.memref_slice %arg7[%add3A_180, %dma_wait3A_181] : memref<160000x128xi32, #tpu.memory_space<hbm>> -> memref<128x128xi32, #tpu.memory_space<hbm>>
        %dma_wait3A_183 = arith.constant 0 : i32
        %dma_wait3A_184 = tpu.memref_slice %arg7[%add3A_180, %dma_wait3A_183] : memref<160000x128xi32, #tpu.memory_space<hbm>> -> memref<128x128xi32, #tpu.memory_space<hbm>>
        tpu.wait_dma2 semaphore(%arg17 : memref<!tpu.dma_semaphore, #tpu.memory_space<semaphore_mem>>) src(%arg11 : memref<128x128xi32, #tpu.memory_space<vmem>>) dst(%dma_wait3A_184 : memref<128x128xi32, #tpu.memory_space<hbm>>)
        %add3A_185 = arith.constant 3 : i32
        %add3A_186 = arith.addi %add3A_137, %add3A_185 : i32
        %mul3A_187 = arith.constant 128 : i32
        %mul3A_188 = arith.muli %add3A_186, %mul3A_187 : i32
        %dma_start3A_189 = tpu.memref_slice %arg9[%mul3A_188] : memref<5000xi32, #tpu.memory_space<vmem>> -> memref<128xi32, #tpu.memory_space<vmem>>
        %dma_start3A_190 = arith.constant 0 : i32
        %dma_start3A_191 = arith.constant 0 : i32
        %dma_start3A_192 = tpu.memref_slice %arg3[%dma_start3A_190, %dma_start3A_191] : memref<10000x128xi32, #tpu.memory_space<hbm>> -> memref<10000x128xi32, #tpu.memory_space<hbm>>
        tpu.enqueue_indirect_dma source(%dma_start3A_192 : memref<10000x128xi32, #tpu.memory_space<hbm>>) target(%arg11 : memref<128x128xi32, #tpu.memory_space<vmem>>) offsets(%dma_start3A_189 : memref<128xi32, #tpu.memory_space<vmem>>) semaphore(%arg14 : memref<!tpu.dma_semaphore, #tpu.memory_space<semaphore_mem>>)
      } else {
      }
      %mul3A_156 = arith.constant 3 : i32
      %mul3A_157 = arith.muli %scan3A_114, %mul3A_156 : i32
      %add3A_158 = arith.constant 2 : i32
      %add3A_159 = arith.addi %mul3A_157, %add3A_158 : i32
      %mul3A_160 = arith.constant 128 : i32
      %mul3A_161 = arith.muli %add3A_159, %mul3A_160 : i32
      %dma_wait3A_162 = tpu.memref_slice %arg9[%mul3A_161] : memref<5000xi32, #tpu.memory_space<vmem>> -> memref<128xi32, #tpu.memory_space<vmem>>
      %dma_wait3A_163 = arith.constant 0 : i32
      %dma_wait3A_164 = arith.constant 0 : i32
      %dma_wait3A_165 = tpu.memref_slice %arg3[%dma_wait3A_163, %dma_wait3A_164] : memref<10000x128xi32, #tpu.memory_space<hbm>> -> memref<10000x128xi32, #tpu.memory_space<hbm>>
      tpu.wait_indirect_dma semaphore(%arg15 : memref<!tpu.dma_semaphore, #tpu.memory_space<semaphore_mem>>) src(%dma_wait3A_165 : memref<10000x128xi32, #tpu.memory_space<hbm>>) dst(%arg12 : memref<128x128xi32, #tpu.memory_space<vmem>>)
      %mul3A_166 = arith.constant 128 : i32
      %mul3A_167 = arith.muli %add3A_159, %mul3A_166 : i32
      %add3A_168 = arith.addi %mul3A_2, %mul3A_167 : i32
      %dma_start3A_169 = arith.constant 0 : i32
      %dma_start3A_170 = tpu.memref_slice %arg7[%add3A_168, %dma_start3A_169] : memref<160000x128xi32, #tpu.memory_space<hbm>> -> memref<128x128xi32, #tpu.memory_space<hbm>>
      %dma_start3A_171 = arith.constant 0 : i32
      %dma_start3A_172 = tpu.memref_slice %arg7[%add3A_168, %dma_start3A_171] : memref<160000x128xi32, #tpu.memory_space<hbm>> -> memref<128x128xi32, #tpu.memory_space<hbm>>
      tpu.enqueue_dma source(%arg12 : memref<128x128xi32, #tpu.memory_space<vmem>>) target(%dma_start3A_172 : memref<128x128xi32, #tpu.memory_space<hbm>>) target_semaphore(%arg18 : memref<!tpu.dma_semaphore, #tpu.memory_space<semaphore_mem>>)
      %lt3A_173 = arith.constant 12 : i32
      %lt3A_174 = arith.cmpi slt, %scan3A_114, %lt3A_173 : i32
      %convert_element_type3A_175 = arith.extui %lt3A_174 : i1 to i32
      %cond3A_176 = arith.constant 0 : i32
      %cond3A_177 = arith.cmpi ne, %convert_element_type3A_175, %cond3A_176 : i32
      scf.if %cond3A_177 {
        %mul3A_178 = arith.constant 128 : i32
        %mul3A_179 = arith.muli %add3A_159, %mul3A_178 : i32
        %add3A_180 = arith.addi %mul3A_2, %mul3A_179 : i32
        %dma_wait3A_181 = arith.constant 0 : i32
        %dma_wait3A_182 = tpu.memref_slice %arg7[%add3A_180, %dma_wait3A_181] : memref<160000x128xi32, #tpu.memory_space<hbm>> -> memref<128x128xi32, #tpu.memory_space<hbm>>
        %dma_wait3A_183 = arith.constant 0 : i32
        %dma_wait3A_184 = tpu.memref_slice %arg7[%add3A_180, %dma_wait3A_183] : memref<160000x128xi32, #tpu.memory_space<hbm>> -> memref<128x128xi32, #tpu.memory_space<hbm>>
        tpu.wait_dma2 semaphore(%arg18 : memref<!tpu.dma_semaphore, #tpu.memory_space<semaphore_mem>>) src(%arg12 : memref<128x128xi32, #tpu.memory_space<vmem>>) dst(%dma_wait3A_184 : memref<128x128xi32, #tpu.memory_space<hbm>>)
        %add3A_185 = arith.constant 3 : i32
        %add3A_186 = arith.addi %add3A_159, %add3A_185 : i32
        %mul3A_187 = arith.constant 128 : i32
        %mul3A_188 = arith.muli %add3A_186, %mul3A_187 : i32
        %dma_start3A_189 = tpu.memref_slice %arg9[%mul3A_188] : memref<5000xi32, #tpu.memory_space<vmem>> -> memref<128xi32, #tpu.memory_space<vmem>>
        %dma_start3A_190 = arith.constant 0 : i32
        %dma_start3A_191 = arith.constant 0 : i32
        %dma_start3A_192 = tpu.memref_slice %arg3[%dma_start3A_190, %dma_start3A_191] : memref<10000x128xi32, #tpu.memory_space<hbm>> -> memref<10000x128xi32, #tpu.memory_space<hbm>>
        tpu.enqueue_indirect_dma source(%dma_start3A_192 : memref<10000x128xi32, #tpu.memory_space<hbm>>) target(%arg12 : memref<128x128xi32, #tpu.memory_space<vmem>>) offsets(%dma_start3A_189 : memref<128xi32, #tpu.memory_space<vmem>>) semaphore(%arg15 : memref<!tpu.dma_semaphore, #tpu.memory_space<semaphore_mem>>)
      } else {
      }
    }
    %scan3A_77 = arith.constant 13 : i32
    %add3A_78 = arith.constant 4608 : i32
    %add3A_79 = arith.addi %mul3A_2, %add3A_78 : i32
    %dma_wait3A_80 = arith.constant 0 : i32
    %dma_wait3A_81 = tpu.memref_slice %arg7[%add3A_79, %dma_wait3A_80] : memref<160000x128xi32, #tpu.memory_space<hbm>> -> memref<128x128xi32, #tpu.memory_space<hbm>>
    %dma_wait3A_82 = arith.constant 0 : i32
    %dma_wait3A_83 = tpu.memref_slice %arg7[%add3A_79, %dma_wait3A_82] : memref<160000x128xi32, #tpu.memory_space<hbm>> -> memref<128x128xi32, #tpu.memory_space<hbm>>
    tpu.wait_dma2 semaphore(%arg16 : memref<!tpu.dma_semaphore, #tpu.memory_space<semaphore_mem>>) src(%arg10 : memref<128x128xi32, #tpu.memory_space<vmem>>) dst(%dma_wait3A_83 : memref<128x128xi32, #tpu.memory_space<hbm>>)
    %add3A_84 = arith.constant 4736 : i32
    %add3A_85 = arith.addi %mul3A_2, %add3A_84 : i32
    %dma_wait3A_86 = arith.constant 0 : i32
    %dma_wait3A_87 = tpu.memref_slice %arg7[%add3A_85, %dma_wait3A_86] : memref<160000x128xi32, #tpu.memory_space<hbm>> -> memref<128x128xi32, #tpu.memory_space<hbm>>
    %dma_wait3A_88 = arith.constant 0 : i32
    %dma_wait3A_89 = tpu.memref_slice %arg7[%add3A_85, %dma_wait3A_88] : memref<160000x128xi32, #tpu.memory_space<hbm>> -> memref<128x128xi32, #tpu.memory_space<hbm>>
    tpu.wait_dma2 semaphore(%arg17 : memref<!tpu.dma_semaphore, #tpu.memory_space<semaphore_mem>>) src(%arg11 : memref<128x128xi32, #tpu.memory_space<vmem>>) dst(%dma_wait3A_89 : memref<128x128xi32, #tpu.memory_space<hbm>>)
    %add3A_90 = arith.constant 4864 : i32
    %add3A_91 = arith.addi %mul3A_2, %add3A_90 : i32
    %dma_wait3A_92 = arith.constant 0 : i32
    %dma_wait3A_93 = tpu.memref_slice %arg7[%add3A_91, %dma_wait3A_92] : memref<160000x128xi32, #tpu.memory_space<hbm>> -> memref<128x128xi32, #tpu.memory_space<hbm>>
    %dma_wait3A_94 = arith.constant 0 : i32
    %dma_wait3A_95 = tpu.memref_slice %arg7[%add3A_91, %dma_wait3A_94] : memref<160000x128xi32, #tpu.memory_space<hbm>> -> memref<128x128xi32, #tpu.memory_space<hbm>>
    tpu.wait_dma2 semaphore(%arg18 : memref<!tpu.dma_semaphore, #tpu.memory_space<semaphore_mem>>) src(%arg12 : memref<128x128xi32, #tpu.memory_space<vmem>>) dst(%dma_wait3A_95 : memref<128x128xi32, #tpu.memory_space<hbm>>)
    %dma_start3A_96 = arith.constant 0 : i32
    %dma_start3A_97 = arith.constant 0 : i32
    %dma_start3A_98 = tpu.memref_slice %arg10[%dma_start3A_96, %dma_start3A_97] : memref<128x128xi32, #tpu.memory_space<vmem>> -> memref<8x128xi32, #tpu.memory_space<vmem>>
    %dma_start3A_99 = arith.constant 4992 : i32
    %dma_start3A_100 = tpu.memref_slice %arg9[%dma_start3A_99] : memref<5000xi32, #tpu.memory_space<vmem>> -> memref<8xi32, #tpu.memory_space<vmem>>
    %dma_start3A_101 = arith.constant 0 : i32
    %dma_start3A_102 = arith.constant 0 : i32
    %dma_start3A_103 = tpu.memref_slice %arg3[%dma_start3A_101, %dma_start3A_102] : memref<10000x128xi32, #tpu.memory_space<hbm>> -> memref<10000x128xi32, #tpu.memory_space<hbm>>
    tpu.enqueue_indirect_dma source(%dma_start3A_103 : memref<10000x128xi32, #tpu.memory_space<hbm>>) target(%dma_start3A_98 : memref<8x128xi32, #tpu.memory_space<vmem>>) offsets(%dma_start3A_100 : memref<8xi32, #tpu.memory_space<vmem>>) semaphore(%arg13 : memref<!tpu.dma_semaphore, #tpu.memory_space<semaphore_mem>>)
    %dma_wait3A_104 = arith.constant 0 : i32
    %dma_wait3A_105 = arith.constant 0 : i32
    %dma_wait3A_106 = tpu.memref_slice %arg10[%dma_wait3A_104, %dma_wait3A_105] : memref<128x128xi32, #tpu.memory_space<vmem>> -> memref<8x128xi32, #tpu.memory_space<vmem>>
    %dma_wait3A_107 = arith.constant 4992 : i32
    %dma_wait3A_108 = tpu.memref_slice %arg9[%dma_wait3A_107] : memref<5000xi32, #tpu.memory_space<vmem>> -> memref<8xi32, #tpu.memory_space<vmem>>
    %dma_wait3A_109 = arith.constant 0 : i32
    %dma_wait3A_110 = arith.constant 0 : i32
    %dma_wait3A_111 = tpu.memref_slice %arg3[%dma_wait3A_109, %dma_wait3A_110] : memref<10000x128xi32, #tpu.memory_space<hbm>> -> memref<10000x128xi32, #tpu.memory_space<hbm>>
    tpu.wait_indirect_dma semaphore(%arg13 : memref<!tpu.dma_semaphore, #tpu.memory_space<semaphore_mem>>) src(%dma_wait3A_111 : memref<10000x128xi32, #tpu.memory_space<hbm>>) dst(%dma_wait3A_106 : memref<8x128xi32, #tpu.memory_space<vmem>>)
    %add3A_112 = arith.constant 4992 : i32
    %add3A_113 = arith.addi %mul3A_2, %add3A_112 : i32
    "tpu.region"() ({
      %run_scoped3A = tpu.sem_alloc : memref<!tpu.dma_semaphore, #tpu.memory_space<semaphore_mem>>
      %dma_start3A_114 = arith.constant 0 : i32
      %dma_start3A_115 = arith.constant 0 : i32
      %dma_start3A_116 = tpu.memref_slice %arg10[%dma_start3A_114, %dma_start3A_115] : memref<128x128xi32, #tpu.memory_space<vmem>> -> memref<8x128xi32, #tpu.memory_space<vmem>>
      %dma_start3A_117 = arith.constant 0 : i32
      %dma_start3A_118 = tpu.memref_slice %arg7[%add3A_113, %dma_start3A_117] : memref<160000x128xi32, #tpu.memory_space<hbm>> -> memref<8x128xi32, #tpu.memory_space<hbm>>
      %dma_start3A_119 = arith.constant 0 : i32
      %dma_start3A_120 = tpu.memref_slice %arg7[%add3A_113, %dma_start3A_119] : memref<160000x128xi32, #tpu.memory_space<hbm>> -> memref<8x128xi32, #tpu.memory_space<hbm>>
      %dma_start3A_121 = arith.constant 0 : i32
      %dma_start3A_122 = arith.constant 0 : i32
      %dma_start3A_123 = tpu.memref_slice %arg10[%dma_start3A_121, %dma_start3A_122] : memref<128x128xi32, #tpu.memory_space<vmem>> -> memref<8x128xi32, #tpu.memory_space<vmem>>
      tpu.enqueue_dma source(%dma_start3A_123 : memref<8x128xi32, #tpu.memory_space<vmem>>) target(%dma_start3A_120 : memref<8x128xi32, #tpu.memory_space<hbm>>) target_semaphore(%run_scoped3A : memref<!tpu.dma_semaphore, #tpu.memory_space<semaphore_mem>>)
      %dma_wait3A_124 = arith.constant 0 : i32
      %dma_wait3A_125 = arith.constant 0 : i32
      %dma_wait3A_126 = tpu.memref_slice %arg10[%dma_wait3A_124, %dma_wait3A_125] : memref<128x128xi32, #tpu.memory_space<vmem>> -> memref<8x128xi32, #tpu.memory_space<vmem>>
      %dma_wait3A_127 = arith.constant 0 : i32
      %dma_wait3A_128 = tpu.memref_slice %arg7[%add3A_113, %dma_wait3A_127] : memref<160000x128xi32, #tpu.memory_space<hbm>> -> memref<8x128xi32, #tpu.memory_space<hbm>>
      %dma_wait3A_129 = arith.constant 0 : i32
      %dma_wait3A_130 = tpu.memref_slice %arg7[%add3A_113, %dma_wait3A_129] : memref<160000x128xi32, #tpu.memory_space<hbm>> -> memref<8x128xi32, #tpu.memory_space<hbm>>
      %dma_wait3A_131 = arith.constant 0 : i32
      %dma_wait3A_132 = arith.constant 0 : i32
      %dma_wait3A_133 = tpu.memref_slice %arg10[%dma_wait3A_131, %dma_wait3A_132] : memref<128x128xi32, #tpu.memory_space<vmem>> -> memref<8x128xi32, #tpu.memory_space<vmem>>
      tpu.wait_dma2 semaphore(%run_scoped3A : memref<!tpu.dma_semaphore, #tpu.memory_space<semaphore_mem>>) src(%dma_wait3A_133 : memref<8x128xi32, #tpu.memory_space<vmem>>) dst(%dma_wait3A_130 : memref<8x128xi32, #tpu.memory_space<hbm>>)
      tpu.yield
    }) : () -> ()
    return
  }
}

module attributes {stable_mosaic.version = 14 : i64} {
  func.func @_q_body(%arg0: i32, %arg1: memref<1000x256xf32, #tpu.memory_space<vmem>>, %arg2: memref<256x256xf32, #tpu.memory_space<vmem>>, %arg3: memref<1000x128xi32, #tpu.memory_space<vmem>>, %arg4: memref<1000x128xi32, #tpu.memory_space<vmem>>) attributes {dimension_semantics = [#tpu.dimension_semantics<arbitrary>], iteration_bounds = array<i64: 10>, scalar_prefetch = 0 : i64, scratch_operands = 0 : i64, tpu.core_type = #tpu.core_type<tc>, window_params = [{transform_indices = @transform_0, window_bounds = array<i64: 1000, 256>}, {pipeline_mode = #tpu.pipeline_mode<synchronous>, transform_indices = @transform_1, window_bounds = array<i64: 256, 256>}, {transform_indices = @transform_2, window_bounds = array<i64: 1000, 128>}, {transform_indices = @transform_3, window_bounds = array<i64: 1000, 128>}]} {
    %get3A = arith.constant 0 : index
    %get3A_0 = arith.constant 0 : index
    %get3A_1 = vector.load %arg1[%get3A, %get3A_0] : memref<1000x256xf32, #tpu.memory_space<vmem>>, vector<1000x256xf32>
    %get3A_2 = arith.constant 0 : index
    %get3A_3 = arith.constant 0 : index
    %get3A_4 = vector.load %arg2[%get3A_2, %get3A_3] : memref<256x256xf32, #tpu.memory_space<vmem>>, vector<256x256xf32>
    %dot_general3A = arith.constant dense<0.000000e+00> : vector<1000x256xf32>
    %dot_general3A_5 = tpu.matmul %get3A_1, %get3A_4, %dot_general3A {dimension_numbers = #tpu.dot_dimension_numbers<[1], [0], [0], [1], [0, 0, 1, 1], [], []>, transpose_lhs_hint = false} : vector<1000x256xf32>, vector<256x256xf32>, vector<1000x256xf32> -> vector<1000x256xf32>
    %bitcast_convert_type3A = tpu.bitcast %dot_general3A_5 : vector<1000x256xf32> -> vector<1000x256xi32>
    %add3A = arith.constant 32767 : i32
    %add3A_6 = vector.broadcast %add3A : i32 to vector<1000x256xi32>
    %add3A_7 = arith.addi %bitcast_convert_type3A, %add3A_6 : vector<1000x256xi32>
    %shift_right_arithmetic3A = arith.constant 16 : i32
    %shift_right_arithmetic3A_8 = vector.broadcast %shift_right_arithmetic3A : i32 to vector<1000x256xi32>
    %shift_right_arithmetic3A_9 = arith.shrsi %bitcast_convert_type3A, %shift_right_arithmetic3A_8 : vector<1000x256xi32>
    %and3A = arith.constant 1 : i32
    %and3A_10 = vector.broadcast %and3A : i32 to vector<1000x256xi32>
    %and3A_11 = arith.andi %shift_right_arithmetic3A_9, %and3A_10 : vector<1000x256xi32>
    %add3A_12 = arith.addi %add3A_7, %and3A_11 : vector<1000x256xi32>
    %slice3A = vector.extract_strided_slice %add3A_12 {offsets = [0, 0], sizes = [1000, 128], strides = [1, 1]} : vector<1000x256xi32> to vector<1000x128xi32>
    %shift_right_arithmetic3A_13 = arith.constant 16 : i32
    %shift_right_arithmetic3A_14 = vector.broadcast %shift_right_arithmetic3A_13 : i32 to vector<1000x128xi32>
    %shift_right_arithmetic3A_15 = arith.shrsi %slice3A, %shift_right_arithmetic3A_14 : vector<1000x128xi32>
    %and3A_16 = arith.constant 65535 : i32
    %and3A_17 = vector.broadcast %and3A_16 : i32 to vector<1000x128xi32>
    %and3A_18 = arith.andi %shift_right_arithmetic3A_15, %and3A_17 : vector<1000x128xi32>
    %slice3A_19 = vector.extract_strided_slice %add3A_12 {offsets = [0, 128], sizes = [1000, 128], strides = [1, 1]} : vector<1000x256xi32> to vector<1000x128xi32>
    %shift_right_arithmetic3A_20 = arith.constant 16 : i32
    %shift_right_arithmetic3A_21 = vector.broadcast %shift_right_arithmetic3A_20 : i32 to vector<1000x128xi32>
    %shift_right_arithmetic3A_22 = arith.shrsi %slice3A_19, %shift_right_arithmetic3A_21 : vector<1000x128xi32>
    %shift_left3A = arith.constant 16 : i32
    %shift_left3A_23 = vector.broadcast %shift_left3A : i32 to vector<1000x128xi32>
    %shift_left3A_24 = arith.shli %shift_right_arithmetic3A_22, %shift_left3A_23 : vector<1000x128xi32>
    %or3A = arith.ori %shift_left3A_24, %and3A_18 : vector<1000x128xi32>
    %swap3A = arith.constant 0 : index
    %swap3A_25 = arith.constant 0 : index
    %swap3A_26 = vector.load %arg3[%swap3A, %swap3A_25] : memref<1000x128xi32, #tpu.memory_space<vmem>>, vector<1000x128xi32>
    tpu.vector_store %arg3[%swap3A, %swap3A_25], %or3A {strides = array<i32>} : memref<1000x128xi32, #tpu.memory_space<vmem>>, vector<1000x128xi32>,
    %bitcast_convert_type3A_27 = tpu.bitcast %get3A_1 : vector<1000x256xf32> -> vector<1000x256xi32>
    %add3A_28 = arith.constant 32767 : i32
    %add3A_29 = vector.broadcast %add3A_28 : i32 to vector<1000x256xi32>
    %add3A_30 = arith.addi %bitcast_convert_type3A_27, %add3A_29 : vector<1000x256xi32>
    %shift_right_arithmetic3A_31 = arith.constant 16 : i32
    %shift_right_arithmetic3A_32 = vector.broadcast %shift_right_arithmetic3A_31 : i32 to vector<1000x256xi32>
    %shift_right_arithmetic3A_33 = arith.shrsi %bitcast_convert_type3A_27, %shift_right_arithmetic3A_32 : vector<1000x256xi32>
    %and3A_34 = arith.constant 1 : i32
    %and3A_35 = vector.broadcast %and3A_34 : i32 to vector<1000x256xi32>
    %and3A_36 = arith.andi %shift_right_arithmetic3A_33, %and3A_35 : vector<1000x256xi32>
    %add3A_37 = arith.addi %add3A_30, %and3A_36 : vector<1000x256xi32>
    %slice3A_38 = vector.extract_strided_slice %add3A_37 {offsets = [0, 0], sizes = [1000, 128], strides = [1, 1]} : vector<1000x256xi32> to vector<1000x128xi32>
    %shift_right_arithmetic3A_39 = arith.constant 16 : i32
    %shift_right_arithmetic3A_40 = vector.broadcast %shift_right_arithmetic3A_39 : i32 to vector<1000x128xi32>
    %shift_right_arithmetic3A_41 = arith.shrsi %slice3A_38, %shift_right_arithmetic3A_40 : vector<1000x128xi32>
    %and3A_42 = arith.constant 65535 : i32
    %and3A_43 = vector.broadcast %and3A_42 : i32 to vector<1000x128xi32>
    %and3A_44 = arith.andi %shift_right_arithmetic3A_41, %and3A_43 : vector<1000x128xi32>
    %slice3A_45 = vector.extract_strided_slice %add3A_37 {offsets = [0, 128], sizes = [1000, 128], strides = [1, 1]} : vector<1000x256xi32> to vector<1000x128xi32>
    %shift_right_arithmetic3A_46 = arith.constant 16 : i32
    %shift_right_arithmetic3A_47 = vector.broadcast %shift_right_arithmetic3A_46 : i32 to vector<1000x128xi32>
    %shift_right_arithmetic3A_48 = arith.shrsi %slice3A_45, %shift_right_arithmetic3A_47 : vector<1000x128xi32>
    %shift_left3A_49 = arith.constant 16 : i32
    %shift_left3A_50 = vector.broadcast %shift_left3A_49 : i32 to vector<1000x128xi32>
    %shift_left3A_51 = arith.shli %shift_right_arithmetic3A_48, %shift_left3A_50 : vector<1000x128xi32>
    %or3A_52 = arith.ori %shift_left3A_51, %and3A_44 : vector<1000x128xi32>
    %swap3A_53 = arith.constant 0 : index
    %swap3A_54 = arith.constant 0 : index
    %swap3A_55 = vector.load %arg4[%swap3A_53, %swap3A_54] : memref<1000x128xi32, #tpu.memory_space<vmem>>, vector<1000x128xi32>
    tpu.vector_store %arg4[%swap3A_53, %swap3A_54], %or3A_52 {strides = array<i32>} : memref<1000x128xi32, #tpu.memory_space<vmem>>, vector<1000x128xi32>,
    return
  }
  func.func @transform_0(%arg0: i32) -> (i32, i32) {
    %c0_i32 = arith.constant 0 : i32
    %c0_i32_0 = arith.constant 0 : i32
    return %arg0, %c0_i32 : i32, i32
  }
  func.func @transform_1(%arg0: i32) -> (i32, i32) {
    %c0_i32 = arith.constant 0 : i32
    %c0_i32_0 = arith.constant 0 : i32
    %c0_i32_1 = arith.constant 0 : i32
    return %c0_i32, %c0_i32_0 : i32, i32
  }
  func.func @transform_2(%arg0: i32) -> (i32, i32) {
    %c0_i32 = arith.constant 0 : i32
    %c0_i32_0 = arith.constant 0 : i32
    return %arg0, %c0_i32 : i32, i32
  }
  func.func @transform_3(%arg0: i32) -> (i32, i32) {
    %c0_i32 = arith.constant 0 : i32
    %c0_i32_0 = arith.constant 0 : i32
    return %arg0, %c0_i32 : i32, i32
  }
}

module attributes {stable_mosaic.version = 14 : i64} {
  func.func @_att_body(%arg0: i32, %arg1: memref<640x256xf32, #tpu.memory_space<vmem>>, %arg2: memref<640x128xi32, #tpu.memory_space<vmem>>, %arg3: memref<640x128xi32, #tpu.memory_space<vmem>>, %arg4: memref<256x256xbf16, #tpu.memory_space<vmem>>, %arg5: memref<256x256xbf16, #tpu.memory_space<vmem>>, %arg6: memref<256x256xbf16, #tpu.memory_space<vmem>>, %arg7: memref<1x256xf32, #tpu.memory_space<vmem>>, %arg8: memref<256x4xbf16, #tpu.memory_space<vmem>>, %arg9: memref<640x256xbf16, #tpu.memory_space<vmem>>, %arg10: memref<640x256xf32, #tpu.memory_space<vmem>>, %arg11: memref<4x640xf32, #tpu.memory_space<vmem>>) attributes {dimension_semantics = [#tpu.dimension_semantics<arbitrary>], iteration_bounds = array<i64: 250>, scalar_prefetch = 0 : i64, scratch_operands = 0 : i64, tpu.core_type = #tpu.core_type<tc>, window_params = [{transform_indices = @transform_0, window_bounds = array<i64: 640, 256>}, {transform_indices = @transform_1, window_bounds = array<i64: 640, 128>}, {transform_indices = @transform_2, window_bounds = array<i64: 640, 128>}, {pipeline_mode = #tpu.pipeline_mode<synchronous>, transform_indices = @transform_3, window_bounds = array<i64: 256, 256>}, {pipeline_mode = #tpu.pipeline_mode<synchronous>, transform_indices = @transform_4, window_bounds = array<i64: 256, 256>}, {pipeline_mode = #tpu.pipeline_mode<synchronous>, transform_indices = @transform_5, window_bounds = array<i64: 256, 256>}, {pipeline_mode = #tpu.pipeline_mode<synchronous>, transform_indices = @transform_6, window_bounds = array<i64: 1, 256>}, {pipeline_mode = #tpu.pipeline_mode<synchronous>, transform_indices = @transform_7, window_bounds = array<i64: 256, 4>}, {transform_indices = @transform_8, window_bounds = array<i64: 640, 256>}, {transform_indices = @transform_9, window_bounds = array<i64: 640, 256>}, {transform_indices = @transform_10, window_bounds = array<i64: 4, 640>}]} {
    %get3A = arith.constant 0 : index
    %get3A_0 = arith.constant 0 : index
    %get3A_1 = vector.load %arg1[%get3A, %get3A_0] : memref<640x256xf32, #tpu.memory_space<vmem>>, vector<640x256xf32>
    %get3A_2 = arith.constant 0 : index
    %get3A_3 = arith.constant 0 : index
    %get3A_4 = vector.load %arg2[%get3A_2, %get3A_3] : memref<640x128xi32, #tpu.memory_space<vmem>>, vector<640x128xi32>
    %shift_left3A = arith.constant 16 : i32
    %shift_left3A_5 = vector.broadcast %shift_left3A : i32 to vector<640x128xi32>
    %shift_left3A_6 = arith.shli %get3A_4, %shift_left3A_5 : vector<640x128xi32>
    %bitcast_convert_type3A = tpu.bitcast %shift_left3A_6 : vector<640x128xi32> -> vector<640x128xf32>
    %shift_right_arithmetic3A = arith.constant 16 : i32
    %shift_right_arithmetic3A_7 = vector.broadcast %shift_right_arithmetic3A : i32 to vector<640x128xi32>
    %shift_right_arithmetic3A_8 = arith.shrsi %get3A_4, %shift_right_arithmetic3A_7 : vector<640x128xi32>
    %shift_left3A_9 = arith.constant 16 : i32
    %shift_left3A_10 = vector.broadcast %shift_left3A_9 : i32 to vector<640x128xi32>
    %shift_left3A_11 = arith.shli %shift_right_arithmetic3A_8, %shift_left3A_10 : vector<640x128xi32>
    %bitcast_convert_type3A_12 = tpu.bitcast %shift_left3A_11 : vector<640x128xi32> -> vector<640x128xf32>
    %concatenate3A = tpu.concatenate %bitcast_convert_type3A, %bitcast_convert_type3A_12 in 1 : vector<640x128xf32>, vector<640x128xf32> -> vector<640x256xf32>
    %mul3A = arith.mulf %get3A_1, %concatenate3A : vector<640x256xf32>
    %convert_element_type3A = arith.truncf %mul3A : vector<640x256xf32> to vector<640x256xbf16>
    %get3A_13 = arith.constant 0 : index
    %get3A_14 = arith.constant 0 : index
    %get3A_15 = vector.load %arg4[%get3A_13, %get3A_14] : memref<256x256xbf16, #tpu.memory_space<vmem>>, vector<256x256xbf16>
    %dot_general3A = arith.constant dense<0.000000e+00> : vector<640x256xf32>
    %dot_general3A_16 = tpu.matmul %convert_element_type3A, %get3A_15, %dot_general3A {dimension_numbers = #tpu.dot_dimension_numbers<[1], [0], [0], [1], [0, 0, 1, 1], [], []>, transpose_lhs_hint = false} : vector<640x256xbf16>, vector<256x256xbf16>, vector<640x256xf32> -> vector<640x256xf32>
    %get3A_17 = arith.constant 0 : index
    %get3A_18 = arith.constant 0 : index
    %get3A_19 = vector.load %arg5[%get3A_17, %get3A_18] : memref<256x256xbf16, #tpu.memory_space<vmem>>, vector<256x256xbf16>
    %dot_general3A_20 = arith.constant dense<0.000000e+00> : vector<640x256xf32>
    %dot_general3A_21 = tpu.matmul %convert_element_type3A, %get3A_19, %dot_general3A_20 {dimension_numbers = #tpu.dot_dimension_numbers<[1], [0], [0], [1], [0, 0, 1, 1], [], []>, transpose_lhs_hint = false} : vector<640x256xbf16>, vector<256x256xbf16>, vector<640x256xf32> -> vector<640x256xf32>
    %convert_element_type3A_22 = arith.truncf %dot_general3A_21 : vector<640x256xf32> to vector<640x256xbf16>
    %swap3A = arith.constant 0 : index
    %swap3A_23 = arith.constant 0 : index
    %swap3A_24 = vector.load %arg9[%swap3A, %swap3A_23] : memref<640x256xbf16, #tpu.memory_space<vmem>>, vector<640x256xbf16>
    tpu.vector_store %arg9[%swap3A, %swap3A_23], %convert_element_type3A_22 {strides = array<i32>} : memref<640x256xbf16, #tpu.memory_space<vmem>>, vector<640x256xbf16>,
    %get3A_25 = arith.constant 0 : index
    %get3A_26 = arith.constant 0 : index
    %get3A_27 = vector.load %arg6[%get3A_25, %get3A_26] : memref<256x256xbf16, #tpu.memory_space<vmem>>, vector<256x256xbf16>
    %dot_general3A_28 = arith.constant dense<0.000000e+00> : vector<640x256xf32>
    %dot_general3A_29 = tpu.matmul %convert_element_type3A, %get3A_27, %dot_general3A_28 {dimension_numbers = #tpu.dot_dimension_numbers<[1], [0], [0], [1], [0, 0, 1, 1], [], []>, transpose_lhs_hint = false} : vector<640x256xbf16>, vector<256x256xbf16>, vector<640x256xf32> -> vector<640x256xf32>
    %get3A_30 = arith.constant 0 : index
    %get3A_31 = arith.constant 0 : index
    %get3A_32 = vector.load %arg7[%get3A_30, %get3A_31] : memref<1x256xf32, #tpu.memory_space<vmem>>, vector<1x256xf32>
    %add3A = vector.broadcast %get3A_32 : vector<1x256xf32> to vector<640x256xf32>
    %add3A_33 = arith.addf %dot_general3A_29, %add3A : vector<640x256xf32>
    %swap3A_34 = arith.constant 0 : index
    %swap3A_35 = arith.constant 0 : index
    %swap3A_36 = vector.load %arg10[%swap3A_34, %swap3A_35] : memref<640x256xf32, #tpu.memory_space<vmem>>, vector<640x256xf32>
    tpu.vector_store %arg10[%swap3A_34, %swap3A_35], %add3A_33 {strides = array<i32>} : memref<640x256xf32, #tpu.memory_space<vmem>>, vector<640x256xf32>,
    %get3A_37 = arith.constant 0 : index
    %get3A_38 = arith.constant 0 : index
    %get3A_39 = vector.load %arg3[%get3A_37, %get3A_38] : memref<640x128xi32, #tpu.memory_space<vmem>>, vector<640x128xi32>
    %shift_left3A_40 = arith.constant 16 : i32
    %shift_left3A_41 = vector.broadcast %shift_left3A_40 : i32 to vector<640x128xi32>
    %shift_left3A_42 = arith.shli %get3A_39, %shift_left3A_41 : vector<640x128xi32>
    %bitcast_convert_type3A_43 = tpu.bitcast %shift_left3A_42 : vector<640x128xi32> -> vector<640x128xf32>
    %shift_right_arithmetic3A_44 = arith.constant 16 : i32
    %shift_right_arithmetic3A_45 = vector.broadcast %shift_right_arithmetic3A_44 : i32 to vector<640x128xi32>
    %shift_right_arithmetic3A_46 = arith.shrsi %get3A_39, %shift_right_arithmetic3A_45 : vector<640x128xi32>
    %shift_left3A_47 = arith.constant 16 : i32
    %shift_left3A_48 = vector.broadcast %shift_left3A_47 : i32 to vector<640x128xi32>
    %shift_left3A_49 = arith.shli %shift_right_arithmetic3A_46, %shift_left3A_48 : vector<640x128xi32>
    %bitcast_convert_type3A_50 = tpu.bitcast %shift_left3A_49 : vector<640x128xi32> -> vector<640x128xf32>
    %concatenate3A_51 = tpu.concatenate %bitcast_convert_type3A_43, %bitcast_convert_type3A_50 in 1 : vector<640x128xf32>, vector<640x128xf32> -> vector<640x256xf32>
    %mul3A_52 = arith.mulf %concatenate3A_51, %dot_general3A_16 : vector<640x256xf32>
    %convert_element_type3A_53 = arith.truncf %mul3A_52 : vector<640x256xf32> to vector<640x256xbf16>
    %get3A_54 = arith.constant 0 : index
    %get3A_55 = arith.constant 0 : index
    %get3A_56 = vector.load %arg8[%get3A_54, %get3A_55] : memref<256x4xbf16, #tpu.memory_space<vmem>>, vector<256x4xbf16>
    %dot_general3A_57 = arith.constant dense<0.000000e+00> : vector<640x4xf32>
    %dot_general3A_58 = tpu.matmul %convert_element_type3A_53, %get3A_56, %dot_general3A_57 {dimension_numbers = #tpu.dot_dimension_numbers<[1], [0], [0], [1], [0, 0, 1, 1], [], []>, transpose_lhs_hint = false} : vector<640x256xbf16>, vector<256x4xbf16>, vector<640x4xf32> -> vector<640x4xf32>
    %transpose3A = tpu.transpose %dot_general3A_58, [1, 0] : vector<640x4xf32> -> vector<4x640xf32>
    %swap3A_59 = arith.constant 0 : index
    %swap3A_60 = arith.constant 0 : index
    %swap3A_61 = vector.load %arg11[%swap3A_59, %swap3A_60] : memref<4x640xf32, #tpu.memory_space<vmem>>, vector<4x640xf32>
    tpu.vector_store %arg11[%swap3A_59, %swap3A_60], %transpose3A {strides = array<i32>} : memref<4x640xf32, #tpu.memory_space<vmem>>, vector<4x640xf32>,
    return
  }
  func.func @transform_0(%arg0: i32) -> (i32, i32) {
    %c0_i32 = arith.constant 0 : i32
    %c0_i32_0 = arith.constant 0 : i32
    return %arg0, %c0_i32 : i32, i32
  }
  func.func @transform_1(%arg0: i32) -> (i32, i32) {
    %c0_i32 = arith.constant 0 : i32
    %c0_i32_0 = arith.constant 0 : i32
    return %arg0, %c0_i32 : i32, i32
  }
  func.func @transform_2(%arg0: i32) -> (i32, i32) {
    %c0_i32 = arith.constant 0 : i32
    %c0_i32_0 = arith.constant 0 : i32
    return %arg0, %c0_i32 : i32, i32
  }
  func.func @transform_3(%arg0: i32) -> (i32, i32) {
    %c0_i32 = arith.constant 0 : i32
    %c0_i32_0 = arith.constant 0 : i32
    %c0_i32_1 = arith.constant 0 : i32
    return %c0_i32, %c0_i32_0 : i32, i32
  }
  func.func @transform_4(%arg0: i32) -> (i32, i32) {
    %c0_i32 = arith.constant 0 : i32
    %c0_i32_0 = arith.constant 0 : i32
    %c0_i32_1 = arith.constant 0 : i32
    return %c0_i32, %c0_i32_0 : i32, i32
  }
  func.func @transform_5(%arg0: i32) -> (i32, i32) {
    %c0_i32 = arith.constant 0 : i32
    %c0_i32_0 = arith.constant 0 : i32
    %c0_i32_1 = arith.constant 0 : i32
    return %c0_i32, %c0_i32_0 : i32, i32
  }
  func.func @transform_6(%arg0: i32) -> (i32, i32) {
    %c0_i32 = arith.constant 0 : i32
    %c0_i32_0 = arith.constant 0 : i32
    %c0_i32_1 = arith.constant 0 : i32
    return %c0_i32, %c0_i32_0 : i32, i32
  }
  func.func @transform_7(%arg0: i32) -> (i32, i32) {
    %c0_i32 = arith.constant 0 : i32
    %c0_i32_0 = arith.constant 0 : i32
    %c0_i32_1 = arith.constant 0 : i32
    return %c0_i32, %c0_i32_0 : i32, i32
  }
  func.func @transform_8(%arg0: i32) -> (i32, i32) {
    %c0_i32 = arith.constant 0 : i32
    %c0_i32_0 = arith.constant 0 : i32
    return %arg0, %c0_i32 : i32, i32
  }
  func.func @transform_9(%arg0: i32) -> (i32, i32) {
    %c0_i32 = arith.constant 0 : i32
    %c0_i32_0 = arith.constant 0 : i32
    return %arg0, %c0_i32 : i32, i32
  }
  func.func @transform_10(%arg0: i32) -> (i32, i32) {
    %c0_i32 = arith.constant 0 : i32
    %c0_i32_0 = arith.constant 0 : i32
    return %c0_i32, %arg0 : i32, i32
  }
}

module attributes {stable_mosaic.version = 14 : i64} {
  func.func @_w_body(%arg0: i32, %arg1: memref<2000x4xf32, #tpu.memory_space<vmem>>, %arg2: memref<2000x256xbf16, #tpu.memory_space<vmem>>, %arg3: memref<4x256xf32, #tpu.memory_space<vmem>>, %arg4: memref<2000x2x128xf32, #tpu.memory_space<vmem>>) attributes {dimension_semantics = [#tpu.dimension_semantics<arbitrary>], iteration_bounds = array<i64: 80>, scalar_prefetch = 0 : i64, scratch_operands = 0 : i64, tpu.core_type = #tpu.core_type<tc>, window_params = [{transform_indices = @transform_0, window_bounds = array<i64: 2000, 4>}, {transform_indices = @transform_1, window_bounds = array<i64: 2000, 256>}, {pipeline_mode = #tpu.pipeline_mode<synchronous>, transform_indices = @transform_2, window_bounds = array<i64: 4, 256>}, {transform_indices = @transform_3, window_bounds = array<i64: 2000, 2, 128>}]} {
    %get3A = arith.constant 0 : index
    %get3A_0 = arith.constant 0 : index
    %get3A_1 = vector.load %arg1[%get3A, %get3A_0] : memref<2000x4xf32, #tpu.memory_space<vmem>>, vector<2000x4xf32>
    %get3A_2 = arith.constant 0 : index
    %get3A_3 = arith.constant 0 : index
    %get3A_4 = vector.load %arg3[%get3A_2, %get3A_3] : memref<4x256xf32, #tpu.memory_space<vmem>>, vector<4x256xf32>
    %dot_general3A = arith.constant dense<0.000000e+00> : vector<2000x256xf32>
    %dot_general3A_5 = tpu.matmul %get3A_1, %get3A_4, %dot_general3A {dimension_numbers = #tpu.dot_dimension_numbers<[1], [0], [0], [1], [0, 0, 1, 1], [], []>, transpose_lhs_hint = false} : vector<2000x4xf32>, vector<4x256xf32>, vector<2000x256xf32> -> vector<2000x256xf32>
    %get3A_6 = arith.constant 0 : index
    %get3A_7 = arith.constant 0 : index
    %get3A_8 = vector.load %arg2[%get3A_6, %get3A_7] : memref<2000x256xbf16, #tpu.memory_space<vmem>>, vector<2000x256xbf16>
    %convert_element_type3A = arith.extf %get3A_8 : vector<2000x256xbf16> to vector<2000x256xf32>
    %mul3A = arith.mulf %convert_element_type3A, %dot_general3A_5 : vector<2000x256xf32>
    %slice3A = vector.extract_strided_slice %mul3A {offsets = [0, 0], sizes = [2000, 128], strides = [1, 1]} : vector<2000x256xf32> to vector<2000x128xf32>
    %swap3A = arith.constant 0 : index
    %swap3A_9 = arith.constant 0 : index
    %swap3A_10 = arith.constant 0 : index
    %swap3A_11 = vector.load %arg4[%swap3A, %swap3A_9, %swap3A_10] : memref<2000x2x128xf32, #tpu.memory_space<vmem>>, vector<2000x1x128xf32>
    %swap3A_12 = vector.shape_cast %swap3A_11 : vector<2000x1x128xf32> to vector<2000x128xf32>
    %swap3A_13 = vector.shape_cast %slice3A : vector<2000x128xf32> to vector<2000x1x128xf32>
    tpu.vector_store %arg4[%swap3A, %swap3A_9, %swap3A_10], %swap3A_13 {strides = array<i32>} : memref<2000x2x128xf32, #tpu.memory_space<vmem>>, vector<2000x1x128xf32>,
    %slice3A_14 = vector.extract_strided_slice %mul3A {offsets = [0, 128], sizes = [2000, 128], strides = [1, 1]} : vector<2000x256xf32> to vector<2000x128xf32>
    %swap3A_15 = arith.constant 0 : index
    %swap3A_16 = arith.constant 1 : index
    %swap3A_17 = arith.constant 0 : index
    %swap3A_18 = vector.load %arg4[%swap3A_15, %swap3A_16, %swap3A_17] : memref<2000x2x128xf32, #tpu.memory_space<vmem>>, vector<2000x1x128xf32>
    %swap3A_19 = vector.shape_cast %swap3A_18 : vector<2000x1x128xf32> to vector<2000x128xf32>
    %swap3A_20 = vector.shape_cast %slice3A_14 : vector<2000x128xf32> to vector<2000x1x128xf32>
    tpu.vector_store %arg4[%swap3A_15, %swap3A_16, %swap3A_17], %swap3A_20 {strides = array<i32>} : memref<2000x2x128xf32, #tpu.memory_space<vmem>>, vector<2000x1x128xf32>,
    return
  }
  func.func @transform_0(%arg0: i32) -> (i32, i32) {
    %c0_i32 = arith.constant 0 : i32
    %c0_i32_0 = arith.constant 0 : i32
    return %arg0, %c0_i32 : i32, i32
  }
  func.func @transform_1(%arg0: i32) -> (i32, i32) {
    %c0_i32 = arith.constant 0 : i32
    %c0_i32_0 = arith.constant 0 : i32
    return %arg0, %c0_i32 : i32, i32
  }
  func.func @transform_2(%arg0: i32) -> (i32, i32) {
    %c0_i32 = arith.constant 0 : i32
    %c0_i32_0 = arith.constant 0 : i32
    %c0_i32_1 = arith.constant 0 : i32
    return %c0_i32, %c0_i32_0 : i32, i32
  }
  func.func @transform_3(%arg0: i32) -> (i32, i32, i32) {
    %c0_i32 = arith.constant 0 : i32
    %c0_i32_0 = arith.constant 0 : i32
    %c0_i32_1 = arith.constant 0 : i32
    return %arg0, %c0_i32, %c0_i32_0 : i32, i32, i32
  }
}

</mosaic_0001>

<sc_bundles>
// kernel: kernel.11.cloned.1.call-start
scs
__scs_entry_jumppad:
0x0: {  	(pc) =	sbr.rel $0x88, $3  }
0x1: {  	(tag) =	ssettag $0x0;
	lr =	simm.s32 $0x1  }
0x2: {  	[smem:$0x3F99] =	sst lr;
	_ =	strace $0xD0000000  }
0x3: {  	_ = 	snop  }
0x4: {  	_ = 	snop  }
0x5: {  	_ = 	snop  }
0x6: {  	_ = 	snop  }
0x7: {  	_ = 	snop  }
__scs_overlays_trampoline_lowered:
0x8: {  	[smem:$0x3FA8] =	sst s0  }
0x9: {  	[smem:$0x3FA9] =	sst s1  }
0xa: {  	[smem:$0x3FAA] =	sst s2  }
0xb: {  	[smem:$0x3FAB] =	sst s3  }
0xc: {  	[smem:$0x3FAC] =	sst s4  }
0xd: {  	[smem:$0x3FAD] =	sst s5  }
0xe: {  	[smem:$0x3FAE] =	sst s6  }
0xf: {  	[smem:$0x3FAF] =	sst s7  }
0x10: {  	[smem:$0x3FB0] =	sst s8  }
0x11: {  	[smem:$0x3FB1] =	sst s9;
	s0 =	simm.s32 @!p0 $0x0  }
0x12: {  	s1 =	sld [smem:$0x3F97];
	s0 =	simm.s32 @p0 $0x1  }
0x13: {  	[smem:$0x3FB2] =	sst s0;
	s0 =	simm.s32 @!p1 $0x0  }
0x14: {  	s2 =	sld [smem:$0x3F96];
	s0 =	simm.s32 @p1 $0x1  }
0x15: {  	[smem:$0x3FB3] =	sst s0;
	s0 =	simm.s32 @!p2 $0x0  }
0x16: {  	s3 =	sld [smem:$0x3FDB];
	s0 =	simm.s32 @p2 $0x1  }
0x17: {  	s4 =	simm.s32 $0x1BF5;
	[smem:$0x3FB5] =	sst s0  }
0x18: {  	s0 =	sld [smem:$0x3F98];
	_ =	swait.ge [sflag:s4], $0x0  }
0x19: {  	s7 =	sld [smem:$0x3F99]  }
0x1a: {  	s8 =	sadd.s32 $0xFFFFE003, lr  }
0x1b: {  	s9 =	sadd.s32 $0xFFFFFEF7, lr;
	s5 =	simm.s32 $0xFFFFFFFF;
	p2 =	slt.u32 s8, $0xFFFFF086  }
0x1c: {  	p1 =	slt.u32 s9, $0xF7A;
	s5 =	simm.s32 @!p2 $0x0  }
0x1d: {  	s5 =	simm.s32 @p1 $0x1;
	p0 =	seq.s32 s7, s2  }
0x1e: {  	s7 =	smul.u32 @!p0 $0xF7A, s2;
	p2 =	seq.s32 @!p0 s5, $0x0  }
0x1f: {  	s9 =	smul.u32 $0xF7A, s1;
	s8 =	simm.s32 @!p0 $0x1BF5;
	p2 =	por !p2, p0  }
0x20: {  	[sflag:s8] =	ssyncset.s32 @!p0 $0xFFFFF086;
	s6 =	sadd.s32 @!p0 s3, s7;
	s7 =	simm.s32 @!p0 $0x108  }
0x21: {  	s3 =	sadd.s32 s3, s9;
	s6 =	sadd.s32 @!p0 $0x88, s6;
	s7 =	simm.s32 @p2 $0x1082  }
0x22: {  	[simem:s7], [sflag:s8] =	dma.local @!p0 [hbm:s6], $0xF7A  }
0x23: {  	s9 =	sor.u32 $0xD0000000, s2;
	s6 =	simm.s32 $0x108;
	_ =	swait.ge @!p0 [sflag:s8], $0x0  }
0x24: {  	s3 =	sadd.s32 $0x88, s3;
	s6 =	simm.s32 @!p1 $0x1082;
	[sflag:s4] =	ssyncset.s32 $0xFFFFF086  }
0x25: {  	[simem:s6], [sflag:s4] =	dma.local [hbm:s3], $0xF7A  }
0x26: {  	[smem:$0x3F99] =	sst s1;
	(tag) =	ssettag s2;
	_ =	strace s9  }
0x27: {  	s1 =	sld [smem:$0x3FA9]  }
0x28: {  	s2 =	sld [smem:$0x3FAA]  }
0x29: {  	s4 =	sld [smem:$0x3FAC]  }
0x2a: {  	p0 =	seq.s32 s5, $0x0;
	s5 =	sld [smem:$0x3FAD]  }
0x2b: {  	s6 =	sld [smem:$0x3FAE]  }
0x2c: {  	s7 =	sld [smem:$0x3FAF]  }
0x2d: {  	s3 =	simm.s32 $0x108;
	s8 =	sld [smem:$0x3FB0]  }
0x2e: {  	s3 =	simm.s32 @!p0 $0x1082;
	s9 =	sld [smem:$0x3FB1]  }
0x2f: {  	lr =	sadd.s32 s0, s3;
	s0 =	sld [smem:$0x3FA8]  }
0x30: {  	s3 =	sld [smem:$0x3FAB]  }
0x31: {  	[smem:$0x3FB4] =	sst s10  }
0x32: {  	s10 =	sld [smem:$0x3FB2];
	_ =	sdelay $0x3  }
0x33: {  	p0 =	seq.s32 s10, $0x1;
	s10 =	sld [smem:$0x3FB4];
	_ =	sdelay $0x3  }
0x34: {  	[smem:$0x3FB4] =	sst s10  }
0x35: {  	s10 =	sld [smem:$0x3FB3];
	_ =	sdelay $0x3  }
0x36: {  	p1 =	seq.s32 s10, $0x1;
	s10 =	sld [smem:$0x3FB4];
	_ =	sdelay $0x3  }
0x37: {  	[smem:$0x3FB4] =	sst s10  }
0x38: {  	s10 =	sld [smem:$0x3FB5]  }
0x39: {  	_ = 	snop;
	(pc) =	sbr.ind lr, $3  }
0x3a: {  	_ = 	snop  }
0x3b: {  	_ = 	snop  }
0x3c: {  	p2 =	seq.s32 s10, $0x1;
	s10 =	sld [smem:$0x3FB4]  }
0x3d: {  	_ =	shalt  }
0x3e: {  	_ =	shalt  }
0x3f: {  	_ =	shalt  }
0x40: {  	_ =	shalt  }
0x41: {  	_ =	shalt  }
0x42: {  	_ =	shalt  }
0x43: {  	_ =	shalt  }
0x44: {  	_ =	shalt  }
0x45: {  	_ =	shalt  }
0x46: {  	_ =	shalt  }
0x47: {  	_ =	shalt  }
0x48: {  	_ =	shalt  }
0x49: {  	_ =	shalt  }
0x4a: {  	_ =	shalt  }
0x4b: {  	_ =	shalt  }
0x4c: {  	_ =	shalt  }
0x4d: {  	_ =	shalt  }
0x4e: {  	_ =	shalt  }
0x4f: {  	_ =	shalt  }
0x50: {  	_ =	shalt  }
0x51: {  	_ =	shalt  }
0x52: {  	_ =	shalt  }
0x53: {  	_ =	shalt  }
0x54: {  	_ =	shalt  }
0x55: {  	_ =	shalt  }
0x56: {  	_ =	shalt  }
0x57: {  	_ =	shalt  }
0x58: {  	_ =	shalt  }
0x59: {  	_ =	shalt  }
0x5a: {  	_ =	shalt  }
0x5b: {  	_ =	shalt  }
0x5c: {  	_ =	shalt  }
0x5d: {  	_ =	shalt  }
0x5e: {  	_ =	shalt  }
0x5f: {  	_ =	shalt  }
0x60: {  	_ =	shalt  }
0x61: {  	_ =	shalt  }
0x62: {  	_ =	shalt  }
0x63: {  	_ =	shalt  }
0x64: {  	_ =	shalt  }
0x65: {  	_ =	shalt  }
0x66: {  	_ =	shalt  }
0x67: {  	_ =	shalt  }
0x68: {  	_ =	shalt  }
0x69: {  	_ =	shalt  }
0x6a: {  	_ =	shalt  }
0x6b: {  	_ =	shalt  }
0x6c: {  	_ =	shalt  }
0x6d: {  	_ =	shalt  }
0x6e: {  	_ =	shalt  }
0x6f: {  	_ =	shalt  }
0x70: {  	_ =	shalt  }
0x71: {  	_ =	shalt  }
0x72: {  	_ =	shalt  }
0x73: {  	_ =	shalt  }
0x74: {  	_ =	shalt  }
0x75: {  	_ =	shalt  }
0x76: {  	_ =	shalt  }
0x77: {  	_ =	shalt  }
0x78: {  	_ =	shalt  }
0x79: {  	_ =	shalt  }
0x7a: {  	_ =	shalt  }
0x7b: {  	_ =	shalt  }
0x7c: {  	_ =	shalt  }
0x7d: {  	_ =	shalt  }
0x7e: {  	_ =	shalt  }
0x7f: {  	_ =	shalt  }
0x80: {  	_ =	shalt  }
0x81: {  	_ =	shalt  }
0x82: {  	_ =	shalt  }
0x83: {  	_ =	shalt  }
0x84: {  	_ =	shalt  }
0x85: {  	_ =	shalt  }
0x86: {  	_ =	shalt  }
0x87: {  	_ =	shalt  }
.Lfunc_end0:
.L_simem_size_0:
called_computation.1_lowered:
.L_overlay_start_0:
0x88: {  	s2 =	sld [smem:$0x3FD9]  }
0x89: {  	s3 =	sld [smem:$0x3FFE];
	_ =	sdelay $0x1  }
0x8a: {  	s1 =	srdreg.scid  }
0x8b: {  	s0 =	sand.u32 $0x1, s1  }
0x8c: {  	s14 =	sshll.u32 s0, $0xA;
	s2 =	sadd.s32 s3, s2  }
0x8d: {  	s2 =	sadd.s32 s2, s14  }
0x8e: {  	[smem:$0x3FC0] =	sst s2  }
0x8f: {  	_ = 	snop  }
0x90: {  	s2 =	sld [smem:$0x3FD0];
	_ =	sdelay $0x2  }
0x91: {  	s15 =	simm.s32 $0xA;
	s4 =	simm.s32 $0x10  }
0x92: {  	[smem:s4], [sflag:s15] =	dma.local [hbm:s2], $0x1  }
0x93: {  	_ =	swait.eq [sflag:s15], $0x1  }
0x94: {  	[sflag:s15] =	ssyncset.done $0x0  }
0x95: {  	[sflag:s15] =	ssyncadd.s32 $0xFFFFFFFF  }
0x96: {  	s16 =	sld [smem:$0x10];
	(tm) =	ssettm $0x1  }
0x97: {  	s17 =	sld [smem:$0x3FFB];
	_ =	sdelay $0x3  }
0x98: {  	_ =	strace s17  }
0x99: {  	s3 =	sld [smem:$0x3FFC];
	_ =	sdelay $0x3  }
0x9a: {  	_ =	strace s3  }
0x9b: {  	s3 =	sld [smem:$0x3FFD];
	_ =	sdelay $0x3  }
0x9c: {  	_ =	strace s3  }
0x9d: {  	_ =	strace $0x8FFFFFFF  }
0x9e: {  	s18 =	sld [smem:$0x3FDB];
	_ =	sdelay $0x1  }
0x9f: {  	s19 =	simm.s32 $_scs_section_size  }
0xa0: {  	s5 =	simm.s32 $_size__tile_overlayer_lowered;
	s6 =	simm.s32 $_tile_overlayer_lowered  }
0xa1: {  	s22 =	simm.s32 $0x1BFF;
	s21 =	sshll.u32 s6, $0x1;
	s3 =	sadd.s32 s19, s18  }
0xa2: {  	s7 =	simm.s32 $0x0;
	s20 =	sshll.u32 s5, $0x1;
	s5 =	sadd.s32 s21, s3  }
0xa3: {  	[timem:s7], [sflag:s22] =	dma.local [hbm:s5], s20  }
0xa4: {  	_ =	swait.ge [sflag:s22], s20  }
0xa5: {  	s4 =	ssub.s32 $0x0, s20;
	[sflag:s22] =	ssyncset.done $0x0  }
0xa6: {  	[sflag:s22] =	ssyncadd.s32 s4;
	_ =	sdelay $0x1  }
0xa7: {  	s23 =	simm.s32 $0x1B8B  }
0xa8: {  	_ =	swait.ge [sflag:s23], $0x1  }
0xa9: {  	[sflag:s23] =	ssyncset.done $0x0  }
0xaa: {  	s25 =	simm.s32 $0x1B8E;
	s24 =	sld [smem:$0x3FFE];
	[sflag:s23] =	ssyncadd.s32 $0xFFFFFFFF  }
0xab: {  	s26 =	simm.s32 $execute0_lowered;
	[smem:$0x3FD2] =	sst s25  }
0xac: {  	s5 =	sshll.u32 s26, $0x1;
	_ =	strace $0x80000049;
	[dreg:$0x1] =	wrdreg $0xFFFFFFFF  }
0xad: {  	s28 =	simm.s32 $_size_execute0_lowered;
	s3 =	sadd.s32 s3, s5;
	[dreg:$0x0] =	wrdreg $0x0  }
0xae: {  	s5 =	sshll.u32 s28, $0x1;
	[dreg:$0x2] =	wrdreg s3  }
0xaf: {  	[dreg:$0x3] =	wrdreg s5  }
0xb0: {  	[dreg:$0x4] =	wrdreg $0xC0  }
0xb1: {  	_ =	task [dreg:s7], $0x5FFFF  }
0xb2: {  	[dreg:$0x1] =	wrdreg $0xFFFFFFFF  }
0xb3: {  	[dreg:$0x0] =	wrdreg $0x60  }
0xb4: {  	[dreg:$0x2] =	wrdreg s16  }
0xb5: {  	[dreg:$0x3] =	wrdreg s24  }
0xb6: {  	[dreg:$0x4] =	wrdreg $0xCCE80  }
0xb7: {  	[dreg:$0x5] =	wrdreg $0xC8000  }
0xb8: {  	[dreg:$0x6] =	wrdreg $0x9  }
0xb9: {  	_ =	task.clear_ibuf [dreg:s7], $0x7FFFF;
	_ =	strace $0x90000049  }
0xba: {  	s29 =	simm.s32 $0x9;
	_ =	strace $0x8000004B  }
0xbb: {  	_ =	swait.ge [sflag:s29], $0x1  }
0xbc: {  	[sflag:s29] =	ssyncadd.s32 $0xFFFFFFFF  }
0xbd: {  	_ =	strace $0x9000004B  }
0xbe: {  	_ =	sfence  }
0xbf: {  	s30 =	sld [smem:$0x0];
	_ =	sdelay $0x2  }
0xc0: {  	s31 =	sshll.u32 s1, $0xD;
	s1 =	sshrl.u32 s1, $0x2  }
0xc1: {  	s3 =	sand.u32 $0x4000, s31;
	s1 =	sadd.s32 s1, s30  }
0xc2: {  	s0 =	sor.u32 s3, s0;
	s1 =	sshll.u32 s1, $0x11  }
0xc3: {  	s0 =	sor.u32 s1, s0  }
0xc4: {  	s0 =	sadd.s32 $0x8F2B, s0  }
0xc5: {  	[sflag:s0] =	ssyncadd.remote.s32 $0x1  }
0xc6: {  	_ =	sfence.sel $0xFFFF  }
0xc7: {  	[dreg:$0x0] =	wrdreg $0xFFFFFFFF;
	(pc) =	sbr.abs _section_cstart, $3  }
0xc8: {  	[dreg:$0x1] =	wrdreg $0xFFFFFFFF  }
0xc9: {  	_ =	task.clear_ibuf [dreg:s7], $0x2FFFF;
	_ =	strace $0x9FFFFFFF  }
0xca: {  	(tm) =	ssettm $0x7FFFFFFF  }
0xcb: {  	_ =	shalt  }
tec
execute0_lowered:
.L_overlay_start_1:
0x0: {  	(tag) =	ssettag $0x1  }
0x1: {  	s0 =	rddreg [dreg:$0x0]  }
0x2: {  	s2 =	rddreg [dreg:$0x1]  }
0x3: {  	s1 =	rddreg [dreg:$0x2]  }
0x4: {  	s3 =	rddreg [dreg:$0x3];
	s4 =	simm.s32 $0x0;
	s13 =	stileid.u32  }
0x5: {  	s6 =	srdreg.scid;
	s16 =	simm.s32 $0x80;
	s17 =	simm.s32 $0xC480  }
0x6: {  	s18 =	simm.s32 $0xC500;
	s19 =	simm.s32 $0xC580;
	s20 =	simm.s32 $0xC600  }
0x7: {  	s21 =	simm.s32 $0xC680;
	s28 =	simm.s32 $0x5;
	s29 =	simm.s32 $0x6  }
0x8: {  	s30 =	simm.s32 $0x10;
	s31 =	simm.s32 $0xC780;
	s14 =	simm.s32 $0x4E80  }
0x9: {  	s15 =	simm.s32 $0x0;
	[smem:$0x7FF] =	sst s4;
	s5 =	smul.u32 $0x2710, s13  }
0xa: {  	s6 =	sand.u32 $0x1, s6;
	s7 =	smul.u32 $0x1380, s13;
	s23 =	sadd.s32 $0x4E00, s1  }
0xb: {  	p0 =	sne.s32 s13, $0xF;
	s13 =	simm.s32 $0x7;
	_ =	strace $0x8000004A  }
0xc: {  	s9 =	ssub.s32 $0x2, s6;
	s6 =	smul.u32 $0x4E200, s6;
	[dreg:$0x6] =	wrdreg s23  }
0xd: {  	s23 =	simm.s32 $0x1;
	s8 =	sshrl.u32 s5, $0x3;
	s10 =	sshrl.u32 s9, $0x1  }
0xe: {  	s7 =	sshrl.u32 s7, $0x2;
	s8 =	sadd.s32 s8, s2;
	s2 =	sadd.s32 $0xBC00, s2  }
0xf: {  	s12 =	ssub.s32 s9, s10;
	s5 =	sadd.s32 s5, s6;
	s22 =	sadd.s32 s7, s1  }
0x10: {  	[dreg:$0x5] =	wrdreg s22;
	s5 =	sshrl.u32 s5, $0x3;
	s24 =	sadd.s32 $0x6C00, s8  }
0x11: {  	s12 =	smax.u32 s12, $0x1;
	s8 =	simm.s32 $0x2710;
	s22 =	simm.s32 $0xC700  }
0x12: {  	[dreg:$0x7] =	wrdreg s24;
	s25 =	sadd.s32 s0, s5;
	s26 =	sadd.s32 $0x4E20, s5  }
0x13: {  	s10 =	sadd.s32 s2, s5;
	s24 =	simm.s32 $0x2;
	[dreg:$0x8] =	wrdreg s25  }
0x14: {  	s9 =	sadd.s32 s0, s26;
	s11 =	sadd.s32 s2, s26;
	s25 =	simm.s32 $0x3  }
0x15: {  	v0 =	vimm.f32 $0.0e+00;
	s26 =	simm.s32 $0x4;
	s0 =	simm.s32 $0x2700;
	s2 =	simm.s32 $0x4E10  }
.LBB2_1:
0x16: {  	s5 =	simm.s32 $0x40;
	s6 =	simm.s32 $0x0  }
.LBB2_2:
0x17: {  	p1 =	sne.s32 s5, $0x1340;
	[tilespmem:s6+$0x0] =	vst v0;
	s6 =	smov.u32 s5;
	s5 =	sadd.s32 $0x40, s5  }
.Ltmp0:
0x18: {  	(pc) =	sbr.rel @p1 .LBB2_2-.Ltmp0, $2  }
0x19: {  	_ =	sdelay $0x2  }
0x1a: {  	s6 =	sshra.s32 s6, $0x2  }
0x1b: {  	[tilespmem:s6+$0x0] =	vst v0;
	s5 =	rddreg [dreg:$0x5]  }
0x1c: {  	[spmem:s5] =	stream.linear.scatter [tilespmem:s4], [sflag:$0x7], $0x4E0, $0x38;
	[tilespmem:$0xD1D0] =	vst v63  }
0x1d: {  	_ =	swait.ge [sflag:s13], $0x4E0  }
0x1e: {  	[sflag:s13] =	ssyncset.done $0x0  }
0x1f: {  	s5 =	simm.s32 @!p0 $0x0;
	s6 =	rddreg [dreg:$0x6];
	[sflag:s13] =	ssyncadd.s32 $0xFFFFFB20  }
0x20: {  	[spmem:s6] =	stream.linear.scatter @!p0 [tilespmem:s5], [sflag:$0x7], $0x20, $0x38;
	[tilespmem:$0xD1D0] =	vst v63  }
0x21: {  	s5 =	simm.s32 @!p0 $0x7  }
0x22: {  	_ =	swait.ge @!p0 [sflag:s5], $0x20  }
0x23: {  	s7 =	simm.s32 $0x9D00;
	[sflag:s5] =	ssyncset.done @!p0 $0x0  }
0x24: {  	s6 =	rddreg [dreg:$0x7];
	[sflag:s5] =	ssyncadd.s32 @!p0 $0xFFFFFFE0;
	s5 =	simm.s32 $0x0  }
0x25: {  	[tilespmem:s7], [sflag:$0x7] =	stream.linear.gather [hbm4b:s6+s5], $0x2710, $0x38;
	[tilespmem:$0xD1D0] =	vst v63  }
0x26: {  	_ =	swait.ge [sflag:s13], $0x2710  }
0x27: {  	[sflag:s13] =	ssyncset.done $0x0  }
0x28: {  	s7 =	rddreg [dreg:$0x8];
	[sflag:s13] =	ssyncadd.s32 $0xFFFFD8F0  }
0x29: {  	[tilespmem:s5], [sflag:$0x7] =	stream.linear.gather [hbm4b:s7+s5], $0x2710, $0x38;
	[tilespmem:$0xD1D0] =	vst v63  }
0x2a: {  	_ =	swait.ge [sflag:s13], $0x2710  }
0x2b: {  	[sflag:s13] =	ssyncset.done $0x0  }
0x2c: {  	[sflag:s13] =	ssyncadd.s32 $0xFFFFD8F0  }
0x2d: {  	[tilespmem:s8], [sflag:$0x7] =	stream.linear.gather [hbm4b:s9+s5], $0x2710, $0x38;
	[tilespmem:$0xD1D0] =	vst v63  }
0x2e: {  	_ =	swait.ge [sflag:s13], $0x2710  }
0x2f: {  	[sflag:s13] =	ssyncset.done $0x0  }
0x30: {  	[sflag:s13] =	ssyncadd.s32 $0xFFFFD8F0  }
.LBB2_4:
0x31: {  	p1 =	seq.s32 s5, $0x0  }
0x32: {  	s6 =	simm.s32 @!p1 $0x1  }
0x33: {  	_ =	swait.ge @!p1 [sflag:s6], $0x80  }
0x34: {  	[sflag:s6] =	ssyncset.done @!p1 $0x0  }
0x35: {  	[sflag:s6] =	ssyncadd.s32 @!p1 $0xFFFFFF80;
	s6 =	sshra.s32 s5, $0x2  }
0x36: {  	v1 =	vld [tilespmem:s6+$0x9D00];
	_ =	sdelay $0x4  }
0x37: {  	[tilespmem:$0xC480] =	vst v1  }
0x38: {  	v1 =	vld [tilespmem:s6+$0x9D10];
	_ =	sdelay $0x4  }
0x39: {  	[tilespmem:$0xC490] =	vst v1  }
0x3a: {  	v1 =	vld [tilespmem:s6+$0x9D20];
	_ =	sdelay $0x4  }
0x3b: {  	[tilespmem:$0xC4A0] =	vst v1  }
0x3c: {  	v1 =	vld [tilespmem:s6+$0x9D30];
	_ =	sdelay $0x4  }
0x3d: {  	[tilespmem:$0xC4B0] =	vst v1  }
0x3e: {  	v1 =	vld [tilespmem:s6+$0x9D40];
	_ =	sdelay $0x4  }
0x3f: {  	[tilespmem:$0xC4C0] =	vst v1  }
0x40: {  	v1 =	vld [tilespmem:s6+$0x9D50];
	_ =	sdelay $0x4  }
0x41: {  	[tilespmem:$0xC4D0] =	vst v1  }
0x42: {  	v1 =	vld [tilespmem:s6+$0x9D60];
	_ =	sdelay $0x4  }
0x43: {  	[tilespmem:$0xC4E0] =	vst v1  }
0x44: {  	v1 =	vld [tilespmem:s6+$0x9D70];
	_ =	sdelay $0x4  }
0x45: {  	s7 =	simm.s32 @!p1 $0x2;
	[tilespmem:$0xC4F0] =	vst v1  }
0x46: {  	[spmem:s3] =	stream.indirect.scatter [tilespmem:s6], [sflag:$0x1], $0x1, s17, s16, $0xb8;
	[tilespmem:$0xD1D0] =	vst v63  }
0x47: {  	_ =	swait.ge @!p1 [sflag:s7], $0x80  }
0x48: {  	[sflag:s7] =	ssyncset.done @!p1 $0x0  }
0x49: {  	[sflag:s7] =	ssyncadd.s32 @!p1 $0xFFFFFF80  }
0x4a: {  	v1 =	vld [tilespmem:s6+$0x9D80];
	_ =	sdelay $0x4  }
0x4b: {  	[tilespmem:$0xC500] =	vst v1  }
0x4c: {  	v1 =	vld [tilespmem:s6+$0x9D90];
	_ =	sdelay $0x4  }
0x4d: {  	[tilespmem:$0xC510] =	vst v1  }
0x4e: {  	v1 =	vld [tilespmem:s6+$0x9DA0];
	_ =	sdelay $0x4  }
0x4f: {  	[tilespmem:$0xC520] =	vst v1  }
0x50: {  	v1 =	vld [tilespmem:s6+$0x9DB0];
	_ =	sdelay $0x4  }
0x51: {  	[tilespmem:$0xC530] =	vst v1  }
0x52: {  	v1 =	vld [tilespmem:s6+$0x9DC0];
	_ =	sdelay $0x4  }
0x53: {  	[tilespmem:$0xC540] =	vst v1  }
0x54: {  	v1 =	vld [tilespmem:s6+$0x9DD0];
	_ =	sdelay $0x4  }
0x55: {  	[tilespmem:$0xC550] =	vst v1  }
0x56: {  	v1 =	vld [tilespmem:s6+$0x9DE0];
	_ =	sdelay $0x4  }
0x57: {  	[tilespmem:$0xC560] =	vst v1  }
0x58: {  	v1 =	vld [tilespmem:s6+$0x9DF0];
	_ =	sdelay $0x4  }
0x59: {  	s8 =	sadd.s32 $0x80, s6;
	s7 =	simm.s32 @!p1 $0x3;
	[tilespmem:$0xC570] =	vst v1  }
0x5a: {  	[spmem:s3] =	stream.indirect.scatter [tilespmem:s8], [sflag:$0x2], $0x1, s18, s16, $0xb8;
	[tilespmem:$0xD1D0] =	vst v63  }
0x5b: {  	_ =	swait.ge @!p1 [sflag:s7], $0x80  }
0x5c: {  	[sflag:s7] =	ssyncset.done @!p1 $0x0  }
0x5d: {  	[sflag:s7] =	ssyncadd.s32 @!p1 $0xFFFFFF80  }
0x5e: {  	v1 =	vld [tilespmem:s6+$0x9E00];
	_ =	sdelay $0x4  }
0x5f: {  	[tilespmem:$0xC580] =	vst v1  }
0x60: {  	v1 =	vld [tilespmem:s6+$0x9E10];
	_ =	sdelay $0x4  }
0x61: {  	[tilespmem:$0xC590] =	vst v1  }
0x62: {  	v1 =	vld [tilespmem:s6+$0x9E20];
	_ =	sdelay $0x4  }
0x63: {  	[tilespmem:$0xC5A0] =	vst v1  }
0x64: {  	v1 =	vld [tilespmem:s6+$0x9E30];
	_ =	sdelay $0x4  }
0x65: {  	[tilespmem:$0xC5B0] =	vst v1  }
0x66: {  	v1 =	vld [tilespmem:s6+$0x9E40];
	_ =	sdelay $0x4  }
0x67: {  	[tilespmem:$0xC5C0] =	vst v1  }
0x68: {  	v1 =	vld [tilespmem:s6+$0x9E50];
	_ =	sdelay $0x4  }
0x69: {  	[tilespmem:$0xC5D0] =	vst v1  }
0x6a: {  	v1 =	vld [tilespmem:s6+$0x9E60];
	_ =	sdelay $0x4  }
0x6b: {  	[tilespmem:$0xC5E0] =	vst v1  }
0x6c: {  	v1 =	vld [tilespmem:s6+$0x9E70];
	_ =	sdelay $0x4  }
0x6d: {  	s8 =	sadd.s32 $0x100, s6;
	s7 =	simm.s32 @!p1 $0x4;
	[tilespmem:$0xC5F0] =	vst v1  }
0x6e: {  	[spmem:s3] =	stream.indirect.scatter [tilespmem:s8], [sflag:$0x3], $0x1, s19, s16, $0xb8;
	[tilespmem:$0xD1D0] =	vst v63  }
0x6f: {  	_ =	swait.ge @!p1 [sflag:s7], $0x80  }
0x70: {  	[sflag:s7] =	ssyncset.done @!p1 $0x0  }
0x71: {  	[sflag:s7] =	ssyncadd.s32 @!p1 $0xFFFFFF80  }
0x72: {  	v1 =	vld [tilespmem:s6+$0x9E80];
	_ =	sdelay $0x4  }
0x73: {  	[tilespmem:$0xC600] =	vst v1  }
0x74: {  	v1 =	vld [tilespmem:s6+$0x9E90];
	_ =	sdelay $0x4  }
0x75: {  	[tilespmem:$0xC610] =	vst v1  }
0x76: {  	v1 =	vld [tilespmem:s6+$0x9EA0];
	_ =	sdelay $0x4  }
0x77: {  	[tilespmem:$0xC620] =	vst v1  }
0x78: {  	v1 =	vld [tilespmem:s6+$0x9EB0];
	_ =	sdelay $0x4  }
0x79: {  	[tilespmem:$0xC630] =	vst v1  }
0x7a: {  	v1 =	vld [tilespmem:s6+$0x9EC0];
	_ =	sdelay $0x4  }
0x7b: {  	[tilespmem:$0xC640] =	vst v1  }
0x7c: {  	v1 =	vld [tilespmem:s6+$0x9ED0];
	_ =	sdelay $0x4  }
0x7d: {  	[tilespmem:$0xC650] =	vst v1  }
0x7e: {  	v1 =	vld [tilespmem:s6+$0x9EE0];
	_ =	sdelay $0x4  }
0x7f: {  	[tilespmem:$0xC660] =	vst v1  }
0x80: {  	v1 =	vld [tilespmem:s6+$0x9EF0];
	_ =	sdelay $0x4  }
0x81: {  	s8 =	sadd.s32 $0x180, s6;
	s7 =	simm.s32 @!p1 $0x5;
	[tilespmem:$0xC670] =	vst v1  }
0x82: {  	[spmem:s3] =	stream.indirect.scatter [tilespmem:s8], [sflag:$0x4], $0x1, s20, s16, $0xb8;
	[tilespmem:$0xD1D0] =	vst v63  }
0x83: {  	_ =	swait.ge @!p1 [sflag:s7], $0x80  }
0x84: {  	[sflag:s7] =	ssyncset.done @!p1 $0x0  }
0x85: {  	[sflag:s7] =	ssyncadd.s32 @!p1 $0xFFFFFF80  }
0x86: {  	v1 =	vld [tilespmem:s6+$0x9F00];
	_ =	sdelay $0x4  }
0x87: {  	[tilespmem:$0xC680] =	vst v1  }
0x88: {  	v1 =	vld [tilespmem:s6+$0x9F10];
	_ =	sdelay $0x4  }
0x89: {  	[tilespmem:$0xC690] =	vst v1  }
0x8a: {  	v1 =	vld [tilespmem:s6+$0x9F20];
	_ =	sdelay $0x4  }
0x8b: {  	[tilespmem:$0xC6A0] =	vst v1  }
0x8c: {  	v1 =	vld [tilespmem:s6+$0x9F30];
	_ =	sdelay $0x4  }
0x8d: {  	[tilespmem:$0xC6B0] =	vst v1  }
0x8e: {  	v1 =	vld [tilespmem:s6+$0x9F40];
	_ =	sdelay $0x4  }
0x8f: {  	[tilespmem:$0xC6C0] =	vst v1  }
0x90: {  	v1 =	vld [tilespmem:s6+$0x9F50];
	_ =	sdelay $0x4  }
0x91: {  	[tilespmem:$0xC6D0] =	vst v1  }
0x92: {  	v1 =	vld [tilespmem:s6+$0x9F60];
	_ =	sdelay $0x4  }
0x93: {  	[tilespmem:$0xC6E0] =	vst v1  }
0x94: {  	v1 =	vld [tilespmem:s6+$0x9F70];
	_ =	sdelay $0x4  }
0x95: {  	s8 =	sadd.s32 $0x200, s6;
	s7 =	simm.s32 @!p1 $0x6;
	[tilespmem:$0xC6F0] =	vst v1  }
0x96: {  	[spmem:s3] =	stream.indirect.scatter [tilespmem:s8], [sflag:$0x5], $0x1, s21, s16, $0xb8;
	[tilespmem:$0xD1D0] =	vst v63  }
0x97: {  	_ =	swait.ge @!p1 [sflag:s7], $0x80  }
0x98: {  	[sflag:s7] =	ssyncset.done @!p1 $0x0  }
0x99: {  	[sflag:s7] =	ssyncadd.s32 @!p1 $0xFFFFFF80  }
0x9a: {  	v1 =	vld [tilespmem:s6+$0x9F80];
	_ =	sdelay $0x4  }
0x9b: {  	[tilespmem:$0xC700] =	vst v1  }
0x9c: {  	v1 =	vld [tilespmem:s6+$0x9F90];
	_ =	sdelay $0x4  }
0x9d: {  	[tilespmem:$0xC710] =	vst v1  }
0x9e: {  	v1 =	vld [tilespmem:s6+$0x9FA0];
	_ =	sdelay $0x4  }
0x9f: {  	[tilespmem:$0xC720] =	vst v1  }
0xa0: {  	v1 =	vld [tilespmem:s6+$0x9FB0];
	_ =	sdelay $0x4  }
0xa1: {  	[tilespmem:$0xC730] =	vst v1  }
0xa2: {  	v1 =	vld [tilespmem:s6+$0x9FC0];
	_ =	sdelay $0x4  }
0xa3: {  	[tilespmem:$0xC740] =	vst v1  }
0xa4: {  	v1 =	vld [tilespmem:s6+$0x9FD0];
	_ =	sdelay $0x4  }
0xa5: {  	[tilespmem:$0xC750] =	vst v1  }
0xa6: {  	v1 =	vld [tilespmem:s6+$0x9FE0];
	_ =	sdelay $0x4  }
0xa7: {  	[tilespmem:$0xC760] =	vst v1  }
0xa8: {  	s5 =	sadd.s32 $0xC00, s5;
	v1 =	vld [tilespmem:s6+$0x9FF0]  }
0xa9: {  	p1 =	sne.s32 s5, $0x9C00  }
.Ltmp1:
0xaa: {  	_ = 	snop;
	(pc) =	sbr.rel @p1 .LBB2_4-.Ltmp1, $3  }
0xab: {  	_ =	sdelay $0x1  }
0xac: {  	s6 =	sadd.s32 $0x280, s6;
	[tilespmem:$0xC770] =	vst v1  }
0xad: {  	[spmem:s3] =	stream.indirect.scatter [tilespmem:s6], [sflag:$0x6], $0x1, s22, s16, $0xb8;
	[tilespmem:$0xD1D0] =	vst v63  }
0xae: {  	_ =	swait.ge [sflag:s23], $0x80  }
0xaf: {  	[sflag:s23] =	ssyncset.done $0x0  }
0xb0: {  	[sflag:s23] =	ssyncadd.s32 $0xFFFFFF80  }
0xb1: {  	_ =	swait.ge [sflag:s24], $0x80  }
0xb2: {  	[sflag:s24] =	ssyncset.done $0x0  }
0xb3: {  	[sflag:s24] =	ssyncadd.s32 $0xFFFFFF80  }
0xb4: {  	_ =	swait.ge [sflag:s25], $0x80  }
0xb5: {  	[sflag:s25] =	ssyncset.done $0x0  }
0xb6: {  	[sflag:s25] =	ssyncadd.s32 $0xFFFFFF80  }
0xb7: {  	_ =	swait.ge [sflag:s26], $0x80  }
0xb8: {  	[sflag:s26] =	ssyncset.done $0x0  }
0xb9: {  	[sflag:s26] =	ssyncadd.s32 $0xFFFFFF80  }
0xba: {  	_ =	swait.ge [sflag:s28], $0x80  }
0xbb: {  	[sflag:s28] =	ssyncset.done $0x0  }
0xbc: {  	[sflag:s28] =	ssyncadd.s32 $0xFFFFFF80  }
0xbd: {  	_ =	swait.ge [sflag:s29], $0x80  }
0xbe: {  	[sflag:s29] =	ssyncset.done $0x0  }
0xbf: {  	[sflag:s29] =	ssyncadd.s32 $0xFFFFFF80  }
0xc0: {  	v1 =	vld [tilespmem:$0xC400];
	_ =	sdelay $0x4  }
0xc1: {  	[tilespmem:$0xC780] =	vst v1  }
0xc2: {  	[spmem:s3] =	stream.indirect.scatter [tilespmem:s0], [sflag:$0x7], $0x1, s31, s30, $0xb8;
	[tilespmem:$0xD1D0] =	vst v63  }
0xc3: {  	_ =	swait.ge [sflag:s13], $0x10  }
0xc4: {  	[sflag:s13] =	ssyncset.done $0x0  }
0xc5: {  	s5 =	simm.s32 $0x0;
	[sflag:s13] =	ssyncadd.s32 $0xFFFFFFF0  }
.LBB2_6:
0xc6: {  	p1 =	seq.s32 s5, $0x0  }
0xc7: {  	s6 =	simm.s32 @!p1 $0x1  }
0xc8: {  	_ =	swait.ge @!p1 [sflag:s6], $0x80  }
0xc9: {  	[sflag:s6] =	ssyncset.done @!p1 $0x0  }
0xca: {  	[sflag:s6] =	ssyncadd.s32 @!p1 $0xFFFFFF80;
	s6 =	sshra.s32 s5, $0x2  }
0xcb: {  	v1 =	vld [tilespmem:s6+$0x9D00];
	_ =	sdelay $0x4  }
0xcc: {  	v1 =	vadd.s32 $0x2710, v1  }
0xcd: {  	[tilespmem:$0xC480] =	vst v1  }
0xce: {  	v1 =	vld [tilespmem:s6+$0x9D10];
	_ =	sdelay $0x4  }
0xcf: {  	v1 =	vadd.s32 $0x2710, v1  }
0xd0: {  	[tilespmem:$0xC490] =	vst v1  }
0xd1: {  	v1 =	vld [tilespmem:s6+$0x9D20];
	_ =	sdelay $0x4  }
0xd2: {  	v1 =	vadd.s32 $0x2710, v1  }
0xd3: {  	[tilespmem:$0xC4A0] =	vst v1  }
0xd4: {  	v1 =	vld [tilespmem:s6+$0x9D30];
	_ =	sdelay $0x4  }
0xd5: {  	v1 =	vadd.s32 $0x2710, v1  }
0xd6: {  	[tilespmem:$0xC4B0] =	vst v1  }
0xd7: {  	v1 =	vld [tilespmem:s6+$0x9D40];
	_ =	sdelay $0x4  }
0xd8: {  	v1 =	vadd.s32 $0x2710, v1  }
0xd9: {  	[tilespmem:$0xC4C0] =	vst v1  }
0xda: {  	v1 =	vld [tilespmem:s6+$0x9D50];
	_ =	sdelay $0x4  }
0xdb: {  	v1 =	vadd.s32 $0x2710, v1  }
0xdc: {  	[tilespmem:$0xC4D0] =	vst v1  }
0xdd: {  	v1 =	vld [tilespmem:s6+$0x9D60];
	_ =	sdelay $0x4  }
0xde: {  	v1 =	vadd.s32 $0x2710, v1  }
0xdf: {  	[tilespmem:$0xC4E0] =	vst v1  }
0xe0: {  	v1 =	vld [tilespmem:s6+$0x9D70];
	_ =	sdelay $0x4  }
0xe1: {  	v1 =	vadd.s32 $0x2710, v1  }
0xe2: {  	s7 =	sadd.s32 $0x2710, s6;
	[tilespmem:$0xC4F0] =	vst v1  }
0xe3: {  	[spmem:s3] =	stream.indirect.scatter [tilespmem:s7], [sflag:$0x1], $0x1, s17, s16, $0xb8;
	[tilespmem:$0xD1D0] =	vst v63  }
0xe4: {  	s7 =	simm.s32 @!p1 $0x2  }
0xe5: {  	_ =	swait.ge @!p1 [sflag:s7], $0x80  }
0xe6: {  	[sflag:s7] =	ssyncset.done @!p1 $0x0  }
0xe7: {  	[sflag:s7] =	ssyncadd.s32 @!p1 $0xFFFFFF80  }
0xe8: {  	v1 =	vld [tilespmem:s6+$0x9D80];
	_ =	sdelay $0x4  }
0xe9: {  	v1 =	vadd.s32 $0x2710, v1  }
0xea: {  	[tilespmem:$0xC500] =	vst v1  }
0xeb: {  	v1 =	vld [tilespmem:s6+$0x9D90];
	_ =	sdelay $0x4  }
0xec: {  	v1 =	vadd.s32 $0x2710, v1  }
0xed: {  	[tilespmem:$0xC510] =	vst v1  }
0xee: {  	v1 =	vld [tilespmem:s6+$0x9DA0];
	_ =	sdelay $0x4  }
0xef: {  	v1 =	vadd.s32 $0x2710, v1  }
0xf0: {  	[tilespmem:$0xC520] =	vst v1  }
0xf1: {  	v1 =	vld [tilespmem:s6+$0x9DB0];
	_ =	sdelay $0x4  }
0xf2: {  	v1 =	vadd.s32 $0x2710, v1  }
0xf3: {  	[tilespmem:$0xC530] =	vst v1  }
0xf4: {  	v1 =	vld [tilespmem:s6+$0x9DC0];
	_ =	sdelay $0x4  }
0xf5: {  	v1 =	vadd.s32 $0x2710, v1  }
0xf6: {  	[tilespmem:$0xC540] =	vst v1  }
0xf7: {  	v1 =	vld [tilespmem:s6+$0x9DD0];
	_ =	sdelay $0x4  }
0xf8: {  	v1 =	vadd.s32 $0x2710, v1  }
0xf9: {  	[tilespmem:$0xC550] =	vst v1  }
0xfa: {  	v1 =	vld [tilespmem:s6+$0x9DE0];
	_ =	sdelay $0x4  }
0xfb: {  	v1 =	vadd.s32 $0x2710, v1  }
0xfc: {  	[tilespmem:$0xC560] =	vst v1  }
0xfd: {  	v1 =	vld [tilespmem:s6+$0x9DF0];
	_ =	sdelay $0x4  }
0xfe: {  	v1 =	vadd.s32 $0x2710, v1  }
0xff: {  	s8 =	sadd.s32 $0x2790, s6;
	s7 =	simm.s32 @!p1 $0x3;
	[tilespmem:$0xC570] =	vst v1  }
0x100: {  	[spmem:s3] =	stream.indirect.scatter [tilespmem:s8], [sflag:$0x2], $0x1, s18, s16, $0xb8;
	[tilespmem:$0xD1D0] =	vst v63  }
0x101: {  	_ =	swait.ge @!p1 [sflag:s7], $0x80  }
0x102: {  	[sflag:s7] =	ssyncset.done @!p1 $0x0  }
0x103: {  	[sflag:s7] =	ssyncadd.s32 @!p1 $0xFFFFFF80  }
0x104: {  	v1 =	vld [tilespmem:s6+$0x9E00];
	_ =	sdelay $0x4  }
0x105: {  	v1 =	vadd.s32 $0x2710, v1  }
0x106: {  	[tilespmem:$0xC580] =	vst v1  }
0x107: {  	v1 =	vld [tilespmem:s6+$0x9E10];
	_ =	sdelay $0x4  }
0x108: {  	v1 =	vadd.s32 $0x2710, v1  }
0x109: {  	[tilespmem:$0xC590] =	vst v1  }
0x10a: {  	v1 =	vld [tilespmem:s6+$0x9E20];
	_ =	sdelay $0x4  }
0x10b: {  	v1 =	vadd.s32 $0x2710, v1  }
0x10c: {  	[tilespmem:$0xC5A0] =	vst v1  }
0x10d: {  	v1 =	vld [tilespmem:s6+$0x9E30];
	_ =	sdelay $0x4  }
0x10e: {  	v1 =	vadd.s32 $0x2710, v1  }
0x10f: {  	[tilespmem:$0xC5B0] =	vst v1  }
0x110: {  	v1 =	vld [tilespmem:s6+$0x9E40];
	_ =	sdelay $0x4  }
0x111: {  	v1 =	vadd.s32 $0x2710, v1  }
0x112: {  	[tilespmem:$0xC5C0] =	vst v1  }
0x113: {  	v1 =	vld [tilespmem:s6+$0x9E50];
	_ =	sdelay $0x4  }
0x114: {  	v1 =	vadd.s32 $0x2710, v1  }
0x115: {  	[tilespmem:$0xC5D0] =	vst v1  }
0x116: {  	v1 =	vld [tilespmem:s6+$0x9E60];
	_ =	sdelay $0x4  }
0x117: {  	v1 =	vadd.s32 $0x2710, v1  }
0x118: {  	[tilespmem:$0xC5E0] =	vst v1  }
0x119: {  	v1 =	vld [tilespmem:s6+$0x9E70];
	_ =	sdelay $0x4  }
0x11a: {  	v1 =	vadd.s32 $0x2710, v1  }
0x11b: {  	s8 =	sadd.s32 $0x2810, s6;
	s7 =	simm.s32 @!p1 $0x4;
	[tilespmem:$0xC5F0] =	vst v1  }
0x11c: {  	[spmem:s3] =	stream.indirect.scatter [tilespmem:s8], [sflag:$0x3], $0x1, s19, s16, $0xb8;
	[tilespmem:$0xD1D0] =	vst v63  }
0x11d: {  	_ =	swait.ge @!p1 [sflag:s7], $0x80  }
0x11e: {  	[sflag:s7] =	ssyncset.done @!p1 $0x0  }
0x11f: {  	[sflag:s7] =	ssyncadd.s32 @!p1 $0xFFFFFF80  }
0x120: {  	v1 =	vld [tilespmem:s6+$0x9E80];
	_ =	sdelay $0x4  }
0x121: {  	v1 =	vadd.s32 $0x2710, v1  }
0x122: {  	[tilespmem:$0xC600] =	vst v1  }
0x123: {  	v1 =	vld [tilespmem:s6+$0x9E90];
	_ =	sdelay $0x4  }
0x124: {  	v1 =	vadd.s32 $0x2710, v1  }
0x125: {  	[tilespmem:$0xC610] =	vst v1  }
0x126: {  	v1 =	vld [tilespmem:s6+$0x9EA0];
	_ =	sdelay $0x4  }
0x127: {  	v1 =	vadd.s32 $0x2710, v1  }
0x128: {  	[tilespmem:$0xC620] =	vst v1  }
0x129: {  	v1 =	vld [tilespmem:s6+$0x9EB0];
	_ =	sdelay $0x4  }
0x12a: {  	v1 =	vadd.s32 $0x2710, v1  }
0x12b: {  	[tilespmem:$0xC630] =	vst v1  }
0x12c: {  	v1 =	vld [tilespmem:s6+$0x9EC0];
	_ =	sdelay $0x4  }
0x12d: {  	v1 =	vadd.s32 $0x2710, v1  }
0x12e: {  	[tilespmem:$0xC640] =	vst v1  }
0x12f: {  	v1 =	vld [tilespmem:s6+$0x9ED0];
	_ =	sdelay $0x4  }
0x130: {  	v1 =	vadd.s32 $0x2710, v1  }
0x131: {  	[tilespmem:$0xC650] =	vst v1  }
0x132: {  	v1 =	vld [tilespmem:s6+$0x9EE0];
	_ =	sdelay $0x4  }
0x133: {  	v1 =	vadd.s32 $0x2710, v1  }
0x134: {  	[tilespmem:$0xC660] =	vst v1  }
0x135: {  	v1 =	vld [tilespmem:s6+$0x9EF0];
	_ =	sdelay $0x4  }
0x136: {  	v1 =	vadd.s32 $0x2710, v1  }
0x137: {  	s8 =	sadd.s32 $0x2890, s6;
	s7 =	simm.s32 @!p1 $0x5;
	[tilespmem:$0xC670] =	vst v1  }
0x138: {  	[spmem:s3] =	stream.indirect.scatter [tilespmem:s8], [sflag:$0x4], $0x1, s20, s16, $0xb8;
	[tilespmem:$0xD1D0] =	vst v63  }
0x139: {  	_ =	swait.ge @!p1 [sflag:s7], $0x80  }
0x13a: {  	[sflag:s7] =	ssyncset.done @!p1 $0x0  }
0x13b: {  	[sflag:s7] =	ssyncadd.s32 @!p1 $0xFFFFFF80  }
0x13c: {  	v1 =	vld [tilespmem:s6+$0x9F00];
	_ =	sdelay $0x4  }
0x13d: {  	v1 =	vadd.s32 $0x2710, v1  }
0x13e: {  	[tilespmem:$0xC680] =	vst v1  }
0x13f: {  	v1 =	vld [tilespmem:s6+$0x9F10];
	_ =	sdelay $0x4  }
0x140: {  	v1 =	vadd.s32 $0x2710, v1  }
0x141: {  	[tilespmem:$0xC690] =	vst v1  }
0x142: {  	v1 =	vld [tilespmem:s6+$0x9F20];
	_ =	sdelay $0x4  }
0x143: {  	v1 =	vadd.s32 $0x2710, v1  }
0x144: {  	[tilespmem:$0xC6A0] =	vst v1  }
0x145: {  	v1 =	vld [tilespmem:s6+$0x9F30];
	_ =	sdelay $0x4  }
0x146: {  	v1 =	vadd.s32 $0x2710, v1  }
0x147: {  	[tilespmem:$0xC6B0] =	vst v1  }
0x148: {  	v1 =	vld [tilespmem:s6+$0x9F40];
	_ =	sdelay $0x4  }
0x149: {  	v1 =	vadd.s32 $0x2710, v1  }
0x14a: {  	[tilespmem:$0xC6C0] =	vst v1  }
0x14b: {  	v1 =	vld [tilespmem:s6+$0x9F50];
	_ =	sdelay $0x4  }
0x14c: {  	v1 =	vadd.s32 $0x2710, v1  }
0x14d: {  	[tilespmem:$0xC6D0] =	vst v1  }
0x14e: {  	v1 =	vld [tilespmem:s6+$0x9F60];
	_ =	sdelay $0x4  }
0x14f: {  	v1 =	vadd.s32 $0x2710, v1  }
0x150: {  	[tilespmem:$0xC6E0] =	vst v1  }
0x151: {  	v1 =	vld [tilespmem:s6+$0x9F70];
	_ =	sdelay $0x4  }
0x152: {  	v1 =	vadd.s32 $0x2710, v1  }
0x153: {  	s8 =	sadd.s32 $0x2910, s6;
	s7 =	simm.s32 @!p1 $0x6;
	[tilespmem:$0xC6F0] =	vst v1  }
0x154: {  	[spmem:s3] =	stream.indirect.scatter [tilespmem:s8], [sflag:$0x5], $0x1, s21, s16, $0xb8;
	[tilespmem:$0xD1D0] =	vst v63  }
0x155: {  	_ =	swait.ge @!p1 [sflag:s7], $0x80  }
0x156: {  	[sflag:s7] =	ssyncset.done @!p1 $0x0  }
0x157: {  	[sflag:s7] =	ssyncadd.s32 @!p1 $0xFFFFFF80  }
0x158: {  	v1 =	vld [tilespmem:s6+$0x9F80];
	_ =	sdelay $0x4  }
0x159: {  	v1 =	vadd.s32 $0x2710, v1  }
0x15a: {  	[tilespmem:$0xC700] =	vst v1  }
0x15b: {  	v1 =	vld [tilespmem:s6+$0x9F90];
	_ =	sdelay $0x4  }
0x15c: {  	v1 =	vadd.s32 $0x2710, v1  }
0x15d: {  	[tilespmem:$0xC710] =	vst v1  }
0x15e: {  	v1 =	vld [tilespmem:s6+$0x9FA0];
	_ =	sdelay $0x4  }
0x15f: {  	v1 =	vadd.s32 $0x2710, v1  }
0x160: {  	[tilespmem:$0xC720] =	vst v1  }
0x161: {  	v1 =	vld [tilespmem:s6+$0x9FB0];
	_ =	sdelay $0x4  }
0x162: {  	v1 =	vadd.s32 $0x2710, v1  }
0x163: {  	[tilespmem:$0xC730] =	vst v1  }
0x164: {  	v1 =	vld [tilespmem:s6+$0x9FC0];
	_ =	sdelay $0x4  }
0x165: {  	v1 =	vadd.s32 $0x2710, v1  }
0x166: {  	[tilespmem:$0xC740] =	vst v1  }
0x167: {  	v1 =	vld [tilespmem:s6+$0x9FD0];
	_ =	sdelay $0x4  }
0x168: {  	v1 =	vadd.s32 $0x2710, v1  }
0x169: {  	[tilespmem:$0xC750] =	vst v1  }
0x16a: {  	v1 =	vld [tilespmem:s6+$0x9FE0];
	_ =	sdelay $0x4  }
0x16b: {  	v1 =	vadd.s32 $0x2710, v1  }
0x16c: {  	[tilespmem:$0xC760] =	vst v1  }
0x16d: {  	v1 =	vld [tilespmem:s6+$0x9FF0]  }
0x16e: {  	s5 =	sadd.s32 $0xC00, s5  }
0x16f: {  	p1 =	sne.s32 s5, $0x9C00  }
.Ltmp2:
0x170: {  	_ = 	snop;
	(pc) =	sbr.rel @p1 .LBB2_6-.Ltmp2, $4  }
0x171: {  	_ = 	snop  }
0x172: {  	v1 =	vadd.s32 $0x2710, v1  }
0x173: {  	s6 =	sadd.s32 $0x2990, s6;
	[tilespmem:$0xC770] =	vst v1  }
0x174: {  	[spmem:s3] =	stream.indirect.scatter [tilespmem:s6], [sflag:$0x6], $0x1, s22, s16, $0xb8;
	[tilespmem:$0xD1D0] =	vst v63  }
0x175: {  	_ =	swait.ge [sflag:s23], $0x80  }
0x176: {  	[sflag:s23] =	ssyncset.done $0x0  }
0x177: {  	[sflag:s23] =	ssyncadd.s32 $0xFFFFFF80  }
0x178: {  	_ =	swait.ge [sflag:s24], $0x80  }
0x179: {  	[sflag:s24] =	ssyncset.done $0x0  }
0x17a: {  	[sflag:s24] =	ssyncadd.s32 $0xFFFFFF80  }
0x17b: {  	_ =	swait.ge [sflag:s25], $0x80  }
0x17c: {  	[sflag:s25] =	ssyncset.done $0x0  }
0x17d: {  	[sflag:s25] =	ssyncadd.s32 $0xFFFFFF80  }
0x17e: {  	_ =	swait.ge [sflag:s26], $0x80  }
0x17f: {  	[sflag:s26] =	ssyncset.done $0x0  }
0x180: {  	[sflag:s26] =	ssyncadd.s32 $0xFFFFFF80  }
0x181: {  	_ =	swait.ge [sflag:s28], $0x80  }
0x182: {  	[sflag:s28] =	ssyncset.done $0x0  }
0x183: {  	[sflag:s28] =	ssyncadd.s32 $0xFFFFFF80  }
0x184: {  	_ =	swait.ge [sflag:s29], $0x80  }
0x185: {  	[sflag:s29] =	ssyncset.done $0x0  }
0x186: {  	[sflag:s29] =	ssyncadd.s32 $0xFFFFFF80  }
0x187: {  	v1 =	vld [tilespmem:$0xC400];
	_ =	sdelay $0x4  }
0x188: {  	v1 =	vadd.s32 $0x2710, v1  }
0x189: {  	[tilespmem:$0xC780] =	vst v1  }
0x18a: {  	[spmem:s3] =	stream.indirect.scatter [tilespmem:s2], [sflag:$0x7], $0x1, s31, s30, $0xb8;
	[tilespmem:$0xD1D0] =	vst v63  }
0x18b: {  	_ =	swait.ge [sflag:s13], $0x10  }
0x18c: {  	[sflag:s13] =	ssyncset.done $0x0  }
0x18d: {  	[sflag:s13] =	ssyncadd.s32 $0xFFFFFFF0  }
0x18e: {  	[bflag:$0x0] =	sbarrier.arrive $0xFFFF  }
0x18f: {  	[tilespmem:s14], [sflag:$0x7] =	stream.linear.gather [spmem:s3], $0x4E80, $0x38;
	[tilespmem:$0xD1D0] =	vst v63  }
0x190: {  	_ =	swait.ge [sflag:s13], $0x4E80  }
0x191: {  	[sflag:s13] =	ssyncset.done $0x0  }
0x192: {  	s5 =	simm.s32 $0x0;
	[sflag:s13] =	ssyncadd.s32 $0xFFFFB180  }
0x193: {  	v1 =	vld [tilespmem:s5+$0x9D00];
	_ =	sdelay $0x6  }
0x194: {  	v2 =	vld [tilespmem:s5+$0x0]  }
0x195: {  	v1 =	vld.idx.msk [tilespmem:v1+s14+$0x0], $0xffff;
	_ =	sdelay $0x4  }
0x196: {  	v1 =	vsub.f32 v2, v1;
	_ =	sdelay $0x1  }
0x197: {  	v1 =	vmul.f32 $1.442695020e+00, v1;
	_ =	sdelay $0x1  }
0x198: {  	(erf) = vpow2.f32 v1;
	_ =	sdelay $0x1  }
0x199: {  	s8 =	simm.s32 $0x10;
	s7 =	simm.s32 $0x80;
	s6 =	simm.s32 $0x0  }
.LBB2_8:
0x19a: {  	p1 =	sne.s32 s7, $0x9C00;
	v1 =	vld [tilespmem:s8+$0x9D00];
	_ =	sdelay $0x5  }
0x19b: {  	v2 =	vpop (erf)  }
0x19c: {  	[tilespmem:s6+$0x0] =	vst v2;
	s6 =	smov.u32 s8  }
0x19d: {  	v1 =	vld.idx.msk [tilespmem:v1+s14+$0x0], $0xffff  }
0x19e: {  	v2 =	vld [tilespmem:s6+$0x0];
	_ =	sdelay $0x4  }
0x19f: {  	v1 =	vsub.f32 v2, v1;
	_ =	sdelay $0x1  }
.Ltmp3:
0x1a0: {  	v1 =	vmul.f32 $1.442695020e+00, v1;
	(pc) =	sbr.rel @p1 .LBB2_8-.Ltmp3, $3  }
0x1a1: {  	_ = 	snop  }
0x1a2: {  	(erf) = vpow2.f32 v1;
	_ =	sdelay $0x1  }
0x1a3: {  	s8 =	sshra.s32 s7, $0x2;
	s7 =	sadd.s32 $0x40, s7  }
0x1a4: {  	v1 =	vld [tilespmem:s8+$0x9D00];
	_ =	sdelay $0x5  }
0x1a5: {  	v2 =	vpop (erf)  }
0x1a6: {  	[tilespmem:s6+$0x0] =	vst v2  }
0x1a7: {  	v1 =	vld.idx.msk [tilespmem:v1+s14+$0x0], $0xffff  }
0x1a8: {  	v2 =	vld [tilespmem:s8+$0x0];
	_ =	sdelay $0x4  }
0x1a9: {  	v1 =	vsub.f32 v2, v1;
	_ =	sdelay $0x1  }
0x1aa: {  	v1 =	vmul.f32 $1.442695020e+00, v1;
	_ =	sdelay $0x1  }
0x1ab: {  	(erf) = vpow2.f32 v1;
	_ =	sdelay $0x8  }
0x1ac: {  	v1 =	vpop (erf)  }
0x1ad: {  	[tilespmem:s8+$0x0] =	vst v1  }
0x1ae: {  	v1 =	vld [tilespmem:s5+$0x9D00];
	_ =	sdelay $0x4  }
0x1af: {  	v1 =	vadd.s32 $0x2710, v1;
	_ =	sdelay $0x3  }
0x1b0: {  	v2 =	vld [tilespmem:s5+$0x2710]  }
0x1b1: {  	v1 =	vld.idx.msk [tilespmem:v1+s14+$0x0], $0xffff;
	_ =	sdelay $0x4  }
0x1b2: {  	v1 =	vsub.f32 v2, v1;
	_ =	sdelay $0x1  }
0x1b3: {  	v1 =	vmul.f32 $1.442695020e+00, v1;
	_ =	sdelay $0x1  }
0x1b4: {  	s7 =	simm.s32 $0x10;
	s6 =	simm.s32 $0x80;
	(erf) = vpow2.f32 v1  }
.LBB2_10:
0x1b5: {  	p1 =	sne.s32 s6, $0x9C00;
	v1 =	vld [tilespmem:s7+$0x9D00];
	_ =	sdelay $0x4  }
0x1b6: {  	v1 =	vadd.s32 $0x2710, v1;
	_ =	sdelay $0x2  }
0x1b7: {  	v2 =	vpop (erf)  }
0x1b8: {  	[tilespmem:s5+$0x2710] =	vst v2;
	s5 =	smov.u32 s7  }
0x1b9: {  	v1 =	vld.idx.msk [tilespmem:v1+s14+$0x0], $0xffff  }
0x1ba: {  	v2 =	vld [tilespmem:s5+$0x2710];
	_ =	sdelay $0x4  }
.Ltmp4:
0x1bb: {  	v1 =	vsub.f32 v2, v1;
	(pc) =	sbr.rel @p1 .LBB2_10-.Ltmp4, $3  }
0x1bc: {  	_ = 	snop  }
0x1bd: {  	v1 =	vmul.f32 $1.442695020e+00, v1;
	_ =	sdelay $0x1  }
0x1be: {  	s7 =	sshra.s32 s6, $0x2;
	s6 =	sadd.s32 $0x40, s6;
	(erf) = vpow2.f32 v1  }
0x1bf: {  	v1 =	vld [tilespmem:s7+$0x9D00];
	_ =	sdelay $0x4  }
0x1c0: {  	v1 =	vadd.s32 $0x2710, v1;
	_ =	sdelay $0x2  }
0x1c1: {  	v2 =	vpop (erf)  }
0x1c2: {  	[tilespmem:s5+$0x2710] =	vst v2  }
0x1c3: {  	v1 =	vld.idx.msk [tilespmem:v1+s14+$0x0], $0xffff  }
0x1c4: {  	v2 =	vld [tilespmem:s7+$0x2710];
	_ =	sdelay $0x4  }
0x1c5: {  	v1 =	vsub.f32 v2, v1;
	_ =	sdelay $0x1  }
0x1c6: {  	v1 =	vmul.f32 $1.442695020e+00, v1;
	_ =	sdelay $0x1  }
0x1c7: {  	(erf) = vpow2.f32 v1;
	_ =	sdelay $0x8  }
0x1c8: {  	v1 =	vpop (erf)  }
0x1c9: {  	s5 =	simm.s32 $0x0;
	[tilespmem:s7+$0x2710] =	vst v1  }
.LBB2_12:
0x1ca: {  	p1 =	seq.s32 s5, $0x0  }
0x1cb: {  	s6 =	simm.s32 @!p1 $0x1  }
0x1cc: {  	_ =	swait.ge @!p1 [sflag:s6], $0x80  }
0x1cd: {  	[sflag:s6] =	ssyncset.done @!p1 $0x0  }
0x1ce: {  	[sflag:s6] =	ssyncadd.s32 @!p1 $0xFFFFFF80;
	s6 =	sshra.s32 s5, $0x2  }
0x1cf: {  	v1 =	vld [tilespmem:s6+$0x9D00];
	_ =	sdelay $0x4  }
0x1d0: {  	[tilespmem:$0xC480] =	vst v1  }
0x1d1: {  	v1 =	vld [tilespmem:s6+$0x9D10];
	_ =	sdelay $0x4  }
0x1d2: {  	[tilespmem:$0xC490] =	vst v1  }
0x1d3: {  	v1 =	vld [tilespmem:s6+$0x9D20];
	_ =	sdelay $0x4  }
0x1d4: {  	[tilespmem:$0xC4A0] =	vst v1  }
0x1d5: {  	v1 =	vld [tilespmem:s6+$0x9D30];
	_ =	sdelay $0x4  }
0x1d6: {  	[tilespmem:$0xC4B0] =	vst v1  }
0x1d7: {  	v1 =	vld [tilespmem:s6+$0x9D40];
	_ =	sdelay $0x4  }
0x1d8: {  	[tilespmem:$0xC4C0] =	vst v1  }
0x1d9: {  	v1 =	vld [tilespmem:s6+$0x9D50];
	_ =	sdelay $0x4  }
0x1da: {  	[tilespmem:$0xC4D0] =	vst v1  }
0x1db: {  	v1 =	vld [tilespmem:s6+$0x9D60];
	_ =	sdelay $0x4  }
0x1dc: {  	[tilespmem:$0xC4E0] =	vst v1  }
0x1dd: {  	v1 =	vld [tilespmem:s6+$0x9D70];
	_ =	sdelay $0x4  }
0x1de: {  	s7 =	simm.s32 @!p1 $0x2;
	[tilespmem:$0xC4F0] =	vst v1  }
0x1df: {  	[spmem:s1] =	stream.indirect.scatter.add.f32 [tilespmem:s6], [sflag:$0x1], $0x1, s17, s16, $0xb8;
	[tilespmem:$0xD1D0] =	vst v63  }
0x1e0: {  	_ =	swait.ge @!p1 [sflag:s7], $0x80  }
0x1e1: {  	[sflag:s7] =	ssyncset.done @!p1 $0x0  }
0x1e2: {  	[sflag:s7] =	ssyncadd.s32 @!p1 $0xFFFFFF80  }
0x1e3: {  	v1 =	vld [tilespmem:s6+$0x9D80];
	_ =	sdelay $0x4  }
0x1e4: {  	[tilespmem:$0xC500] =	vst v1  }
0x1e5: {  	v1 =	vld [tilespmem:s6+$0x9D90];
	_ =	sdelay $0x4  }
0x1e6: {  	[tilespmem:$0xC510] =	vst v1  }
0x1e7: {  	v1 =	vld [tilespmem:s6+$0x9DA0];
	_ =	sdelay $0x4  }
0x1e8: {  	[tilespmem:$0xC520] =	vst v1  }
0x1e9: {  	v1 =	vld [tilespmem:s6+$0x9DB0];
	_ =	sdelay $0x4  }
0x1ea: {  	[tilespmem:$0xC530] =	vst v1  }
0x1eb: {  	v1 =	vld [tilespmem:s6+$0x9DC0];
	_ =	sdelay $0x4  }
0x1ec: {  	[tilespmem:$0xC540] =	vst v1  }
0x1ed: {  	v1 =	vld [tilespmem:s6+$0x9DD0];
	_ =	sdelay $0x4  }
0x1ee: {  	[tilespmem:$0xC550] =	vst v1  }
0x1ef: {  	v1 =	vld [tilespmem:s6+$0x9DE0];
	_ =	sdelay $0x4  }
0x1f0: {  	[tilespmem:$0xC560] =	vst v1  }
0x1f1: {  	v1 =	vld [tilespmem:s6+$0x9DF0];
	_ =	sdelay $0x4  }
0x1f2: {  	s8 =	sadd.s32 $0x80, s6;
	s7 =	simm.s32 @!p1 $0x3;
	[tilespmem:$0xC570] =	vst v1  }
0x1f3: {  	[spmem:s1] =	stream.indirect.scatter.add.f32 [tilespmem:s8], [sflag:$0x2], $0x1, s18, s16, $0xb8;
	[tilespmem:$0xD1D0] =	vst v63  }
0x1f4: {  	_ =	swait.ge @!p1 [sflag:s7], $0x80  }
0x1f5: {  	[sflag:s7] =	ssyncset.done @!p1 $0x0  }
0x1f6: {  	[sflag:s7] =	ssyncadd.s32 @!p1 $0xFFFFFF80  }
0x1f7: {  	v1 =	vld [tilespmem:s6+$0x9E00];
	_ =	sdelay $0x4  }
0x1f8: {  	[tilespmem:$0xC580] =	vst v1  }
0x1f9: {  	v1 =	vld [tilespmem:s6+$0x9E10];
	_ =	sdelay $0x4  }
0x1fa: {  	[tilespmem:$0xC590] =	vst v1  }
0x1fb: {  	v1 =	vld [tilespmem:s6+$0x9E20];
	_ =	sdelay $0x4  }
0x1fc: {  	[tilespmem:$0xC5A0] =	vst v1  }
0x1fd: {  	v1 =	vld [tilespmem:s6+$0x9E30];
	_ =	sdelay $0x4  }
0x1fe: {  	[tilespmem:$0xC5B0] =	vst v1  }
0x1ff: {  	v1 =	vld [tilespmem:s6+$0x9E40];
	_ =	sdelay $0x4  }
0x200: {  	[tilespmem:$0xC5C0] =	vst v1  }
0x201: {  	v1 =	vld [tilespmem:s6+$0x9E50];
	_ =	sdelay $0x4  }
0x202: {  	[tilespmem:$0xC5D0] =	vst v1  }
0x203: {  	v1 =	vld [tilespmem:s6+$0x9E60];
	_ =	sdelay $0x4  }
0x204: {  	[tilespmem:$0xC5E0] =	vst v1  }
0x205: {  	v1 =	vld [tilespmem:s6+$0x9E70];
	_ =	sdelay $0x4  }
0x206: {  	s8 =	sadd.s32 $0x100, s6;
	s7 =	simm.s32 @!p1 $0x4;
	[tilespmem:$0xC5F0] =	vst v1  }
0x207: {  	[spmem:s1] =	stream.indirect.scatter.add.f32 [tilespmem:s8], [sflag:$0x3], $0x1, s19, s16, $0xb8;
	[tilespmem:$0xD1D0] =	vst v63  }
0x208: {  	_ =	swait.ge @!p1 [sflag:s7], $0x80  }
0x209: {  	[sflag:s7] =	ssyncset.done @!p1 $0x0  }
0x20a: {  	[sflag:s7] =	ssyncadd.s32 @!p1 $0xFFFFFF80  }
0x20b: {  	v1 =	vld [tilespmem:s6+$0x9E80];
	_ =	sdelay $0x4  }
0x20c: {  	[tilespmem:$0xC600] =	vst v1  }
0x20d: {  	v1 =	vld [tilespmem:s6+$0x9E90];
	_ =	sdelay $0x4  }
0x20e: {  	[tilespmem:$0xC610] =	vst v1  }
0x20f: {  	v1 =	vld [tilespmem:s6+$0x9EA0];
	_ =	sdelay $0x4  }
0x210: {  	[tilespmem:$0xC620] =	vst v1  }
0x211: {  	v1 =	vld [tilespmem:s6+$0x9EB0];
	_ =	sdelay $0x4  }
0x212: {  	[tilespmem:$0xC630] =	vst v1  }
0x213: {  	v1 =	vld [tilespmem:s6+$0x9EC0];
	_ =	sdelay $0x4  }
0x214: {  	[tilespmem:$0xC640] =	vst v1  }
0x215: {  	v1 =	vld [tilespmem:s6+$0x9ED0];
	_ =	sdelay $0x4  }
0x216: {  	[tilespmem:$0xC650] =	vst v1  }
0x217: {  	v1 =	vld [tilespmem:s6+$0x9EE0];
	_ =	sdelay $0x4  }
0x218: {  	[tilespmem:$0xC660] =	vst v1  }
0x219: {  	v1 =	vld [tilespmem:s6+$0x9EF0];
	_ =	sdelay $0x4  }
0x21a: {  	s8 =	sadd.s32 $0x180, s6;
	s7 =	simm.s32 @!p1 $0x5;
	[tilespmem:$0xC670] =	vst v1  }
0x21b: {  	[spmem:s1] =	stream.indirect.scatter.add.f32 [tilespmem:s8], [sflag:$0x4], $0x1, s20, s16, $0xb8;
	[tilespmem:$0xD1D0] =	vst v63  }
0x21c: {  	_ =	swait.ge @!p1 [sflag:s7], $0x80  }
0x21d: {  	[sflag:s7] =	ssyncset.done @!p1 $0x0  }
0x21e: {  	[sflag:s7] =	ssyncadd.s32 @!p1 $0xFFFFFF80  }
0x21f: {  	v1 =	vld [tilespmem:s6+$0x9F00];
	_ =	sdelay $0x4  }
0x220: {  	[tilespmem:$0xC680] =	vst v1  }
0x221: {  	v1 =	vld [tilespmem:s6+$0x9F10];
	_ =	sdelay $0x4  }
0x222: {  	[tilespmem:$0xC690] =	vst v1  }
0x223: {  	v1 =	vld [tilespmem:s6+$0x9F20];
	_ =	sdelay $0x4  }
0x224: {  	[tilespmem:$0xC6A0] =	vst v1  }
0x225: {  	v1 =	vld [tilespmem:s6+$0x9F30];
	_ =	sdelay $0x4  }
0x226: {  	[tilespmem:$0xC6B0] =	vst v1  }
0x227: {  	v1 =	vld [tilespmem:s6+$0x9F40];
	_ =	sdelay $0x4  }
0x228: {  	[tilespmem:$0xC6C0] =	vst v1  }
0x229: {  	v1 =	vld [tilespmem:s6+$0x9F50];
	_ =	sdelay $0x4  }
0x22a: {  	[tilespmem:$0xC6D0] =	vst v1  }
0x22b: {  	v1 =	vld [tilespmem:s6+$0x9F60];
	_ =	sdelay $0x4  }
0x22c: {  	[tilespmem:$0xC6E0] =	vst v1  }
0x22d: {  	v1 =	vld [tilespmem:s6+$0x9F70];
	_ =	sdelay $0x4  }
0x22e: {  	s8 =	sadd.s32 $0x200, s6;
	s7 =	simm.s32 @!p1 $0x6;
	[tilespmem:$0xC6F0] =	vst v1  }
0x22f: {  	[spmem:s1] =	stream.indirect.scatter.add.f32 [tilespmem:s8], [sflag:$0x5], $0x1, s21, s16, $0xb8;
	[tilespmem:$0xD1D0] =	vst v63  }
0x230: {  	_ =	swait.ge @!p1 [sflag:s7], $0x80  }
0x231: {  	[sflag:s7] =	ssyncset.done @!p1 $0x0  }
0x232: {  	[sflag:s7] =	ssyncadd.s32 @!p1 $0xFFFFFF80  }
0x233: {  	v1 =	vld [tilespmem:s6+$0x9F80];
	_ =	sdelay $0x4  }
0x234: {  	[tilespmem:$0xC700] =	vst v1  }
0x235: {  	v1 =	vld [tilespmem:s6+$0x9F90];
	_ =	sdelay $0x4  }
0x236: {  	[tilespmem:$0xC710] =	vst v1  }
0x237: {  	v1 =	vld [tilespmem:s6+$0x9FA0];
	_ =	sdelay $0x4  }
0x238: {  	[tilespmem:$0xC720] =	vst v1  }
0x239: {  	v1 =	vld [tilespmem:s6+$0x9FB0];
	_ =	sdelay $0x4  }
0x23a: {  	[tilespmem:$0xC730] =	vst v1  }
0x23b: {  	v1 =	vld [tilespmem:s6+$0x9FC0];
	_ =	sdelay $0x4  }
0x23c: {  	[tilespmem:$0xC740] =	vst v1  }
0x23d: {  	v1 =	vld [tilespmem:s6+$0x9FD0];
	_ =	sdelay $0x4  }
0x23e: {  	[tilespmem:$0xC750] =	vst v1  }
0x23f: {  	v1 =	vld [tilespmem:s6+$0x9FE0];
	_ =	sdelay $0x4  }
0x240: {  	[tilespmem:$0xC760] =	vst v1  }
0x241: {  	s5 =	sadd.s32 $0xC00, s5;
	v1 =	vld [tilespmem:s6+$0x9FF0]  }
0x242: {  	p1 =	sne.s32 s5, $0x9C00  }
.Ltmp5:
0x243: {  	_ = 	snop;
	(pc) =	sbr.rel @p1 .LBB2_12-.Ltmp5, $3  }
0x244: {  	_ =	sdelay $0x1  }
0x245: {  	s6 =	sadd.s32 $0x280, s6;
	[tilespmem:$0xC770] =	vst v1  }
0x246: {  	[spmem:s1] =	stream.indirect.scatter.add.f32 [tilespmem:s6], [sflag:$0x6], $0x1, s22, s16, $0xb8;
	[tilespmem:$0xD1D0] =	vst v63  }
0x247: {  	_ =	swait.ge [sflag:s23], $0x80  }
0x248: {  	[sflag:s23] =	ssyncset.done $0x0  }
0x249: {  	[sflag:s23] =	ssyncadd.s32 $0xFFFFFF80  }
0x24a: {  	_ =	swait.ge [sflag:s24], $0x80  }
0x24b: {  	[sflag:s24] =	ssyncset.done $0x0  }
0x24c: {  	[sflag:s24] =	ssyncadd.s32 $0xFFFFFF80  }
0x24d: {  	_ =	swait.ge [sflag:s25], $0x80  }
0x24e: {  	[sflag:s25] =	ssyncset.done $0x0  }
0x24f: {  	[sflag:s25] =	ssyncadd.s32 $0xFFFFFF80  }
0x250: {  	_ =	swait.ge [sflag:s26], $0x80  }
0x251: {  	[sflag:s26] =	ssyncset.done $0x0  }
0x252: {  	[sflag:s26] =	ssyncadd.s32 $0xFFFFFF80  }
0x253: {  	_ =	swait.ge [sflag:s28], $0x80  }
0x254: {  	[sflag:s28] =	ssyncset.done $0x0  }
0x255: {  	[sflag:s28] =	ssyncadd.s32 $0xFFFFFF80  }
0x256: {  	_ =	swait.ge [sflag:s29], $0x80  }
0x257: {  	[sflag:s29] =	ssyncset.done $0x0  }
0x258: {  	[sflag:s29] =	ssyncadd.s32 $0xFFFFFF80  }
0x259: {  	v1 =	vld [tilespmem:$0xC400];
	_ =	sdelay $0x4  }
0x25a: {  	[tilespmem:$0xC780] =	vst v1  }
0x25b: {  	[spmem:s1] =	stream.indirect.scatter.add.f32 [tilespmem:s0], [sflag:$0x7], $0x1, s31, s30, $0xb8;
	[tilespmem:$0xD1D0] =	vst v63  }
0x25c: {  	_ =	swait.ge [sflag:s13], $0x10  }
0x25d: {  	[sflag:s13] =	ssyncset.done $0x0  }
0x25e: {  	s5 =	simm.s32 $0x0;
	[sflag:s13] =	ssyncadd.s32 $0xFFFFFFF0  }
.LBB2_14:
0x25f: {  	p1 =	seq.s32 s5, $0x0  }
0x260: {  	s6 =	simm.s32 @!p1 $0x1  }
0x261: {  	_ =	swait.ge @!p1 [sflag:s6], $0x80  }
0x262: {  	[sflag:s6] =	ssyncset.done @!p1 $0x0  }
0x263: {  	[sflag:s6] =	ssyncadd.s32 @!p1 $0xFFFFFF80;
	s6 =	sshra.s32 s5, $0x2  }
0x264: {  	v1 =	vld [tilespmem:s6+$0x9D00];
	_ =	sdelay $0x4  }
0x265: {  	v1 =	vadd.s32 $0x2710, v1  }
0x266: {  	[tilespmem:$0xC480] =	vst v1  }
0x267: {  	v1 =	vld [tilespmem:s6+$0x9D10];
	_ =	sdelay $0x4  }
0x268: {  	v1 =	vadd.s32 $0x2710, v1  }
0x269: {  	[tilespmem:$0xC490] =	vst v1  }
0x26a: {  	v1 =	vld [tilespmem:s6+$0x9D20];
	_ =	sdelay $0x4  }
0x26b: {  	v1 =	vadd.s32 $0x2710, v1  }
0x26c: {  	[tilespmem:$0xC4A0] =	vst v1  }
0x26d: {  	v1 =	vld [tilespmem:s6+$0x9D30];
	_ =	sdelay $0x4  }
0x26e: {  	v1 =	vadd.s32 $0x2710, v1  }
0x26f: {  	[tilespmem:$0xC4B0] =	vst v1  }
0x270: {  	v1 =	vld [tilespmem:s6+$0x9D40];
	_ =	sdelay $0x4  }
0x271: {  	v1 =	vadd.s32 $0x2710, v1  }
0x272: {  	[tilespmem:$0xC4C0] =	vst v1  }
0x273: {  	v1 =	vld [tilespmem:s6+$0x9D50];
	_ =	sdelay $0x4  }
0x274: {  	v1 =	vadd.s32 $0x2710, v1  }
0x275: {  	[tilespmem:$0xC4D0] =	vst v1  }
0x276: {  	v1 =	vld [tilespmem:s6+$0x9D60];
	_ =	sdelay $0x4  }
0x277: {  	v1 =	vadd.s32 $0x2710, v1  }
0x278: {  	[tilespmem:$0xC4E0] =	vst v1  }
0x279: {  	v1 =	vld [tilespmem:s6+$0x9D70];
	_ =	sdelay $0x4  }
0x27a: {  	v1 =	vadd.s32 $0x2710, v1  }
0x27b: {  	s7 =	sadd.s32 $0x2710, s6;
	[tilespmem:$0xC4F0] =	vst v1  }
0x27c: {  	[spmem:s1] =	stream.indirect.scatter.add.f32 [tilespmem:s7], [sflag:$0x1], $0x1, s17, s16, $0xb8;
	[tilespmem:$0xD1D0] =	vst v63  }
0x27d: {  	s7 =	simm.s32 @!p1 $0x2  }
0x27e: {  	_ =	swait.ge @!p1 [sflag:s7], $0x80  }
0x27f: {  	[sflag:s7] =	ssyncset.done @!p1 $0x0  }
0x280: {  	[sflag:s7] =	ssyncadd.s32 @!p1 $0xFFFFFF80  }
0x281: {  	v1 =	vld [tilespmem:s6+$0x9D80];
	_ =	sdelay $0x4  }
0x282: {  	v1 =	vadd.s32 $0x2710, v1  }
0x283: {  	[tilespmem:$0xC500] =	vst v1  }
0x284: {  	v1 =	vld [tilespmem:s6+$0x9D90];
	_ =	sdelay $0x4  }
0x285: {  	v1 =	vadd.s32 $0x2710, v1  }
0x286: {  	[tilespmem:$0xC510] =	vst v1  }
0x287: {  	v1 =	vld [tilespmem:s6+$0x9DA0];
	_ =	sdelay $0x4  }
0x288: {  	v1 =	vadd.s32 $0x2710, v1  }
0x289: {  	[tilespmem:$0xC520] =	vst v1  }
0x28a: {  	v1 =	vld [tilespmem:s6+$0x9DB0];
	_ =	sdelay $0x4  }
0x28b: {  	v1 =	vadd.s32 $0x2710, v1  }
0x28c: {  	[tilespmem:$0xC530] =	vst v1  }
0x28d: {  	v1 =	vld [tilespmem:s6+$0x9DC0];
	_ =	sdelay $0x4  }
0x28e: {  	v1 =	vadd.s32 $0x2710, v1  }
0x28f: {  	[tilespmem:$0xC540] =	vst v1  }
0x290: {  	v1 =	vld [tilespmem:s6+$0x9DD0];
	_ =	sdelay $0x4  }
0x291: {  	v1 =	vadd.s32 $0x2710, v1  }
0x292: {  	[tilespmem:$0xC550] =	vst v1  }
0x293: {  	v1 =	vld [tilespmem:s6+$0x9DE0];
	_ =	sdelay $0x4  }
0x294: {  	v1 =	vadd.s32 $0x2710, v1  }
0x295: {  	[tilespmem:$0xC560] =	vst v1  }
0x296: {  	v1 =	vld [tilespmem:s6+$0x9DF0];
	_ =	sdelay $0x4  }
0x297: {  	v1 =	vadd.s32 $0x2710, v1  }
0x298: {  	s8 =	sadd.s32 $0x2790, s6;
	s7 =	simm.s32 @!p1 $0x3;
	[tilespmem:$0xC570] =	vst v1  }
0x299: {  	[spmem:s1] =	stream.indirect.scatter.add.f32 [tilespmem:s8], [sflag:$0x2], $0x1, s18, s16, $0xb8;
	[tilespmem:$0xD1D0] =	vst v63  }
0x29a: {  	_ =	swait.ge @!p1 [sflag:s7], $0x80  }
0x29b: {  	[sflag:s7] =	ssyncset.done @!p1 $0x0  }
0x29c: {  	[sflag:s7] =	ssyncadd.s32 @!p1 $0xFFFFFF80  }
0x29d: {  	v1 =	vld [tilespmem:s6+$0x9E00];
	_ =	sdelay $0x4  }
0x29e: {  	v1 =	vadd.s32 $0x2710, v1  }
0x29f: {  	[tilespmem:$0xC580] =	vst v1  }
0x2a0: {  	v1 =	vld [tilespmem:s6+$0x9E10];
	_ =	sdelay $0x4  }
0x2a1: {  	v1 =	vadd.s32 $0x2710, v1  }
0x2a2: {  	[tilespmem:$0xC590] =	vst v1  }
0x2a3: {  	v1 =	vld [tilespmem:s6+$0x9E20];
	_ =	sdelay $0x4  }
0x2a4: {  	v1 =	vadd.s32 $0x2710, v1  }
0x2a5: {  	[tilespmem:$0xC5A0] =	vst v1  }
0x2a6: {  	v1 =	vld [tilespmem:s6+$0x9E30];
	_ =	sdelay $0x4  }
0x2a7: {  	v1 =	vadd.s32 $0x2710, v1  }
0x2a8: {  	[tilespmem:$0xC5B0] =	vst v1  }
0x2a9: {  	v1 =	vld [tilespmem:s6+$0x9E40];
	_ =	sdelay $0x4  }
0x2aa: {  	v1 =	vadd.s32 $0x2710, v1  }
0x2ab: {  	[tilespmem:$0xC5C0] =	vst v1  }
0x2ac: {  	v1 =	vld [tilespmem:s6+$0x9E50];
	_ =	sdelay $0x4  }
0x2ad: {  	v1 =	vadd.s32 $0x2710, v1  }
0x2ae: {  	[tilespmem:$0xC5D0] =	vst v1  }
0x2af: {  	v1 =	vld [tilespmem:s6+$0x9E60];
	_ =	sdelay $0x4  }
0x2b0: {  	v1 =	vadd.s32 $0x2710, v1  }
0x2b1: {  	[tilespmem:$0xC5E0] =	vst v1  }
0x2b2: {  	v1 =	vld [tilespmem:s6+$0x9E70];
	_ =	sdelay $0x4  }
0x2b3: {  	v1 =	vadd.s32 $0x2710, v1  }
0x2b4: {  	s8 =	sadd.s32 $0x2810, s6;
	s7 =	simm.s32 @!p1 $0x4;
	[tilespmem:$0xC5F0] =	vst v1  }
0x2b5: {  	[spmem:s1] =	stream.indirect.scatter.add.f32 [tilespmem:s8], [sflag:$0x3], $0x1, s19, s16, $0xb8;
	[tilespmem:$0xD1D0] =	vst v63  }
0x2b6: {  	_ =	swait.ge @!p1 [sflag:s7], $0x80  }
0x2b7: {  	[sflag:s7] =	ssyncset.done @!p1 $0x0  }
0x2b8: {  	[sflag:s7] =	ssyncadd.s32 @!p1 $0xFFFFFF80  }
0x2b9: {  	v1 =	vld [tilespmem:s6+$0x9E80];
	_ =	sdelay $0x4  }
0x2ba: {  	v1 =	vadd.s32 $0x2710, v1  }
0x2bb: {  	[tilespmem:$0xC600] =	vst v1  }
0x2bc: {  	v1 =	vld [tilespmem:s6+$0x9E90];
	_ =	sdelay $0x4  }
0x2bd: {  	v1 =	vadd.s32 $0x2710, v1  }
0x2be: {  	[tilespmem:$0xC610] =	vst v1  }
0x2bf: {  	v1 =	vld [tilespmem:s6+$0x9EA0];
	_ =	sdelay $0x4  }
0x2c0: {  	v1 =	vadd.s32 $0x2710, v1  }
0x2c1: {  	[tilespmem:$0xC620] =	vst v1  }
0x2c2: {  	v1 =	vld [tilespmem:s6+$0x9EB0];
	_ =	sdelay $0x4  }
0x2c3: {  	v1 =	vadd.s32 $0x2710, v1  }
0x2c4: {  	[tilespmem:$0xC630] =	vst v1  }
0x2c5: {  	v1 =	vld [tilespmem:s6+$0x9EC0];
	_ =	sdelay $0x4  }
0x2c6: {  	v1 =	vadd.s32 $0x2710, v1  }
0x2c7: {  	[tilespmem:$0xC640] =	vst v1  }
0x2c8: {  	v1 =	vld [tilespmem:s6+$0x9ED0];
	_ =	sdelay $0x4  }
0x2c9: {  	v1 =	vadd.s32 $0x2710, v1  }
0x2ca: {  	[tilespmem:$0xC650] =	vst v1  }
0x2cb: {  	v1 =	vld [tilespmem:s6+$0x9EE0];
	_ =	sdelay $0x4  }
0x2cc: {  	v1 =	vadd.s32 $0x2710, v1  }
0x2cd: {  	[tilespmem:$0xC660] =	vst v1  }
0x2ce: {  	v1 =	vld [tilespmem:s6+$0x9EF0];
	_ =	sdelay $0x4  }
0x2cf: {  	v1 =	vadd.s32 $0x2710, v1  }
0x2d0: {  	s8 =	sadd.s32 $0x2890, s6;
	s7 =	simm.s32 @!p1 $0x5;
	[tilespmem:$0xC670] =	vst v1  }
0x2d1: {  	[spmem:s1] =	stream.indirect.scatter.add.f32 [tilespmem:s8], [sflag:$0x4], $0x1, s20, s16, $0xb8;
	[tilespmem:$0xD1D0] =	vst v63  }
0x2d2: {  	_ =	swait.ge @!p1 [sflag:s7], $0x80  }
0x2d3: {  	[sflag:s7] =	ssyncset.done @!p1 $0x0  }
0x2d4: {  	[sflag:s7] =	ssyncadd.s32 @!p1 $0xFFFFFF80  }
0x2d5: {  	v1 =	vld [tilespmem:s6+$0x9F00];
	_ =	sdelay $0x4  }
0x2d6: {  	v1 =	vadd.s32 $0x2710, v1  }
0x2d7: {  	[tilespmem:$0xC680] =	vst v1  }
0x2d8: {  	v1 =	vld [tilespmem:s6+$0x9F10];
	_ =	sdelay $0x4  }
0x2d9: {  	v1 =	vadd.s32 $0x2710, v1  }
0x2da: {  	[tilespmem:$0xC690] =	vst v1  }
0x2db: {  	v1 =	vld [tilespmem:s6+$0x9F20];
	_ =	sdelay $0x4  }
0x2dc: {  	v1 =	vadd.s32 $0x2710, v1  }
0x2dd: {  	[tilespmem:$0xC6A0] =	vst v1  }
0x2de: {  	v1 =	vld [tilespmem:s6+$0x9F30];
	_ =	sdelay $0x4  }
0x2df: {  	v1 =	vadd.s32 $0x2710, v1  }
0x2e0: {  	[tilespmem:$0xC6B0] =	vst v1  }
0x2e1: {  	v1 =	vld [tilespmem:s6+$0x9F40];
	_ =	sdelay $0x4  }
0x2e2: {  	v1 =	vadd.s32 $0x2710, v1  }
0x2e3: {  	[tilespmem:$0xC6C0] =	vst v1  }
0x2e4: {  	v1 =	vld [tilespmem:s6+$0x9F50];
	_ =	sdelay $0x4  }
0x2e5: {  	v1 =	vadd.s32 $0x2710, v1  }
0x2e6: {  	[tilespmem:$0xC6D0] =	vst v1  }
0x2e7: {  	v1 =	vld [tilespmem:s6+$0x9F60];
	_ =	sdelay $0x4  }
0x2e8: {  	v1 =	vadd.s32 $0x2710, v1  }
0x2e9: {  	[tilespmem:$0xC6E0] =	vst v1  }
0x2ea: {  	v1 =	vld [tilespmem:s6+$0x9F70];
	_ =	sdelay $0x4  }
0x2eb: {  	v1 =	vadd.s32 $0x2710, v1  }
0x2ec: {  	s8 =	sadd.s32 $0x2910, s6;
	s7 =	simm.s32 @!p1 $0x6;
	[tilespmem:$0xC6F0] =	vst v1  }
0x2ed: {  	[spmem:s1] =	stream.indirect.scatter.add.f32 [tilespmem:s8], [sflag:$0x5], $0x1, s21, s16, $0xb8;
	[tilespmem:$0xD1D0] =	vst v63  }
0x2ee: {  	_ =	swait.ge @!p1 [sflag:s7], $0x80  }
0x2ef: {  	[sflag:s7] =	ssyncset.done @!p1 $0x0  }
0x2f0: {  	[sflag:s7] =	ssyncadd.s32 @!p1 $0xFFFFFF80  }
0x2f1: {  	v1 =	vld [tilespmem:s6+$0x9F80];
	_ =	sdelay $0x4  }
0x2f2: {  	v1 =	vadd.s32 $0x2710, v1  }
0x2f3: {  	[tilespmem:$0xC700] =	vst v1  }
0x2f4: {  	v1 =	vld [tilespmem:s6+$0x9F90];
	_ =	sdelay $0x4  }
0x2f5: {  	v1 =	vadd.s32 $0x2710, v1  }
0x2f6: {  	[tilespmem:$0xC710] =	vst v1  }
0x2f7: {  	v1 =	vld [tilespmem:s6+$0x9FA0];
	_ =	sdelay $0x4  }
0x2f8: {  	v1 =	vadd.s32 $0x2710, v1  }
0x2f9: {  	[tilespmem:$0xC720] =	vst v1  }
0x2fa: {  	v1 =	vld [tilespmem:s6+$0x9FB0];
	_ =	sdelay $0x4  }
0x2fb: {  	v1 =	vadd.s32 $0x2710, v1  }
0x2fc: {  	[tilespmem:$0xC730] =	vst v1  }
0x2fd: {  	v1 =	vld [tilespmem:s6+$0x9FC0];
	_ =	sdelay $0x4  }
0x2fe: {  	v1 =	vadd.s32 $0x2710, v1  }
0x2ff: {  	[tilespmem:$0xC740] =	vst v1  }
0x300: {  	v1 =	vld [tilespmem:s6+$0x9FD0];
	_ =	sdelay $0x4  }
0x301: {  	v1 =	vadd.s32 $0x2710, v1  }
0x302: {  	[tilespmem:$0xC750] =	vst v1  }
0x303: {  	v1 =	vld [tilespmem:s6+$0x9FE0];
	_ =	sdelay $0x4  }
0x304: {  	v1 =	vadd.s32 $0x2710, v1  }
0x305: {  	[tilespmem:$0xC760] =	vst v1  }
0x306: {  	v1 =	vld [tilespmem:s6+$0x9FF0]  }
0x307: {  	s5 =	sadd.s32 $0xC00, s5  }
0x308: {  	p1 =	sne.s32 s5, $0x9C00  }
.Ltmp6:
0x309: {  	_ = 	snop;
	(pc) =	sbr.rel @p1 .LBB2_14-.Ltmp6, $4  }
0x30a: {  	_ = 	snop  }
0x30b: {  	v1 =	vadd.s32 $0x2710, v1  }
0x30c: {  	s6 =	sadd.s32 $0x2990, s6;
	[tilespmem:$0xC770] =	vst v1  }
0x30d: {  	[spmem:s1] =	stream.indirect.scatter.add.f32 [tilespmem:s6], [sflag:$0x6], $0x1, s22, s16, $0xb8;
	[tilespmem:$0xD1D0] =	vst v63  }
0x30e: {  	_ =	swait.ge [sflag:s23], $0x80  }
0x30f: {  	[sflag:s23] =	ssyncset.done $0x0  }
0x310: {  	[sflag:s23] =	ssyncadd.s32 $0xFFFFFF80  }
0x311: {  	_ =	swait.ge [sflag:s24], $0x80  }
0x312: {  	[sflag:s24] =	ssyncset.done $0x0  }
0x313: {  	[sflag:s24] =	ssyncadd.s32 $0xFFFFFF80  }
0x314: {  	_ =	swait.ge [sflag:s25], $0x80  }
0x315: {  	[sflag:s25] =	ssyncset.done $0x0  }
0x316: {  	[sflag:s25] =	ssyncadd.s32 $0xFFFFFF80  }
0x317: {  	_ =	swait.ge [sflag:s26], $0x80  }
0x318: {  	[sflag:s26] =	ssyncset.done $0x0  }
0x319: {  	[sflag:s26] =	ssyncadd.s32 $0xFFFFFF80  }
0x31a: {  	_ =	swait.ge [sflag:s28], $0x80  }
0x31b: {  	[sflag:s28] =	ssyncset.done $0x0  }
0x31c: {  	[sflag:s28] =	ssyncadd.s32 $0xFFFFFF80  }
0x31d: {  	_ =	swait.ge [sflag:s29], $0x80  }
0x31e: {  	[sflag:s29] =	ssyncset.done $0x0  }
0x31f: {  	[sflag:s29] =	ssyncadd.s32 $0xFFFFFF80  }
0x320: {  	v1 =	vld [tilespmem:$0xC400];
	_ =	sdelay $0x4  }
0x321: {  	v1 =	vadd.s32 $0x2710, v1  }
0x322: {  	[tilespmem:$0xC780] =	vst v1  }
0x323: {  	[spmem:s1] =	stream.indirect.scatter.add.f32 [tilespmem:s2], [sflag:$0x7], $0x1, s31, s30, $0xb8;
	[tilespmem:$0xD1D0] =	vst v63  }
0x324: {  	_ =	swait.ge [sflag:s13], $0x10  }
0x325: {  	[sflag:s13] =	ssyncset.done $0x0  }
0x326: {  	[sflag:s13] =	ssyncadd.s32 $0xFFFFFFF0  }
0x327: {  	[bflag:$0x0] =	sbarrier.arrive $0xFFFF  }
0x328: {  	[tilespmem:s14], [sflag:$0x7] =	stream.linear.gather [spmem:s1], $0x4E80, $0x38;
	[tilespmem:$0xD1D0] =	vst v63  }
0x329: {  	_ =	swait.ge [sflag:s13], $0x4E80  }
0x32a: {  	[sflag:s13] =	ssyncset.done $0x0  }
0x32b: {  	s5 =	simm.s32 $0x0;
	[sflag:s13] =	ssyncadd.s32 $0xFFFFB180  }
0x32c: {  	v1 =	vld [tilespmem:s5+$0x9D00];
	_ =	sdelay $0x7  }
0x32d: {  	v1 =	vld.idx.msk [tilespmem:v1+s14+$0x0], $0xffff;
	_ =	sdelay $0x4  }
0x32e: {  	v1 =	vadd.f32 $1.000000020e-16, v1;
	_ =	sdelay $0x1  }
0x32f: {  	(erf) = vrcp.f32 v1;
	_ =	sdelay $0x2  }
0x330: {  	s8 =	simm.s32 $0x10  }
0x331: {  	s7 =	simm.s32 $0x80;
	s6 =	simm.s32 $0x0;
	v1 =	vld [tilespmem:s8+$0x9D00]  }
.LBB2_16:
0x332: {  	p1 =	sne.s32 s7, $0x9C00;
	v2 =	vld [tilespmem:s6+$0x0];
	_ =	sdelay $0x3  }
0x333: {  	v3 =	vpop (erf)  }
0x334: {  	v2 =	vmul.f32 v3, v2;
	_ =	sdelay $0x1  }
0x335: {  	[tilespmem:s6+$0x0] =	vst v2;
	s6 =	smov.u32 s8  }
0x336: {  	v1 =	vld.idx.msk [tilespmem:v1+s14+$0x0], $0xffff;
	_ =	sdelay $0x5  }
0x337: {  	v1 =	vadd.f32 $1.000000020e-16, v1;
	_ =	sdelay $0x1  }
.Ltmp7:
0x338: {  	(erf) = vrcp.f32 v1;
	(pc) =	sbr.rel @p1 .LBB2_16-.Ltmp7, $3  }
0x339: {  	_ =	sdelay $0x1  }
0x33a: {  	s8 =	sshra.s32 s7, $0x2  }
0x33b: {  	s7 =	sadd.s32 $0x40, s7;
	v1 =	vld [tilespmem:s8+$0x9D00]  }
0x33c: {  	v2 =	vld [tilespmem:s6+$0x0];
	_ =	sdelay $0x3  }
0x33d: {  	v3 =	vpop (erf)  }
0x33e: {  	v2 =	vmul.f32 v3, v2;
	_ =	sdelay $0x1  }
0x33f: {  	[tilespmem:s6+$0x0] =	vst v2  }
0x340: {  	v1 =	vld.idx.msk [tilespmem:v1+s14+$0x0], $0xffff;
	_ =	sdelay $0x4  }
0x341: {  	v1 =	vadd.f32 $1.000000020e-16, v1;
	_ =	sdelay $0x1  }
0x342: {  	(erf) = vrcp.f32 v1;
	_ =	sdelay $0x4  }
0x343: {  	v1 =	vld [tilespmem:s8+$0x0];
	_ =	sdelay $0x3  }
0x344: {  	v2 =	vpop (erf)  }
0x345: {  	v1 =	vmul.f32 v2, v1;
	_ =	sdelay $0x1  }
0x346: {  	[tilespmem:s8+$0x0] =	vst v1  }
0x347: {  	v1 =	vld [tilespmem:s5+$0x9D00];
	_ =	sdelay $0x4  }
0x348: {  	v1 =	vadd.s32 $0x2710, v1;
	_ =	sdelay $0x4  }
0x349: {  	v1 =	vld.idx.msk [tilespmem:v1+s14+$0x0], $0xffff;
	_ =	sdelay $0x4  }
0x34a: {  	v1 =	vadd.f32 $1.000000020e-16, v1;
	_ =	sdelay $0x1  }
0x34b: {  	(erf) = vrcp.f32 v1;
	_ =	sdelay $0x1  }
0x34c: {  	s7 =	simm.s32 $0x10;
	s6 =	simm.s32 $0x80  }
.LBB2_18:
0x34d: {  	p1 =	sne.s32 s6, $0x9C00;
	v1 =	vld [tilespmem:s7+$0x9D00];
	_ =	sdelay $0x1  }
0x34e: {  	v2 =	vld [tilespmem:s5+$0x2710];
	_ =	sdelay $0x2  }
0x34f: {  	v1 =	vadd.s32 $0x2710, v1  }
0x350: {  	v3 =	vpop (erf)  }
0x351: {  	v2 =	vmul.f32 v3, v2;
	_ =	sdelay $0x1  }
0x352: {  	[tilespmem:s5+$0x2710] =	vst v2;
	s5 =	smov.u32 s7  }
0x353: {  	v1 =	vld.idx.msk [tilespmem:v1+s14+$0x0], $0xffff;
	_ =	sdelay $0x5  }
.Ltmp8:
0x354: {  	v1 =	vadd.f32 $1.000000020e-16, v1;
	(pc) =	sbr.rel @p1 .LBB2_18-.Ltmp8, $3  }
0x355: {  	_ = 	snop  }
0x356: {  	(erf) = vrcp.f32 v1;
	_ =	sdelay $0x1  }
0x357: {  	s7 =	sshra.s32 s6, $0x2;
	s6 =	sadd.s32 $0x40, s6  }
0x358: {  	v1 =	vld [tilespmem:s7+$0x9D00];
	_ =	sdelay $0x1  }
0x359: {  	v2 =	vld [tilespmem:s5+$0x2710];
	_ =	sdelay $0x2  }
0x35a: {  	v1 =	vadd.s32 $0x2710, v1  }
0x35b: {  	v3 =	vpop (erf)  }
0x35c: {  	v2 =	vmul.f32 v3, v2;
	_ =	sdelay $0x1  }
0x35d: {  	[tilespmem:s5+$0x2710] =	vst v2  }
0x35e: {  	v1 =	vld.idx.msk [tilespmem:v1+s14+$0x0], $0xffff;
	_ =	sdelay $0x4  }
0x35f: {  	v1 =	vadd.f32 $1.000000020e-16, v1;
	_ =	sdelay $0x1  }
0x360: {  	(erf) = vrcp.f32 v1;
	_ =	sdelay $0x4  }
0x361: {  	v1 =	vld [tilespmem:s7+$0x2710];
	_ =	sdelay $0x3  }
0x362: {  	v2 =	vpop (erf)  }
0x363: {  	v1 =	vmul.f32 v2, v1;
	_ =	sdelay $0x1  }
0x364: {  	[tilespmem:s7+$0x2710] =	vst v1  }
0x365: {  	[hbm4b:s10+s4] =	stream.linear.scatter [tilespmem:s4], [sflag:$0x7], $0x2710, $0x38;
	[tilespmem:$0xD1D0] =	vst v63  }
0x366: {  	s15 =	sadd.s32 $0x1, s15;
	_ =	swait.ge [sflag:s13], $0x2710  }
0x367: {  	p1 =	sne.s32 s15, s12;
	[sflag:s13] =	ssyncset.done $0x0  }
.Ltmp9:
0x368: {  	s8 =	simm.s32 $0x2710;
	[sflag:s13] =	ssyncadd.s32 $0xFFFFD8F0;
	(pc) =	sbr.rel @p1 .LBB2_1-.Ltmp9, $4  }
0x369: {  	[hbm4b:s11+s4] =	stream.linear.scatter [tilespmem:s8], [sflag:$0x7], $0x2710, $0x38;
	[tilespmem:$0xD1D0] =	vst v63  }
0x36a: {  	_ =	swait.ge [sflag:s13], $0x2710  }
0x36b: {  	[sflag:s13] =	ssyncset.done $0x0  }
0x36c: {  	[sflag:s13] =	ssyncadd.s32 $0xFFFFD8F0  }
0x36d: {  	_ =	sfence.sel $0x180000  }
0x36e: {  	[bflag:$0x0] =	sbarrier.arrive $0xFFFF  }
0x36f: {  	_ =	strace $0x9000004A  }
0x370: {  	s0 =	stileid.u32;
	[bflag:$0x2] =	sbarrier.arrive $0xFFFF  }
0x371: {  	p0 =	sne.s32 s0, $0x0;
	s0 =	rddreg [dreg:$0x4]  }
0x372: {  	s0 =	sadd.s32 @!p0 $0x100000, s0  }
0x373: {  	[sflag:s0] =	ssyncadd.tile.s32 @!p0 $0x1;
	_ =	shalt  }
.Lfunc_end2:
_tile_overlayer_lowered:
.L_overlay_start_2:
0x374: {  	(tag) =	ssettag $0x2  }
0x375: {  	s0 =	rddreg [dreg:$0x0];
	s2 =	stileid.u32  }
0x376: {  	s1 =	rddreg [dreg:$0x1];
	p0 =	sne.s32 s2, $0x0  }
0x377: {  	s3 =	rddreg [dreg:$0x2];
	[bflag:$0x3] =	sbarrier.arrive $0xFFFF;
	s2 =	simm.s32 @!p0 $0x1C07  }
0x378: {  	[timem:s3], [sflag:s2] =	dma.local @!p0 [hbm:s0], s1  }
0x379: {  	s0 =	simm.s32 @!p0 $0x7  }
0x37a: {  	_ =	swait.ge @!p0 [sflag:s0], s1  }
0x37b: {  	s1 =	ssub.s32 @!p0 $0x0, s1;
	[sflag:s0] =	ssyncset.done @!p0 $0x0  }
0x37c: {  	[sflag:s0] =	ssyncadd.s32 @!p0 s1  }
0x37d: {  	[bflag:$0x3] =	sbarrier.arrive $0xFFFF  }
0x37e: {  	_ =	shalt  }

// kernel: kernel.14.cloned.1.call-start
scs
__scs_entry_jumppad:
0x0: {  	(pc) =	sbr.rel $0x88, $3  }
0x1: {  	(tag) =	ssettag $0x0;
	lr =	simm.s32 $0x1  }
0x2: {  	[smem:$0x3F99] =	sst lr;
	_ =	strace $0xD0000000  }
0x3: {  	_ = 	snop  }
0x4: {  	_ = 	snop  }
0x5: {  	_ = 	snop  }
0x6: {  	_ = 	snop  }
0x7: {  	_ = 	snop  }
__scs_overlays_trampoline_lowered:
0x8: {  	[smem:$0x3FA8] =	sst s0  }
0x9: {  	[smem:$0x3FA9] =	sst s1  }
0xa: {  	[smem:$0x3FAA] =	sst s2  }
0xb: {  	[smem:$0x3FAB] =	sst s3  }
0xc: {  	[smem:$0x3FAC] =	sst s4  }
0xd: {  	[smem:$0x3FAD] =	sst s5  }
0xe: {  	[smem:$0x3FAE] =	sst s6  }
0xf: {  	[smem:$0x3FAF] =	sst s7  }
0x10: {  	[smem:$0x3FB0] =	sst s8  }
0x11: {  	[smem:$0x3FB1] =	sst s9;
	s0 =	simm.s32 @!p0 $0x0  }
0x12: {  	s1 =	sld [smem:$0x3F97];
	s0 =	simm.s32 @p0 $0x1  }
0x13: {  	[smem:$0x3FB2] =	sst s0;
	s0 =	simm.s32 @!p1 $0x0  }
0x14: {  	s2 =	sld [smem:$0x3F96];
	s0 =	simm.s32 @p1 $0x1  }
0x15: {  	[smem:$0x3FB3] =	sst s0;
	s0 =	simm.s32 @!p2 $0x0  }
0x16: {  	s3 =	sld [smem:$0x3FDB];
	s0 =	simm.s32 @p2 $0x1  }
0x17: {  	s4 =	simm.s32 $0x1BF5;
	[smem:$0x3FB5] =	sst s0  }
0x18: {  	s0 =	sld [smem:$0x3F98];
	_ =	swait.ge [sflag:s4], $0x0  }
0x19: {  	s7 =	sld [smem:$0x3F99]  }
0x1a: {  	s8 =	sadd.s32 $0xFFFFE003, lr  }
0x1b: {  	s9 =	sadd.s32 $0xFFFFFEF7, lr;
	s5 =	simm.s32 $0xFFFFFFFF;
	p2 =	slt.u32 s8, $0xFFFFF086  }
0x1c: {  	p1 =	slt.u32 s9, $0xF7A;
	s5 =	simm.s32 @!p2 $0x0  }
0x1d: {  	s5 =	simm.s32 @p1 $0x1;
	p0 =	seq.s32 s7, s2  }
0x1e: {  	s7 =	smul.u32 @!p0 $0xF7A, s2;
	p2 =	seq.s32 @!p0 s5, $0x0  }
0x1f: {  	s9 =	smul.u32 $0xF7A, s1;
	s8 =	simm.s32 @!p0 $0x1BF5;
	p2 =	por !p2, p0  }
0x20: {  	[sflag:s8] =	ssyncset.s32 @!p0 $0xFFFFF086;
	s6 =	sadd.s32 @!p0 s3, s7;
	s7 =	simm.s32 @!p0 $0x108  }
0x21: {  	s3 =	sadd.s32 s3, s9;
	s6 =	sadd.s32 @!p0 $0x88, s6;
	s7 =	simm.s32 @p2 $0x1082  }
0x22: {  	[simem:s7], [sflag:s8] =	dma.local @!p0 [hbm:s6], $0xF7A  }
0x23: {  	s9 =	sor.u32 $0xD0000000, s2;
	s6 =	simm.s32 $0x108;
	_ =	swait.ge @!p0 [sflag:s8], $0x0  }
0x24: {  	s3 =	sadd.s32 $0x88, s3;
	s6 =	simm.s32 @!p1 $0x1082;
	[sflag:s4] =	ssyncset.s32 $0xFFFFF086  }
0x25: {  	[simem:s6], [sflag:s4] =	dma.local [hbm:s3], $0xF7A  }
0x26: {  	[smem:$0x3F99] =	sst s1;
	(tag) =	ssettag s2;
	_ =	strace s9  }
0x27: {  	s1 =	sld [smem:$0x3FA9]  }
0x28: {  	s2 =	sld [smem:$0x3FAA]  }
0x29: {  	s4 =	sld [smem:$0x3FAC]  }
0x2a: {  	p0 =	seq.s32 s5, $0x0;
	s5 =	sld [smem:$0x3FAD]  }
0x2b: {  	s6 =	sld [smem:$0x3FAE]  }
0x2c: {  	s7 =	sld [smem:$0x3FAF]  }
0x2d: {  	s3 =	simm.s32 $0x108;
	s8 =	sld [smem:$0x3FB0]  }
0x2e: {  	s3 =	simm.s32 @!p0 $0x1082;
	s9 =	sld [smem:$0x3FB1]  }
0x2f: {  	lr =	sadd.s32 s0, s3;
	s0 =	sld [smem:$0x3FA8]  }
0x30: {  	s3 =	sld [smem:$0x3FAB]  }
0x31: {  	[smem:$0x3FB4] =	sst s10  }
0x32: {  	s10 =	sld [smem:$0x3FB2];
	_ =	sdelay $0x3  }
0x33: {  	p0 =	seq.s32 s10, $0x1;
	s10 =	sld [smem:$0x3FB4];
	_ =	sdelay $0x3  }
0x34: {  	[smem:$0x3FB4] =	sst s10  }
0x35: {  	s10 =	sld [smem:$0x3FB3];
	_ =	sdelay $0x3  }
0x36: {  	p1 =	seq.s32 s10, $0x1;
	s10 =	sld [smem:$0x3FB4];
	_ =	sdelay $0x3  }
0x37: {  	[smem:$0x3FB4] =	sst s10  }
0x38: {  	s10 =	sld [smem:$0x3FB5]  }
0x39: {  	_ = 	snop;
	(pc) =	sbr.ind lr, $3  }
0x3a: {  	_ = 	snop  }
0x3b: {  	_ = 	snop  }
0x3c: {  	p2 =	seq.s32 s10, $0x1;
	s10 =	sld [smem:$0x3FB4]  }
0x3d: {  	_ =	shalt  }
0x3e: {  	_ =	shalt  }
0x3f: {  	_ =	shalt  }
0x40: {  	_ =	shalt  }
0x41: {  	_ =	shalt  }
0x42: {  	_ =	shalt  }
0x43: {  	_ =	shalt  }
0x44: {  	_ =	shalt  }
0x45: {  	_ =	shalt  }
0x46: {  	_ =	shalt  }
0x47: {  	_ =	shalt  }
0x48: {  	_ =	shalt  }
0x49: {  	_ =	shalt  }
0x4a: {  	_ =	shalt  }
0x4b: {  	_ =	shalt  }
0x4c: {  	_ =	shalt  }
0x4d: {  	_ =	shalt  }
0x4e: {  	_ =	shalt  }
0x4f: {  	_ =	shalt  }
0x50: {  	_ =	shalt  }
0x51: {  	_ =	shalt  }
0x52: {  	_ =	shalt  }
0x53: {  	_ =	shalt  }
0x54: {  	_ =	shalt  }
0x55: {  	_ =	shalt  }
0x56: {  	_ =	shalt  }
0x57: {  	_ =	shalt  }
0x58: {  	_ =	shalt  }
0x59: {  	_ =	shalt  }
0x5a: {  	_ =	shalt  }
0x5b: {  	_ =	shalt  }
0x5c: {  	_ =	shalt  }
0x5d: {  	_ =	shalt  }
0x5e: {  	_ =	shalt  }
0x5f: {  	_ =	shalt  }
0x60: {  	_ =	shalt  }
0x61: {  	_ =	shalt  }
0x62: {  	_ =	shalt  }
0x63: {  	_ =	shalt  }
0x64: {  	_ =	shalt  }
0x65: {  	_ =	shalt  }
0x66: {  	_ =	shalt  }
0x67: {  	_ =	shalt  }
0x68: {  	_ =	shalt  }
0x69: {  	_ =	shalt  }
0x6a: {  	_ =	shalt  }
0x6b: {  	_ =	shalt  }
0x6c: {  	_ =	shalt  }
0x6d: {  	_ =	shalt  }
0x6e: {  	_ =	shalt  }
0x6f: {  	_ =	shalt  }
0x70: {  	_ =	shalt  }
0x71: {  	_ =	shalt  }
0x72: {  	_ =	shalt  }
0x73: {  	_ =	shalt  }
0x74: {  	_ =	shalt  }
0x75: {  	_ =	shalt  }
0x76: {  	_ =	shalt  }
0x77: {  	_ =	shalt  }
0x78: {  	_ =	shalt  }
0x79: {  	_ =	shalt  }
0x7a: {  	_ =	shalt  }
0x7b: {  	_ =	shalt  }
0x7c: {  	_ =	shalt  }
0x7d: {  	_ =	shalt  }
0x7e: {  	_ =	shalt  }
0x7f: {  	_ =	shalt  }
0x80: {  	_ =	shalt  }
0x81: {  	_ =	shalt  }
0x82: {  	_ =	shalt  }
0x83: {  	_ =	shalt  }
0x84: {  	_ =	shalt  }
0x85: {  	_ =	shalt  }
0x86: {  	_ =	shalt  }
0x87: {  	_ =	shalt  }
.Lfunc_end0:
.L_simem_size_0:
called_computation.2_lowered:
.L_overlay_start_0:
0x88: {  	s2 =	sld [smem:$0x3FD9]  }
0x89: {  	s3 =	sld [smem:$0x3FFE];
	_ =	sdelay $0x1  }
0x8a: {  	s1 =	srdreg.scid  }
0x8b: {  	s0 =	sand.u32 $0x1, s1  }
0x8c: {  	s14 =	sshll.u32 s0, $0xA;
	s2 =	sadd.s32 s3, s2  }
0x8d: {  	s2 =	sadd.s32 s2, s14  }
0x8e: {  	[smem:$0x3FC0] =	sst s2  }
0x8f: {  	_ = 	snop  }
0x90: {  	s2 =	sld [smem:$0x3FD0];
	_ =	sdelay $0x2  }
0x91: {  	s15 =	simm.s32 $0xA;
	s4 =	simm.s32 $0x10  }
0x92: {  	[smem:s4], [sflag:s15] =	dma.local [hbm:s2], $0x1  }
0x93: {  	_ =	swait.eq [sflag:s15], $0x1  }
0x94: {  	[sflag:s15] =	ssyncset.done $0x0  }
0x95: {  	[sflag:s15] =	ssyncadd.s32 $0xFFFFFFFF  }
0x96: {  	s16 =	sld [smem:$0x10];
	(tm) =	ssettm $0x1  }
0x97: {  	s17 =	sld [smem:$0x3FFB];
	_ =	sdelay $0x3  }
0x98: {  	_ =	strace s17  }
0x99: {  	s3 =	sld [smem:$0x3FFC];
	_ =	sdelay $0x3  }
0x9a: {  	_ =	strace s3  }
0x9b: {  	s3 =	sld [smem:$0x3FFD];
	_ =	sdelay $0x3  }
0x9c: {  	_ =	strace s3  }
0x9d: {  	_ =	strace $0x8FFFFFFF  }
0x9e: {  	s18 =	sld [smem:$0x3FDB];
	_ =	sdelay $0x1  }
0x9f: {  	s19 =	simm.s32 $_scs_section_size  }
0xa0: {  	s5 =	simm.s32 $_size__tile_overlayer_lowered;
	s6 =	simm.s32 $_tile_overlayer_lowered  }
0xa1: {  	s22 =	simm.s32 $0x1BFF;
	s21 =	sshll.u32 s6, $0x1;
	s3 =	sadd.s32 s19, s18  }
0xa2: {  	s7 =	simm.s32 $0x0;
	s20 =	sshll.u32 s5, $0x1;
	s5 =	sadd.s32 s21, s3  }
0xa3: {  	[timem:s7], [sflag:s22] =	dma.local [hbm:s5], s20  }
0xa4: {  	_ =	swait.ge [sflag:s22], s20  }
0xa5: {  	s4 =	ssub.s32 $0x0, s20;
	[sflag:s22] =	ssyncset.done $0x0  }
0xa6: {  	[sflag:s22] =	ssyncadd.s32 s4;
	_ =	sdelay $0x1  }
0xa7: {  	s23 =	simm.s32 $0x1B8B  }
0xa8: {  	_ =	swait.ge [sflag:s23], $0x1  }
0xa9: {  	[sflag:s23] =	ssyncset.done $0x0  }
0xaa: {  	s25 =	simm.s32 $0x1B8E;
	s24 =	sld [smem:$0x3FFE];
	[sflag:s23] =	ssyncadd.s32 $0xFFFFFFFF  }
0xab: {  	s26 =	simm.s32 $execute0_lowered;
	[smem:$0x3FD2] =	sst s25  }
0xac: {  	s5 =	sshll.u32 s26, $0x1;
	_ =	strace $0x8000004C;
	[dreg:$0x1] =	wrdreg $0xFFFFFFFF  }
0xad: {  	s28 =	simm.s32 $_size_execute0_lowered;
	s3 =	sadd.s32 s3, s5;
	[dreg:$0x0] =	wrdreg $0x0  }
0xae: {  	s5 =	sshll.u32 s28, $0x1;
	[dreg:$0x2] =	wrdreg s3  }
0xaf: {  	[dreg:$0x3] =	wrdreg s5  }
0xb0: {  	[dreg:$0x4] =	wrdreg $0xC0  }
0xb1: {  	_ =	task [dreg:s7], $0x5FFFF  }
0xb2: {  	[dreg:$0x1] =	wrdreg $0xFFFFFFFF  }
0xb3: {  	[dreg:$0x0] =	wrdreg $0x60  }
0xb4: {  	[dreg:$0x2] =	wrdreg s24  }
0xb5: {  	[dreg:$0x3] =	wrdreg s16  }
0xb6: {  	[dreg:$0x4] =	wrdreg $0x89800  }
0xb7: {  	[dreg:$0x5] =	wrdreg $0x9  }
0xb8: {  	_ =	task.clear_ibuf [dreg:s7], $0x6FFFF;
	_ =	strace $0x9000004C  }
0xb9: {  	s29 =	simm.s32 $0x9;
	_ =	strace $0x8000004E  }
0xba: {  	_ =	swait.ge [sflag:s29], $0x1  }
0xbb: {  	[sflag:s29] =	ssyncadd.s32 $0xFFFFFFFF  }
0xbc: {  	_ =	strace $0x9000004E  }
0xbd: {  	_ =	sfence  }
0xbe: {  	s30 =	sld [smem:$0x0];
	_ =	sdelay $0x2  }
0xbf: {  	s31 =	sshll.u32 s1, $0xD;
	s1 =	sshrl.u32 s1, $0x2  }
0xc0: {  	s3 =	sand.u32 $0x4000, s31;
	s1 =	sadd.s32 s1, s30  }
0xc1: {  	s0 =	sor.u32 s3, s0;
	s1 =	sshll.u32 s1, $0x11  }
0xc2: {  	s0 =	sor.u32 s1, s0  }
0xc3: {  	s0 =	sadd.s32 $0x8F2B, s0  }
0xc4: {  	[sflag:s0] =	ssyncadd.remote.s32 $0x1  }
0xc5: {  	_ =	sfence.sel $0xFFFF  }
0xc6: {  	[dreg:$0x0] =	wrdreg $0xFFFFFFFF;
	(pc) =	sbr.abs _section_cstart, $3  }
0xc7: {  	[dreg:$0x1] =	wrdreg $0xFFFFFFFF  }
0xc8: {  	_ =	task.clear_ibuf [dreg:s7], $0x2FFFF;
	_ =	strace $0x9FFFFFFF  }
0xc9: {  	(tm) =	ssettm $0x7FFFFFFF  }
tec
execute0_lowered:
.L_overlay_start_1:
0x0: {  	(tag) =	ssettag $0x1  }
0x1: {  	s0 =	rddreg [dreg:$0x0]  }
0x2: {  	s2 =	rddreg [dreg:$0x2]  }
0x3: {  	s3 =	simm.s32 $0x0;
	s1 =	srdreg.scid;
	s14 =	stileid.u32  }
0x4: {  	s28 =	simm.s32 $0x1;
	s29 =	simm.s32 $0x3;
	s30 =	simm.s32 $0x2  }
0x5: {  	s31 =	simm.s32 $0x4;
	[smem:$0x7FF] =	sst s3;
	s8 =	smul.u32 $0x4E000, s14  }
0x6: {  	s1 =	sand.u32 $0x1, s1;
	s5 =	sadd.s32 $0x75EC00, s0;
	s9 =	smul.u32 $0x2710, s14  }
0x7: {  	s6 =	sadd.s32 $0x6C00, s0;
	s0 =	sadd.s32 $0xBC00, s0;
	s10 =	smul.u32 $0x271000, s14  }
0x8: {  	s13 =	sshll.u32 s14, $0x6;
	s11 =	sadd.s32 $0x138000, s2;
	s24 =	smul.u32 $0x4E2, s14  }
0x9: {  	p0 =	sne.s32 s14, $0xF;
	_ =	strace $0x8000004D;
	s4 =	ssub.s32 $0x2, s1  }
0xa: {  	s15 =	sshll.u32 s1, $0x7;
	[dreg:$0x5] =	wrdreg s11;
	s1 =	sshll.u32 s1, $0x4  }
0xb: {  	s7 =	sshrl.u32 s4, $0x1;
	s12 =	sshrl.u32 s8, $0x2;
	s16 =	sshrl.u32 s9, $0x3  }
0xc: {  	s10 =	sor.u32 s15, s10;
	s1 =	sadd.s32 s1, s0;
	s26 =	sadd.s32 s24, s6  }
0xd: {  	s24 =	simm.s32 $0x100;
	s4 =	ssub.s32 s4, s7;
	s7 =	sadd.s32 s12, s2  }
0xe: {  	s11 =	sadd.s32 s6, s16;
	s17 =	sshrl.u32 s10, $0x3;
	s12 =	sadd.s32 $0x80, s9  }
0xf: {  	s9 =	sadd.s32 $0x2700, s9;
	s23 =	sadd.s32 $0x18000, s10;
	s16 =	sadd.s32 $0x4E000, s1  }
0x10: {  	s1 =	simm.s32 $0x10;
	[dreg:$0x4] =	wrdreg s7;
	s7 =	sor.u32 $0x1C05, s13  }
0x11: {  	[dreg:$0x6] =	wrdreg s11;
	s11 =	sadd.s32 s5, s17;
	s18 =	sshrl.u32 s12, $0x3  }
0x12: {  	s12 =	sshll.u32 s12, $0x8;
	s20 =	sshll.u32 s9, $0x8;
	s13 =	smul.u32 $0x27000, s14  }
0x13: {  	s9 =	sshrl.u32 s9, $0x3;
	s25 =	sshrl.u32 s23, $0x3;
	s17 =	smax.u32 s4, $0x1  }
0x14: {  	s23 =	simm.s32 $0x80;
	s4 =	simm.s32 $0x8000;
	[dreg:$0x7] =	wrdreg s11  }
0x15: {  	s11 =	sadd.s32 s6, s18;
	s19 =	sor.u32 s15, s12;
	s21 =	sor.u32 s15, s20  }
0x16: {  	s9 =	sadd.s32 s6, s9;
	s18 =	sadd.s32 s25, s5;
	s20 =	sadd.s32 $0x10000, s10  }
0x17: {  	s25 =	simm.s32 $0x8880;
	s6 =	simm.s32 $0x0;
	[dreg:$0x8] =	wrdreg s11  }
0x18: {  	s11 =	sshrl.u32 s19, $0x3;
	[dreg:$0xa] =	wrdreg s9;
	s22 =	sshrl.u32 s21, $0x3  }
0x19: {  	s8 =	sor.u32 s15, s13;
	s19 =	sadd.s32 $0x30, s26;
	s21 =	simm.s32 $0x5  }
0x1a: {  	s26 =	simm.s32 $0x4000;
	s11 =	sadd.s32 s5, s11;
	s9 =	sadd.s32 s5, s22  }
0x1b: {  	s8 =	sshrl.u32 s8, $0x3;
	s22 =	simm.s32 $0x8800;
	[dreg:$0x9] =	wrdreg s11  }
0x1c: {  	[dreg:$0xb] =	wrdreg s9;
	s15 =	sadd.s32 s0, s8;
	s0 =	simm.s32 $0x8900  }
.LBB2_1:
0x1d: {  	s8 =	rddreg [dreg:$0x4]  }
0x1e: {  	s10 =	rddreg [dreg:$0x1];
	s9 =	sshrl.u32 s8, $0x3  }
0x1f: {  	[spmem:s9], [sflag:s7] =	dma.local [hbm:s10], $0x2700  }
0x20: {  	_ =	swait.ge [sflag:s21], $0x2700  }
0x21: {  	[sflag:s21] =	ssyncset.done $0x0;
	s8 =	rddreg [dreg:$0x5]  }
0x22: {  	[sflag:s21] =	ssyncadd.s32 $0xFFFFD900;
	s8 =	sshrl.u32 @!p0 s8, $0x3  }
0x23: {  	[spmem:s8], [sflag:s7] =	dma.local @!p0 [hbm:s10], $0x100  }
0x24: {  	s10 =	simm.s32 @!p0 $0x5  }
0x25: {  	_ =	swait.ge @!p0 [sflag:s10], $0x100  }
0x26: {  	[sflag:s10] =	ssyncset.done @!p0 $0x0  }
0x27: {  	[sflag:s10] =	ssyncadd.s32 @!p0 $0xFFFFFF00  }
0x28: {  	[bflag:$0x0] =	sbarrier.arrive $0xFFFF  }
0x29: {  	s13 =	rddreg [dreg:$0x6]  }
0x2a: {  	[tilespmem:s22], [sflag:$0x5] =	stream.linear.gather [hbm4b:s13+s3], $0x80, $0x38;
	[tilespmem:$0x1C200] =	vst v63  }
0x2b: {  	_ =	swait.ge [sflag:s21], $0x80  }
0x2c: {  	[sflag:s21] =	ssyncset.done $0x0  }
0x2d: {  	s14 =	rddreg [dreg:$0x7];
	[sflag:s21] =	ssyncadd.s32 $0xFFFFFF80  }
0x2e: {  	[tilespmem:s3], [sflag:$0x1] =	stream.strided.gather [hbm4b:s14+s23], $0x4000, s24, s23, $0x38;
	[tilespmem:$0x1C200] =	vst v63  }
0x2f: {  	s11 =	rddreg [dreg:$0x8]  }
0x30: {  	[tilespmem:s25], [sflag:$0x5] =	stream.linear.gather [hbm4b:s11+s3], $0x80, $0x38;
	[tilespmem:$0x1C200] =	vst v63  }
0x31: {  	_ =	swait.ge [sflag:s21], $0x80  }
0x32: {  	[sflag:s21] =	ssyncset.done $0x0  }
0x33: {  	s12 =	rddreg [dreg:$0x9];
	[sflag:s21] =	ssyncadd.s32 $0xFFFFFF80  }
0x34: {  	[tilespmem:s26], [sflag:$0x2] =	stream.strided.gather [hbm4b:s12+s23], $0x4000, s24, s23, $0x38;
	[tilespmem:$0x1C200] =	vst v63  }
0x35: {  	_ =	swait.ge [sflag:s28], $0x4000  }
0x36: {  	[sflag:s28] =	ssyncset.done $0x0  }
0x37: {  	[sflag:s28] =	ssyncadd.s32 $0xFFFFC000  }
0x38: {  	[spmem:s2] =	stream.indirect.scatter.add.f32 [tilespmem:s3], [sflag:$0x3], $0x80, s22, s23, $0xb8;
	[tilespmem:$0x1C200] =	vst v63  }
0x39: {  	_ =	swait.ge [sflag:s29], $0x4000  }
0x3a: {  	[sflag:s29] =	ssyncset.done $0x0  }
0x3b: {  	s13 =	sadd.s32 $0xFFFFFFF0, s19;
	[sflag:s29] =	ssyncadd.s32 $0xFFFFC000  }
0x3c: {  	[tilespmem:s22], [sflag:$0x5] =	stream.linear.gather [hbm4b:s13+s3], $0x80, $0x38;
	[tilespmem:$0x1C200] =	vst v63  }
0x3d: {  	_ =	swait.ge [sflag:s21], $0x80  }
0x3e: {  	s14 =	sshrl.u32 s20, $0x3;
	[sflag:s21] =	ssyncset.done $0x0  }
0x3f: {  	s10 =	sadd.s32 s5, s14;
	[sflag:s21] =	ssyncadd.s32 $0xFFFFFF80  }
0x40: {  	[tilespmem:s3], [sflag:$0x1] =	stream.strided.gather [hbm4b:s10+s23], $0x4000, s24, s23, $0x38;
	[tilespmem:$0x1C200] =	vst v63  }
0x41: {  	_ =	swait.ge [sflag:s30], $0x4000  }
0x42: {  	[sflag:s30] =	ssyncset.done $0x0  }
0x43: {  	[sflag:s30] =	ssyncadd.s32 $0xFFFFC000  }
0x44: {  	[spmem:s2] =	stream.indirect.scatter.add.f32 [tilespmem:s26], [sflag:$0x4], $0x80, s25, s23, $0xb8;
	[tilespmem:$0x1C200] =	vst v63  }
0x45: {  	_ =	swait.ge [sflag:s31], $0x4000  }
0x46: {  	[sflag:s31] =	ssyncset.done $0x0  }
0x47: {  	[sflag:s31] =	ssyncadd.s32 $0xFFFFC000  }
0x48: {  	[tilespmem:s25], [sflag:$0x5] =	stream.linear.gather [hbm4b:s19+s3], $0x80, $0x38;
	[tilespmem:$0x1C200] =	vst v63  }
0x49: {  	_ =	swait.ge [sflag:s21], $0x80  }
0x4a: {  	s11 =	sadd.s32 $0x10000, s20;
	s12 =	sadd.s32 $0x20, s19;
	[sflag:s21] =	ssyncset.done $0x0  }
0x4b: {  	s13 =	sadd.s32 $0x0, s18;
	s10 =	simm.s32 $0x2000;
	[sflag:s21] =	ssyncadd.s32 $0xFFFFFF80  }
.LBB2_2:
0x4c: {  	[tilespmem:s26], [sflag:$0x2] =	stream.strided.gather [hbm4b:s13+s23], $0x4000, s24, s23, $0x38;
	[tilespmem:$0x1C200] =	vst v63  }
0x4d: {  	s13 =	smov.u32 s10  }
0x4e: {  	p1 =	sne.s32 s10, $0x4A000;
	s10 =	sadd.s32 $0x2000, s10;
	_ =	swait.ge [sflag:s28], $0x4000  }
0x4f: {  	[sflag:s28] =	ssyncset.done $0x0  }
0x50: {  	[sflag:s28] =	ssyncadd.s32 $0xFFFFC000  }
0x51: {  	[spmem:s2] =	stream.indirect.scatter.add.f32 [tilespmem:s3], [sflag:$0x3], $0x80, s22, s23, $0xb8;
	[tilespmem:$0x1C200] =	vst v63  }
0x52: {  	_ =	swait.ge [sflag:s29], $0x4000  }
0x53: {  	[sflag:s29] =	ssyncset.done $0x0  }
0x54: {  	s14 =	sadd.s32 $0xFFFFFFF0, s12;
	[sflag:s29] =	ssyncadd.s32 $0xFFFFC000  }
0x55: {  	[tilespmem:s22], [sflag:$0x5] =	stream.linear.gather [hbm4b:s14+s3], $0x80, $0x38;
	[tilespmem:$0x1C200] =	vst v63  }
0x56: {  	_ =	swait.ge [sflag:s21], $0x80  }
0x57: {  	s14 =	sshrl.u32 s11, $0x3;
	[sflag:s21] =	ssyncset.done $0x0  }
0x58: {  	s14 =	sadd.s32 s5, s14;
	[sflag:s21] =	ssyncadd.s32 $0xFFFFFF80  }
0x59: {  	[tilespmem:s3], [sflag:$0x1] =	stream.strided.gather [hbm4b:s14+s23], $0x4000, s24, s23, $0x38;
	[tilespmem:$0x1C200] =	vst v63  }
0x5a: {  	_ =	swait.ge [sflag:s30], $0x4000  }
0x5b: {  	[sflag:s30] =	ssyncset.done $0x0  }
0x5c: {  	[sflag:s30] =	ssyncadd.s32 $0xFFFFC000  }
0x5d: {  	[spmem:s2] =	stream.indirect.scatter.add.f32 [tilespmem:s26], [sflag:$0x4], $0x80, s25, s23, $0xb8;
	[tilespmem:$0x1C200] =	vst v63  }
0x5e: {  	_ =	swait.ge [sflag:s31], $0x4000  }
0x5f: {  	[sflag:s31] =	ssyncset.done $0x0  }
.Ltmp0:
0x60: {  	[sflag:s31] =	ssyncadd.s32 $0xFFFFC000;
	(pc) =	sbr.rel @p1 .LBB2_2-.Ltmp0, $4  }
0x61: {  	[tilespmem:s25], [sflag:$0x5] =	stream.linear.gather [hbm4b:s12+s3], $0x80, $0x38;
	[tilespmem:$0x1C200] =	vst v63  }
0x62: {  	_ =	swait.ge [sflag:s21], $0x80  }
0x63: {  	s11 =	sadd.s32 $0x10000, s11;
	[sflag:s21] =	ssyncset.done $0x0  }
0x64: {  	s13 =	sadd.s32 s13, s18;
	s12 =	sadd.s32 $0x20, s12;
	[sflag:s21] =	ssyncadd.s32 $0xFFFFFF80  }
0x65: {  	[tilespmem:s26], [sflag:$0x2] =	stream.strided.gather [hbm4b:s13+s23], $0x4000, s24, s23, $0x38;
	[tilespmem:$0x1C200] =	vst v63  }
0x66: {  	_ =	swait.ge [sflag:s28], $0x4000  }
0x67: {  	[sflag:s28] =	ssyncset.done $0x0  }
0x68: {  	[sflag:s28] =	ssyncadd.s32 $0xFFFFC000  }
0x69: {  	[spmem:s2] =	stream.indirect.scatter.add.f32 [tilespmem:s3], [sflag:$0x3], $0x80, s22, s23, $0xb8;
	[tilespmem:$0x1C200] =	vst v63  }
0x6a: {  	_ =	swait.ge [sflag:s30], $0x4000  }
0x6b: {  	[sflag:s30] =	ssyncset.done $0x0  }
0x6c: {  	[sflag:s30] =	ssyncadd.s32 $0xFFFFC000  }
0x6d: {  	[spmem:s2] =	stream.indirect.scatter.add.f32 [tilespmem:s26], [sflag:$0x4], $0x80, s25, s23, $0xb8;
	[tilespmem:$0x1C200] =	vst v63  }
0x6e: {  	_ =	swait.ge [sflag:s29], $0x4000  }
0x6f: {  	[sflag:s29] =	ssyncset.done $0x0  }
0x70: {  	[sflag:s29] =	ssyncadd.s32 $0xFFFFC000  }
0x71: {  	_ =	swait.ge [sflag:s31], $0x4000  }
0x72: {  	[sflag:s31] =	ssyncset.done $0x0  }
0x73: {  	s10 =	rddreg [dreg:$0xa];
	[sflag:s31] =	ssyncadd.s32 $0xFFFFC000  }
0x74: {  	[tilespmem:s0], [sflag:$0x5] =	stream.linear.gather [hbm4b:s10+s3], $0x10, $0x38;
	[tilespmem:$0x1C200] =	vst v63  }
0x75: {  	_ =	swait.ge [sflag:s21], $0x10  }
0x76: {  	[sflag:s21] =	ssyncset.done $0x0  }
0x77: {  	s13 =	rddreg [dreg:$0xb];
	[sflag:s21] =	ssyncadd.s32 $0xFFFFFFF0  }
0x78: {  	[tilespmem:s4], [sflag:$0x5] =	stream.strided.gather [hbm4b:s13+s23], $0x800, s24, s23, $0x38;
	[tilespmem:$0x1C200] =	vst v63  }
0x79: {  	_ =	swait.ge [sflag:s21], $0x800  }
0x7a: {  	[sflag:s21] =	ssyncset.done $0x0  }
0x7b: {  	[sflag:s21] =	ssyncadd.s32 $0xFFFFF800  }
0x7c: {  	[spmem:s2] =	stream.indirect.scatter.add.f32 [tilespmem:s4], [sflag:$0x5], $0x80, s0, s1, $0xb8;
	[tilespmem:$0x1C200] =	vst v63  }
0x7d: {  	_ =	swait.ge [sflag:s21], $0x800  }
0x7e: {  	[sflag:s21] =	ssyncset.done $0x0  }
0x7f: {  	[sflag:s21] =	ssyncadd.s32 $0xFFFFF800  }
0x80: {  	s14 =	simm.s32 $0x20;
	[bflag:$0x0] =	sbarrier.arrive $0xFFFF  }
0x81: {  	[hbm:s15@s14], [sflag:s7] =	dma.strided [spmem:s9@s1], $0x2700, s28, $0x10   }
0x82: {  	s6 =	sadd.s32 $0x1, s6;
	_ =	swait.ge [sflag:s21], $0x2700  }
0x83: {  	s11 =	simm.s32 @!p0 $0x10;
	p1 =	sne.s32 s6, s17;
	[sflag:s21] =	ssyncset.done $0x0  }
0x84: {  	s10 =	simm.s32 @!p0 $0x20;
	s9 =	simm.s32 @!p0 $0x1;
	[sflag:s21] =	ssyncadd.s32 $0xFFFFD900  }
0x85: {  	[hbm:s16@s10], [sflag:s7] =	dma.strided @!p0 [spmem:s8@s11], $0x100, s9, $0x10   }
.Ltmp1:
0x86: {  	_ = 	snop;
	(pc) =	sbr.rel @p1 .LBB2_1-.Ltmp1, $4  }
0x87: {  	s8 =	simm.s32 @!p0 $0x5  }
0x88: {  	_ =	swait.ge @!p0 [sflag:s8], $0x100  }
0x89: {  	[sflag:s8] =	ssyncset.done @!p0 $0x0  }
0x8a: {  	[sflag:s8] =	ssyncadd.s32 @!p0 $0xFFFFFF00  }
0x8b: {  	_ =	sfence.sel $0x180000  }
0x8c: {  	[bflag:$0x0] =	sbarrier.arrive $0xFFFF  }
0x8d: {  	_ =	strace $0x9000004D  }
0x8e: {  	s0 =	stileid.u32;
	[bflag:$0x2] =	sbarrier.arrive $0xFFFF  }
0x8f: {  	p0 =	sne.s32 s0, $0x0;
	s0 =	rddreg [dreg:$0x3]  }
0x90: {  	s0 =	sadd.s32 @!p0 $0x100000, s0  }
0x91: {  	[sflag:s0] =	ssyncadd.tile.s32 @!p0 $0x1;
	_ =	shalt  }
.Lfunc_end2:
_tile_overlayer_lowered:
.L_overlay_start_2:
0x92: {  	(tag) =	ssettag $0x2  }
0x93: {  	s0 =	rddreg [dreg:$0x0];
	s2 =	stileid.u32  }
0x94: {  	s1 =	rddreg [dreg:$0x1];
	p0 =	sne.s32 s2, $0x0  }
0x95: {  	s3 =	rddreg [dreg:$0x2];
	[bflag:$0x3] =	sbarrier.arrive $0xFFFF;
	s2 =	simm.s32 @!p0 $0x1C05  }
0x96: {  	[timem:s3], [sflag:s2] =	dma.local @!p0 [hbm:s0], s1  }
0x97: {  	s0 =	simm.s32 @!p0 $0x5  }
0x98: {  	_ =	swait.ge @!p0 [sflag:s0], s1  }
0x99: {  	s1 =	ssub.s32 @!p0 $0x0, s1;
	[sflag:s0] =	ssyncset.done @!p0 $0x0  }
0x9a: {  	[sflag:s0] =	ssyncadd.s32 @!p0 s1  }
0x9b: {  	[bflag:$0x3] =	sbarrier.arrive $0xFFFF  }
0x9c: {  	_ =	shalt  }

// kernel: kernel.8.cloned.1.call-start
scs
__scs_entry_jumppad:
0x0: {  	(pc) =	sbr.rel $0x88, $3  }
0x1: {  	(tag) =	ssettag $0x0;
	lr =	simm.s32 $0x1  }
0x2: {  	[smem:$0x3F99] =	sst lr;
	_ =	strace $0xD0000000  }
0x3: {  	_ = 	snop  }
0x4: {  	_ = 	snop  }
0x5: {  	_ = 	snop  }
0x6: {  	_ = 	snop  }
0x7: {  	_ = 	snop  }
__scs_overlays_trampoline_lowered:
0x8: {  	[smem:$0x3FA8] =	sst s0  }
0x9: {  	[smem:$0x3FA9] =	sst s1  }
0xa: {  	[smem:$0x3FAA] =	sst s2  }
0xb: {  	[smem:$0x3FAB] =	sst s3  }
0xc: {  	[smem:$0x3FAC] =	sst s4  }
0xd: {  	[smem:$0x3FAD] =	sst s5  }
0xe: {  	[smem:$0x3FAE] =	sst s6  }
0xf: {  	[smem:$0x3FAF] =	sst s7  }
0x10: {  	[smem:$0x3FB0] =	sst s8  }
0x11: {  	[smem:$0x3FB1] =	sst s9;
	s0 =	simm.s32 @!p0 $0x0  }
0x12: {  	s1 =	sld [smem:$0x3F97];
	s0 =	simm.s32 @p0 $0x1  }
0x13: {  	[smem:$0x3FB2] =	sst s0;
	s0 =	simm.s32 @!p1 $0x0  }
0x14: {  	s2 =	sld [smem:$0x3F96];
	s0 =	simm.s32 @p1 $0x1  }
0x15: {  	[smem:$0x3FB3] =	sst s0;
	s0 =	simm.s32 @!p2 $0x0  }
0x16: {  	s3 =	sld [smem:$0x3FDB];
	s0 =	simm.s32 @p2 $0x1  }
0x17: {  	s4 =	simm.s32 $0x1BF5;
	[smem:$0x3FB5] =	sst s0  }
0x18: {  	s0 =	sld [smem:$0x3F98];
	_ =	swait.ge [sflag:s4], $0x0  }
0x19: {  	s7 =	sld [smem:$0x3F99]  }
0x1a: {  	s8 =	sadd.s32 $0xFFFFE003, lr  }
0x1b: {  	s9 =	sadd.s32 $0xFFFFFEF7, lr;
	s5 =	simm.s32 $0xFFFFFFFF;
	p2 =	slt.u32 s8, $0xFFFFF086  }
0x1c: {  	p1 =	slt.u32 s9, $0xF7A;
	s5 =	simm.s32 @!p2 $0x0  }
0x1d: {  	s5 =	simm.s32 @p1 $0x1;
	p0 =	seq.s32 s7, s2  }
0x1e: {  	s7 =	smul.u32 @!p0 $0xF7A, s2;
	p2 =	seq.s32 @!p0 s5, $0x0  }
0x1f: {  	s9 =	smul.u32 $0xF7A, s1;
	s8 =	simm.s32 @!p0 $0x1BF5;
	p2 =	por !p2, p0  }
0x20: {  	[sflag:s8] =	ssyncset.s32 @!p0 $0xFFFFF086;
	s6 =	sadd.s32 @!p0 s3, s7;
	s7 =	simm.s32 @!p0 $0x108  }
0x21: {  	s3 =	sadd.s32 s3, s9;
	s6 =	sadd.s32 @!p0 $0x88, s6;
	s7 =	simm.s32 @p2 $0x1082  }
0x22: {  	[simem:s7], [sflag:s8] =	dma.local @!p0 [hbm:s6], $0xF7A  }
0x23: {  	s9 =	sor.u32 $0xD0000000, s2;
	s6 =	simm.s32 $0x108;
	_ =	swait.ge @!p0 [sflag:s8], $0x0  }
0x24: {  	s3 =	sadd.s32 $0x88, s3;
	s6 =	simm.s32 @!p1 $0x1082;
	[sflag:s4] =	ssyncset.s32 $0xFFFFF086  }
0x25: {  	[simem:s6], [sflag:s4] =	dma.local [hbm:s3], $0xF7A  }
0x26: {  	[smem:$0x3F99] =	sst s1;
	(tag) =	ssettag s2;
	_ =	strace s9  }
0x27: {  	s1 =	sld [smem:$0x3FA9]  }
0x28: {  	s2 =	sld [smem:$0x3FAA]  }
0x29: {  	s4 =	sld [smem:$0x3FAC]  }
0x2a: {  	p0 =	seq.s32 s5, $0x0;
	s5 =	sld [smem:$0x3FAD]  }
0x2b: {  	s6 =	sld [smem:$0x3FAE]  }
0x2c: {  	s7 =	sld [smem:$0x3FAF]  }
0x2d: {  	s3 =	simm.s32 $0x108;
	s8 =	sld [smem:$0x3FB0]  }
0x2e: {  	s3 =	simm.s32 @!p0 $0x1082;
	s9 =	sld [smem:$0x3FB1]  }
0x2f: {  	lr =	sadd.s32 s0, s3;
	s0 =	sld [smem:$0x3FA8]  }
0x30: {  	s3 =	sld [smem:$0x3FAB]  }
0x31: {  	[smem:$0x3FB4] =	sst s10  }
0x32: {  	s10 =	sld [smem:$0x3FB2];
	_ =	sdelay $0x3  }
0x33: {  	p0 =	seq.s32 s10, $0x1;
	s10 =	sld [smem:$0x3FB4];
	_ =	sdelay $0x3  }
0x34: {  	[smem:$0x3FB4] =	sst s10  }
0x35: {  	s10 =	sld [smem:$0x3FB3];
	_ =	sdelay $0x3  }
0x36: {  	p1 =	seq.s32 s10, $0x1;
	s10 =	sld [smem:$0x3FB4];
	_ =	sdelay $0x3  }
0x37: {  	[smem:$0x3FB4] =	sst s10  }
0x38: {  	s10 =	sld [smem:$0x3FB5]  }
0x39: {  	_ = 	snop;
	(pc) =	sbr.ind lr, $3  }
0x3a: {  	_ = 	snop  }
0x3b: {  	_ = 	snop  }
0x3c: {  	p2 =	seq.s32 s10, $0x1;
	s10 =	sld [smem:$0x3FB4]  }
0x3d: {  	_ =	shalt  }
0x3e: {  	_ =	shalt  }
0x3f: {  	_ =	shalt  }
0x40: {  	_ =	shalt  }
0x41: {  	_ =	shalt  }
0x42: {  	_ =	shalt  }
0x43: {  	_ =	shalt  }
0x44: {  	_ =	shalt  }
0x45: {  	_ =	shalt  }
0x46: {  	_ =	shalt  }
0x47: {  	_ =	shalt  }
0x48: {  	_ =	shalt  }
0x49: {  	_ =	shalt  }
0x4a: {  	_ =	shalt  }
0x4b: {  	_ =	shalt  }
0x4c: {  	_ =	shalt  }
0x4d: {  	_ =	shalt  }
0x4e: {  	_ =	shalt  }
0x4f: {  	_ =	shalt  }
0x50: {  	_ =	shalt  }
0x51: {  	_ =	shalt  }
0x52: {  	_ =	shalt  }
0x53: {  	_ =	shalt  }
0x54: {  	_ =	shalt  }
0x55: {  	_ =	shalt  }
0x56: {  	_ =	shalt  }
0x57: {  	_ =	shalt  }
0x58: {  	_ =	shalt  }
0x59: {  	_ =	shalt  }
0x5a: {  	_ =	shalt  }
0x5b: {  	_ =	shalt  }
0x5c: {  	_ =	shalt  }
0x5d: {  	_ =	shalt  }
0x5e: {  	_ =	shalt  }
0x5f: {  	_ =	shalt  }
0x60: {  	_ =	shalt  }
0x61: {  	_ =	shalt  }
0x62: {  	_ =	shalt  }
0x63: {  	_ =	shalt  }
0x64: {  	_ =	shalt  }
0x65: {  	_ =	shalt  }
0x66: {  	_ =	shalt  }
0x67: {  	_ =	shalt  }
0x68: {  	_ =	shalt  }
0x69: {  	_ =	shalt  }
0x6a: {  	_ =	shalt  }
0x6b: {  	_ =	shalt  }
0x6c: {  	_ =	shalt  }
0x6d: {  	_ =	shalt  }
0x6e: {  	_ =	shalt  }
0x6f: {  	_ =	shalt  }
0x70: {  	_ =	shalt  }
0x71: {  	_ =	shalt  }
0x72: {  	_ =	shalt  }
0x73: {  	_ =	shalt  }
0x74: {  	_ =	shalt  }
0x75: {  	_ =	shalt  }
0x76: {  	_ =	shalt  }
0x77: {  	_ =	shalt  }
0x78: {  	_ =	shalt  }
0x79: {  	_ =	shalt  }
0x7a: {  	_ =	shalt  }
0x7b: {  	_ =	shalt  }
0x7c: {  	_ =	shalt  }
0x7d: {  	_ =	shalt  }
0x7e: {  	_ =	shalt  }
0x7f: {  	_ =	shalt  }
0x80: {  	_ =	shalt  }
0x81: {  	_ =	shalt  }
0x82: {  	_ =	shalt  }
0x83: {  	_ =	shalt  }
0x84: {  	_ =	shalt  }
0x85: {  	_ =	shalt  }
0x86: {  	_ =	shalt  }
0x87: {  	_ =	shalt  }
.Lfunc_end0:
.L_simem_size_0:
called_computation_lowered:
.L_overlay_start_0:
0x88: {  	s2 =	sld [smem:$0x3FD9]  }
0x89: {  	s3 =	sld [smem:$0x3FFE];
	_ =	sdelay $0x1  }
0x8a: {  	s1 =	srdreg.scid  }
0x8b: {  	s0 =	sand.u32 $0x1, s1  }
0x8c: {  	s14 =	sshll.u32 s0, $0xA;
	s2 =	sadd.s32 s3, s2  }
0x8d: {  	s2 =	sadd.s32 s2, s14  }
0x8e: {  	[smem:$0x3FC0] =	sst s2  }
0x8f: {  	_ = 	snop  }
0x90: {  	s2 =	sld [smem:$0x3FD0];
	_ =	sdelay $0x2  }
0x91: {  	s15 =	simm.s32 $0xA;
	s4 =	simm.s32 $0x10  }
0x92: {  	[smem:s4], [sflag:s15] =	dma.local [hbm:s2], $0x1  }
0x93: {  	_ =	swait.eq [sflag:s15], $0x1  }
0x94: {  	[sflag:s15] =	ssyncset.done $0x0  }
0x95: {  	s16 =	sld [smem:$0x10];
	[sflag:s15] =	ssyncadd.s32 $0xFFFFFFFF  }
0x96: {  	s17 =	sld [smem:$0x11];
	(tm) =	ssettm $0x1  }
0x97: {  	s18 =	sld [smem:$0x3FFB];
	_ =	sdelay $0x3  }
0x98: {  	_ =	strace s18  }
0x99: {  	s4 =	sld [smem:$0x3FFC];
	_ =	sdelay $0x3  }
0x9a: {  	_ =	strace s4  }
0x9b: {  	s4 =	sld [smem:$0x3FFD];
	_ =	sdelay $0x3  }
0x9c: {  	_ =	strace s4  }
0x9d: {  	_ =	strace $0x8FFFFFFF  }
0x9e: {  	s19 =	sld [smem:$0x3FDB];
	_ =	sdelay $0x1  }
0x9f: {  	s5 =	simm.s32 $_scs_section_size  }
0xa0: {  	s6 =	simm.s32 $_size__tile_overlayer_lowered;
	s7 =	simm.s32 $_tile_overlayer_lowered  }
0xa1: {  	s22 =	simm.s32 $0x1BFF;
	s21 =	sshll.u32 s7, $0x1;
	s4 =	sadd.s32 s5, s19  }
0xa2: {  	s8 =	simm.s32 $0x0;
	s20 =	sshll.u32 s6, $0x1;
	s6 =	sadd.s32 s21, s4  }
0xa3: {  	[timem:s8], [sflag:s22] =	dma.local [hbm:s6], s20  }
0xa4: {  	_ =	swait.ge [sflag:s22], s20  }
0xa5: {  	s5 =	ssub.s32 $0x0, s20;
	[sflag:s22] =	ssyncset.done $0x0  }
0xa6: {  	[sflag:s22] =	ssyncadd.s32 s5;
	_ =	sdelay $0x1  }
0xa7: {  	s23 =	simm.s32 $0x1B8B  }
0xa8: {  	_ =	swait.ge [sflag:s23], $0x1  }
0xa9: {  	[sflag:s23] =	ssyncset.done $0x0  }
0xaa: {  	s25 =	simm.s32 $0x1B8E;
	s24 =	sld [smem:$0x3FFE];
	[sflag:s23] =	ssyncadd.s32 $0xFFFFFFFF  }
0xab: {  	s26 =	simm.s32 $execute0_lowered;
	[smem:$0x3FD2] =	sst s25  }
0xac: {  	s6 =	sshll.u32 s26, $0x1;
	_ =	strace $0x80000046;
	[dreg:$0x1] =	wrdreg $0xFFFFFFFF  }
0xad: {  	s28 =	simm.s32 $_size_execute0_lowered;
	s4 =	sadd.s32 s4, s6;
	[dreg:$0x0] =	wrdreg $0x0  }
0xae: {  	s6 =	sshll.u32 s28, $0x1;
	[dreg:$0x2] =	wrdreg s4  }
0xaf: {  	[dreg:$0x3] =	wrdreg s6  }
0xb0: {  	[dreg:$0x4] =	wrdreg $0xC0  }
0xb1: {  	_ =	task [dreg:s8], $0x5FFFF  }
0xb2: {  	[dreg:$0x1] =	wrdreg $0xFFFFFFFF  }
0xb3: {  	[dreg:$0x0] =	wrdreg $0x60  }
0xb4: {  	[dreg:$0x2] =	wrdreg s16  }
0xb5: {  	[dreg:$0x3] =	wrdreg s17  }
0xb6: {  	[dreg:$0x4] =	wrdreg s24  }
0xb7: {  	[dreg:$0x5] =	wrdreg $0x9  }
0xb8: {  	_ =	task.clear_ibuf [dreg:s8], $0x6FFFF;
	_ =	strace $0x90000046  }
0xb9: {  	s29 =	simm.s32 $0x9;
	_ =	strace $0x80000048  }
0xba: {  	_ =	swait.ge [sflag:s29], $0x1  }
0xbb: {  	[sflag:s29] =	ssyncadd.s32 $0xFFFFFFFF  }
0xbc: {  	_ =	strace $0x90000048  }
0xbd: {  	_ =	sfence  }
0xbe: {  	s30 =	sld [smem:$0x0];
	_ =	sdelay $0x2  }
0xbf: {  	s31 =	sshll.u32 s1, $0xD;
	s1 =	sshrl.u32 s1, $0x2  }
0xc0: {  	s3 =	sand.u32 $0x4000, s31;
	s1 =	sadd.s32 s1, s30  }
0xc1: {  	s0 =	sor.u32 s3, s0;
	s1 =	sshll.u32 s1, $0x11  }
0xc2: {  	s0 =	sor.u32 s1, s0  }
0xc3: {  	s0 =	sadd.s32 $0x8F2B, s0  }
0xc4: {  	[sflag:s0] =	ssyncadd.remote.s32 $0x1  }
0xc5: {  	_ =	sfence.sel $0xFFFF  }
0xc6: {  	[dreg:$0x0] =	wrdreg $0xFFFFFFFF;
	(pc) =	sbr.abs _section_cstart, $3  }
0xc7: {  	[dreg:$0x1] =	wrdreg $0xFFFFFFFF  }
0xc8: {  	_ =	task.clear_ibuf [dreg:s8], $0x2FFFF;
	_ =	strace $0x9FFFFFFF  }
0xc9: {  	(tm) =	ssettm $0x7FFFFFFF  }
tec
execute0_lowered:
.L_overlay_start_1:
0x0: {  	(tag) =	ssettag $0x1  }
0x1: {  	s1 =	rddreg [dreg:$0x0];
	s0 =	srdreg.scid  }
0x2: {  	s13 =	stileid.u32;
	s3 =	rddreg [dreg:$0x1]  }
0x3: {  	s5 =	rddreg [dreg:$0x2];
	s4 =	simm.s32 $0x0;
	s18 =	simm.s32 $0x7  }
0x4: {  	s19 =	simm.s32 $0x1400;
	s20 =	simm.s32 $0x80;
	s28 =	simm.s32 $0x2  }
0x5: {  	s29 =	simm.s32 $0x5;
	s30 =	simm.s32 $0x3;
	s31 =	simm.s32 $0x6  }
0x6: {  	s0 =	sand.u32 $0x1, s0;
	s2 =	sshll.u32 s13, $0x1;
	s17 =	smul.u32 $0x27100, s13  }
0x7: {  	s2 =	sor.u32 s0, s2;
	s8 =	ssub.s32 $0x2, s0;
	s0 =	smul.u32 $0x13880, s0  }
0x8: {  	[smem:$0x7FF] =	sst s4;
	s16 =	sadd.s32 $0xBC00, s5;
	s6 =	smul.u32 $0x1388, s2  }
0x9: {  	_ =	strace $0x80000047;
	s7 =	smul.u32 $0x9C400, s2;
	s9 =	sshrl.u32 s8, $0x1  }
0xa: {  	s2 =	smul.u32 $0x13880, s2;
	s26 =	sadd.s32 s17, s16;
	s9 =	ssub.s32 s8, s9  }
0xb: {  	s6 =	sshrl.u32 s6, $0x3;
	s7 =	sshrl.u32 s7, $0x3;
	s9 =	smax.u32 s9, $0x1  }
0xc: {  	s25 =	sadd.s32 $0x12000, s2;
	s14 =	sadd.s32 $0x12800, s2;
	s2 =	sadd.s32 $0x13000, s2  }
0xd: {  	s6 =	sadd.s32 s6, s5;
	s5 =	sadd.s32 $0x27CC00, s5;
	s21 =	sadd.s32 $0x13800, s7  }
0xe: {  	s10 =	sadd.s32 s16, s25;
	s11 =	sadd.s32 s16, s14;
	s12 =	sadd.s32 s16, s2  }
0xf: {  	s22 =	sadd.s32 $0x1C00, s6;
	s6 =	sadd.s32 $0x6C00, s6;
	s23 =	sadd.s32 s16, s21  }
0x10: {  	s24 =	sadd.s32 s5, s21;
	s13 =	sadd.s32 s5, s25;
	s14 =	sadd.s32 s5, s14  }
0x11: {  	s15 =	sadd.s32 s5, s2;
	s5 =	sadd.s32 s17, s5;
	[dreg:$0x4] =	wrdreg s22  }
0x12: {  	s16 =	sadd.s32 s0, s26;
	s21 =	simm.s32 $0x2800;
	[dreg:$0x5] =	wrdreg s6  }
0x13: {  	s25 =	simm.s32 $0x1;
	s26 =	simm.s32 $0x4;
	[dreg:$0x6] =	wrdreg s23  }
0x14: {  	s2 =	simm.s32 $0x8;
	[dreg:$0x7] =	wrdreg s24;
	s17 =	sadd.s32 s0, s5  }
0x15: {  	s22 =	simm.s32 $0x6800;
	s24 =	simm.s32 $0xA800;
	s0 =	simm.s32 $0x0  }
.LBB2_1:
0x16: {  	s5 =	rddreg [dreg:$0x4]  }
0x17: {  	[tilespmem:s4], [sflag:$0x7] =	stream.linear.gather [hbm4b:s5+s4], $0x1388, $0x38;
	[tilespmem:$0xE800] =	vst v63  }
0x18: {  	_ =	swait.ge [sflag:s18], $0x1388  }
0x19: {  	[sflag:s18] =	ssyncset.done $0x0  }
0x1a: {  	s23 =	rddreg [dreg:$0x5];
	[sflag:s18] =	ssyncadd.s32 $0xFFFFEC78  }
0x1b: {  	[tilespmem:s19], [sflag:$0x7] =	stream.linear.gather [hbm4b:s23+s4], $0x1388, $0x38;
	[tilespmem:$0xE800] =	vst v63  }
0x1c: {  	_ =	swait.ge [sflag:s18], $0x1388  }
0x1d: {  	[sflag:s18] =	ssyncset.done $0x0  }
0x1e: {  	[sflag:s18] =	ssyncadd.s32 $0xFFFFEC78  }
0x1f: {  	[tilespmem:s21], [sflag:$0x1] =	stream.indirect.gather [hbm4b:s1+s20], $0x80, s4, s20, $0xb8;
	[tilespmem:$0xE800] =	vst v63  }
0x20: {  	_ = 	snop  }
0x21: {  	[tilespmem:s22], [sflag:$0x2] =	stream.indirect.gather [hbm4b:s1+s20], $0x80, s20, s20, $0xb8;
	[tilespmem:$0xE800] =	vst v63  }
0x22: {  	s6 =	simm.s32 $0x100  }
0x23: {  	[tilespmem:s24], [sflag:$0x3] =	stream.indirect.gather [hbm4b:s1+s20], $0x80, s6, s20, $0xb8;
	[tilespmem:$0xE800] =	vst v63  }
0x24: {  	_ =	swait.ge [sflag:s25], $0x4000  }
0x25: {  	[sflag:s25] =	ssyncset.done $0x0  }
0x26: {  	s7 =	sadd.s32 $0x0, s16;
	[sflag:s25] =	ssyncadd.s32 $0xFFFFC000  }
0x27: {  	[hbm4b:s7+s4] =	stream.linear.scatter [tilespmem:s21], [sflag:$0x4], $0x4000, $0x38;
	[tilespmem:$0xE800] =	vst v63  }
0x28: {  	_ =	swait.ge [sflag:s26], $0x4000  }
0x29: {  	[sflag:s26] =	ssyncset.done $0x0  }
0x2a: {  	s6 =	simm.s32 $0x180;
	[sflag:s26] =	ssyncadd.s32 $0xFFFFC000  }
0x2b: {  	[tilespmem:s21], [sflag:$0x1] =	stream.indirect.gather [hbm4b:s1+s20], $0x80, s6, s20, $0xb8;
	[tilespmem:$0xE800] =	vst v63  }
0x2c: {  	_ =	swait.ge [sflag:s28], $0x4000  }
0x2d: {  	[sflag:s28] =	ssyncset.done $0x0  }
0x2e: {  	s8 =	sadd.s32 $0x800, s7;
	[sflag:s28] =	ssyncadd.s32 $0xFFFFC000  }
0x2f: {  	[hbm4b:s8+s4] =	stream.linear.scatter [tilespmem:s22], [sflag:$0x5], $0x4000, $0x38;
	[tilespmem:$0xE800] =	vst v63  }
0x30: {  	_ =	swait.ge [sflag:s29], $0x4000  }
0x31: {  	[sflag:s29] =	ssyncset.done $0x0  }
0x32: {  	s23 =	simm.s32 $0x200;
	[sflag:s29] =	ssyncadd.s32 $0xFFFFC000  }
0x33: {  	[tilespmem:s22], [sflag:$0x2] =	stream.indirect.gather [hbm4b:s1+s20], $0x80, s23, s20, $0xb8;
	[tilespmem:$0xE800] =	vst v63  }
0x34: {  	_ =	swait.ge [sflag:s30], $0x4000  }
0x35: {  	[sflag:s30] =	ssyncset.done $0x0  }
0x36: {  	s5 =	sadd.s32 $0x1000, s7;
	[sflag:s30] =	ssyncadd.s32 $0xFFFFC000  }
0x37: {  	[hbm4b:s5+s4] =	stream.linear.scatter [tilespmem:s24], [sflag:$0x6], $0x4000, $0x38;
	[tilespmem:$0xE800] =	vst v63  }
0x38: {  	_ =	swait.ge [sflag:s31], $0x4000  }
0x39: {  	s6 =	simm.s32 $0x400;
	[sflag:s31] =	ssyncset.done $0x0  }
0x3a: {  	s23 =	simm.s32 $0x280;
	s5 =	simm.s32 $0x1800;
	[sflag:s31] =	ssyncadd.s32 $0xFFFFC000  }
.LBB2_2:
0x3b: {  	[tilespmem:s24], [sflag:$0x3] =	stream.indirect.gather [hbm4b:s1+s20], $0x80, s23, s20, $0xb8;
	[tilespmem:$0xE800] =	vst v63  }
0x3c: {  	s7 =	smov.u32 s5;
	s23 =	smov.u32 s6  }
0x3d: {  	p0 =	sne.s32 s5, $0x10800;
	s5 =	sadd.s32 $0x1800, s5;
	_ =	swait.ge [sflag:s25], $0x4000  }
0x3e: {  	[sflag:s25] =	ssyncset.done $0x0  }
0x3f: {  	s7 =	sadd.s32 s7, s16;
	[sflag:s25] =	ssyncadd.s32 $0xFFFFC000  }
0x40: {  	[hbm4b:s7+s4] =	stream.linear.scatter [tilespmem:s21], [sflag:$0x4], $0x4000, $0x38;
	[tilespmem:$0xE800] =	vst v63  }
0x41: {  	_ =	swait.ge [sflag:s26], $0x4000  }
0x42: {  	[sflag:s26] =	ssyncset.done $0x0  }
0x43: {  	s8 =	sadd.s32 $0xFFFFFF00, s6;
	[sflag:s26] =	ssyncadd.s32 $0xFFFFC000  }
0x44: {  	[tilespmem:s21], [sflag:$0x1] =	stream.indirect.gather [hbm4b:s1+s20], $0x80, s8, s20, $0xb8;
	[tilespmem:$0xE800] =	vst v63  }
0x45: {  	_ =	swait.ge [sflag:s28], $0x4000  }
0x46: {  	[sflag:s28] =	ssyncset.done $0x0  }
0x47: {  	s8 =	sadd.s32 $0x800, s7;
	[sflag:s28] =	ssyncadd.s32 $0xFFFFC000  }
0x48: {  	[hbm4b:s8+s4] =	stream.linear.scatter [tilespmem:s22], [sflag:$0x5], $0x4000, $0x38;
	[tilespmem:$0xE800] =	vst v63  }
0x49: {  	_ =	swait.ge [sflag:s29], $0x4000  }
0x4a: {  	[sflag:s29] =	ssyncset.done $0x0  }
0x4b: {  	s8 =	sadd.s32 $0xFFFFFF80, s6;
	[sflag:s29] =	ssyncadd.s32 $0xFFFFC000  }
0x4c: {  	[tilespmem:s22], [sflag:$0x2] =	stream.indirect.gather [hbm4b:s1+s20], $0x80, s8, s20, $0xb8;
	[tilespmem:$0xE800] =	vst v63  }
0x4d: {  	_ =	swait.ge [sflag:s30], $0x4000  }
0x4e: {  	[sflag:s30] =	ssyncset.done $0x0  }
.Ltmp0:
0x4f: {  	s7 =	sadd.s32 $0x1000, s7;
	[sflag:s30] =	ssyncadd.s32 $0xFFFFC000;
	(pc) =	sbr.rel @p0 .LBB2_2-.Ltmp0, $4  }
0x50: {  	[hbm4b:s7+s4] =	stream.linear.scatter [tilespmem:s24], [sflag:$0x6], $0x4000, $0x38;
	[tilespmem:$0xE800] =	vst v63  }
0x51: {  	_ =	swait.ge [sflag:s31], $0x4000  }
0x52: {  	[sflag:s31] =	ssyncset.done $0x0  }
0x53: {  	s6 =	sadd.s32 $0x180, s6;
	[sflag:s31] =	ssyncadd.s32 $0xFFFFC000  }
0x54: {  	[tilespmem:s24], [sflag:$0x3] =	stream.indirect.gather [hbm4b:s1+s20], $0x80, s23, s20, $0xb8;
	[tilespmem:$0xE800] =	vst v63  }
0x55: {  	_ =	swait.ge [sflag:s25], $0x4000  }
0x56: {  	[sflag:s25] =	ssyncset.done $0x0  }
0x57: {  	s5 =	simm.s32 $0x0;
	[sflag:s25] =	ssyncadd.s32 $0xFFFFC000  }
0x58: {  	[hbm4b:s10+s5] =	stream.linear.scatter [tilespmem:s21], [sflag:$0x4], $0x4000, $0x38;
	[tilespmem:$0xE800] =	vst v63  }
0x59: {  	_ =	swait.ge [sflag:s28], $0x4000  }
0x5a: {  	[sflag:s28] =	ssyncset.done $0x0  }
0x5b: {  	[sflag:s28] =	ssyncadd.s32 $0xFFFFC000  }
0x5c: {  	[hbm4b:s11+s5] =	stream.linear.scatter [tilespmem:s22], [sflag:$0x5], $0x4000, $0x38;
	[tilespmem:$0xE800] =	vst v63  }
0x5d: {  	_ =	swait.ge [sflag:s30], $0x4000  }
0x5e: {  	[sflag:s30] =	ssyncset.done $0x0  }
0x5f: {  	[sflag:s30] =	ssyncadd.s32 $0xFFFFC000  }
0x60: {  	[hbm4b:s12+s5] =	stream.linear.scatter [tilespmem:s24], [sflag:$0x6], $0x4000, $0x38;
	[tilespmem:$0xE800] =	vst v63  }
0x61: {  	_ =	swait.ge [sflag:s26], $0x4000  }
0x62: {  	[sflag:s26] =	ssyncset.done $0x0  }
0x63: {  	[sflag:s26] =	ssyncadd.s32 $0xFFFFC000  }
0x64: {  	_ =	swait.ge [sflag:s29], $0x4000  }
0x65: {  	[sflag:s29] =	ssyncset.done $0x0  }
0x66: {  	[sflag:s29] =	ssyncadd.s32 $0xFFFFC000  }
0x67: {  	_ =	swait.ge [sflag:s31], $0x4000  }
0x68: {  	[sflag:s31] =	ssyncset.done $0x0  }
0x69: {  	s6 =	simm.s32 $0x1380;
	[sflag:s31] =	ssyncadd.s32 $0xFFFFC000  }
0x6a: {  	[tilespmem:s21], [sflag:$0x1] =	stream.indirect.gather [hbm4b:s1+s2], $0x80, s6, s2, $0xb8;
	[tilespmem:$0xE800] =	vst v63  }
0x6b: {  	_ =	swait.ge [sflag:s25], $0x400  }
0x6c: {  	[sflag:s25] =	ssyncset.done $0x0  }
0x6d: {  	s8 =	rddreg [dreg:$0x6];
	[sflag:s25] =	ssyncadd.s32 $0xFFFFFC00  }
0x6e: {  	[hbm4b:s8+s5] =	stream.linear.scatter [tilespmem:s21], [sflag:$0x7], $0x400, $0x38;
	[tilespmem:$0xE800] =	vst v63  }
0x6f: {  	_ =	swait.ge [sflag:s18], $0x400  }
0x70: {  	[sflag:s18] =	ssyncset.done $0x0  }
0x71: {  	[sflag:s18] =	ssyncadd.s32 $0xFFFFFC00  }
0x72: {  	[tilespmem:s21], [sflag:$0x1] =	stream.indirect.gather [hbm4b:s3+s20], $0x80, s19, s20, $0xb8;
	[tilespmem:$0xE800] =	vst v63  }
0x73: {  	s23 =	simm.s32 $0x1480  }
0x74: {  	[tilespmem:s22], [sflag:$0x2] =	stream.indirect.gather [hbm4b:s3+s20], $0x80, s23, s20, $0xb8;
	[tilespmem:$0xE800] =	vst v63  }
0x75: {  	s6 =	simm.s32 $0x1500  }
0x76: {  	[tilespmem:s24], [sflag:$0x3] =	stream.indirect.gather [hbm4b:s3+s20], $0x80, s6, s20, $0xb8;
	[tilespmem:$0xE800] =	vst v63  }
0x77: {  	_ =	swait.ge [sflag:s25], $0x4000  }
0x78: {  	[sflag:s25] =	ssyncset.done $0x0  }
0x79: {  	s5 =	sadd.s32 $0x0, s17;
	[sflag:s25] =	ssyncadd.s32 $0xFFFFC000  }
0x7a: {  	[hbm4b:s5+s4] =	stream.linear.scatter [tilespmem:s21], [sflag:$0x4], $0x4000, $0x38;
	[tilespmem:$0xE800] =	vst v63  }
0x7b: {  	_ =	swait.ge [sflag:s26], $0x4000  }
0x7c: {  	[sflag:s26] =	ssyncset.done $0x0  }
0x7d: {  	s7 =	simm.s32 $0x1580;
	[sflag:s26] =	ssyncadd.s32 $0xFFFFC000  }
0x7e: {  	[tilespmem:s21], [sflag:$0x1] =	stream.indirect.gather [hbm4b:s3+s20], $0x80, s7, s20, $0xb8;
	[tilespmem:$0xE800] =	vst v63  }
0x7f: {  	_ =	swait.ge [sflag:s28], $0x4000  }
0x80: {  	[sflag:s28] =	ssyncset.done $0x0  }
0x81: {  	s8 =	sadd.s32 $0x800, s5;
	[sflag:s28] =	ssyncadd.s32 $0xFFFFC000  }
0x82: {  	[hbm4b:s8+s4] =	stream.linear.scatter [tilespmem:s22], [sflag:$0x5], $0x4000, $0x38;
	[tilespmem:$0xE800] =	vst v63  }
0x83: {  	_ =	swait.ge [sflag:s29], $0x4000  }
0x84: {  	[sflag:s29] =	ssyncset.done $0x0  }
0x85: {  	s23 =	simm.s32 $0x1600;
	[sflag:s29] =	ssyncadd.s32 $0xFFFFC000  }
0x86: {  	[tilespmem:s22], [sflag:$0x2] =	stream.indirect.gather [hbm4b:s3+s20], $0x80, s23, s20, $0xb8;
	[tilespmem:$0xE800] =	vst v63  }
0x87: {  	_ =	swait.ge [sflag:s30], $0x4000  }
0x88: {  	[sflag:s30] =	ssyncset.done $0x0  }
0x89: {  	s5 =	sadd.s32 $0x1000, s5;
	[sflag:s30] =	ssyncadd.s32 $0xFFFFC000  }
0x8a: {  	[hbm4b:s5+s4] =	stream.linear.scatter [tilespmem:s24], [sflag:$0x6], $0x4000, $0x38;
	[tilespmem:$0xE800] =	vst v63  }
0x8b: {  	_ =	swait.ge [sflag:s31], $0x4000  }
0x8c: {  	s6 =	simm.s32 $0x1800;
	[sflag:s31] =	ssyncset.done $0x0  }
0x8d: {  	s23 =	simm.s32 $0x1680;
	s5 =	simm.s32 $0x1800;
	[sflag:s31] =	ssyncadd.s32 $0xFFFFC000  }
.LBB2_4:
0x8e: {  	[tilespmem:s24], [sflag:$0x3] =	stream.indirect.gather [hbm4b:s3+s20], $0x80, s23, s20, $0xb8;
	[tilespmem:$0xE800] =	vst v63  }
0x8f: {  	s7 =	smov.u32 s5;
	s23 =	smov.u32 s6  }
0x90: {  	p0 =	sne.s32 s5, $0x10800;
	s5 =	sadd.s32 $0x1800, s5;
	_ =	swait.ge [sflag:s25], $0x4000  }
0x91: {  	[sflag:s25] =	ssyncset.done $0x0  }
0x92: {  	s7 =	sadd.s32 s7, s17;
	[sflag:s25] =	ssyncadd.s32 $0xFFFFC000  }
0x93: {  	[hbm4b:s7+s4] =	stream.linear.scatter [tilespmem:s21], [sflag:$0x4], $0x4000, $0x38;
	[tilespmem:$0xE800] =	vst v63  }
0x94: {  	_ =	swait.ge [sflag:s26], $0x4000  }
0x95: {  	[sflag:s26] =	ssyncset.done $0x0  }
0x96: {  	s8 =	sadd.s32 $0xFFFFFF00, s6;
	[sflag:s26] =	ssyncadd.s32 $0xFFFFC000  }
0x97: {  	[tilespmem:s21], [sflag:$0x1] =	stream.indirect.gather [hbm4b:s3+s20], $0x80, s8, s20, $0xb8;
	[tilespmem:$0xE800] =	vst v63  }
0x98: {  	_ =	swait.ge [sflag:s28], $0x4000  }
0x99: {  	[sflag:s28] =	ssyncset.done $0x0  }
0x9a: {  	s8 =	sadd.s32 $0x800, s7;
	[sflag:s28] =	ssyncadd.s32 $0xFFFFC000  }
0x9b: {  	[hbm4b:s8+s4] =	stream.linear.scatter [tilespmem:s22], [sflag:$0x5], $0x4000, $0x38;
	[tilespmem:$0xE800] =	vst v63  }
0x9c: {  	_ =	swait.ge [sflag:s29], $0x4000  }
0x9d: {  	[sflag:s29] =	ssyncset.done $0x0  }
0x9e: {  	s8 =	sadd.s32 $0xFFFFFF80, s6;
	[sflag:s29] =	ssyncadd.s32 $0xFFFFC000  }
0x9f: {  	[tilespmem:s22], [sflag:$0x2] =	stream.indirect.gather [hbm4b:s3+s20], $0x80, s8, s20, $0xb8;
	[tilespmem:$0xE800] =	vst v63  }
0xa0: {  	_ =	swait.ge [sflag:s30], $0x4000  }
0xa1: {  	[sflag:s30] =	ssyncset.done $0x0  }
.Ltmp1:
0xa2: {  	s7 =	sadd.s32 $0x1000, s7;
	[sflag:s30] =	ssyncadd.s32 $0xFFFFC000;
	(pc) =	sbr.rel @p0 .LBB2_4-.Ltmp1, $4  }
0xa3: {  	[hbm4b:s7+s4] =	stream.linear.scatter [tilespmem:s24], [sflag:$0x6], $0x4000, $0x38;
	[tilespmem:$0xE800] =	vst v63  }
0xa4: {  	_ =	swait.ge [sflag:s31], $0x4000  }
0xa5: {  	[sflag:s31] =	ssyncset.done $0x0  }
0xa6: {  	s6 =	sadd.s32 $0x180, s6;
	[sflag:s31] =	ssyncadd.s32 $0xFFFFC000  }
0xa7: {  	[tilespmem:s24], [sflag:$0x3] =	stream.indirect.gather [hbm4b:s3+s20], $0x80, s23, s20, $0xb8;
	[tilespmem:$0xE800] =	vst v63  }
0xa8: {  	_ =	swait.ge [sflag:s25], $0x4000  }
0xa9: {  	[sflag:s25] =	ssyncset.done $0x0  }
0xaa: {  	[sflag:s25] =	ssyncadd.s32 $0xFFFFC000  }
0xab: {  	[hbm4b:s13+s4] =	stream.linear.scatter [tilespmem:s21], [sflag:$0x4], $0x4000, $0x38;
	[tilespmem:$0xE800] =	vst v63  }
0xac: {  	_ =	swait.ge [sflag:s28], $0x4000  }
0xad: {  	[sflag:s28] =	ssyncset.done $0x0  }
0xae: {  	[sflag:s28] =	ssyncadd.s32 $0xFFFFC000  }
0xaf: {  	[hbm4b:s14+s4] =	stream.linear.scatter [tilespmem:s22], [sflag:$0x5], $0x4000, $0x38;
	[tilespmem:$0xE800] =	vst v63  }
0xb0: {  	_ =	swait.ge [sflag:s30], $0x4000  }
0xb1: {  	[sflag:s30] =	ssyncset.done $0x0  }
0xb2: {  	[sflag:s30] =	ssyncadd.s32 $0xFFFFC000  }
0xb3: {  	[hbm4b:s15+s4] =	stream.linear.scatter [tilespmem:s24], [sflag:$0x6], $0x4000, $0x38;
	[tilespmem:$0xE800] =	vst v63  }
0xb4: {  	_ =	swait.ge [sflag:s26], $0x4000  }
0xb5: {  	[sflag:s26] =	ssyncset.done $0x0  }
0xb6: {  	[sflag:s26] =	ssyncadd.s32 $0xFFFFC000  }
0xb7: {  	_ =	swait.ge [sflag:s29], $0x4000  }
0xb8: {  	[sflag:s29] =	ssyncset.done $0x0  }
0xb9: {  	[sflag:s29] =	ssyncadd.s32 $0xFFFFC000  }
0xba: {  	_ =	swait.ge [sflag:s31], $0x4000  }
0xbb: {  	[sflag:s31] =	ssyncset.done $0x0  }
0xbc: {  	s5 =	simm.s32 $0x2780;
	[sflag:s31] =	ssyncadd.s32 $0xFFFFC000  }
0xbd: {  	[tilespmem:s21], [sflag:$0x1] =	stream.indirect.gather [hbm4b:s3+s2], $0x80, s5, s2, $0xb8;
	[tilespmem:$0xE800] =	vst v63  }
0xbe: {  	s0 =	sadd.s32 $0x1, s0;
	_ =	swait.ge [sflag:s25], $0x400  }
0xbf: {  	p0 =	sne.s32 s0, s9;
	[sflag:s25] =	ssyncset.done $0x0  }
.Ltmp2:
0xc0: {  	s23 =	rddreg [dreg:$0x7];
	[sflag:s25] =	ssyncadd.s32 $0xFFFFFC00;
	(pc) =	sbr.rel @p0 .LBB2_1-.Ltmp2, $4  }
0xc1: {  	[hbm4b:s23+s4] =	stream.linear.scatter [tilespmem:s21], [sflag:$0x7], $0x400, $0x38;
	[tilespmem:$0xE800] =	vst v63  }
0xc2: {  	_ =	swait.ge [sflag:s18], $0x400  }
0xc3: {  	[sflag:s18] =	ssyncset.done $0x0  }
0xc4: {  	[sflag:s18] =	ssyncadd.s32 $0xFFFFFC00  }
0xc5: {  	_ =	sfence.sel $0x180000  }
0xc6: {  	[bflag:$0x0] =	sbarrier.arrive $0xFFFF  }
0xc7: {  	_ =	strace $0x90000047  }
0xc8: {  	s0 =	stileid.u32;
	[bflag:$0x2] =	sbarrier.arrive $0xFFFF  }
0xc9: {  	p0 =	sne.s32 s0, $0x0;
	s0 =	rddreg [dreg:$0x3]  }
0xca: {  	s0 =	sadd.s32 @!p0 $0x100000, s0  }
0xcb: {  	[sflag:s0] =	ssyncadd.tile.s32 @!p0 $0x1;
	_ =	shalt  }
.Lfunc_end2:
_tile_overlayer_lowered:
.L_overlay_start_2:
0xcc: {  	(tag) =	ssettag $0x2  }
0xcd: {  	s0 =	rddreg [dreg:$0x0];
	s2 =	stileid.u32  }
0xce: {  	s1 =	rddreg [dreg:$0x1];
	p0 =	sne.s32 s2, $0x0  }
0xcf: {  	s3 =	rddreg [dreg:$0x2];
	[bflag:$0x3] =	sbarrier.arrive $0xFFFF;
	s2 =	simm.s32 @!p0 $0x1C07  }
0xd0: {  	[timem:s3], [sflag:s2] =	dma.local @!p0 [hbm:s0], s1  }
0xd1: {  	s0 =	simm.s32 @!p0 $0x7  }
0xd2: {  	_ =	swait.ge @!p0 [sflag:s0], s1  }
0xd3: {  	s1 =	ssub.s32 @!p0 $0x0, s1;
	[sflag:s0] =	ssyncset.done @!p0 $0x0  }
0xd4: {  	[sflag:s0] =	ssyncadd.s32 @!p0 s1  }
0xd5: {  	[bflag:$0x3] =	sbarrier.arrive $0xFFFF  }
0xd6: {  	_ =	shalt  }

</sc_bundles>
